<compile_context>
chip_gen: v7x
topology: tpu7x:2x2x1
jax: 0.10.2.dev20260603
libtpu: 0.0.44.dev20260713+nightly
codegen_flags: <defaults>
</compile_context>

<pallas_src>
import functools
import math

import jax
import jax.numpy as jnp
from jax import lax
from jax.experimental import pallas as pl
from jax.experimental.pallas import tpu as pltpu, tpu_sc as plsc

_NUM_CLASSES = 91
_SCORE_THRESH = 0.05
_NMS_THRESH = 0.5
_DET_PER_IMG = 100
_PRE_NMS_TOPK = 4096
_IMG_H, _IMG_W = 800.0, 1216.0
_BBOX_XFORM_CLIP = math.log(1000.0 / 16.0)

_N = 20000
_NP = 20480
_RB = 2048
_LANES = 128
_REGL = 384
_TOP_PER_ROW = 8
_INT_MIN = jnp.iinfo(jnp.int32).min


def _stage_a_body(logits_ref, reg_ref, prop_ref, key8_ref, idx8_ref):
    lane = lax.broadcasted_iota(jnp.int32, (_RB, _LANES), 1)
    cls_mask = lane < _NUM_CLASSES

    logits = logits_ref[...]
    lm = jnp.where(cls_mask, logits, jnp.float32(-1e30))
    smax = jnp.max(lm, axis=1, keepdims=True)
    e = jnp.where(cls_mask, jnp.exp(logits - smax), 0.0)
    ssum = jnp.sum(e, axis=1, keepdims=True)
    score = e / ssum

    reg = reg_ref[...]
    rowi = lax.broadcasted_iota(jnp.int32, (_REGL, _LANES), 0)
    coli = lax.broadcasted_iota(jnp.int32, (_REGL, _LANES), 1)

    def plane(k):
        sk = (rowi == coli * 4 + k).astype(jnp.float32)
        return lax.dot_general(reg, sk, (((1,), (0,)), ((), ())),
                               preferred_element_type=jnp.float32)

    dx = plane(0) * jnp.float32(0.1)
    dy = plane(1) * jnp.float32(0.1)
    dw = jnp.minimum(plane(2) * jnp.float32(0.2), jnp.float32(_BBOX_XFORM_CLIP))
    dh = jnp.minimum(plane(3) * jnp.float32(0.2), jnp.float32(_BBOX_XFORM_CLIP))

    p = prop_ref[...]
    w = p[:, 2:3] - p[:, 0:1]
    h = p[:, 3:4] - p[:, 1:2]
    cx = p[:, 0:1] + 0.5 * w
    cy = p[:, 1:2] + 0.5 * h

    pcx = dx * w + cx
    pcy = dy * h + cy
    pw = jnp.exp(dw) * w
    ph = jnp.exp(dh) * h

    x1 = jnp.clip(pcx - 0.5 * pw, 0.0, _IMG_W)
    y1 = jnp.clip(pcy - 0.5 * ph, 0.0, _IMG_H)
    x2 = jnp.clip(pcx + 0.5 * pw, 0.0, _IMG_W)
    y2 = jnp.clip(pcy + 0.5 * ph, 0.0, _IMG_H)

    valid = ((score > _SCORE_THRESH) & (x2 - x1 >= 1e-2) & (y2 - y1 >= 1e-2)
             & (lane >= 1) & cls_mask)
    key = jnp.where(valid, lax.bitcast_convert_type(score, jnp.int32),
                    jnp.int32(_INT_MIN))

    i = pl.program_id(0)
    rowid = i * _RB + lax.broadcasted_iota(jnp.int32, (_RB, 1), 0)
    cur = key
    ks, isx = [], []
    for _ in range(_TOP_PER_ROW):
        mx = jnp.max(cur, axis=1, keepdims=True)
        lane_sel = jnp.min(jnp.where(cur == mx, lane, jnp.int32(_LANES)),
                           axis=1, keepdims=True)
        ks.append(mx)
        isx.append(rowid * 512 + lane_sel)
        cur = jnp.where(lane == lane_sel, jnp.int32(_INT_MIN), cur)

    key8_ref[...] = jnp.concatenate(ks, axis=1)
    idx8_ref[...] = jnp.concatenate(isx, axis=1)


def _run_stage_a(class_logits, box_regression, proposals):
    pad_r = _NP - _N
    logits_p = jnp.pad(class_logits, ((0, pad_r), (0, _LANES - _NUM_CLASSES)))
    reg_p = jnp.pad(box_regression, ((0, pad_r), (0, _REGL - 4 * _NUM_CLASSES)))
    prop_p = jnp.pad(proposals, ((0, pad_r), (0, 0)))

    grid = (_NP // _RB,)
    t8_spec = pl.BlockSpec((_RB, _TOP_PER_ROW), lambda i: (i, 0))
    i8 = jax.ShapeDtypeStruct((_NP, _TOP_PER_ROW), jnp.int32)
    return pl.pallas_call(
        _stage_a_body,
        grid=grid,
        in_specs=[pl.BlockSpec((_RB, _LANES), lambda i: (i, 0)),
                  pl.BlockSpec((_RB, _REGL), lambda i: (i, 0)),
                  pl.BlockSpec((_RB, 4), lambda i: (i, 0))],
        out_specs=[t8_spec, t8_spec],
        out_shape=[i8, i8],
    )(logits_p, reg_p, prop_p)


_G2 = 160
_L2 = 1024
_T2 = 64


def _stage_a2_body(key_ref, k64_ref, r64_ref):
    lane = lax.broadcasted_iota(jnp.int32, (_G2, _L2), 1)
    gid = lax.broadcasted_iota(jnp.int32, (_G2, 1), 0)
    cur = key_ref[...]
    ks, rs = [], []
    for _ in range(_T2):
        mx = jnp.max(cur, axis=1, keepdims=True)
        lane_sel = jnp.min(jnp.where(cur == mx, lane, jnp.int32(_L2)),
                           axis=1, keepdims=True)
        ks.append(mx)
        rs.append(gid * _L2 + lane_sel)
        cur = jnp.where(lane == lane_sel, jnp.int32(_INT_MIN), cur)
    k64_ref[...] = jnp.concatenate(ks, axis=1)
    r64_ref[...] = jnp.concatenate(rs, axis=1)


def _run_stage_a2(key8):
    i64 = jax.ShapeDtypeStruct((_G2, _T2), jnp.int32)
    return pl.pallas_call(
        _stage_a2_body,
        in_specs=[pl.BlockSpec((_G2, _L2), lambda: (0, 0))],
        out_specs=[pl.BlockSpec((_G2, _T2), lambda: (0, 0))] * 2,
        out_shape=[i64, i64],
    )(key8.reshape(_G2, _L2))


_K = _PRE_NMS_TOPK
_NW = 32
_GB = _K // _NW


def _sc_gather_body(r64_hbm, idx8_hbm, reg_hbm, prop_hbm, sel_hbm,
                    ox1_hbm, oy1_hbm, ox2_hbm, oy2_hbm, olbl_hbm,
                    sel_v, cand_v, gi0_v, gi1_v, gi2_v, gi3_v,
                    g0_v, g1_v, g2_v, g3_v,
                    p0_v, p1_v, p2_v, p3_v, sem):
    wid = lax.axis_index("s") * 2 + lax.axis_index("c")
    base = wid * _GB
    pltpu.sync_copy(sel_hbm.at[pl.ds(base, _GB)], sel_v)
    pltpu.async_copy(r64_hbm.at[sel_v], gi0_v, sem).wait()
    pltpu.async_copy(idx8_hbm.at[gi0_v], cand_v, sem).wait()

    for j in range(_GB // 16):
        sl = pl.ds(16 * j, 16)
        idxv = cand_v[sl]
        nb = lax.shift_right_logical(idxv, 9) * _REGL + (idxv & 511) * 4
        gi0_v[sl] = nb
        gi1_v[sl] = nb + 1
        gi2_v[sl] = nb + 2
        gi3_v[sl] = nb + 3
    d0 = pltpu.async_copy(reg_hbm.at[gi0_v], g0_v, sem)
    d1 = pltpu.async_copy(reg_hbm.at[gi1_v], g1_v, sem)
    d2 = pltpu.async_copy(reg_hbm.at[gi2_v], g2_v, sem)
    d3 = pltpu.async_copy(reg_hbm.at[gi3_v], g3_v, sem)
    d0.wait(); d1.wait(); d2.wait(); d3.wait()
    for j in range(_GB // 16):
        sl = pl.ds(16 * j, 16)
        pb = lax.shift_right_logical(cand_v[sl], 9) * 4
        gi0_v[sl] = pb
        gi1_v[sl] = pb + 1
        gi2_v[sl] = pb + 2
        gi3_v[sl] = pb + 3
    d0 = pltpu.async_copy(prop_hbm.at[gi0_v], p0_v, sem)
    d1 = pltpu.async_copy(prop_hbm.at[gi1_v], p1_v, sem)
    d2 = pltpu.async_copy(prop_hbm.at[gi2_v], p2_v, sem)
    d3 = pltpu.async_copy(prop_hbm.at[gi3_v], p3_v, sem)
    d0.wait(); d1.wait(); d2.wait(); d3.wait()

    clipv = jnp.float32(_BBOX_XFORM_CLIP)
    for j in range(_GB // 16):
        sl = pl.ds(16 * j, 16)
        cf = (cand_v[sl] & 511).astype(jnp.float32)
        p0, p1, p2, p3 = p0_v[sl], p1_v[sl], p2_v[sl], p3_v[sl]
        w = p2 - p0
        h = p3 - p1
        cx = p0 + 0.5 * w
        cy = p1 + 0.5 * h
        dxv = g0_v[sl] * jnp.float32(0.1)
        dyv = g1_v[sl] * jnp.float32(0.1)
        dwv = jnp.minimum(g2_v[sl] * jnp.float32(0.2), clipv)
        dhv = jnp.minimum(g3_v[sl] * jnp.float32(0.2), clipv)
        pcx = dxv * w + cx
        pcy = dyv * h + cy
        pw = jnp.exp(dwv) * w
        ph = jnp.exp(dhv) * h
        x1 = jnp.clip(pcx - 0.5 * pw, 0.0, _IMG_W)
        y1 = jnp.clip(pcy - 0.5 * ph, 0.0, _IMG_H)
        x2 = jnp.clip(pcx + 0.5 * pw, 0.0, _IMG_W)
        y2 = jnp.clip(pcy + 0.5 * ph, 0.0, _IMG_H)
        g0_v[sl] = x1
        g1_v[sl] = y1
        g2_v[sl] = x2
        g3_v[sl] = y2
        p0_v[sl] = cf

    pltpu.sync_copy(g0_v, ox1_hbm.at[pl.ds(base, _GB)])
    pltpu.sync_copy(g1_v, oy1_hbm.at[pl.ds(base, _GB)])
    pltpu.sync_copy(g2_v, ox2_hbm.at[pl.ds(base, _GB)])
    pltpu.sync_copy(g3_v, oy2_hbm.at[pl.ds(base, _GB)])
    pltpu.sync_copy(p0_v, olbl_hbm.at[pl.ds(base, _GB)])


def _run_sc_decode(top_ridx, r64, idx8, reg_p, prop_p):
    mesh = plsc.VectorSubcoreMesh(core_axis_name="c", subcore_axis_name="s")
    fk = jax.ShapeDtypeStruct((_K,), jnp.float32)
    fgb = pltpu.VMEM((_GB,), jnp.float32)
    igb = pltpu.VMEM((_GB,), jnp.int32)
    kern = functools.partial(
        pl.kernel,
        out_type=[fk, fk, fk, fk, fk],
        mesh=mesh,
        scratch_types=[igb, igb, igb, igb, igb, igb,
                       fgb, fgb, fgb, fgb,
                       fgb, fgb, fgb, fgb, pltpu.SemaphoreType.DMA],
    )(_sc_gather_body)
    return kern(r64.reshape(-1), idx8.reshape(-1), reg_p.reshape(-1),
                prop_p.reshape(-1), top_ridx)


_CB = 512
_OUTR = 128


def _nms_body(x1r_ref, y1r_ref, x2r_ref, y2r_ref, lblr_ref, scr_ref,
              x1c_ref, y1c_ref, x2c_ref, y2c_ref, lblc_ref, out_ref):
    x1r, y1r, x2r, y2r = x1r_ref[...], y1r_ref[...], x2r_ref[...], y2r_ref[...]
    lblr, scr = lblr_ref[...], scr_ref[...]

    m = jnp.max(jnp.maximum(jnp.maximum(x1r, x2r), jnp.maximum(y1r, y2r)),
                axis=1, keepdims=True)
    offr = lblr * (m + 1.0)
    ox1r, oy1r, ox2r, oy2r = x1r + offr, y1r + offr, x2r + offr, y2r + offr
    offc = lblc_ref[...] * (m + 1.0)
    ox1c = x1c_ref[...] + offc
    oy1c = y1c_ref[...] + offc
    ox2c = x2c_ref[...] + offc
    oy2c = y2c_ref[...] + offc

    area_r = (ox2r - ox1r) * (oy2r - oy1r)
    area_c = (ox2c - ox1c) * (oy2c - oy1c)

    tri = (lax.broadcasted_iota(jnp.int32, (_CB, _CB), 0)
           < lax.broadcasted_iota(jnp.int32, (_CB, _CB), 1))
    lt_cb = (lax.broadcasted_iota(jnp.int32, (_CB, _CB), 0)
             <= lax.broadcasted_iota(jnp.int32, (_CB, _CB), 1)).astype(jnp.bfloat16)

    valid = scr > 0.0
    sup = jnp.zeros((1, _K), jnp.bool_)
    keeps, ranks = [], []
    base = jnp.float32(0.0)
    nch = _K // _CB
    for c in range(nch):
        s0 = c * _CB
        ltx = jnp.maximum(ox1c[s0:s0 + _CB, :], ox1r[:, s0:])
        rbx = jnp.minimum(ox2c[s0:s0 + _CB, :], ox2r[:, s0:])
        lty = jnp.maximum(oy1c[s0:s0 + _CB, :], oy1r[:, s0:])
        rby = jnp.minimum(oy2c[s0:s0 + _CB, :], oy2r[:, s0:])
        inter = (jnp.maximum(rbx - ltx, 0.0) * jnp.maximum(rby - lty, 0.0))
        den = area_c[s0:s0 + _CB, :] + area_r[:, s0:] - inter + 1e-9
        sm = (inter + inter) > den

        self_m = (sm[:, :_CB] & tri).astype(jnp.bfloat16)
        init = (valid[:, s0:s0 + _CB] & ~sup[:, s0:s0 + _CB]).astype(jnp.float32)

        def fix_body(st, self_m=self_m, init=init):
            k, _ = st
            hits = lax.dot_general(k.astype(jnp.bfloat16), self_m,
                                   (((1,), (0,)), ((), ())),
                                   preferred_element_type=jnp.float32)
            knew = jnp.where(hits == 0.0, init, 0.0)
            return knew, jnp.any(knew != k)

        k, _ = lax.while_loop(lambda st: st[1], fix_body,
                              (init, jnp.bool_(True)))
        keeps.append(k)
        rank_c = base + lax.dot_general(k.astype(jnp.bfloat16), lt_cb,
                                        (((1,), (0,)), ((), ())),
                                        preferred_element_type=jnp.float32)
        ranks.append(rank_c)
        base = base + jnp.sum(k)
        if c + 1 < nch:
            later = sm[:, _CB:].astype(jnp.bfloat16)
            supadd = lax.dot_general(k.astype(jnp.bfloat16), later,
                                     (((1,), (0,)), ((), ())),
                                     preferred_element_type=jnp.float32)
            sup = jnp.concatenate(
                [sup[:, :s0 + _CB], sup[:, s0 + _CB:] | (supadd > 0.0)], axis=1)

    keep = jnp.concatenate(keeps, axis=1)
    rank = jnp.concatenate(ranks, axis=1)

    slot = lax.broadcasted_iota(jnp.int32, (_OUTR, _K), 0) + 1
    rank_i = rank.astype(jnp.int32)
    sel = ((slot == rank_i) & (keep > 0.0)).astype(jnp.float32)

    def pick(row):
        return jnp.sum(sel * row, axis=1, keepdims=True)

    out = jnp.concatenate(
        [pick(x1r), pick(y1r), pick(x2r), pick(y2r), pick(scr), pick(lblr),
         jnp.zeros((_OUTR, 2), jnp.float32)], axis=1)
    out_ref[...] = out


def _run_nms(x1, y1, x2, y2, labels_f, scores):
    row = lambda a: a.reshape(1, _K)
    col = lambda a: a.reshape(_K, 1)
    rs = pl.BlockSpec((1, _K), lambda: (0, 0))
    cs = pl.BlockSpec((_K, 1), lambda: (0, 0))
    out = pl.pallas_call(
        _nms_body,
        in_specs=[rs, rs, rs, rs, rs, rs, cs, cs, cs, cs, cs],
        out_specs=pl.BlockSpec((_OUTR, 8), lambda: (0, 0)),
        out_shape=jax.ShapeDtypeStruct((_OUTR, 8), jnp.float32),
    )(row(x1), row(y1), row(x2), row(y2), row(labels_f), row(scores),
      col(x1), col(y1), col(x2), col(y2), col(labels_f))
    boxes = out[:_DET_PER_IMG, 0:4]
    scores_o = out[:_DET_PER_IMG, 4]
    labels_o = out[:_DET_PER_IMG, 5].astype(jnp.int32)
    return boxes, scores_o, labels_o


def kernel(class_logits, box_regression, proposals):
    pad_r = _NP - _N
    reg_p = jnp.pad(box_regression, ((0, pad_r), (0, _REGL - 4 * _NUM_CLASSES)))
    prop_p = jnp.pad(proposals, ((0, pad_r), (0, 0)))

    key8, idx8 = _run_stage_a(class_logits, box_regression, proposals)
    k64, r64 = _run_stage_a2(key8)

    top_keys, top_ridx = lax.top_k(k64.reshape(-1), _K)
    top_scores = lax.bitcast_convert_type(top_keys, jnp.float32)

    cx1, cy1, cx2, cy2, labels_f = _run_sc_decode(
        top_ridx, r64, idx8, reg_p, prop_p)

    return _run_nms(cx1, cy1, cx2, cy2, labels_f, top_scores)

# --- scband reference (transcript-rebuilt; emitter-appended) ---
"""Pipeline reference for scband-ro-iheads-52458730554160 (READ-ONLY COPY).

The authoritative reference and input builder live on the scoring server;
editing this copy changes nothing except your own understanding.
"""

import jax, jax.numpy as jnp
import numpy as np
import math

NUM_CLASSES = 91
SCORE_THRESH = 0.05
NMS_THRESH = 0.5
DET_PER_IMG = 100
PRE_NMS_TOPK = 4096
IMG_H, IMG_W = 800.0, 1216.0
BBOX_XFORM_CLIP = math.log(1000.0 / 16.0)


def setup_inputs(seed: int = 0):
    key = jax.random.key(seed)
    k1, k2, k3, k4, k5, k6 = jax.random.split(key, 6)
    N = 20000
    class_logits = jax.random.normal(k1, (N, NUM_CLASSES), dtype=jnp.float32) * 2.0
    box_regression = jax.random.normal(k2, (N, NUM_CLASSES * 4), dtype=jnp.float32) * 0.5
    cx = jax.random.uniform(k3, (N,)) * IMG_W
    cy = jax.random.uniform(k4, (N,)) * IMG_H
    w = jax.random.uniform(k5, (N,)) * 150.0 + 8.0
    h = jax.random.uniform(k6, (N,)) * 150.0 + 8.0
    proposals = jnp.stack([cx - w / 2, cy - h / 2, cx + w / 2, cy + h / 2], axis=1).astype(jnp.float32)
    return {"class_logits": class_logits, "box_regression": box_regression, "proposals": proposals}


def _box_iou(a, b):
    area_a = (a[:, 2] - a[:, 0]) * (a[:, 3] - a[:, 1])
    area_b = (b[:, 2] - b[:, 0]) * (b[:, 3] - b[:, 1])
    lt = jnp.maximum(a[:, None, :2], b[None, :, :2])
    rb = jnp.minimum(a[:, None, 2:], b[None, :, 2:])
    wh = jnp.clip(rb - lt, 0.0)
    inter = wh[..., 0] * wh[..., 1]
    return inter / (area_a[:, None] + area_b[None, :] - inter + 1e-9)


def _postprocess(class_logits, box_regression, proposals):
    # Faithful jax port of RoIHeads.postprocess_detections for a single image:
    # decode boxes via BoxCoder(10,10,5,5), softmax scores, clip to image,
    # drop background, score threshold, remove small boxes, class-aware NMS, top-k.
    N, C = class_logits.shape
    widths = proposals[:, 2] - proposals[:, 0]
    heights = proposals[:, 3] - proposals[:, 1]
    ctr_x = proposals[:, 0] + 0.5 * widths
    ctr_y = proposals[:, 1] + 0.5 * heights
    rel = box_regression.reshape(N, C, 4)
    dx = rel[..., 0] / 10.0
    dy = rel[..., 1] / 10.0
    dw = jnp.minimum(rel[..., 2] / 5.0, BBOX_XFORM_CLIP)
    dh = jnp.minimum(rel[..., 3] / 5.0, BBOX_XFORM_CLIP)
    pcx = dx * widths[:, None] + ctr_x[:, None]
    pcy = dy * heights[:, None] + ctr_y[:, None]
    pw = jnp.exp(dw) * widths[:, None]
    ph = jnp.exp(dh) * heights[:, None]
    boxes = jnp.stack([pcx - 0.5 * pw, pcy - 0.5 * ph, pcx + 0.5 * pw, pcy + 0.5 * ph], axis=-1)
    boxes = jnp.stack([
        jnp.clip(boxes[..., 0], 0.0, IMG_W),
        jnp.clip(boxes[..., 1], 0.0, IMG_H),
        jnp.clip(boxes[..., 2], 0.0, IMG_W),
        jnp.clip(boxes[..., 3], 0.0, IMG_H)], axis=-1)
    scores = jax.nn.softmax(class_logits, axis=-1)
    boxes = boxes[:, 1:, :].reshape(-1, 4)
    scores = scores[:, 1:].reshape(-1)
    labels = jnp.broadcast_to(jnp.arange(1, C)[None, :], (N, C - 1)).reshape(-1)
    ws = boxes[:, 2] - boxes[:, 0]
    hs = boxes[:, 3] - boxes[:, 1]
    valid = (scores > SCORE_THRESH) & (ws >= 1e-2) & (hs >= 1e-2)
    masked = jnp.where(valid, scores, -1.0)
    top_scores, top_idx = jax.lax.top_k(masked, PRE_NMS_TOPK)
    cand_boxes = boxes[top_idx]
    cand_labels = labels[top_idx]
    # batched (class-aware) NMS via per-class coordinate offset
    max_coord = jnp.max(cand_boxes)
    off = cand_labels.astype(cand_boxes.dtype) * (max_coord + 1.0)
    obox = cand_boxes + off[:, None]
    iou = _box_iou(obox, obox)
    K = PRE_NMS_TOPK
    idxs = jnp.arange(K)

    def body(i, keep):
        sup = (iou[i] > NMS_THRESH) & (idxs > i) & keep[i]
        return keep & (~sup)

    keep = jax.lax.fori_loop(0, K, body, top_scores > 0.0)
    post = jnp.where(keep, top_scores, -1.0)
    fs, fi = jax.lax.top_k(post, DET_PER_IMG)
    fb = cand_boxes[fi]
    fl = cand_labels[fi]
    ok = fs > 0.0
    out_boxes = jnp.where(ok[:, None], fb, 0.0)
    out_scores = jnp.where(ok, fs, 0.0)
    out_labels = jnp.where(ok, fl, 0)
    return out_boxes, out_scores, out_labels


def reference(class_logits, box_regression, proposals):
    return _postprocess(class_logits, box_regression, proposals)

if __name__ == "__main__":
    import jax
    _d = setup_inputs()
    print(jax.jit(kernel)(*tuple(_d.values())))

</pallas_src>

<mosaic_0001>
#map = affine_map<(d0, d1) -> (0)>
module attributes {stable_mosaic.version = 14 : i64} {
  func.func @_sc_gather_body(%arg0: i32, %arg1: i32, %arg2: memref<10240xi32, #tpu.memory_space<hbm>>, %arg3: memref<163840xi32, #tpu.memory_space<hbm>>, %arg4: memref<7864320xf32, #tpu.memory_space<hbm>>, %arg5: memref<81920xf32, #tpu.memory_space<hbm>>, %arg6: memref<4096xi32, #tpu.memory_space<hbm>>, %arg7: memref<4096xf32, #tpu.memory_space<hbm>>, %arg8: memref<4096xf32, #tpu.memory_space<hbm>>, %arg9: memref<4096xf32, #tpu.memory_space<hbm>>, %arg10: memref<4096xf32, #tpu.memory_space<hbm>>, %arg11: memref<4096xf32, #tpu.memory_space<hbm>>, %arg12: memref<128xi32, #tpu.memory_space<vmem>>, %arg13: memref<128xi32, #tpu.memory_space<vmem>>, %arg14: memref<128xi32, #tpu.memory_space<vmem>>, %arg15: memref<128xi32, #tpu.memory_space<vmem>>, %arg16: memref<128xi32, #tpu.memory_space<vmem>>, %arg17: memref<128xi32, #tpu.memory_space<vmem>>, %arg18: memref<128xf32, #tpu.memory_space<vmem>>, %arg19: memref<128xf32, #tpu.memory_space<vmem>>, %arg20: memref<128xf32, #tpu.memory_space<vmem>>, %arg21: memref<128xf32, #tpu.memory_space<vmem>>, %arg22: memref<128xf32, #tpu.memory_space<vmem>>, %arg23: memref<128xf32, #tpu.memory_space<vmem>>, %arg24: memref<128xf32, #tpu.memory_space<vmem>>, %arg25: memref<128xf32, #tpu.memory_space<vmem>>, %arg26: memref<!tpu.dma_semaphore, #tpu.memory_space<semaphore_mem>>) attributes {dimension_semantics = [#tpu.dimension_semantics<core_parallel>, #tpu.dimension_semantics<subcore_parallel>], iteration_bounds = array<i64: 2, 16>, scalar_prefetch = 0 : i64, scratch_operands = 15 : i64, tpu.core_type = #tpu.core_type<sc_vector_subcore>, window_params = [{transform_indices = #map}, {transform_indices = #map}, {transform_indices = #map}, {transform_indices = #map}, {transform_indices = #map}, {transform_indices = #map}, {transform_indices = #map}, {transform_indices = #map}, {transform_indices = #map}, {transform_indices = #map}]} {
    %mul3A = arith.constant 2 : i32
    %mul3A_0 = arith.muli %arg1, %mul3A : i32
    %add3A = arith.addi %mul3A_0, %arg0 : i32
    %mul3A_1 = arith.constant 128 : i32
    %mul3A_2 = arith.muli %add3A, %mul3A_1 : i32
    "tpu.region"() ({
      %run_scoped3A = tpu.sem_alloc : memref<!tpu.dma_semaphore, #tpu.memory_space<semaphore_mem>>
      %dma_start3A_1647 = tpu.memref_slice %arg6[%mul3A_2] : memref<4096xi32, #tpu.memory_space<hbm>> -> memref<128xi32, #tpu.memory_space<hbm>>
      %dma_start3A_1648 = tpu.memref_slice %arg6[%mul3A_2] : memref<4096xi32, #tpu.memory_space<hbm>> -> memref<128xi32, #tpu.memory_space<hbm>>
      tpu.enqueue_dma source(%dma_start3A_1648 : memref<128xi32, #tpu.memory_space<hbm>>) target(%arg12 : memref<128xi32, #tpu.memory_space<vmem>>) target_semaphore(%run_scoped3A : memref<!tpu.dma_semaphore, #tpu.memory_space<semaphore_mem>>)
      %dma_wait3A_1649 = tpu.memref_slice %arg6[%mul3A_2] : memref<4096xi32, #tpu.memory_space<hbm>> -> memref<128xi32, #tpu.memory_space<hbm>>
      %dma_wait3A_1650 = tpu.memref_slice %arg6[%mul3A_2] : memref<4096xi32, #tpu.memory_space<hbm>> -> memref<128xi32, #tpu.memory_space<hbm>>
      tpu.wait_dma2 semaphore(%run_scoped3A : memref<!tpu.dma_semaphore, #tpu.memory_space<semaphore_mem>>) src(%dma_wait3A_1650 : memref<128xi32, #tpu.memory_space<hbm>>) dst(%arg12 : memref<128xi32, #tpu.memory_space<vmem>>)
      tpu.yield
    }) : () -> ()
    %dma_start3A = arith.constant 0 : i32
    %dma_start3A_3 = tpu.memref_slice %arg2[%dma_start3A] : memref<10240xi32, #tpu.memory_space<hbm>> -> memref<10240xi32, #tpu.memory_space<hbm>>
    tpu.enqueue_indirect_dma source(%dma_start3A_3 : memref<10240xi32, #tpu.memory_space<hbm>>) target(%arg14 : memref<128xi32, #tpu.memory_space<vmem>>) offsets(%arg12 : memref<128xi32, #tpu.memory_space<vmem>>) semaphore(%arg26 : memref<!tpu.dma_semaphore, #tpu.memory_space<semaphore_mem>>)
    %dma_wait3A = arith.constant 0 : i32
    %dma_wait3A_4 = tpu.memref_slice %arg2[%dma_wait3A] : memref<10240xi32, #tpu.memory_space<hbm>> -> memref<10240xi32, #tpu.memory_space<hbm>>
    tpu.wait_indirect_dma semaphore(%arg26 : memref<!tpu.dma_semaphore, #tpu.memory_space<semaphore_mem>>) src(%dma_wait3A_4 : memref<10240xi32, #tpu.memory_space<hbm>>) dst(%arg14 : memref<128xi32, #tpu.memory_space<vmem>>)
    %dma_start3A_5 = arith.constant 0 : i32
    %dma_start3A_6 = tpu.memref_slice %arg3[%dma_start3A_5] : memref<163840xi32, #tpu.memory_space<hbm>> -> memref<163840xi32, #tpu.memory_space<hbm>>
    tpu.enqueue_indirect_dma source(%dma_start3A_6 : memref<163840xi32, #tpu.memory_space<hbm>>) target(%arg13 : memref<128xi32, #tpu.memory_space<vmem>>) offsets(%arg14 : memref<128xi32, #tpu.memory_space<vmem>>) semaphore(%arg26 : memref<!tpu.dma_semaphore, #tpu.memory_space<semaphore_mem>>)
    %dma_wait3A_7 = arith.constant 0 : i32
    %dma_wait3A_8 = tpu.memref_slice %arg3[%dma_wait3A_7] : memref<163840xi32, #tpu.memory_space<hbm>> -> memref<163840xi32, #tpu.memory_space<hbm>>
    tpu.wait_indirect_dma semaphore(%arg26 : memref<!tpu.dma_semaphore, #tpu.memory_space<semaphore_mem>>) src(%dma_wait3A_8 : memref<163840xi32, #tpu.memory_space<hbm>>) dst(%arg13 : memref<128xi32, #tpu.memory_space<vmem>>)
    %get3A = arith.constant 0 : index
    %get3A_9 = tpu.vector_load %arg13[%get3A] {strides = array<i32>} : memref<128xi32, #tpu.memory_space<vmem>>, vector<16xi32>,
    %get3A_10 = vector.shape_cast %get3A_9 : vector<16xi32> to vector<16xi32>
    %shift_right_logical3A = arith.constant 9 : i32
    %shift_right_logical3A_11 = vector.broadcast %shift_right_logical3A : i32 to vector<16xi32>
    %shift_right_logical3A_12 = arith.shrui %get3A_10, %shift_right_logical3A_11 : vector<16xi32>
    %mul3A_13 = arith.constant 384 : i32
    %mul3A_14 = vector.broadcast %mul3A_13 : i32 to vector<16xi32>
    %mul3A_15 = arith.muli %shift_right_logical3A_12, %mul3A_14 : vector<16xi32>
    %and3A = arith.constant 511 : i32
    %and3A_16 = vector.broadcast %and3A : i32 to vector<16xi32>
    %and3A_17 = arith.andi %get3A_10, %and3A_16 : vector<16xi32>
    %mul3A_18 = arith.constant 4 : i32
    %mul3A_19 = vector.broadcast %mul3A_18 : i32 to vector<16xi32>
    %mul3A_20 = arith.muli %and3A_17, %mul3A_19 : vector<16xi32>
    %add3A_21 = arith.addi %mul3A_15, %mul3A_20 : vector<16xi32>
    %swap3A = arith.constant 0 : index
    %swap3A_22 = tpu.vector_load %arg14[%swap3A] {strides = array<i32>} : memref<128xi32, #tpu.memory_space<vmem>>, vector<16xi32>,
    %swap3A_23 = vector.shape_cast %swap3A_22 : vector<16xi32> to vector<16xi32>
    %swap3A_24 = vector.shape_cast %add3A_21 : vector<16xi32> to vector<16xi32>
    tpu.vector_store %arg14[%swap3A], %swap3A_24 {strides = array<i32>} : memref<128xi32, #tpu.memory_space<vmem>>, vector<16xi32>,
    %add3A_25 = arith.constant 1 : i32
    %add3A_26 = vector.broadcast %add3A_25 : i32 to vector<16xi32>
    %add3A_27 = arith.addi %add3A_21, %add3A_26 : vector<16xi32>
    %swap3A_28 = arith.constant 0 : index
    %swap3A_29 = tpu.vector_load %arg15[%swap3A_28] {strides = array<i32>} : memref<128xi32, #tpu.memory_space<vmem>>, vector<16xi32>,
    %swap3A_30 = vector.shape_cast %swap3A_29 : vector<16xi32> to vector<16xi32>
    %swap3A_31 = vector.shape_cast %add3A_27 : vector<16xi32> to vector<16xi32>
    tpu.vector_store %arg15[%swap3A_28], %swap3A_31 {strides = array<i32>} : memref<128xi32, #tpu.memory_space<vmem>>, vector<16xi32>,
    %add3A_32 = arith.constant 2 : i32
    %add3A_33 = vector.broadcast %add3A_32 : i32 to vector<16xi32>
    %add3A_34 = arith.addi %add3A_21, %add3A_33 : vector<16xi32>
    %swap3A_35 = arith.constant 0 : index
    %swap3A_36 = tpu.vector_load %arg16[%swap3A_35] {strides = array<i32>} : memref<128xi32, #tpu.memory_space<vmem>>, vector<16xi32>,
    %swap3A_37 = vector.shape_cast %swap3A_36 : vector<16xi32> to vector<16xi32>
    %swap3A_38 = vector.shape_cast %add3A_34 : vector<16xi32> to vector<16xi32>
    tpu.vector_store %arg16[%swap3A_35], %swap3A_38 {strides = array<i32>} : memref<128xi32, #tpu.memory_space<vmem>>, vector<16xi32>,
    %add3A_39 = arith.constant 3 : i32
    %add3A_40 = vector.broadcast %add3A_39 : i32 to vector<16xi32>
    %add3A_41 = arith.addi %add3A_21, %add3A_40 : vector<16xi32>
    %swap3A_42 = arith.constant 0 : index
    %swap3A_43 = tpu.vector_load %arg17[%swap3A_42] {strides = array<i32>} : memref<128xi32, #tpu.memory_space<vmem>>, vector<16xi32>,
    %swap3A_44 = vector.shape_cast %swap3A_43 : vector<16xi32> to vector<16xi32>
    %swap3A_45 = vector.shape_cast %add3A_41 : vector<16xi32> to vector<16xi32>
    tpu.vector_store %arg17[%swap3A_42], %swap3A_45 {strides = array<i32>} : memref<128xi32, #tpu.memory_space<vmem>>, vector<16xi32>,
    %get3A_46 = arith.constant 16 : index
    %get3A_47 = tpu.vector_load %arg13[%get3A_46] {strides = array<i32>} : memref<128xi32, #tpu.memory_space<vmem>>, vector<16xi32>,
    %get3A_48 = vector.shape_cast %get3A_47 : vector<16xi32> to vector<16xi32>
    %shift_right_logical3A_49 = arith.constant 9 : i32
    %shift_right_logical3A_50 = vector.broadcast %shift_right_logical3A_49 : i32 to vector<16xi32>
    %shift_right_logical3A_51 = arith.shrui %get3A_48, %shift_right_logical3A_50 : vector<16xi32>
    %mul3A_52 = arith.constant 384 : i32
    %mul3A_53 = vector.broadcast %mul3A_52 : i32 to vector<16xi32>
    %mul3A_54 = arith.muli %shift_right_logical3A_51, %mul3A_53 : vector<16xi32>
    %and3A_55 = arith.constant 511 : i32
    %and3A_56 = vector.broadcast %and3A_55 : i32 to vector<16xi32>
    %and3A_57 = arith.andi %get3A_48, %and3A_56 : vector<16xi32>
    %mul3A_58 = arith.constant 4 : i32
    %mul3A_59 = vector.broadcast %mul3A_58 : i32 to vector<16xi32>
    %mul3A_60 = arith.muli %and3A_57, %mul3A_59 : vector<16xi32>
    %add3A_61 = arith.addi %mul3A_54, %mul3A_60 : vector<16xi32>
    %swap3A_62 = arith.constant 16 : index
    %swap3A_63 = tpu.vector_load %arg14[%swap3A_62] {strides = array<i32>} : memref<128xi32, #tpu.memory_space<vmem>>, vector<16xi32>,
    %swap3A_64 = vector.shape_cast %swap3A_63 : vector<16xi32> to vector<16xi32>
    %swap3A_65 = vector.shape_cast %add3A_61 : vector<16xi32> to vector<16xi32>
    tpu.vector_store %arg14[%swap3A_62], %swap3A_65 {strides = array<i32>} : memref<128xi32, #tpu.memory_space<vmem>>, vector<16xi32>,
    %add3A_66 = arith.constant 1 : i32
    %add3A_67 = vector.broadcast %add3A_66 : i32 to vector<16xi32>
    %add3A_68 = arith.addi %add3A_61, %add3A_67 : vector<16xi32>
    %swap3A_69 = arith.constant 16 : index
    %swap3A_70 = tpu.vector_load %arg15[%swap3A_69] {strides = array<i32>} : memref<128xi32, #tpu.memory_space<vmem>>, vector<16xi32>,
    %swap3A_71 = vector.shape_cast %swap3A_70 : vector<16xi32> to vector<16xi32>
    %swap3A_72 = vector.shape_cast %add3A_68 : vector<16xi32> to vector<16xi32>
    tpu.vector_store %arg15[%swap3A_69], %swap3A_72 {strides = array<i32>} : memref<128xi32, #tpu.memory_space<vmem>>, vector<16xi32>,
    %add3A_73 = arith.constant 2 : i32
    %add3A_74 = vector.broadcast %add3A_73 : i32 to vector<16xi32>
    %add3A_75 = arith.addi %add3A_61, %add3A_74 : vector<16xi32>
    %swap3A_76 = arith.constant 16 : index
    %swap3A_77 = tpu.vector_load %arg16[%swap3A_76] {strides = array<i32>} : memref<128xi32, #tpu.memory_space<vmem>>, vector<16xi32>,
    %swap3A_78 = vector.shape_cast %swap3A_77 : vector<16xi32> to vector<16xi32>
    %swap3A_79 = vector.shape_cast %add3A_75 : vector<16xi32> to vector<16xi32>
    tpu.vector_store %arg16[%swap3A_76], %swap3A_79 {strides = array<i32>} : memref<128xi32, #tpu.memory_space<vmem>>, vector<16xi32>,
    %add3A_80 = arith.constant 3 : i32
    %add3A_81 = vector.broadcast %add3A_80 : i32 to vector<16xi32>
    %add3A_82 = arith.addi %add3A_61, %add3A_81 : vector<16xi32>
    %swap3A_83 = arith.constant 16 : index
    %swap3A_84 = tpu.vector_load %arg17[%swap3A_83] {strides = array<i32>} : memref<128xi32, #tpu.memory_space<vmem>>, vector<16xi32>,
    %swap3A_85 = vector.shape_cast %swap3A_84 : vector<16xi32> to vector<16xi32>
    %swap3A_86 = vector.shape_cast %add3A_82 : vector<16xi32> to vector<16xi32>
    tpu.vector_store %arg17[%swap3A_83], %swap3A_86 {strides = array<i32>} : memref<128xi32, #tpu.memory_space<vmem>>, vector<16xi32>,
    %get3A_87 = arith.constant 32 : index
    %get3A_88 = tpu.vector_load %arg13[%get3A_87] {strides = array<i32>} : memref<128xi32, #tpu.memory_space<vmem>>, vector<16xi32>,
    %get3A_89 = vector.shape_cast %get3A_88 : vector<16xi32> to vector<16xi32>
    %shift_right_logical3A_90 = arith.constant 9 : i32
    %shift_right_logical3A_91 = vector.broadcast %shift_right_logical3A_90 : i32 to vector<16xi32>
    %shift_right_logical3A_92 = arith.shrui %get3A_89, %shift_right_logical3A_91 : vector<16xi32>
    %mul3A_93 = arith.constant 384 : i32
    %mul3A_94 = vector.broadcast %mul3A_93 : i32 to vector<16xi32>
    %mul3A_95 = arith.muli %shift_right_logical3A_92, %mul3A_94 : vector<16xi32>
    %and3A_96 = arith.constant 511 : i32
    %and3A_97 = vector.broadcast %and3A_96 : i32 to vector<16xi32>
    %and3A_98 = arith.andi %get3A_89, %and3A_97 : vector<16xi32>
    %mul3A_99 = arith.constant 4 : i32
    %mul3A_100 = vector.broadcast %mul3A_99 : i32 to vector<16xi32>
    %mul3A_101 = arith.muli %and3A_98, %mul3A_100 : vector<16xi32>
    %add3A_102 = arith.addi %mul3A_95, %mul3A_101 : vector<16xi32>
    %swap3A_103 = arith.constant 32 : index
    %swap3A_104 = tpu.vector_load %arg14[%swap3A_103] {strides = array<i32>} : memref<128xi32, #tpu.memory_space<vmem>>, vector<16xi32>,
    %swap3A_105 = vector.shape_cast %swap3A_104 : vector<16xi32> to vector<16xi32>
    %swap3A_106 = vector.shape_cast %add3A_102 : vector<16xi32> to vector<16xi32>
    tpu.vector_store %arg14[%swap3A_103], %swap3A_106 {strides = array<i32>} : memref<128xi32, #tpu.memory_space<vmem>>, vector<16xi32>,
    %add3A_107 = arith.constant 1 : i32
    %add3A_108 = vector.broadcast %add3A_107 : i32 to vector<16xi32>
    %add3A_109 = arith.addi %add3A_102, %add3A_108 : vector<16xi32>
    %swap3A_110 = arith.constant 32 : index
    %swap3A_111 = tpu.vector_load %arg15[%swap3A_110] {strides = array<i32>} : memref<128xi32, #tpu.memory_space<vmem>>, vector<16xi32>,
    %swap3A_112 = vector.shape_cast %swap3A_111 : vector<16xi32> to vector<16xi32>
    %swap3A_113 = vector.shape_cast %add3A_109 : vector<16xi32> to vector<16xi32>
    tpu.vector_store %arg15[%swap3A_110], %swap3A_113 {strides = array<i32>} : memref<128xi32, #tpu.memory_space<vmem>>, vector<16xi32>,
    %add3A_114 = arith.constant 2 : i32
    %add3A_115 = vector.broadcast %add3A_114 : i32 to vector<16xi32>
    %add3A_116 = arith.addi %add3A_102, %add3A_115 : vector<16xi32>
    %swap3A_117 = arith.constant 32 : index
    %swap3A_118 = tpu.vector_load %arg16[%swap3A_117] {strides = array<i32>} : memref<128xi32, #tpu.memory_space<vmem>>, vector<16xi32>,
    %swap3A_119 = vector.shape_cast %swap3A_118 : vector<16xi32> to vector<16xi32>
    %swap3A_120 = vector.shape_cast %add3A_116 : vector<16xi32> to vector<16xi32>
    tpu.vector_store %arg16[%swap3A_117], %swap3A_120 {strides = array<i32>} : memref<128xi32, #tpu.memory_space<vmem>>, vector<16xi32>,
    %add3A_121 = arith.constant 3 : i32
    %add3A_122 = vector.broadcast %add3A_121 : i32 to vector<16xi32>
    %add3A_123 = arith.addi %add3A_102, %add3A_122 : vector<16xi32>
    %swap3A_124 = arith.constant 32 : index
    %swap3A_125 = tpu.vector_load %arg17[%swap3A_124] {strides = array<i32>} : memref<128xi32, #tpu.memory_space<vmem>>, vector<16xi32>,
    %swap3A_126 = vector.shape_cast %swap3A_125 : vector<16xi32> to vector<16xi32>
    %swap3A_127 = vector.shape_cast %add3A_123 : vector<16xi32> to vector<16xi32>
    tpu.vector_store %arg17[%swap3A_124], %swap3A_127 {strides = array<i32>} : memref<128xi32, #tpu.memory_space<vmem>>, vector<16xi32>,
    %get3A_128 = arith.constant 48 : index
    %get3A_129 = tpu.vector_load %arg13[%get3A_128] {strides = array<i32>} : memref<128xi32, #tpu.memory_space<vmem>>, vector<16xi32>,
    %get3A_130 = vector.shape_cast %get3A_129 : vector<16xi32> to vector<16xi32>
    %shift_right_logical3A_131 = arith.constant 9 : i32
    %shift_right_logical3A_132 = vector.broadcast %shift_right_logical3A_131 : i32 to vector<16xi32>
    %shift_right_logical3A_133 = arith.shrui %get3A_130, %shift_right_logical3A_132 : vector<16xi32>
    %mul3A_134 = arith.constant 384 : i32
    %mul3A_135 = vector.broadcast %mul3A_134 : i32 to vector<16xi32>
    %mul3A_136 = arith.muli %shift_right_logical3A_133, %mul3A_135 : vector<16xi32>
    %and3A_137 = arith.constant 511 : i32
    %and3A_138 = vector.broadcast %and3A_137 : i32 to vector<16xi32>
    %and3A_139 = arith.andi %get3A_130, %and3A_138 : vector<16xi32>
    %mul3A_140 = arith.constant 4 : i32
    %mul3A_141 = vector.broadcast %mul3A_140 : i32 to vector<16xi32>
    %mul3A_142 = arith.muli %and3A_139, %mul3A_141 : vector<16xi32>
    %add3A_143 = arith.addi %mul3A_136, %mul3A_142 : vector<16xi32>
    %swap3A_144 = arith.constant 48 : index
    %swap3A_145 = tpu.vector_load %arg14[%swap3A_144] {strides = array<i32>} : memref<128xi32, #tpu.memory_space<vmem>>, vector<16xi32>,
    %swap3A_146 = vector.shape_cast %swap3A_145 : vector<16xi32> to vector<16xi32>
    %swap3A_147 = vector.shape_cast %add3A_143 : vector<16xi32> to vector<16xi32>
    tpu.vector_store %arg14[%swap3A_144], %swap3A_147 {strides = array<i32>} : memref<128xi32, #tpu.memory_space<vmem>>, vector<16xi32>,
    %add3A_148 = arith.constant 1 : i32
    %add3A_149 = vector.broadcast %add3A_148 : i32 to vector<16xi32>
    %add3A_150 = arith.addi %add3A_143, %add3A_149 : vector<16xi32>
    %swap3A_151 = arith.constant 48 : index
    %swap3A_152 = tpu.vector_load %arg15[%swap3A_151] {strides = array<i32>} : memref<128xi32, #tpu.memory_space<vmem>>, vector<16xi32>,
    %swap3A_153 = vector.shape_cast %swap3A_152 : vector<16xi32> to vector<16xi32>
    %swap3A_154 = vector.shape_cast %add3A_150 : vector<16xi32> to vector<16xi32>
    tpu.vector_store %arg15[%swap3A_151], %swap3A_154 {strides = array<i32>} : memref<128xi32, #tpu.memory_space<vmem>>, vector<16xi32>,
    %add3A_155 = arith.constant 2 : i32
    %add3A_156 = vector.broadcast %add3A_155 : i32 to vector<16xi32>
    %add3A_157 = arith.addi %add3A_143, %add3A_156 : vector<16xi32>
    %swap3A_158 = arith.constant 48 : index
    %swap3A_159 = tpu.vector_load %arg16[%swap3A_158] {strides = array<i32>} : memref<128xi32, #tpu.memory_space<vmem>>, vector<16xi32>,
    %swap3A_160 = vector.shape_cast %swap3A_159 : vector<16xi32> to vector<16xi32>
    %swap3A_161 = vector.shape_cast %add3A_157 : vector<16xi32> to vector<16xi32>
    tpu.vector_store %arg16[%swap3A_158], %swap3A_161 {strides = array<i32>} : memref<128xi32, #tpu.memory_space<vmem>>, vector<16xi32>,
    %add3A_162 = arith.constant 3 : i32
    %add3A_163 = vector.broadcast %add3A_162 : i32 to vector<16xi32>
    %add3A_164 = arith.addi %add3A_143, %add3A_163 : vector<16xi32>
    %swap3A_165 = arith.constant 48 : index
    %swap3A_166 = tpu.vector_load %arg17[%swap3A_165] {strides = array<i32>} : memref<128xi32, #tpu.memory_space<vmem>>, vector<16xi32>,
    %swap3A_167 = vector.shape_cast %swap3A_166 : vector<16xi32> to vector<16xi32>
    %swap3A_168 = vector.shape_cast %add3A_164 : vector<16xi32> to vector<16xi32>
    tpu.vector_store %arg17[%swap3A_165], %swap3A_168 {strides = array<i32>} : memref<128xi32, #tpu.memory_space<vmem>>, vector<16xi32>,
    %get3A_169 = arith.constant 64 : index
    %get3A_170 = tpu.vector_load %arg13[%get3A_169] {strides = array<i32>} : memref<128xi32, #tpu.memory_space<vmem>>, vector<16xi32>,
    %get3A_171 = vector.shape_cast %get3A_170 : vector<16xi32> to vector<16xi32>
    %shift_right_logical3A_172 = arith.constant 9 : i32
    %shift_right_logical3A_173 = vector.broadcast %shift_right_logical3A_172 : i32 to vector<16xi32>
    %shift_right_logical3A_174 = arith.shrui %get3A_171, %shift_right_logical3A_173 : vector<16xi32>
    %mul3A_175 = arith.constant 384 : i32
    %mul3A_176 = vector.broadcast %mul3A_175 : i32 to vector<16xi32>
    %mul3A_177 = arith.muli %shift_right_logical3A_174, %mul3A_176 : vector<16xi32>
    %and3A_178 = arith.constant 511 : i32
    %and3A_179 = vector.broadcast %and3A_178 : i32 to vector<16xi32>
    %and3A_180 = arith.andi %get3A_171, %and3A_179 : vector<16xi32>
    %mul3A_181 = arith.constant 4 : i32
    %mul3A_182 = vector.broadcast %mul3A_181 : i32 to vector<16xi32>
    %mul3A_183 = arith.muli %and3A_180, %mul3A_182 : vector<16xi32>
    %add3A_184 = arith.addi %mul3A_177, %mul3A_183 : vector<16xi32>
    %swap3A_185 = arith.constant 64 : index
    %swap3A_186 = tpu.vector_load %arg14[%swap3A_185] {strides = array<i32>} : memref<128xi32, #tpu.memory_space<vmem>>, vector<16xi32>,
    %swap3A_187 = vector.shape_cast %swap3A_186 : vector<16xi32> to vector<16xi32>
    %swap3A_188 = vector.shape_cast %add3A_184 : vector<16xi32> to vector<16xi32>
    tpu.vector_store %arg14[%swap3A_185], %swap3A_188 {strides = array<i32>} : memref<128xi32, #tpu.memory_space<vmem>>, vector<16xi32>,
    %add3A_189 = arith.constant 1 : i32
    %add3A_190 = vector.broadcast %add3A_189 : i32 to vector<16xi32>
    %add3A_191 = arith.addi %add3A_184, %add3A_190 : vector<16xi32>
    %swap3A_192 = arith.constant 64 : index
    %swap3A_193 = tpu.vector_load %arg15[%swap3A_192] {strides = array<i32>} : memref<128xi32, #tpu.memory_space<vmem>>, vector<16xi32>,
    %swap3A_194 = vector.shape_cast %swap3A_193 : vector<16xi32> to vector<16xi32>
    %swap3A_195 = vector.shape_cast %add3A_191 : vector<16xi32> to vector<16xi32>
    tpu.vector_store %arg15[%swap3A_192], %swap3A_195 {strides = array<i32>} : memref<128xi32, #tpu.memory_space<vmem>>, vector<16xi32>,
    %add3A_196 = arith.constant 2 : i32
    %add3A_197 = vector.broadcast %add3A_196 : i32 to vector<16xi32>
    %add3A_198 = arith.addi %add3A_184, %add3A_197 : vector<16xi32>
    %swap3A_199 = arith.constant 64 : index
    %swap3A_200 = tpu.vector_load %arg16[%swap3A_199] {strides = array<i32>} : memref<128xi32, #tpu.memory_space<vmem>>, vector<16xi32>,
    %swap3A_201 = vector.shape_cast %swap3A_200 : vector<16xi32> to vector<16xi32>
    %swap3A_202 = vector.shape_cast %add3A_198 : vector<16xi32> to vector<16xi32>
    tpu.vector_store %arg16[%swap3A_199], %swap3A_202 {strides = array<i32>} : memref<128xi32, #tpu.memory_space<vmem>>, vector<16xi32>,
    %add3A_203 = arith.constant 3 : i32
    %add3A_204 = vector.broadcast %add3A_203 : i32 to vector<16xi32>
    %add3A_205 = arith.addi %add3A_184, %add3A_204 : vector<16xi32>
    %swap3A_206 = arith.constant 64 : index
    %swap3A_207 = tpu.vector_load %arg17[%swap3A_206] {strides = array<i32>} : memref<128xi32, #tpu.memory_space<vmem>>, vector<16xi32>,
    %swap3A_208 = vector.shape_cast %swap3A_207 : vector<16xi32> to vector<16xi32>
    %swap3A_209 = vector.shape_cast %add3A_205 : vector<16xi32> to vector<16xi32>
    tpu.vector_store %arg17[%swap3A_206], %swap3A_209 {strides = array<i32>} : memref<128xi32, #tpu.memory_space<vmem>>, vector<16xi32>,
    %get3A_210 = arith.constant 80 : index
    %get3A_211 = tpu.vector_load %arg13[%get3A_210] {strides = array<i32>} : memref<128xi32, #tpu.memory_space<vmem>>, vector<16xi32>,
    %get3A_212 = vector.shape_cast %get3A_211 : vector<16xi32> to vector<16xi32>
    %shift_right_logical3A_213 = arith.constant 9 : i32
    %shift_right_logical3A_214 = vector.broadcast %shift_right_logical3A_213 : i32 to vector<16xi32>
    %shift_right_logical3A_215 = arith.shrui %get3A_212, %shift_right_logical3A_214 : vector<16xi32>
    %mul3A_216 = arith.constant 384 : i32
    %mul3A_217 = vector.broadcast %mul3A_216 : i32 to vector<16xi32>
    %mul3A_218 = arith.muli %shift_right_logical3A_215, %mul3A_217 : vector<16xi32>
    %and3A_219 = arith.constant 511 : i32
    %and3A_220 = vector.broadcast %and3A_219 : i32 to vector<16xi32>
    %and3A_221 = arith.andi %get3A_212, %and3A_220 : vector<16xi32>
    %mul3A_222 = arith.constant 4 : i32
    %mul3A_223 = vector.broadcast %mul3A_222 : i32 to vector<16xi32>
    %mul3A_224 = arith.muli %and3A_221, %mul3A_223 : vector<16xi32>
    %add3A_225 = arith.addi %mul3A_218, %mul3A_224 : vector<16xi32>
    %swap3A_226 = arith.constant 80 : index
    %swap3A_227 = tpu.vector_load %arg14[%swap3A_226] {strides = array<i32>} : memref<128xi32, #tpu.memory_space<vmem>>, vector<16xi32>,
    %swap3A_228 = vector.shape_cast %swap3A_227 : vector<16xi32> to vector<16xi32>
    %swap3A_229 = vector.shape_cast %add3A_225 : vector<16xi32> to vector<16xi32>
    tpu.vector_store %arg14[%swap3A_226], %swap3A_229 {strides = array<i32>} : memref<128xi32, #tpu.memory_space<vmem>>, vector<16xi32>,
    %add3A_230 = arith.constant 1 : i32
    %add3A_231 = vector.broadcast %add3A_230 : i32 to vector<16xi32>
    %add3A_232 = arith.addi %add3A_225, %add3A_231 : vector<16xi32>
    %swap3A_233 = arith.constant 80 : index
    %swap3A_234 = tpu.vector_load %arg15[%swap3A_233] {strides = array<i32>} : memref<128xi32, #tpu.memory_space<vmem>>, vector<16xi32>,
    %swap3A_235 = vector.shape_cast %swap3A_234 : vector<16xi32> to vector<16xi32>
    %swap3A_236 = vector.shape_cast %add3A_232 : vector<16xi32> to vector<16xi32>
    tpu.vector_store %arg15[%swap3A_233], %swap3A_236 {strides = array<i32>} : memref<128xi32, #tpu.memory_space<vmem>>, vector<16xi32>,
    %add3A_237 = arith.constant 2 : i32
    %add3A_238 = vector.broadcast %add3A_237 : i32 to vector<16xi32>
    %add3A_239 = arith.addi %add3A_225, %add3A_238 : vector<16xi32>
    %swap3A_240 = arith.constant 80 : index
    %swap3A_241 = tpu.vector_load %arg16[%swap3A_240] {strides = array<i32>} : memref<128xi32, #tpu.memory_space<vmem>>, vector<16xi32>,
    %swap3A_242 = vector.shape_cast %swap3A_241 : vector<16xi32> to vector<16xi32>
    %swap3A_243 = vector.shape_cast %add3A_239 : vector<16xi32> to vector<16xi32>
    tpu.vector_store %arg16[%swap3A_240], %swap3A_243 {strides = array<i32>} : memref<128xi32, #tpu.memory_space<vmem>>, vector<16xi32>,
    %add3A_244 = arith.constant 3 : i32
    %add3A_245 = vector.broadcast %add3A_244 : i32 to vector<16xi32>
    %add3A_246 = arith.addi %add3A_225, %add3A_245 : vector<16xi32>
    %swap3A_247 = arith.constant 80 : index
    %swap3A_248 = tpu.vector_load %arg17[%swap3A_247] {strides = array<i32>} : memref<128xi32, #tpu.memory_space<vmem>>, vector<16xi32>,
    %swap3A_249 = vector.shape_cast %swap3A_248 : vector<16xi32> to vector<16xi32>
    %swap3A_250 = vector.shape_cast %add3A_246 : vector<16xi32> to vector<16xi32>
    tpu.vector_store %arg17[%swap3A_247], %swap3A_250 {strides = array<i32>} : memref<128xi32, #tpu.memory_space<vmem>>, vector<16xi32>,
    %get3A_251 = arith.constant 96 : index
    %get3A_252 = tpu.vector_load %arg13[%get3A_251] {strides = array<i32>} : memref<128xi32, #tpu.memory_space<vmem>>, vector<16xi32>,
    %get3A_253 = vector.shape_cast %get3A_252 : vector<16xi32> to vector<16xi32>
    %shift_right_logical3A_254 = arith.constant 9 : i32
    %shift_right_logical3A_255 = vector.broadcast %shift_right_logical3A_254 : i32 to vector<16xi32>
    %shift_right_logical3A_256 = arith.shrui %get3A_253, %shift_right_logical3A_255 : vector<16xi32>
    %mul3A_257 = arith.constant 384 : i32
    %mul3A_258 = vector.broadcast %mul3A_257 : i32 to vector<16xi32>
    %mul3A_259 = arith.muli %shift_right_logical3A_256, %mul3A_258 : vector<16xi32>
    %and3A_260 = arith.constant 511 : i32
    %and3A_261 = vector.broadcast %and3A_260 : i32 to vector<16xi32>
    %and3A_262 = arith.andi %get3A_253, %and3A_261 : vector<16xi32>
    %mul3A_263 = arith.constant 4 : i32
    %mul3A_264 = vector.broadcast %mul3A_263 : i32 to vector<16xi32>
    %mul3A_265 = arith.muli %and3A_262, %mul3A_264 : vector<16xi32>
    %add3A_266 = arith.addi %mul3A_259, %mul3A_265 : vector<16xi32>
    %swap3A_267 = arith.constant 96 : index
    %swap3A_268 = tpu.vector_load %arg14[%swap3A_267] {strides = array<i32>} : memref<128xi32, #tpu.memory_space<vmem>>, vector<16xi32>,
    %swap3A_269 = vector.shape_cast %swap3A_268 : vector<16xi32> to vector<16xi32>
    %swap3A_270 = vector.shape_cast %add3A_266 : vector<16xi32> to vector<16xi32>
    tpu.vector_store %arg14[%swap3A_267], %swap3A_270 {strides = array<i32>} : memref<128xi32, #tpu.memory_space<vmem>>, vector<16xi32>,
    %add3A_271 = arith.constant 1 : i32
    %add3A_272 = vector.broadcast %add3A_271 : i32 to vector<16xi32>
    %add3A_273 = arith.addi %add3A_266, %add3A_272 : vector<16xi32>
    %swap3A_274 = arith.constant 96 : index
    %swap3A_275 = tpu.vector_load %arg15[%swap3A_274] {strides = array<i32>} : memref<128xi32, #tpu.memory_space<vmem>>, vector<16xi32>,
    %swap3A_276 = vector.shape_cast %swap3A_275 : vector<16xi32> to vector<16xi32>
    %swap3A_277 = vector.shape_cast %add3A_273 : vector<16xi32> to vector<16xi32>
    tpu.vector_store %arg15[%swap3A_274], %swap3A_277 {strides = array<i32>} : memref<128xi32, #tpu.memory_space<vmem>>, vector<16xi32>,
    %add3A_278 = arith.constant 2 : i32
    %add3A_279 = vector.broadcast %add3A_278 : i32 to vector<16xi32>
    %add3A_280 = arith.addi %add3A_266, %add3A_279 : vector<16xi32>
    %swap3A_281 = arith.constant 96 : index
    %swap3A_282 = tpu.vector_load %arg16[%swap3A_281] {strides = array<i32>} : memref<128xi32, #tpu.memory_space<vmem>>, vector<16xi32>,
    %swap3A_283 = vector.shape_cast %swap3A_282 : vector<16xi32> to vector<16xi32>
    %swap3A_284 = vector.shape_cast %add3A_280 : vector<16xi32> to vector<16xi32>
    tpu.vector_store %arg16[%swap3A_281], %swap3A_284 {strides = array<i32>} : memref<128xi32, #tpu.memory_space<vmem>>, vector<16xi32>,
    %add3A_285 = arith.constant 3 : i32
    %add3A_286 = vector.broadcast %add3A_285 : i32 to vector<16xi32>
    %add3A_287 = arith.addi %add3A_266, %add3A_286 : vector<16xi32>
    %swap3A_288 = arith.constant 96 : index
    %swap3A_289 = tpu.vector_load %arg17[%swap3A_288] {strides = array<i32>} : memref<128xi32, #tpu.memory_space<vmem>>, vector<16xi32>,
    %swap3A_290 = vector.shape_cast %swap3A_289 : vector<16xi32> to vector<16xi32>
    %swap3A_291 = vector.shape_cast %add3A_287 : vector<16xi32> to vector<16xi32>
    tpu.vector_store %arg17[%swap3A_288], %swap3A_291 {strides = array<i32>} : memref<128xi32, #tpu.memory_space<vmem>>, vector<16xi32>,
    %get3A_292 = arith.constant 112 : index
    %get3A_293 = tpu.vector_load %arg13[%get3A_292] {strides = array<i32>} : memref<128xi32, #tpu.memory_space<vmem>>, vector<16xi32>,
    %get3A_294 = vector.shape_cast %get3A_293 : vector<16xi32> to vector<16xi32>
    %shift_right_logical3A_295 = arith.constant 9 : i32
    %shift_right_logical3A_296 = vector.broadcast %shift_right_logical3A_295 : i32 to vector<16xi32>
    %shift_right_logical3A_297 = arith.shrui %get3A_294, %shift_right_logical3A_296 : vector<16xi32>
    %mul3A_298 = arith.constant 384 : i32
    %mul3A_299 = vector.broadcast %mul3A_298 : i32 to vector<16xi32>
    %mul3A_300 = arith.muli %shift_right_logical3A_297, %mul3A_299 : vector<16xi32>
    %and3A_301 = arith.constant 511 : i32
    %and3A_302 = vector.broadcast %and3A_301 : i32 to vector<16xi32>
    %and3A_303 = arith.andi %get3A_294, %and3A_302 : vector<16xi32>
    %mul3A_304 = arith.constant 4 : i32
    %mul3A_305 = vector.broadcast %mul3A_304 : i32 to vector<16xi32>
    %mul3A_306 = arith.muli %and3A_303, %mul3A_305 : vector<16xi32>
    %add3A_307 = arith.addi %mul3A_300, %mul3A_306 : vector<16xi32>
    %swap3A_308 = arith.constant 112 : index
    %swap3A_309 = tpu.vector_load %arg14[%swap3A_308] {strides = array<i32>} : memref<128xi32, #tpu.memory_space<vmem>>, vector<16xi32>,
    %swap3A_310 = vector.shape_cast %swap3A_309 : vector<16xi32> to vector<16xi32>
    %swap3A_311 = vector.shape_cast %add3A_307 : vector<16xi32> to vector<16xi32>
    tpu.vector_store %arg14[%swap3A_308], %swap3A_311 {strides = array<i32>} : memref<128xi32, #tpu.memory_space<vmem>>, vector<16xi32>,
    %add3A_312 = arith.constant 1 : i32
    %add3A_313 = vector.broadcast %add3A_312 : i32 to vector<16xi32>
    %add3A_314 = arith.addi %add3A_307, %add3A_313 : vector<16xi32>
    %swap3A_315 = arith.constant 112 : index
    %swap3A_316 = tpu.vector_load %arg15[%swap3A_315] {strides = array<i32>} : memref<128xi32, #tpu.memory_space<vmem>>, vector<16xi32>,
    %swap3A_317 = vector.shape_cast %swap3A_316 : vector<16xi32> to vector<16xi32>
    %swap3A_318 = vector.shape_cast %add3A_314 : vector<16xi32> to vector<16xi32>
    tpu.vector_store %arg15[%swap3A_315], %swap3A_318 {strides = array<i32>} : memref<128xi32, #tpu.memory_space<vmem>>, vector<16xi32>,
    %add3A_319 = arith.constant 2 : i32
    %add3A_320 = vector.broadcast %add3A_319 : i32 to vector<16xi32>
    %add3A_321 = arith.addi %add3A_307, %add3A_320 : vector<16xi32>
    %swap3A_322 = arith.constant 112 : index
    %swap3A_323 = tpu.vector_load %arg16[%swap3A_322] {strides = array<i32>} : memref<128xi32, #tpu.memory_space<vmem>>, vector<16xi32>,
    %swap3A_324 = vector.shape_cast %swap3A_323 : vector<16xi32> to vector<16xi32>
    %swap3A_325 = vector.shape_cast %add3A_321 : vector<16xi32> to vector<16xi32>
    tpu.vector_store %arg16[%swap3A_322], %swap3A_325 {strides = array<i32>} : memref<128xi32, #tpu.memory_space<vmem>>, vector<16xi32>,
    %add3A_326 = arith.constant 3 : i32
    %add3A_327 = vector.broadcast %add3A_326 : i32 to vector<16xi32>
    %add3A_328 = arith.addi %add3A_307, %add3A_327 : vector<16xi32>
    %swap3A_329 = arith.constant 112 : index
    %swap3A_330 = tpu.vector_load %arg17[%swap3A_329] {strides = array<i32>} : memref<128xi32, #tpu.memory_space<vmem>>, vector<16xi32>,
    %swap3A_331 = vector.shape_cast %swap3A_330 : vector<16xi32> to vector<16xi32>
    %swap3A_332 = vector.shape_cast %add3A_328 : vector<16xi32> to vector<16xi32>
    tpu.vector_store %arg17[%swap3A_329], %swap3A_332 {strides = array<i32>} : memref<128xi32, #tpu.memory_space<vmem>>, vector<16xi32>,
    %dma_start3A_333 = arith.constant 0 : i32
    %dma_start3A_334 = tpu.memref_slice %arg4[%dma_start3A_333] : memref<7864320xf32, #tpu.memory_space<hbm>> -> memref<7864320xf32, #tpu.memory_space<hbm>>
    tpu.enqueue_indirect_dma source(%dma_start3A_334 : memref<7864320xf32, #tpu.memory_space<hbm>>) target(%arg18 : memref<128xf32, #tpu.memory_space<vmem>>) offsets(%arg14 : memref<128xi32, #tpu.memory_space<vmem>>) semaphore(%arg26 : memref<!tpu.dma_semaphore, #tpu.memory_space<semaphore_mem>>)
    %dma_start3A_335 = arith.constant 0 : i32
    %dma_start3A_336 = tpu.memref_slice %arg4[%dma_start3A_335] : memref<7864320xf32, #tpu.memory_space<hbm>> -> memref<7864320xf32, #tpu.memory_space<hbm>>
    tpu.enqueue_indirect_dma source(%dma_start3A_336 : memref<7864320xf32, #tpu.memory_space<hbm>>) target(%arg19 : memref<128xf32, #tpu.memory_space<vmem>>) offsets(%arg15 : memref<128xi32, #tpu.memory_space<vmem>>) semaphore(%arg26 : memref<!tpu.dma_semaphore, #tpu.memory_space<semaphore_mem>>)
    %dma_start3A_337 = arith.constant 0 : i32
    %dma_start3A_338 = tpu.memref_slice %arg4[%dma_start3A_337] : memref<7864320xf32, #tpu.memory_space<hbm>> -> memref<7864320xf32, #tpu.memory_space<hbm>>
    tpu.enqueue_indirect_dma source(%dma_start3A_338 : memref<7864320xf32, #tpu.memory_space<hbm>>) target(%arg20 : memref<128xf32, #tpu.memory_space<vmem>>) offsets(%arg16 : memref<128xi32, #tpu.memory_space<vmem>>) semaphore(%arg26 : memref<!tpu.dma_semaphore, #tpu.memory_space<semaphore_mem>>)
    %dma_start3A_339 = arith.constant 0 : i32
    %dma_start3A_340 = tpu.memref_slice %arg4[%dma_start3A_339] : memref<7864320xf32, #tpu.memory_space<hbm>> -> memref<7864320xf32, #tpu.memory_space<hbm>>
    tpu.enqueue_indirect_dma source(%dma_start3A_340 : memref<7864320xf32, #tpu.memory_space<hbm>>) target(%arg21 : memref<128xf32, #tpu.memory_space<vmem>>) offsets(%arg17 : memref<128xi32, #tpu.memory_space<vmem>>) semaphore(%arg26 : memref<!tpu.dma_semaphore, #tpu.memory_space<semaphore_mem>>)
    %dma_wait3A_341 = arith.constant 0 : i32
    %dma_wait3A_342 = tpu.memref_slice %arg4[%dma_wait3A_341] : memref<7864320xf32, #tpu.memory_space<hbm>> -> memref<7864320xf32, #tpu.memory_space<hbm>>
    tpu.wait_indirect_dma semaphore(%arg26 : memref<!tpu.dma_semaphore, #tpu.memory_space<semaphore_mem>>) src(%dma_wait3A_342 : memref<7864320xf32, #tpu.memory_space<hbm>>) dst(%arg18 : memref<128xf32, #tpu.memory_space<vmem>>)
    %dma_wait3A_343 = arith.constant 0 : i32
    %dma_wait3A_344 = tpu.memref_slice %arg4[%dma_wait3A_343] : memref<7864320xf32, #tpu.memory_space<hbm>> -> memref<7864320xf32, #tpu.memory_space<hbm>>
    tpu.wait_indirect_dma semaphore(%arg26 : memref<!tpu.dma_semaphore, #tpu.memory_space<semaphore_mem>>) src(%dma_wait3A_344 : memref<7864320xf32, #tpu.memory_space<hbm>>) dst(%arg19 : memref<128xf32, #tpu.memory_space<vmem>>)
    %dma_wait3A_345 = arith.constant 0 : i32
    %dma_wait3A_346 = tpu.memref_slice %arg4[%dma_wait3A_345] : memref<7864320xf32, #tpu.memory_space<hbm>> -> memref<7864320xf32, #tpu.memory_space<hbm>>
    tpu.wait_indirect_dma semaphore(%arg26 : memref<!tpu.dma_semaphore, #tpu.memory_space<semaphore_mem>>) src(%dma_wait3A_346 : memref<7864320xf32, #tpu.memory_space<hbm>>) dst(%arg20 : memref<128xf32, #tpu.memory_space<vmem>>)
    %dma_wait3A_347 = arith.constant 0 : i32
    %dma_wait3A_348 = tpu.memref_slice %arg4[%dma_wait3A_347] : memref<7864320xf32, #tpu.memory_space<hbm>> -> memref<7864320xf32, #tpu.memory_space<hbm>>
    tpu.wait_indirect_dma semaphore(%arg26 : memref<!tpu.dma_semaphore, #tpu.memory_space<semaphore_mem>>) src(%dma_wait3A_348 : memref<7864320xf32, #tpu.memory_space<hbm>>) dst(%arg21 : memref<128xf32, #tpu.memory_space<vmem>>)
    %get3A_349 = arith.constant 0 : index
    %get3A_350 = tpu.vector_load %arg13[%get3A_349] {strides = array<i32>} : memref<128xi32, #tpu.memory_space<vmem>>, vector<16xi32>,
    %get3A_351 = vector.shape_cast %get3A_350 : vector<16xi32> to vector<16xi32>
    %shift_right_logical3A_352 = arith.constant 9 : i32
    %shift_right_logical3A_353 = vector.broadcast %shift_right_logical3A_352 : i32 to vector<16xi32>
    %shift_right_logical3A_354 = arith.shrui %get3A_351, %shift_right_logical3A_353 : vector<16xi32>
    %mul3A_355 = arith.constant 4 : i32
    %mul3A_356 = vector.broadcast %mul3A_355 : i32 to vector<16xi32>
    %mul3A_357 = arith.muli %shift_right_logical3A_354, %mul3A_356 : vector<16xi32>
    %swap3A_358 = arith.constant 0 : index
    %swap3A_359 = tpu.vector_load %arg14[%swap3A_358] {strides = array<i32>} : memref<128xi32, #tpu.memory_space<vmem>>, vector<16xi32>,
    %swap3A_360 = vector.shape_cast %swap3A_359 : vector<16xi32> to vector<16xi32>
    %swap3A_361 = vector.shape_cast %mul3A_357 : vector<16xi32> to vector<16xi32>
    tpu.vector_store %arg14[%swap3A_358], %swap3A_361 {strides = array<i32>} : memref<128xi32, #tpu.memory_space<vmem>>, vector<16xi32>,
    %add3A_362 = arith.constant 1 : i32
    %add3A_363 = vector.broadcast %add3A_362 : i32 to vector<16xi32>
    %add3A_364 = arith.addi %mul3A_357, %add3A_363 : vector<16xi32>
    %swap3A_365 = arith.constant 0 : index
    %swap3A_366 = tpu.vector_load %arg15[%swap3A_365] {strides = array<i32>} : memref<128xi32, #tpu.memory_space<vmem>>, vector<16xi32>,
    %swap3A_367 = vector.shape_cast %swap3A_366 : vector<16xi32> to vector<16xi32>
    %swap3A_368 = vector.shape_cast %add3A_364 : vector<16xi32> to vector<16xi32>
    tpu.vector_store %arg15[%swap3A_365], %swap3A_368 {strides = array<i32>} : memref<128xi32, #tpu.memory_space<vmem>>, vector<16xi32>,
    %add3A_369 = arith.constant 2 : i32
    %add3A_370 = vector.broadcast %add3A_369 : i32 to vector<16xi32>
    %add3A_371 = arith.addi %mul3A_357, %add3A_370 : vector<16xi32>
    %swap3A_372 = arith.constant 0 : index
    %swap3A_373 = tpu.vector_load %arg16[%swap3A_372] {strides = array<i32>} : memref<128xi32, #tpu.memory_space<vmem>>, vector<16xi32>,
    %swap3A_374 = vector.shape_cast %swap3A_373 : vector<16xi32> to vector<16xi32>
    %swap3A_375 = vector.shape_cast %add3A_371 : vector<16xi32> to vector<16xi32>
    tpu.vector_store %arg16[%swap3A_372], %swap3A_375 {strides = array<i32>} : memref<128xi32, #tpu.memory_space<vmem>>, vector<16xi32>,
    %add3A_376 = arith.constant 3 : i32
    %add3A_377 = vector.broadcast %add3A_376 : i32 to vector<16xi32>
    %add3A_378 = arith.addi %mul3A_357, %add3A_377 : vector<16xi32>
    %swap3A_379 = arith.constant 0 : index
    %swap3A_380 = tpu.vector_load %arg17[%swap3A_379] {strides = array<i32>} : memref<128xi32, #tpu.memory_space<vmem>>, vector<16xi32>,
    %swap3A_381 = vector.shape_cast %swap3A_380 : vector<16xi32> to vector<16xi32>
    %swap3A_382 = vector.shape_cast %add3A_378 : vector<16xi32> to vector<16xi32>
    tpu.vector_store %arg17[%swap3A_379], %swap3A_382 {strides = array<i32>} : memref<128xi32, #tpu.memory_space<vmem>>, vector<16xi32>,
    %get3A_383 = arith.constant 16 : index
    %get3A_384 = tpu.vector_load %arg13[%get3A_383] {strides = array<i32>} : memref<128xi32, #tpu.memory_space<vmem>>, vector<16xi32>,
    %get3A_385 = vector.shape_cast %get3A_384 : vector<16xi32> to vector<16xi32>
    %shift_right_logical3A_386 = arith.constant 9 : i32
    %shift_right_logical3A_387 = vector.broadcast %shift_right_logical3A_386 : i32 to vector<16xi32>
    %shift_right_logical3A_388 = arith.shrui %get3A_385, %shift_right_logical3A_387 : vector<16xi32>
    %mul3A_389 = arith.constant 4 : i32
    %mul3A_390 = vector.broadcast %mul3A_389 : i32 to vector<16xi32>
    %mul3A_391 = arith.muli %shift_right_logical3A_388, %mul3A_390 : vector<16xi32>
    %swap3A_392 = arith.constant 16 : index
    %swap3A_393 = tpu.vector_load %arg14[%swap3A_392] {strides = array<i32>} : memref<128xi32, #tpu.memory_space<vmem>>, vector<16xi32>,
    %swap3A_394 = vector.shape_cast %swap3A_393 : vector<16xi32> to vector<16xi32>
    %swap3A_395 = vector.shape_cast %mul3A_391 : vector<16xi32> to vector<16xi32>
    tpu.vector_store %arg14[%swap3A_392], %swap3A_395 {strides = array<i32>} : memref<128xi32, #tpu.memory_space<vmem>>, vector<16xi32>,
    %add3A_396 = arith.constant 1 : i32
    %add3A_397 = vector.broadcast %add3A_396 : i32 to vector<16xi32>
    %add3A_398 = arith.addi %mul3A_391, %add3A_397 : vector<16xi32>
    %swap3A_399 = arith.constant 16 : index
    %swap3A_400 = tpu.vector_load %arg15[%swap3A_399] {strides = array<i32>} : memref<128xi32, #tpu.memory_space<vmem>>, vector<16xi32>,
    %swap3A_401 = vector.shape_cast %swap3A_400 : vector<16xi32> to vector<16xi32>
    %swap3A_402 = vector.shape_cast %add3A_398 : vector<16xi32> to vector<16xi32>
    tpu.vector_store %arg15[%swap3A_399], %swap3A_402 {strides = array<i32>} : memref<128xi32, #tpu.memory_space<vmem>>, vector<16xi32>,
    %add3A_403 = arith.constant 2 : i32
    %add3A_404 = vector.broadcast %add3A_403 : i32 to vector<16xi32>
    %add3A_405 = arith.addi %mul3A_391, %add3A_404 : vector<16xi32>
    %swap3A_406 = arith.constant 16 : index
    %swap3A_407 = tpu.vector_load %arg16[%swap3A_406] {strides = array<i32>} : memref<128xi32, #tpu.memory_space<vmem>>, vector<16xi32>,
    %swap3A_408 = vector.shape_cast %swap3A_407 : vector<16xi32> to vector<16xi32>
    %swap3A_409 = vector.shape_cast %add3A_405 : vector<16xi32> to vector<16xi32>
    tpu.vector_store %arg16[%swap3A_406], %swap3A_409 {strides = array<i32>} : memref<128xi32, #tpu.memory_space<vmem>>, vector<16xi32>,
    %add3A_410 = arith.constant 3 : i32
    %add3A_411 = vector.broadcast %add3A_410 : i32 to vector<16xi32>
    %add3A_412 = arith.addi %mul3A_391, %add3A_411 : vector<16xi32>
    %swap3A_413 = arith.constant 16 : index
    %swap3A_414 = tpu.vector_load %arg17[%swap3A_413] {strides = array<i32>} : memref<128xi32, #tpu.memory_space<vmem>>, vector<16xi32>,
    %swap3A_415 = vector.shape_cast %swap3A_414 : vector<16xi32> to vector<16xi32>
    %swap3A_416 = vector.shape_cast %add3A_412 : vector<16xi32> to vector<16xi32>
    tpu.vector_store %arg17[%swap3A_413], %swap3A_416 {strides = array<i32>} : memref<128xi32, #tpu.memory_space<vmem>>, vector<16xi32>,
    %get3A_417 = arith.constant 32 : index
    %get3A_418 = tpu.vector_load %arg13[%get3A_417] {strides = array<i32>} : memref<128xi32, #tpu.memory_space<vmem>>, vector<16xi32>,
    %get3A_419 = vector.shape_cast %get3A_418 : vector<16xi32> to vector<16xi32>
    %shift_right_logical3A_420 = arith.constant 9 : i32
    %shift_right_logical3A_421 = vector.broadcast %shift_right_logical3A_420 : i32 to vector<16xi32>
    %shift_right_logical3A_422 = arith.shrui %get3A_419, %shift_right_logical3A_421 : vector<16xi32>
    %mul3A_423 = arith.constant 4 : i32
    %mul3A_424 = vector.broadcast %mul3A_423 : i32 to vector<16xi32>
    %mul3A_425 = arith.muli %shift_right_logical3A_422, %mul3A_424 : vector<16xi32>
    %swap3A_426 = arith.constant 32 : index
    %swap3A_427 = tpu.vector_load %arg14[%swap3A_426] {strides = array<i32>} : memref<128xi32, #tpu.memory_space<vmem>>, vector<16xi32>,
    %swap3A_428 = vector.shape_cast %swap3A_427 : vector<16xi32> to vector<16xi32>
    %swap3A_429 = vector.shape_cast %mul3A_425 : vector<16xi32> to vector<16xi32>
    tpu.vector_store %arg14[%swap3A_426], %swap3A_429 {strides = array<i32>} : memref<128xi32, #tpu.memory_space<vmem>>, vector<16xi32>,
    %add3A_430 = arith.constant 1 : i32
    %add3A_431 = vector.broadcast %add3A_430 : i32 to vector<16xi32>
    %add3A_432 = arith.addi %mul3A_425, %add3A_431 : vector<16xi32>
    %swap3A_433 = arith.constant 32 : index
    %swap3A_434 = tpu.vector_load %arg15[%swap3A_433] {strides = array<i32>} : memref<128xi32, #tpu.memory_space<vmem>>, vector<16xi32>,
    %swap3A_435 = vector.shape_cast %swap3A_434 : vector<16xi32> to vector<16xi32>
    %swap3A_436 = vector.shape_cast %add3A_432 : vector<16xi32> to vector<16xi32>
    tpu.vector_store %arg15[%swap3A_433], %swap3A_436 {strides = array<i32>} : memref<128xi32, #tpu.memory_space<vmem>>, vector<16xi32>,
    %add3A_437 = arith.constant 2 : i32
    %add3A_438 = vector.broadcast %add3A_437 : i32 to vector<16xi32>
    %add3A_439 = arith.addi %mul3A_425, %add3A_438 : vector<16xi32>
    %swap3A_440 = arith.constant 32 : index
    %swap3A_441 = tpu.vector_load %arg16[%swap3A_440] {strides = array<i32>} : memref<128xi32, #tpu.memory_space<vmem>>, vector<16xi32>,
    %swap3A_442 = vector.shape_cast %swap3A_441 : vector<16xi32> to vector<16xi32>
    %swap3A_443 = vector.shape_cast %add3A_439 : vector<16xi32> to vector<16xi32>
    tpu.vector_store %arg16[%swap3A_440], %swap3A_443 {strides = array<i32>} : memref<128xi32, #tpu.memory_space<vmem>>, vector<16xi32>,
    %add3A_444 = arith.constant 3 : i32
    %add3A_445 = vector.broadcast %add3A_444 : i32 to vector<16xi32>
    %add3A_446 = arith.addi %mul3A_425, %add3A_445 : vector<16xi32>
    %swap3A_447 = arith.constant 32 : index
    %swap3A_448 = tpu.vector_load %arg17[%swap3A_447] {strides = array<i32>} : memref<128xi32, #tpu.memory_space<vmem>>, vector<16xi32>,
    %swap3A_449 = vector.shape_cast %swap3A_448 : vector<16xi32> to vector<16xi32>
    %swap3A_450 = vector.shape_cast %add3A_446 : vector<16xi32> to vector<16xi32>
    tpu.vector_store %arg17[%swap3A_447], %swap3A_450 {strides = array<i32>} : memref<128xi32, #tpu.memory_space<vmem>>, vector<16xi32>,
    %get3A_451 = arith.constant 48 : index
    %get3A_452 = tpu.vector_load %arg13[%get3A_451] {strides = array<i32>} : memref<128xi32, #tpu.memory_space<vmem>>, vector<16xi32>,
    %get3A_453 = vector.shape_cast %get3A_452 : vector<16xi32> to vector<16xi32>
    %shift_right_logical3A_454 = arith.constant 9 : i32
    %shift_right_logical3A_455 = vector.broadcast %shift_right_logical3A_454 : i32 to vector<16xi32>
    %shift_right_logical3A_456 = arith.shrui %get3A_453, %shift_right_logical3A_455 : vector<16xi32>
    %mul3A_457 = arith.constant 4 : i32
    %mul3A_458 = vector.broadcast %mul3A_457 : i32 to vector<16xi32>
    %mul3A_459 = arith.muli %shift_right_logical3A_456, %mul3A_458 : vector<16xi32>
    %swap3A_460 = arith.constant 48 : index
    %swap3A_461 = tpu.vector_load %arg14[%swap3A_460] {strides = array<i32>} : memref<128xi32, #tpu.memory_space<vmem>>, vector<16xi32>,
    %swap3A_462 = vector.shape_cast %swap3A_461 : vector<16xi32> to vector<16xi32>
    %swap3A_463 = vector.shape_cast %mul3A_459 : vector<16xi32> to vector<16xi32>
    tpu.vector_store %arg14[%swap3A_460], %swap3A_463 {strides = array<i32>} : memref<128xi32, #tpu.memory_space<vmem>>, vector<16xi32>,
    %add3A_464 = arith.constant 1 : i32
    %add3A_465 = vector.broadcast %add3A_464 : i32 to vector<16xi32>
    %add3A_466 = arith.addi %mul3A_459, %add3A_465 : vector<16xi32>
    %swap3A_467 = arith.constant 48 : index
    %swap3A_468 = tpu.vector_load %arg15[%swap3A_467] {strides = array<i32>} : memref<128xi32, #tpu.memory_space<vmem>>, vector<16xi32>,
    %swap3A_469 = vector.shape_cast %swap3A_468 : vector<16xi32> to vector<16xi32>
    %swap3A_470 = vector.shape_cast %add3A_466 : vector<16xi32> to vector<16xi32>
    tpu.vector_store %arg15[%swap3A_467], %swap3A_470 {strides = array<i32>} : memref<128xi32, #tpu.memory_space<vmem>>, vector<16xi32>,
    %add3A_471 = arith.constant 2 : i32
    %add3A_472 = vector.broadcast %add3A_471 : i32 to vector<16xi32>
    %add3A_473 = arith.addi %mul3A_459, %add3A_472 : vector<16xi32>
    %swap3A_474 = arith.constant 48 : index
    %swap3A_475 = tpu.vector_load %arg16[%swap3A_474] {strides = array<i32>} : memref<128xi32, #tpu.memory_space<vmem>>, vector<16xi32>,
    %swap3A_476 = vector.shape_cast %swap3A_475 : vector<16xi32> to vector<16xi32>
    %swap3A_477 = vector.shape_cast %add3A_473 : vector<16xi32> to vector<16xi32>
    tpu.vector_store %arg16[%swap3A_474], %swap3A_477 {strides = array<i32>} : memref<128xi32, #tpu.memory_space<vmem>>, vector<16xi32>,
    %add3A_478 = arith.constant 3 : i32
    %add3A_479 = vector.broadcast %add3A_478 : i32 to vector<16xi32>
    %add3A_480 = arith.addi %mul3A_459, %add3A_479 : vector<16xi32>
    %swap3A_481 = arith.constant 48 : index
    %swap3A_482 = tpu.vector_load %arg17[%swap3A_481] {strides = array<i32>} : memref<128xi32, #tpu.memory_space<vmem>>, vector<16xi32>,
    %swap3A_483 = vector.shape_cast %swap3A_482 : vector<16xi32> to vector<16xi32>
    %swap3A_484 = vector.shape_cast %add3A_480 : vector<16xi32> to vector<16xi32>
    tpu.vector_store %arg17[%swap3A_481], %swap3A_484 {strides = array<i32>} : memref<128xi32, #tpu.memory_space<vmem>>, vector<16xi32>,
    %get3A_485 = arith.constant 64 : index
    %get3A_486 = tpu.vector_load %arg13[%get3A_485] {strides = array<i32>} : memref<128xi32, #tpu.memory_space<vmem>>, vector<16xi32>,
    %get3A_487 = vector.shape_cast %get3A_486 : vector<16xi32> to vector<16xi32>
    %shift_right_logical3A_488 = arith.constant 9 : i32
    %shift_right_logical3A_489 = vector.broadcast %shift_right_logical3A_488 : i32 to vector<16xi32>
    %shift_right_logical3A_490 = arith.shrui %get3A_487, %shift_right_logical3A_489 : vector<16xi32>
    %mul3A_491 = arith.constant 4 : i32
    %mul3A_492 = vector.broadcast %mul3A_491 : i32 to vector<16xi32>
    %mul3A_493 = arith.muli %shift_right_logical3A_490, %mul3A_492 : vector<16xi32>
    %swap3A_494 = arith.constant 64 : index
    %swap3A_495 = tpu.vector_load %arg14[%swap3A_494] {strides = array<i32>} : memref<128xi32, #tpu.memory_space<vmem>>, vector<16xi32>,
    %swap3A_496 = vector.shape_cast %swap3A_495 : vector<16xi32> to vector<16xi32>
    %swap3A_497 = vector.shape_cast %mul3A_493 : vector<16xi32> to vector<16xi32>
    tpu.vector_store %arg14[%swap3A_494], %swap3A_497 {strides = array<i32>} : memref<128xi32, #tpu.memory_space<vmem>>, vector<16xi32>,
    %add3A_498 = arith.constant 1 : i32
    %add3A_499 = vector.broadcast %add3A_498 : i32 to vector<16xi32>
    %add3A_500 = arith.addi %mul3A_493, %add3A_499 : vector<16xi32>
    %swap3A_501 = arith.constant 64 : index
    %swap3A_502 = tpu.vector_load %arg15[%swap3A_501] {strides = array<i32>} : memref<128xi32, #tpu.memory_space<vmem>>, vector<16xi32>,
    %swap3A_503 = vector.shape_cast %swap3A_502 : vector<16xi32> to vector<16xi32>
    %swap3A_504 = vector.shape_cast %add3A_500 : vector<16xi32> to vector<16xi32>
    tpu.vector_store %arg15[%swap3A_501], %swap3A_504 {strides = array<i32>} : memref<128xi32, #tpu.memory_space<vmem>>, vector<16xi32>,
    %add3A_505 = arith.constant 2 : i32
    %add3A_506 = vector.broadcast %add3A_505 : i32 to vector<16xi32>
    %add3A_507 = arith.addi %mul3A_493, %add3A_506 : vector<16xi32>
    %swap3A_508 = arith.constant 64 : index
    %swap3A_509 = tpu.vector_load %arg16[%swap3A_508] {strides = array<i32>} : memref<128xi32, #tpu.memory_space<vmem>>, vector<16xi32>,
    %swap3A_510 = vector.shape_cast %swap3A_509 : vector<16xi32> to vector<16xi32>
    %swap3A_511 = vector.shape_cast %add3A_507 : vector<16xi32> to vector<16xi32>
    tpu.vector_store %arg16[%swap3A_508], %swap3A_511 {strides = array<i32>} : memref<128xi32, #tpu.memory_space<vmem>>, vector<16xi32>,
    %add3A_512 = arith.constant 3 : i32
    %add3A_513 = vector.broadcast %add3A_512 : i32 to vector<16xi32>
    %add3A_514 = arith.addi %mul3A_493, %add3A_513 : vector<16xi32>
    %swap3A_515 = arith.constant 64 : index
    %swap3A_516 = tpu.vector_load %arg17[%swap3A_515] {strides = array<i32>} : memref<128xi32, #tpu.memory_space<vmem>>, vector<16xi32>,
    %swap3A_517 = vector.shape_cast %swap3A_516 : vector<16xi32> to vector<16xi32>
    %swap3A_518 = vector.shape_cast %add3A_514 : vector<16xi32> to vector<16xi32>
    tpu.vector_store %arg17[%swap3A_515], %swap3A_518 {strides = array<i32>} : memref<128xi32, #tpu.memory_space<vmem>>, vector<16xi32>,
    %get3A_519 = arith.constant 80 : index
    %get3A_520 = tpu.vector_load %arg13[%get3A_519] {strides = array<i32>} : memref<128xi32, #tpu.memory_space<vmem>>, vector<16xi32>,
    %get3A_521 = vector.shape_cast %get3A_520 : vector<16xi32> to vector<16xi32>
    %shift_right_logical3A_522 = arith.constant 9 : i32
    %shift_right_logical3A_523 = vector.broadcast %shift_right_logical3A_522 : i32 to vector<16xi32>
    %shift_right_logical3A_524 = arith.shrui %get3A_521, %shift_right_logical3A_523 : vector<16xi32>
    %mul3A_525 = arith.constant 4 : i32
    %mul3A_526 = vector.broadcast %mul3A_525 : i32 to vector<16xi32>
    %mul3A_527 = arith.muli %shift_right_logical3A_524, %mul3A_526 : vector<16xi32>
    %swap3A_528 = arith.constant 80 : index
    %swap3A_529 = tpu.vector_load %arg14[%swap3A_528] {strides = array<i32>} : memref<128xi32, #tpu.memory_space<vmem>>, vector<16xi32>,
    %swap3A_530 = vector.shape_cast %swap3A_529 : vector<16xi32> to vector<16xi32>
    %swap3A_531 = vector.shape_cast %mul3A_527 : vector<16xi32> to vector<16xi32>
    tpu.vector_store %arg14[%swap3A_528], %swap3A_531 {strides = array<i32>} : memref<128xi32, #tpu.memory_space<vmem>>, vector<16xi32>,
    %add3A_532 = arith.constant 1 : i32
    %add3A_533 = vector.broadcast %add3A_532 : i32 to vector<16xi32>
    %add3A_534 = arith.addi %mul3A_527, %add3A_533 : vector<16xi32>
    %swap3A_535 = arith.constant 80 : index
    %swap3A_536 = tpu.vector_load %arg15[%swap3A_535] {strides = array<i32>} : memref<128xi32, #tpu.memory_space<vmem>>, vector<16xi32>,
    %swap3A_537 = vector.shape_cast %swap3A_536 : vector<16xi32> to vector<16xi32>
    %swap3A_538 = vector.shape_cast %add3A_534 : vector<16xi32> to vector<16xi32>
    tpu.vector_store %arg15[%swap3A_535], %swap3A_538 {strides = array<i32>} : memref<128xi32, #tpu.memory_space<vmem>>, vector<16xi32>,
    %add3A_539 = arith.constant 2 : i32
    %add3A_540 = vector.broadcast %add3A_539 : i32 to vector<16xi32>
    %add3A_541 = arith.addi %mul3A_527, %add3A_540 : vector<16xi32>
    %swap3A_542 = arith.constant 80 : index
    %swap3A_543 = tpu.vector_load %arg16[%swap3A_542] {strides = array<i32>} : memref<128xi32, #tpu.memory_space<vmem>>, vector<16xi32>,
    %swap3A_544 = vector.shape_cast %swap3A_543 : vector<16xi32> to vector<16xi32>
    %swap3A_545 = vector.shape_cast %add3A_541 : vector<16xi32> to vector<16xi32>
    tpu.vector_store %arg16[%swap3A_542], %swap3A_545 {strides = array<i32>} : memref<128xi32, #tpu.memory_space<vmem>>, vector<16xi32>,
    %add3A_546 = arith.constant 3 : i32
    %add3A_547 = vector.broadcast %add3A_546 : i32 to vector<16xi32>
    %add3A_548 = arith.addi %mul3A_527, %add3A_547 : vector<16xi32>
    %swap3A_549 = arith.constant 80 : index
    %swap3A_550 = tpu.vector_load %arg17[%swap3A_549] {strides = array<i32>} : memref<128xi32, #tpu.memory_space<vmem>>, vector<16xi32>,
    %swap3A_551 = vector.shape_cast %swap3A_550 : vector<16xi32> to vector<16xi32>
    %swap3A_552 = vector.shape_cast %add3A_548 : vector<16xi32> to vector<16xi32>
    tpu.vector_store %arg17[%swap3A_549], %swap3A_552 {strides = array<i32>} : memref<128xi32, #tpu.memory_space<vmem>>, vector<16xi32>,
    %get3A_553 = arith.constant 96 : index
    %get3A_554 = tpu.vector_load %arg13[%get3A_553] {strides = array<i32>} : memref<128xi32, #tpu.memory_space<vmem>>, vector<16xi32>,
    %get3A_555 = vector.shape_cast %get3A_554 : vector<16xi32> to vector<16xi32>
    %shift_right_logical3A_556 = arith.constant 9 : i32
    %shift_right_logical3A_557 = vector.broadcast %shift_right_logical3A_556 : i32 to vector<16xi32>
    %shift_right_logical3A_558 = arith.shrui %get3A_555, %shift_right_logical3A_557 : vector<16xi32>
    %mul3A_559 = arith.constant 4 : i32
    %mul3A_560 = vector.broadcast %mul3A_559 : i32 to vector<16xi32>
    %mul3A_561 = arith.muli %shift_right_logical3A_558, %mul3A_560 : vector<16xi32>
    %swap3A_562 = arith.constant 96 : index
    %swap3A_563 = tpu.vector_load %arg14[%swap3A_562] {strides = array<i32>} : memref<128xi32, #tpu.memory_space<vmem>>, vector<16xi32>,
    %swap3A_564 = vector.shape_cast %swap3A_563 : vector<16xi32> to vector<16xi32>
    %swap3A_565 = vector.shape_cast %mul3A_561 : vector<16xi32> to vector<16xi32>
    tpu.vector_store %arg14[%swap3A_562], %swap3A_565 {strides = array<i32>} : memref<128xi32, #tpu.memory_space<vmem>>, vector<16xi32>,
    %add3A_566 = arith.constant 1 : i32
    %add3A_567 = vector.broadcast %add3A_566 : i32 to vector<16xi32>
    %add3A_568 = arith.addi %mul3A_561, %add3A_567 : vector<16xi32>
    %swap3A_569 = arith.constant 96 : index
    %swap3A_570 = tpu.vector_load %arg15[%swap3A_569] {strides = array<i32>} : memref<128xi32, #tpu.memory_space<vmem>>, vector<16xi32>,
    %swap3A_571 = vector.shape_cast %swap3A_570 : vector<16xi32> to vector<16xi32>
    %swap3A_572 = vector.shape_cast %add3A_568 : vector<16xi32> to vector<16xi32>
    tpu.vector_store %arg15[%swap3A_569], %swap3A_572 {strides = array<i32>} : memref<128xi32, #tpu.memory_space<vmem>>, vector<16xi32>,
    %add3A_573 = arith.constant 2 : i32
    %add3A_574 = vector.broadcast %add3A_573 : i32 to vector<16xi32>
    %add3A_575 = arith.addi %mul3A_561, %add3A_574 : vector<16xi32>
    %swap3A_576 = arith.constant 96 : index
    %swap3A_577 = tpu.vector_load %arg16[%swap3A_576] {strides = array<i32>} : memref<128xi32, #tpu.memory_space<vmem>>, vector<16xi32>,
    %swap3A_578 = vector.shape_cast %swap3A_577 : vector<16xi32> to vector<16xi32>
    %swap3A_579 = vector.shape_cast %add3A_575 : vector<16xi32> to vector<16xi32>
    tpu.vector_store %arg16[%swap3A_576], %swap3A_579 {strides = array<i32>} : memref<128xi32, #tpu.memory_space<vmem>>, vector<16xi32>,
    %add3A_580 = arith.constant 3 : i32
    %add3A_581 = vector.broadcast %add3A_580 : i32 to vector<16xi32>
    %add3A_582 = arith.addi %mul3A_561, %add3A_581 : vector<16xi32>
    %swap3A_583 = arith.constant 96 : index
    %swap3A_584 = tpu.vector_load %arg17[%swap3A_583] {strides = array<i32>} : memref<128xi32, #tpu.memory_space<vmem>>, vector<16xi32>,
    %swap3A_585 = vector.shape_cast %swap3A_584 : vector<16xi32> to vector<16xi32>
    %swap3A_586 = vector.shape_cast %add3A_582 : vector<16xi32> to vector<16xi32>
    tpu.vector_store %arg17[%swap3A_583], %swap3A_586 {strides = array<i32>} : memref<128xi32, #tpu.memory_space<vmem>>, vector<16xi32>,
    %get3A_587 = arith.constant 112 : index
    %get3A_588 = tpu.vector_load %arg13[%get3A_587] {strides = array<i32>} : memref<128xi32, #tpu.memory_space<vmem>>, vector<16xi32>,
    %get3A_589 = vector.shape_cast %get3A_588 : vector<16xi32> to vector<16xi32>
    %shift_right_logical3A_590 = arith.constant 9 : i32
    %shift_right_logical3A_591 = vector.broadcast %shift_right_logical3A_590 : i32 to vector<16xi32>
    %shift_right_logical3A_592 = arith.shrui %get3A_589, %shift_right_logical3A_591 : vector<16xi32>
    %mul3A_593 = arith.constant 4 : i32
    %mul3A_594 = vector.broadcast %mul3A_593 : i32 to vector<16xi32>
    %mul3A_595 = arith.muli %shift_right_logical3A_592, %mul3A_594 : vector<16xi32>
    %swap3A_596 = arith.constant 112 : index
    %swap3A_597 = tpu.vector_load %arg14[%swap3A_596] {strides = array<i32>} : memref<128xi32, #tpu.memory_space<vmem>>, vector<16xi32>,
    %swap3A_598 = vector.shape_cast %swap3A_597 : vector<16xi32> to vector<16xi32>
    %swap3A_599 = vector.shape_cast %mul3A_595 : vector<16xi32> to vector<16xi32>
    tpu.vector_store %arg14[%swap3A_596], %swap3A_599 {strides = array<i32>} : memref<128xi32, #tpu.memory_space<vmem>>, vector<16xi32>,
    %add3A_600 = arith.constant 1 : i32
    %add3A_601 = vector.broadcast %add3A_600 : i32 to vector<16xi32>
    %add3A_602 = arith.addi %mul3A_595, %add3A_601 : vector<16xi32>
    %swap3A_603 = arith.constant 112 : index
    %swap3A_604 = tpu.vector_load %arg15[%swap3A_603] {strides = array<i32>} : memref<128xi32, #tpu.memory_space<vmem>>, vector<16xi32>,
    %swap3A_605 = vector.shape_cast %swap3A_604 : vector<16xi32> to vector<16xi32>
    %swap3A_606 = vector.shape_cast %add3A_602 : vector<16xi32> to vector<16xi32>
    tpu.vector_store %arg15[%swap3A_603], %swap3A_606 {strides = array<i32>} : memref<128xi32, #tpu.memory_space<vmem>>, vector<16xi32>,
    %add3A_607 = arith.constant 2 : i32
    %add3A_608 = vector.broadcast %add3A_607 : i32 to vector<16xi32>
    %add3A_609 = arith.addi %mul3A_595, %add3A_608 : vector<16xi32>
    %swap3A_610 = arith.constant 112 : index
    %swap3A_611 = tpu.vector_load %arg16[%swap3A_610] {strides = array<i32>} : memref<128xi32, #tpu.memory_space<vmem>>, vector<16xi32>,
    %swap3A_612 = vector.shape_cast %swap3A_611 : vector<16xi32> to vector<16xi32>
    %swap3A_613 = vector.shape_cast %add3A_609 : vector<16xi32> to vector<16xi32>
    tpu.vector_store %arg16[%swap3A_610], %swap3A_613 {strides = array<i32>} : memref<128xi32, #tpu.memory_space<vmem>>, vector<16xi32>,
    %add3A_614 = arith.constant 3 : i32
    %add3A_615 = vector.broadcast %add3A_614 : i32 to vector<16xi32>
    %add3A_616 = arith.addi %mul3A_595, %add3A_615 : vector<16xi32>
    %swap3A_617 = arith.constant 112 : index
    %swap3A_618 = tpu.vector_load %arg17[%swap3A_617] {strides = array<i32>} : memref<128xi32, #tpu.memory_space<vmem>>, vector<16xi32>,
    %swap3A_619 = vector.shape_cast %swap3A_618 : vector<16xi32> to vector<16xi32>
    %swap3A_620 = vector.shape_cast %add3A_616 : vector<16xi32> to vector<16xi32>
    tpu.vector_store %arg17[%swap3A_617], %swap3A_620 {strides = array<i32>} : memref<128xi32, #tpu.memory_space<vmem>>, vector<16xi32>,
    %dma_start3A_621 = arith.constant 0 : i32
    %dma_start3A_622 = tpu.memref_slice %arg5[%dma_start3A_621] : memref<81920xf32, #tpu.memory_space<hbm>> -> memref<81920xf32, #tpu.memory_space<hbm>>
    tpu.enqueue_indirect_dma source(%dma_start3A_622 : memref<81920xf32, #tpu.memory_space<hbm>>) target(%arg22 : memref<128xf32, #tpu.memory_space<vmem>>) offsets(%arg14 : memref<128xi32, #tpu.memory_space<vmem>>) semaphore(%arg26 : memref<!tpu.dma_semaphore, #tpu.memory_space<semaphore_mem>>)
    %dma_start3A_623 = arith.constant 0 : i32
    %dma_start3A_624 = tpu.memref_slice %arg5[%dma_start3A_623] : memref<81920xf32, #tpu.memory_space<hbm>> -> memref<81920xf32, #tpu.memory_space<hbm>>
    tpu.enqueue_indirect_dma source(%dma_start3A_624 : memref<81920xf32, #tpu.memory_space<hbm>>) target(%arg23 : memref<128xf32, #tpu.memory_space<vmem>>) offsets(%arg15 : memref<128xi32, #tpu.memory_space<vmem>>) semaphore(%arg26 : memref<!tpu.dma_semaphore, #tpu.memory_space<semaphore_mem>>)
    %dma_start3A_625 = arith.constant 0 : i32
    %dma_start3A_626 = tpu.memref_slice %arg5[%dma_start3A_625] : memref<81920xf32, #tpu.memory_space<hbm>> -> memref<81920xf32, #tpu.memory_space<hbm>>
    tpu.enqueue_indirect_dma source(%dma_start3A_626 : memref<81920xf32, #tpu.memory_space<hbm>>) target(%arg24 : memref<128xf32, #tpu.memory_space<vmem>>) offsets(%arg16 : memref<128xi32, #tpu.memory_space<vmem>>) semaphore(%arg26 : memref<!tpu.dma_semaphore, #tpu.memory_space<semaphore_mem>>)
    %dma_start3A_627 = arith.constant 0 : i32
    %dma_start3A_628 = tpu.memref_slice %arg5[%dma_start3A_627] : memref<81920xf32, #tpu.memory_space<hbm>> -> memref<81920xf32, #tpu.memory_space<hbm>>
    tpu.enqueue_indirect_dma source(%dma_start3A_628 : memref<81920xf32, #tpu.memory_space<hbm>>) target(%arg25 : memref<128xf32, #tpu.memory_space<vmem>>) offsets(%arg17 : memref<128xi32, #tpu.memory_space<vmem>>) semaphore(%arg26 : memref<!tpu.dma_semaphore, #tpu.memory_space<semaphore_mem>>)
    %dma_wait3A_629 = arith.constant 0 : i32
    %dma_wait3A_630 = tpu.memref_slice %arg5[%dma_wait3A_629] : memref<81920xf32, #tpu.memory_space<hbm>> -> memref<81920xf32, #tpu.memory_space<hbm>>
    tpu.wait_indirect_dma semaphore(%arg26 : memref<!tpu.dma_semaphore, #tpu.memory_space<semaphore_mem>>) src(%dma_wait3A_630 : memref<81920xf32, #tpu.memory_space<hbm>>) dst(%arg22 : memref<128xf32, #tpu.memory_space<vmem>>)
    %dma_wait3A_631 = arith.constant 0 : i32
    %dma_wait3A_632 = tpu.memref_slice %arg5[%dma_wait3A_631] : memref<81920xf32, #tpu.memory_space<hbm>> -> memref<81920xf32, #tpu.memory_space<hbm>>
    tpu.wait_indirect_dma semaphore(%arg26 : memref<!tpu.dma_semaphore, #tpu.memory_space<semaphore_mem>>) src(%dma_wait3A_632 : memref<81920xf32, #tpu.memory_space<hbm>>) dst(%arg23 : memref<128xf32, #tpu.memory_space<vmem>>)
    %dma_wait3A_633 = arith.constant 0 : i32
    %dma_wait3A_634 = tpu.memref_slice %arg5[%dma_wait3A_633] : memref<81920xf32, #tpu.memory_space<hbm>> -> memref<81920xf32, #tpu.memory_space<hbm>>
    tpu.wait_indirect_dma semaphore(%arg26 : memref<!tpu.dma_semaphore, #tpu.memory_space<semaphore_mem>>) src(%dma_wait3A_634 : memref<81920xf32, #tpu.memory_space<hbm>>) dst(%arg24 : memref<128xf32, #tpu.memory_space<vmem>>)
    %dma_wait3A_635 = arith.constant 0 : i32
    %dma_wait3A_636 = tpu.memref_slice %arg5[%dma_wait3A_635] : memref<81920xf32, #tpu.memory_space<hbm>> -> memref<81920xf32, #tpu.memory_space<hbm>>
    tpu.wait_indirect_dma semaphore(%arg26 : memref<!tpu.dma_semaphore, #tpu.memory_space<semaphore_mem>>) src(%dma_wait3A_636 : memref<81920xf32, #tpu.memory_space<hbm>>) dst(%arg25 : memref<128xf32, #tpu.memory_space<vmem>>)
    %get3A_637 = arith.constant 0 : index
    %get3A_638 = tpu.vector_load %arg13[%get3A_637] {strides = array<i32>} : memref<128xi32, #tpu.memory_space<vmem>>, vector<16xi32>,
    %get3A_639 = vector.shape_cast %get3A_638 : vector<16xi32> to vector<16xi32>
    %and3A_640 = arith.constant 511 : i32
    %and3A_641 = vector.broadcast %and3A_640 : i32 to vector<16xi32>
    %and3A_642 = arith.andi %get3A_639, %and3A_641 : vector<16xi32>
    %convert_element_type3A = arith.sitofp %and3A_642 : vector<16xi32> to vector<16xf32>
    %get3A_643 = arith.constant 0 : index
    %get3A_644 = tpu.vector_load %arg22[%get3A_643] {strides = array<i32>} : memref<128xf32, #tpu.memory_space<vmem>>, vector<16xf32>,
    %get3A_645 = vector.shape_cast %get3A_644 : vector<16xf32> to vector<16xf32>
    %get3A_646 = arith.constant 0 : index
    %get3A_647 = tpu.vector_load %arg23[%get3A_646] {strides = array<i32>} : memref<128xf32, #tpu.memory_space<vmem>>, vector<16xf32>,
    %get3A_648 = vector.shape_cast %get3A_647 : vector<16xf32> to vector<16xf32>
    %get3A_649 = arith.constant 0 : index
    %get3A_650 = tpu.vector_load %arg24[%get3A_649] {strides = array<i32>} : memref<128xf32, #tpu.memory_space<vmem>>, vector<16xf32>,
    %get3A_651 = vector.shape_cast %get3A_650 : vector<16xf32> to vector<16xf32>
    %get3A_652 = arith.constant 0 : index
    %get3A_653 = tpu.vector_load %arg25[%get3A_652] {strides = array<i32>} : memref<128xf32, #tpu.memory_space<vmem>>, vector<16xf32>,
    %get3A_654 = vector.shape_cast %get3A_653 : vector<16xf32> to vector<16xf32>
    %sub3A = arith.subf %get3A_651, %get3A_645 : vector<16xf32>
    %sub3A_655 = arith.subf %get3A_654, %get3A_648 : vector<16xf32>
    %mul3A_656 = arith.constant 5.000000e-01 : f32
    %mul3A_657 = vector.broadcast %mul3A_656 : f32 to vector<16xf32>
    %mul3A_658 = arith.mulf %mul3A_657, %sub3A : vector<16xf32>
    %add3A_659 = arith.addf %get3A_645, %mul3A_658 : vector<16xf32>
    %mul3A_660 = arith.constant 5.000000e-01 : f32
    %mul3A_661 = vector.broadcast %mul3A_660 : f32 to vector<16xf32>
    %mul3A_662 = arith.mulf %mul3A_661, %sub3A_655 : vector<16xf32>
    %add3A_663 = arith.addf %get3A_648, %mul3A_662 : vector<16xf32>
    %get3A_664 = arith.constant 0 : index
    %get3A_665 = tpu.vector_load %arg18[%get3A_664] {strides = array<i32>} : memref<128xf32, #tpu.memory_space<vmem>>, vector<16xf32>,
    %get3A_666 = vector.shape_cast %get3A_665 : vector<16xf32> to vector<16xf32>
    %mul3A_667 = arith.constant 1.000000e-01 : f32
    %mul3A_668 = vector.broadcast %mul3A_667 : f32 to vector<16xf32>
    %mul3A_669 = arith.mulf %get3A_666, %mul3A_668 : vector<16xf32>
    %get3A_670 = arith.constant 0 : index
    %get3A_671 = tpu.vector_load %arg19[%get3A_670] {strides = array<i32>} : memref<128xf32, #tpu.memory_space<vmem>>, vector<16xf32>,
    %get3A_672 = vector.shape_cast %get3A_671 : vector<16xf32> to vector<16xf32>
    %mul3A_673 = arith.constant 1.000000e-01 : f32
    %mul3A_674 = vector.broadcast %mul3A_673 : f32 to vector<16xf32>
    %mul3A_675 = arith.mulf %get3A_672, %mul3A_674 : vector<16xf32>
    %get3A_676 = arith.constant 0 : index
    %get3A_677 = tpu.vector_load %arg20[%get3A_676] {strides = array<i32>} : memref<128xf32, #tpu.memory_space<vmem>>, vector<16xf32>,
    %get3A_678 = vector.shape_cast %get3A_677 : vector<16xf32> to vector<16xf32>
    %mul3A_679 = arith.constant 2.000000e-01 : f32
    %mul3A_680 = vector.broadcast %mul3A_679 : f32 to vector<16xf32>
    %mul3A_681 = arith.mulf %get3A_678, %mul3A_680 : vector<16xf32>
    %min3A = arith.constant 4.13516665 : f32
    %min3A_682 = vector.broadcast %min3A : f32 to vector<16xf32>
    %min3A_683 = arith.minimumf %mul3A_681, %min3A_682 : vector<16xf32>
    %get3A_684 = arith.constant 0 : index
    %get3A_685 = tpu.vector_load %arg21[%get3A_684] {strides = array<i32>} : memref<128xf32, #tpu.memory_space<vmem>>, vector<16xf32>,
    %get3A_686 = vector.shape_cast %get3A_685 : vector<16xf32> to vector<16xf32>
    %mul3A_687 = arith.constant 2.000000e-01 : f32
    %mul3A_688 = vector.broadcast %mul3A_687 : f32 to vector<16xf32>
    %mul3A_689 = arith.mulf %get3A_686, %mul3A_688 : vector<16xf32>
    %min3A_690 = arith.constant 4.13516665 : f32
    %min3A_691 = vector.broadcast %min3A_690 : f32 to vector<16xf32>
    %min3A_692 = arith.minimumf %mul3A_689, %min3A_691 : vector<16xf32>
    %mul3A_693 = arith.mulf %mul3A_669, %sub3A : vector<16xf32>
    %add3A_694 = arith.addf %mul3A_693, %add3A_659 : vector<16xf32>
    %mul3A_695 = arith.mulf %mul3A_675, %sub3A_655 : vector<16xf32>
    %add3A_696 = arith.addf %mul3A_695, %add3A_663 : vector<16xf32>
    %exp3A = math.exp %min3A_683 : vector<16xf32>
    %mul3A_697 = arith.mulf %exp3A, %sub3A : vector<16xf32>
    %exp3A_698 = math.exp %min3A_692 : vector<16xf32>
    %mul3A_699 = arith.mulf %exp3A_698, %sub3A_655 : vector<16xf32>
    %mul3A_700 = arith.constant 5.000000e-01 : f32
    %mul3A_701 = vector.broadcast %mul3A_700 : f32 to vector<16xf32>
    %mul3A_702 = arith.mulf %mul3A_701, %mul3A_697 : vector<16xf32>
    %sub3A_703 = arith.subf %add3A_694, %mul3A_702 : vector<16xf32>
    %jit3A = arith.constant 0.000000e+00 : f32
    %jit3A_704 = arith.constant 1.216000e+03 : f32
    %max3A = vector.broadcast %jit3A : f32 to vector<16xf32>
    %max3A_705 = arith.maximumf %max3A, %sub3A_703 : vector<16xf32>
    %min3A_706 = vector.broadcast %jit3A_704 : f32 to vector<16xf32>
    %min3A_707 = arith.minimumf %min3A_706, %max3A_705 : vector<16xf32>
    %mul3A_708 = arith.constant 5.000000e-01 : f32
    %mul3A_709 = vector.broadcast %mul3A_708 : f32 to vector<16xf32>
    %mul3A_710 = arith.mulf %mul3A_709, %mul3A_699 : vector<16xf32>
    %sub3A_711 = arith.subf %add3A_696, %mul3A_710 : vector<16xf32>
    %jit3A_712 = arith.constant 0.000000e+00 : f32
    %jit3A_713 = arith.constant 8.000000e+02 : f32
    %max3A_714 = vector.broadcast %jit3A_712 : f32 to vector<16xf32>
    %max3A_715 = arith.maximumf %max3A_714, %sub3A_711 : vector<16xf32>
    %min3A_716 = vector.broadcast %jit3A_713 : f32 to vector<16xf32>
    %min3A_717 = arith.minimumf %min3A_716, %max3A_715 : vector<16xf32>
    %mul3A_718 = arith.constant 5.000000e-01 : f32
    %mul3A_719 = vector.broadcast %mul3A_718 : f32 to vector<16xf32>
    %mul3A_720 = arith.mulf %mul3A_719, %mul3A_697 : vector<16xf32>
    %add3A_721 = arith.addf %add3A_694, %mul3A_720 : vector<16xf32>
    %jit3A_722 = arith.constant 0.000000e+00 : f32
    %jit3A_723 = arith.constant 1.216000e+03 : f32
    %max3A_724 = vector.broadcast %jit3A_722 : f32 to vector<16xf32>
    %max3A_725 = arith.maximumf %max3A_724, %add3A_721 : vector<16xf32>
    %min3A_726 = vector.broadcast %jit3A_723 : f32 to vector<16xf32>
    %min3A_727 = arith.minimumf %min3A_726, %max3A_725 : vector<16xf32>
    %mul3A_728 = arith.constant 5.000000e-01 : f32
    %mul3A_729 = vector.broadcast %mul3A_728 : f32 to vector<16xf32>
    %mul3A_730 = arith.mulf %mul3A_729, %mul3A_699 : vector<16xf32>
    %add3A_731 = arith.addf %add3A_696, %mul3A_730 : vector<16xf32>
    %jit3A_732 = arith.constant 0.000000e+00 : f32
    %jit3A_733 = arith.constant 8.000000e+02 : f32
    %max3A_734 = vector.broadcast %jit3A_732 : f32 to vector<16xf32>
    %max3A_735 = arith.maximumf %max3A_734, %add3A_731 : vector<16xf32>
    %min3A_736 = vector.broadcast %jit3A_733 : f32 to vector<16xf32>
    %min3A_737 = arith.minimumf %min3A_736, %max3A_735 : vector<16xf32>
    %swap3A_738 = arith.constant 0 : index
    %swap3A_739 = tpu.vector_load %arg18[%swap3A_738] {strides = array<i32>} : memref<128xf32, #tpu.memory_space<vmem>>, vector<16xf32>,
    %swap3A_740 = vector.shape_cast %swap3A_739 : vector<16xf32> to vector<16xf32>
    %swap3A_741 = vector.shape_cast %min3A_707 : vector<16xf32> to vector<16xf32>
    tpu.vector_store %arg18[%swap3A_738], %swap3A_741 {strides = array<i32>} : memref<128xf32, #tpu.memory_space<vmem>>, vector<16xf32>,
    %swap3A_742 = arith.constant 0 : index
    %swap3A_743 = tpu.vector_load %arg19[%swap3A_742] {strides = array<i32>} : memref<128xf32, #tpu.memory_space<vmem>>, vector<16xf32>,
    %swap3A_744 = vector.shape_cast %swap3A_743 : vector<16xf32> to vector<16xf32>
    %swap3A_745 = vector.shape_cast %min3A_717 : vector<16xf32> to vector<16xf32>
    tpu.vector_store %arg19[%swap3A_742], %swap3A_745 {strides = array<i32>} : memref<128xf32, #tpu.memory_space<vmem>>, vector<16xf32>,
    %swap3A_746 = arith.constant 0 : index
    %swap3A_747 = tpu.vector_load %arg20[%swap3A_746] {strides = array<i32>} : memref<128xf32, #tpu.memory_space<vmem>>, vector<16xf32>,
    %swap3A_748 = vector.shape_cast %swap3A_747 : vector<16xf32> to vector<16xf32>
    %swap3A_749 = vector.shape_cast %min3A_727 : vector<16xf32> to vector<16xf32>
    tpu.vector_store %arg20[%swap3A_746], %swap3A_749 {strides = array<i32>} : memref<128xf32, #tpu.memory_space<vmem>>, vector<16xf32>,
    %swap3A_750 = arith.constant 0 : index
    %swap3A_751 = tpu.vector_load %arg21[%swap3A_750] {strides = array<i32>} : memref<128xf32, #tpu.memory_space<vmem>>, vector<16xf32>,
    %swap3A_752 = vector.shape_cast %swap3A_751 : vector<16xf32> to vector<16xf32>
    %swap3A_753 = vector.shape_cast %min3A_737 : vector<16xf32> to vector<16xf32>
    tpu.vector_store %arg21[%swap3A_750], %swap3A_753 {strides = array<i32>} : memref<128xf32, #tpu.memory_space<vmem>>, vector<16xf32>,
    %swap3A_754 = arith.constant 0 : index
    %swap3A_755 = tpu.vector_load %arg22[%swap3A_754] {strides = array<i32>} : memref<128xf32, #tpu.memory_space<vmem>>, vector<16xf32>,
    %swap3A_756 = vector.shape_cast %swap3A_755 : vector<16xf32> to vector<16xf32>
    %swap3A_757 = vector.shape_cast %convert_element_type3A : vector<16xf32> to vector<16xf32>
    tpu.vector_store %arg22[%swap3A_754], %swap3A_757 {strides = array<i32>} : memref<128xf32, #tpu.memory_space<vmem>>, vector<16xf32>,
    %get3A_758 = arith.constant 16 : index
    %get3A_759 = tpu.vector_load %arg13[%get3A_758] {strides = array<i32>} : memref<128xi32, #tpu.memory_space<vmem>>, vector<16xi32>,
    %get3A_760 = vector.shape_cast %get3A_759 : vector<16xi32> to vector<16xi32>
    %and3A_761 = arith.constant 511 : i32
    %and3A_762 = vector.broadcast %and3A_761 : i32 to vector<16xi32>
    %and3A_763 = arith.andi %get3A_760, %and3A_762 : vector<16xi32>
    %convert_element_type3A_764 = arith.sitofp %and3A_763 : vector<16xi32> to vector<16xf32>
    %get3A_765 = arith.constant 16 : index
    %get3A_766 = tpu.vector_load %arg22[%get3A_765] {strides = array<i32>} : memref<128xf32, #tpu.memory_space<vmem>>, vector<16xf32>,
    %get3A_767 = vector.shape_cast %get3A_766 : vector<16xf32> to vector<16xf32>
    %get3A_768 = arith.constant 16 : index
    %get3A_769 = tpu.vector_load %arg23[%get3A_768] {strides = array<i32>} : memref<128xf32, #tpu.memory_space<vmem>>, vector<16xf32>,
    %get3A_770 = vector.shape_cast %get3A_769 : vector<16xf32> to vector<16xf32>
    %get3A_771 = arith.constant 16 : index
    %get3A_772 = tpu.vector_load %arg24[%get3A_771] {strides = array<i32>} : memref<128xf32, #tpu.memory_space<vmem>>, vector<16xf32>,
    %get3A_773 = vector.shape_cast %get3A_772 : vector<16xf32> to vector<16xf32>
    %get3A_774 = arith.constant 16 : index
    %get3A_775 = tpu.vector_load %arg25[%get3A_774] {strides = array<i32>} : memref<128xf32, #tpu.memory_space<vmem>>, vector<16xf32>,
    %get3A_776 = vector.shape_cast %get3A_775 : vector<16xf32> to vector<16xf32>
    %sub3A_777 = arith.subf %get3A_773, %get3A_767 : vector<16xf32>
    %sub3A_778 = arith.subf %get3A_776, %get3A_770 : vector<16xf32>
    %mul3A_779 = arith.constant 5.000000e-01 : f32
    %mul3A_780 = vector.broadcast %mul3A_779 : f32 to vector<16xf32>
    %mul3A_781 = arith.mulf %mul3A_780, %sub3A_777 : vector<16xf32>
    %add3A_782 = arith.addf %get3A_767, %mul3A_781 : vector<16xf32>
    %mul3A_783 = arith.constant 5.000000e-01 : f32
    %mul3A_784 = vector.broadcast %mul3A_783 : f32 to vector<16xf32>
    %mul3A_785 = arith.mulf %mul3A_784, %sub3A_778 : vector<16xf32>
    %add3A_786 = arith.addf %get3A_770, %mul3A_785 : vector<16xf32>
    %get3A_787 = arith.constant 16 : index
    %get3A_788 = tpu.vector_load %arg18[%get3A_787] {strides = array<i32>} : memref<128xf32, #tpu.memory_space<vmem>>, vector<16xf32>,
    %get3A_789 = vector.shape_cast %get3A_788 : vector<16xf32> to vector<16xf32>
    %mul3A_790 = arith.constant 1.000000e-01 : f32
    %mul3A_791 = vector.broadcast %mul3A_790 : f32 to vector<16xf32>
    %mul3A_792 = arith.mulf %get3A_789, %mul3A_791 : vector<16xf32>
    %get3A_793 = arith.constant 16 : index
    %get3A_794 = tpu.vector_load %arg19[%get3A_793] {strides = array<i32>} : memref<128xf32, #tpu.memory_space<vmem>>, vector<16xf32>,
    %get3A_795 = vector.shape_cast %get3A_794 : vector<16xf32> to vector<16xf32>
    %mul3A_796 = arith.constant 1.000000e-01 : f32
    %mul3A_797 = vector.broadcast %mul3A_796 : f32 to vector<16xf32>
    %mul3A_798 = arith.mulf %get3A_795, %mul3A_797 : vector<16xf32>
    %get3A_799 = arith.constant 16 : index
    %get3A_800 = tpu.vector_load %arg20[%get3A_799] {strides = array<i32>} : memref<128xf32, #tpu.memory_space<vmem>>, vector<16xf32>,
    %get3A_801 = vector.shape_cast %get3A_800 : vector<16xf32> to vector<16xf32>
    %mul3A_802 = arith.constant 2.000000e-01 : f32
    %mul3A_803 = vector.broadcast %mul3A_802 : f32 to vector<16xf32>
    %mul3A_804 = arith.mulf %get3A_801, %mul3A_803 : vector<16xf32>
    %min3A_805 = arith.constant 4.13516665 : f32
    %min3A_806 = vector.broadcast %min3A_805 : f32 to vector<16xf32>
    %min3A_807 = arith.minimumf %mul3A_804, %min3A_806 : vector<16xf32>
    %get3A_808 = arith.constant 16 : index
    %get3A_809 = tpu.vector_load %arg21[%get3A_808] {strides = array<i32>} : memref<128xf32, #tpu.memory_space<vmem>>, vector<16xf32>,
    %get3A_810 = vector.shape_cast %get3A_809 : vector<16xf32> to vector<16xf32>
    %mul3A_811 = arith.constant 2.000000e-01 : f32
    %mul3A_812 = vector.broadcast %mul3A_811 : f32 to vector<16xf32>
    %mul3A_813 = arith.mulf %get3A_810, %mul3A_812 : vector<16xf32>
    %min3A_814 = arith.constant 4.13516665 : f32
    %min3A_815 = vector.broadcast %min3A_814 : f32 to vector<16xf32>
    %min3A_816 = arith.minimumf %mul3A_813, %min3A_815 : vector<16xf32>
    %mul3A_817 = arith.mulf %mul3A_792, %sub3A_777 : vector<16xf32>
    %add3A_818 = arith.addf %mul3A_817, %add3A_782 : vector<16xf32>
    %mul3A_819 = arith.mulf %mul3A_798, %sub3A_778 : vector<16xf32>
    %add3A_820 = arith.addf %mul3A_819, %add3A_786 : vector<16xf32>
    %exp3A_821 = math.exp %min3A_807 : vector<16xf32>
    %mul3A_822 = arith.mulf %exp3A_821, %sub3A_777 : vector<16xf32>
    %exp3A_823 = math.exp %min3A_816 : vector<16xf32>
    %mul3A_824 = arith.mulf %exp3A_823, %sub3A_778 : vector<16xf32>
    %mul3A_825 = arith.constant 5.000000e-01 : f32
    %mul3A_826 = vector.broadcast %mul3A_825 : f32 to vector<16xf32>
    %mul3A_827 = arith.mulf %mul3A_826, %mul3A_822 : vector<16xf32>
    %sub3A_828 = arith.subf %add3A_818, %mul3A_827 : vector<16xf32>
    %jit3A_829 = arith.constant 0.000000e+00 : f32
    %jit3A_830 = arith.constant 1.216000e+03 : f32
    %max3A_831 = vector.broadcast %jit3A_829 : f32 to vector<16xf32>
    %max3A_832 = arith.maximumf %max3A_831, %sub3A_828 : vector<16xf32>
    %min3A_833 = vector.broadcast %jit3A_830 : f32 to vector<16xf32>
    %min3A_834 = arith.minimumf %min3A_833, %max3A_832 : vector<16xf32>
    %mul3A_835 = arith.constant 5.000000e-01 : f32
    %mul3A_836 = vector.broadcast %mul3A_835 : f32 to vector<16xf32>
    %mul3A_837 = arith.mulf %mul3A_836, %mul3A_824 : vector<16xf32>
    %sub3A_838 = arith.subf %add3A_820, %mul3A_837 : vector<16xf32>
    %jit3A_839 = arith.constant 0.000000e+00 : f32
    %jit3A_840 = arith.constant 8.000000e+02 : f32
    %max3A_841 = vector.broadcast %jit3A_839 : f32 to vector<16xf32>
    %max3A_842 = arith.maximumf %max3A_841, %sub3A_838 : vector<16xf32>
    %min3A_843 = vector.broadcast %jit3A_840 : f32 to vector<16xf32>
    %min3A_844 = arith.minimumf %min3A_843, %max3A_842 : vector<16xf32>
    %mul3A_845 = arith.constant 5.000000e-01 : f32
    %mul3A_846 = vector.broadcast %mul3A_845 : f32 to vector<16xf32>
    %mul3A_847 = arith.mulf %mul3A_846, %mul3A_822 : vector<16xf32>
    %add3A_848 = arith.addf %add3A_818, %mul3A_847 : vector<16xf32>
    %jit3A_849 = arith.constant 0.000000e+00 : f32
    %jit3A_850 = arith.constant 1.216000e+03 : f32
    %max3A_851 = vector.broadcast %jit3A_849 : f32 to vector<16xf32>
    %max3A_852 = arith.maximumf %max3A_851, %add3A_848 : vector<16xf32>
    %min3A_853 = vector.broadcast %jit3A_850 : f32 to vector<16xf32>
    %min3A_854 = arith.minimumf %min3A_853, %max3A_852 : vector<16xf32>
    %mul3A_855 = arith.constant 5.000000e-01 : f32
    %mul3A_856 = vector.broadcast %mul3A_855 : f32 to vector<16xf32>
    %mul3A_857 = arith.mulf %mul3A_856, %mul3A_824 : vector<16xf32>
    %add3A_858 = arith.addf %add3A_820, %mul3A_857 : vector<16xf32>
    %jit3A_859 = arith.constant 0.000000e+00 : f32
    %jit3A_860 = arith.constant 8.000000e+02 : f32
    %max3A_861 = vector.broadcast %jit3A_859 : f32 to vector<16xf32>
    %max3A_862 = arith.maximumf %max3A_861, %add3A_858 : vector<16xf32>
    %min3A_863 = vector.broadcast %jit3A_860 : f32 to vector<16xf32>
    %min3A_864 = arith.minimumf %min3A_863, %max3A_862 : vector<16xf32>
    %swap3A_865 = arith.constant 16 : index
    %swap3A_866 = tpu.vector_load %arg18[%swap3A_865] {strides = array<i32>} : memref<128xf32, #tpu.memory_space<vmem>>, vector<16xf32>,
    %swap3A_867 = vector.shape_cast %swap3A_866 : vector<16xf32> to vector<16xf32>
    %swap3A_868 = vector.shape_cast %min3A_834 : vector<16xf32> to vector<16xf32>
    tpu.vector_store %arg18[%swap3A_865], %swap3A_868 {strides = array<i32>} : memref<128xf32, #tpu.memory_space<vmem>>, vector<16xf32>,
    %swap3A_869 = arith.constant 16 : index
    %swap3A_870 = tpu.vector_load %arg19[%swap3A_869] {strides = array<i32>} : memref<128xf32, #tpu.memory_space<vmem>>, vector<16xf32>,
    %swap3A_871 = vector.shape_cast %swap3A_870 : vector<16xf32> to vector<16xf32>
    %swap3A_872 = vector.shape_cast %min3A_844 : vector<16xf32> to vector<16xf32>
    tpu.vector_store %arg19[%swap3A_869], %swap3A_872 {strides = array<i32>} : memref<128xf32, #tpu.memory_space<vmem>>, vector<16xf32>,
    %swap3A_873 = arith.constant 16 : index
    %swap3A_874 = tpu.vector_load %arg20[%swap3A_873] {strides = array<i32>} : memref<128xf32, #tpu.memory_space<vmem>>, vector<16xf32>,
    %swap3A_875 = vector.shape_cast %swap3A_874 : vector<16xf32> to vector<16xf32>
    %swap3A_876 = vector.shape_cast %min3A_854 : vector<16xf32> to vector<16xf32>
    tpu.vector_store %arg20[%swap3A_873], %swap3A_876 {strides = array<i32>} : memref<128xf32, #tpu.memory_space<vmem>>, vector<16xf32>,
    %swap3A_877 = arith.constant 16 : index
    %swap3A_878 = tpu.vector_load %arg21[%swap3A_877] {strides = array<i32>} : memref<128xf32, #tpu.memory_space<vmem>>, vector<16xf32>,
    %swap3A_879 = vector.shape_cast %swap3A_878 : vector<16xf32> to vector<16xf32>
    %swap3A_880 = vector.shape_cast %min3A_864 : vector<16xf32> to vector<16xf32>
    tpu.vector_store %arg21[%swap3A_877], %swap3A_880 {strides = array<i32>} : memref<128xf32, #tpu.memory_space<vmem>>, vector<16xf32>,
    %swap3A_881 = arith.constant 16 : index
    %swap3A_882 = tpu.vector_load %arg22[%swap3A_881] {strides = array<i32>} : memref<128xf32, #tpu.memory_space<vmem>>, vector<16xf32>,
    %swap3A_883 = vector.shape_cast %swap3A_882 : vector<16xf32> to vector<16xf32>
    %swap3A_884 = vector.shape_cast %convert_element_type3A_764 : vector<16xf32> to vector<16xf32>
    tpu.vector_store %arg22[%swap3A_881], %swap3A_884 {strides = array<i32>} : memref<128xf32, #tpu.memory_space<vmem>>, vector<16xf32>,
    %get3A_885 = arith.constant 32 : index
    %get3A_886 = tpu.vector_load %arg13[%get3A_885] {strides = array<i32>} : memref<128xi32, #tpu.memory_space<vmem>>, vector<16xi32>,
    %get3A_887 = vector.shape_cast %get3A_886 : vector<16xi32> to vector<16xi32>
    %and3A_888 = arith.constant 511 : i32
    %and3A_889 = vector.broadcast %and3A_888 : i32 to vector<16xi32>
    %and3A_890 = arith.andi %get3A_887, %and3A_889 : vector<16xi32>
    %convert_element_type3A_891 = arith.sitofp %and3A_890 : vector<16xi32> to vector<16xf32>
    %get3A_892 = arith.constant 32 : index
    %get3A_893 = tpu.vector_load %arg22[%get3A_892] {strides = array<i32>} : memref<128xf32, #tpu.memory_space<vmem>>, vector<16xf32>,
    %get3A_894 = vector.shape_cast %get3A_893 : vector<16xf32> to vector<16xf32>
    %get3A_895 = arith.constant 32 : index
    %get3A_896 = tpu.vector_load %arg23[%get3A_895] {strides = array<i32>} : memref<128xf32, #tpu.memory_space<vmem>>, vector<16xf32>,
    %get3A_897 = vector.shape_cast %get3A_896 : vector<16xf32> to vector<16xf32>
    %get3A_898 = arith.constant 32 : index
    %get3A_899 = tpu.vector_load %arg24[%get3A_898] {strides = array<i32>} : memref<128xf32, #tpu.memory_space<vmem>>, vector<16xf32>,
    %get3A_900 = vector.shape_cast %get3A_899 : vector<16xf32> to vector<16xf32>
    %get3A_901 = arith.constant 32 : index
    %get3A_902 = tpu.vector_load %arg25[%get3A_901] {strides = array<i32>} : memref<128xf32, #tpu.memory_space<vmem>>, vector<16xf32>,
    %get3A_903 = vector.shape_cast %get3A_902 : vector<16xf32> to vector<16xf32>
    %sub3A_904 = arith.subf %get3A_900, %get3A_894 : vector<16xf32>
    %sub3A_905 = arith.subf %get3A_903, %get3A_897 : vector<16xf32>
    %mul3A_906 = arith.constant 5.000000e-01 : f32
    %mul3A_907 = vector.broadcast %mul3A_906 : f32 to vector<16xf32>
    %mul3A_908 = arith.mulf %mul3A_907, %sub3A_904 : vector<16xf32>
    %add3A_909 = arith.addf %get3A_894, %mul3A_908 : vector<16xf32>
    %mul3A_910 = arith.constant 5.000000e-01 : f32
    %mul3A_911 = vector.broadcast %mul3A_910 : f32 to vector<16xf32>
    %mul3A_912 = arith.mulf %mul3A_911, %sub3A_905 : vector<16xf32>
    %add3A_913 = arith.addf %get3A_897, %mul3A_912 : vector<16xf32>
    %get3A_914 = arith.constant 32 : index
    %get3A_915 = tpu.vector_load %arg18[%get3A_914] {strides = array<i32>} : memref<128xf32, #tpu.memory_space<vmem>>, vector<16xf32>,
    %get3A_916 = vector.shape_cast %get3A_915 : vector<16xf32> to vector<16xf32>
    %mul3A_917 = arith.constant 1.000000e-01 : f32
    %mul3A_918 = vector.broadcast %mul3A_917 : f32 to vector<16xf32>
    %mul3A_919 = arith.mulf %get3A_916, %mul3A_918 : vector<16xf32>
    %get3A_920 = arith.constant 32 : index
    %get3A_921 = tpu.vector_load %arg19[%get3A_920] {strides = array<i32>} : memref<128xf32, #tpu.memory_space<vmem>>, vector<16xf32>,
    %get3A_922 = vector.shape_cast %get3A_921 : vector<16xf32> to vector<16xf32>
    %mul3A_923 = arith.constant 1.000000e-01 : f32
    %mul3A_924 = vector.broadcast %mul3A_923 : f32 to vector<16xf32>
    %mul3A_925 = arith.mulf %get3A_922, %mul3A_924 : vector<16xf32>
    %get3A_926 = arith.constant 32 : index
    %get3A_927 = tpu.vector_load %arg20[%get3A_926] {strides = array<i32>} : memref<128xf32, #tpu.memory_space<vmem>>, vector<16xf32>,
    %get3A_928 = vector.shape_cast %get3A_927 : vector<16xf32> to vector<16xf32>
    %mul3A_929 = arith.constant 2.000000e-01 : f32
    %mul3A_930 = vector.broadcast %mul3A_929 : f32 to vector<16xf32>
    %mul3A_931 = arith.mulf %get3A_928, %mul3A_930 : vector<16xf32>
    %min3A_932 = arith.constant 4.13516665 : f32
    %min3A_933 = vector.broadcast %min3A_932 : f32 to vector<16xf32>
    %min3A_934 = arith.minimumf %mul3A_931, %min3A_933 : vector<16xf32>
    %get3A_935 = arith.constant 32 : index
    %get3A_936 = tpu.vector_load %arg21[%get3A_935] {strides = array<i32>} : memref<128xf32, #tpu.memory_space<vmem>>, vector<16xf32>,
    %get3A_937 = vector.shape_cast %get3A_936 : vector<16xf32> to vector<16xf32>
    %mul3A_938 = arith.constant 2.000000e-01 : f32
    %mul3A_939 = vector.broadcast %mul3A_938 : f32 to vector<16xf32>
    %mul3A_940 = arith.mulf %get3A_937, %mul3A_939 : vector<16xf32>
    %min3A_941 = arith.constant 4.13516665 : f32
    %min3A_942 = vector.broadcast %min3A_941 : f32 to vector<16xf32>
    %min3A_943 = arith.minimumf %mul3A_940, %min3A_942 : vector<16xf32>
    %mul3A_944 = arith.mulf %mul3A_919, %sub3A_904 : vector<16xf32>
    %add3A_945 = arith.addf %mul3A_944, %add3A_909 : vector<16xf32>
    %mul3A_946 = arith.mulf %mul3A_925, %sub3A_905 : vector<16xf32>
    %add3A_947 = arith.addf %mul3A_946, %add3A_913 : vector<16xf32>
    %exp3A_948 = math.exp %min3A_934 : vector<16xf32>
    %mul3A_949 = arith.mulf %exp3A_948, %sub3A_904 : vector<16xf32>
    %exp3A_950 = math.exp %min3A_943 : vector<16xf32>
    %mul3A_951 = arith.mulf %exp3A_950, %sub3A_905 : vector<16xf32>
    %mul3A_952 = arith.constant 5.000000e-01 : f32
    %mul3A_953 = vector.broadcast %mul3A_952 : f32 to vector<16xf32>
    %mul3A_954 = arith.mulf %mul3A_953, %mul3A_949 : vector<16xf32>
    %sub3A_955 = arith.subf %add3A_945, %mul3A_954 : vector<16xf32>
    %jit3A_956 = arith.constant 0.000000e+00 : f32
    %jit3A_957 = arith.constant 1.216000e+03 : f32
    %max3A_958 = vector.broadcast %jit3A_956 : f32 to vector<16xf32>
    %max3A_959 = arith.maximumf %max3A_958, %sub3A_955 : vector<16xf32>
    %min3A_960 = vector.broadcast %jit3A_957 : f32 to vector<16xf32>
    %min3A_961 = arith.minimumf %min3A_960, %max3A_959 : vector<16xf32>
    %mul3A_962 = arith.constant 5.000000e-01 : f32
    %mul3A_963 = vector.broadcast %mul3A_962 : f32 to vector<16xf32>
    %mul3A_964 = arith.mulf %mul3A_963, %mul3A_951 : vector<16xf32>
    %sub3A_965 = arith.subf %add3A_947, %mul3A_964 : vector<16xf32>
    %jit3A_966 = arith.constant 0.000000e+00 : f32
    %jit3A_967 = arith.constant 8.000000e+02 : f32
    %max3A_968 = vector.broadcast %jit3A_966 : f32 to vector<16xf32>
    %max3A_969 = arith.maximumf %max3A_968, %sub3A_965 : vector<16xf32>
    %min3A_970 = vector.broadcast %jit3A_967 : f32 to vector<16xf32>
    %min3A_971 = arith.minimumf %min3A_970, %max3A_969 : vector<16xf32>
    %mul3A_972 = arith.constant 5.000000e-01 : f32
    %mul3A_973 = vector.broadcast %mul3A_972 : f32 to vector<16xf32>
    %mul3A_974 = arith.mulf %mul3A_973, %mul3A_949 : vector<16xf32>
    %add3A_975 = arith.addf %add3A_945, %mul3A_974 : vector<16xf32>
    %jit3A_976 = arith.constant 0.000000e+00 : f32
    %jit3A_977 = arith.constant 1.216000e+03 : f32
    %max3A_978 = vector.broadcast %jit3A_976 : f32 to vector<16xf32>
    %max3A_979 = arith.maximumf %max3A_978, %add3A_975 : vector<16xf32>
    %min3A_980 = vector.broadcast %jit3A_977 : f32 to vector<16xf32>
    %min3A_981 = arith.minimumf %min3A_980, %max3A_979 : vector<16xf32>
    %mul3A_982 = arith.constant 5.000000e-01 : f32
    %mul3A_983 = vector.broadcast %mul3A_982 : f32 to vector<16xf32>
    %mul3A_984 = arith.mulf %mul3A_983, %mul3A_951 : vector<16xf32>
    %add3A_985 = arith.addf %add3A_947, %mul3A_984 : vector<16xf32>
    %jit3A_986 = arith.constant 0.000000e+00 : f32
    %jit3A_987 = arith.constant 8.000000e+02 : f32
    %max3A_988 = vector.broadcast %jit3A_986 : f32 to vector<16xf32>
    %max3A_989 = arith.maximumf %max3A_988, %add3A_985 : vector<16xf32>
    %min3A_990 = vector.broadcast %jit3A_987 : f32 to vector<16xf32>
    %min3A_991 = arith.minimumf %min3A_990, %max3A_989 : vector<16xf32>
    %swap3A_992 = arith.constant 32 : index
    %swap3A_993 = tpu.vector_load %arg18[%swap3A_992] {strides = array<i32>} : memref<128xf32, #tpu.memory_space<vmem>>, vector<16xf32>,
    %swap3A_994 = vector.shape_cast %swap3A_993 : vector<16xf32> to vector<16xf32>
    %swap3A_995 = vector.shape_cast %min3A_961 : vector<16xf32> to vector<16xf32>
    tpu.vector_store %arg18[%swap3A_992], %swap3A_995 {strides = array<i32>} : memref<128xf32, #tpu.memory_space<vmem>>, vector<16xf32>,
    %swap3A_996 = arith.constant 32 : index
    %swap3A_997 = tpu.vector_load %arg19[%swap3A_996] {strides = array<i32>} : memref<128xf32, #tpu.memory_space<vmem>>, vector<16xf32>,
    %swap3A_998 = vector.shape_cast %swap3A_997 : vector<16xf32> to vector<16xf32>
    %swap3A_999 = vector.shape_cast %min3A_971 : vector<16xf32> to vector<16xf32>
    tpu.vector_store %arg19[%swap3A_996], %swap3A_999 {strides = array<i32>} : memref<128xf32, #tpu.memory_space<vmem>>, vector<16xf32>,
    %swap3A_1000 = arith.constant 32 : index
    %swap3A_1001 = tpu.vector_load %arg20[%swap3A_1000] {strides = array<i32>} : memref<128xf32, #tpu.memory_space<vmem>>, vector<16xf32>,
    %swap3A_1002 = vector.shape_cast %swap3A_1001 : vector<16xf32> to vector<16xf32>
    %swap3A_1003 = vector.shape_cast %min3A_981 : vector<16xf32> to vector<16xf32>
    tpu.vector_store %arg20[%swap3A_1000], %swap3A_1003 {strides = array<i32>} : memref<128xf32, #tpu.memory_space<vmem>>, vector<16xf32>,
    %swap3A_1004 = arith.constant 32 : index
    %swap3A_1005 = tpu.vector_load %arg21[%swap3A_1004] {strides = array<i32>} : memref<128xf32, #tpu.memory_space<vmem>>, vector<16xf32>,
    %swap3A_1006 = vector.shape_cast %swap3A_1005 : vector<16xf32> to vector<16xf32>
    %swap3A_1007 = vector.shape_cast %min3A_991 : vector<16xf32> to vector<16xf32>
    tpu.vector_store %arg21[%swap3A_1004], %swap3A_1007 {strides = array<i32>} : memref<128xf32, #tpu.memory_space<vmem>>, vector<16xf32>,
    %swap3A_1008 = arith.constant 32 : index
    %swap3A_1009 = tpu.vector_load %arg22[%swap3A_1008] {strides = array<i32>} : memref<128xf32, #tpu.memory_space<vmem>>, vector<16xf32>,
    %swap3A_1010 = vector.shape_cast %swap3A_1009 : vector<16xf32> to vector<16xf32>
    %swap3A_1011 = vector.shape_cast %convert_element_type3A_891 : vector<16xf32> to vector<16xf32>
    tpu.vector_store %arg22[%swap3A_1008], %swap3A_1011 {strides = array<i32>} : memref<128xf32, #tpu.memory_space<vmem>>, vector<16xf32>,
    %get3A_1012 = arith.constant 48 : index
    %get3A_1013 = tpu.vector_load %arg13[%get3A_1012] {strides = array<i32>} : memref<128xi32, #tpu.memory_space<vmem>>, vector<16xi32>,
    %get3A_1014 = vector.shape_cast %get3A_1013 : vector<16xi32> to vector<16xi32>
    %and3A_1015 = arith.constant 511 : i32
    %and3A_1016 = vector.broadcast %and3A_1015 : i32 to vector<16xi32>
    %and3A_1017 = arith.andi %get3A_1014, %and3A_1016 : vector<16xi32>
    %convert_element_type3A_1018 = arith.sitofp %and3A_1017 : vector<16xi32> to vector<16xf32>
    %get3A_1019 = arith.constant 48 : index
    %get3A_1020 = tpu.vector_load %arg22[%get3A_1019] {strides = array<i32>} : memref<128xf32, #tpu.memory_space<vmem>>, vector<16xf32>,
    %get3A_1021 = vector.shape_cast %get3A_1020 : vector<16xf32> to vector<16xf32>
    %get3A_1022 = arith.constant 48 : index
    %get3A_1023 = tpu.vector_load %arg23[%get3A_1022] {strides = array<i32>} : memref<128xf32, #tpu.memory_space<vmem>>, vector<16xf32>,
    %get3A_1024 = vector.shape_cast %get3A_1023 : vector<16xf32> to vector<16xf32>
    %get3A_1025 = arith.constant 48 : index
    %get3A_1026 = tpu.vector_load %arg24[%get3A_1025] {strides = array<i32>} : memref<128xf32, #tpu.memory_space<vmem>>, vector<16xf32>,
    %get3A_1027 = vector.shape_cast %get3A_1026 : vector<16xf32> to vector<16xf32>
    %get3A_1028 = arith.constant 48 : index
    %get3A_1029 = tpu.vector_load %arg25[%get3A_1028] {strides = array<i32>} : memref<128xf32, #tpu.memory_space<vmem>>, vector<16xf32>,
    %get3A_1030 = vector.shape_cast %get3A_1029 : vector<16xf32> to vector<16xf32>
    %sub3A_1031 = arith.subf %get3A_1027, %get3A_1021 : vector<16xf32>
    %sub3A_1032 = arith.subf %get3A_1030, %get3A_1024 : vector<16xf32>
    %mul3A_1033 = arith.constant 5.000000e-01 : f32
    %mul3A_1034 = vector.broadcast %mul3A_1033 : f32 to vector<16xf32>
    %mul3A_1035 = arith.mulf %mul3A_1034, %sub3A_1031 : vector<16xf32>
    %add3A_1036 = arith.addf %get3A_1021, %mul3A_1035 : vector<16xf32>
    %mul3A_1037 = arith.constant 5.000000e-01 : f32
    %mul3A_1038 = vector.broadcast %mul3A_1037 : f32 to vector<16xf32>
    %mul3A_1039 = arith.mulf %mul3A_1038, %sub3A_1032 : vector<16xf32>
    %add3A_1040 = arith.addf %get3A_1024, %mul3A_1039 : vector<16xf32>
    %get3A_1041 = arith.constant 48 : index
    %get3A_1042 = tpu.vector_load %arg18[%get3A_1041] {strides = array<i32>} : memref<128xf32, #tpu.memory_space<vmem>>, vector<16xf32>,
    %get3A_1043 = vector.shape_cast %get3A_1042 : vector<16xf32> to vector<16xf32>
    %mul3A_1044 = arith.constant 1.000000e-01 : f32
    %mul3A_1045 = vector.broadcast %mul3A_1044 : f32 to vector<16xf32>
    %mul3A_1046 = arith.mulf %get3A_1043, %mul3A_1045 : vector<16xf32>
    %get3A_1047 = arith.constant 48 : index
    %get3A_1048 = tpu.vector_load %arg19[%get3A_1047] {strides = array<i32>} : memref<128xf32, #tpu.memory_space<vmem>>, vector<16xf32>,
    %get3A_1049 = vector.shape_cast %get3A_1048 : vector<16xf32> to vector<16xf32>
    %mul3A_1050 = arith.constant 1.000000e-01 : f32
    %mul3A_1051 = vector.broadcast %mul3A_1050 : f32 to vector<16xf32>
    %mul3A_1052 = arith.mulf %get3A_1049, %mul3A_1051 : vector<16xf32>
    %get3A_1053 = arith.constant 48 : index
    %get3A_1054 = tpu.vector_load %arg20[%get3A_1053] {strides = array<i32>} : memref<128xf32, #tpu.memory_space<vmem>>, vector<16xf32>,
    %get3A_1055 = vector.shape_cast %get3A_1054 : vector<16xf32> to vector<16xf32>
    %mul3A_1056 = arith.constant 2.000000e-01 : f32
    %mul3A_1057 = vector.broadcast %mul3A_1056 : f32 to vector<16xf32>
    %mul3A_1058 = arith.mulf %get3A_1055, %mul3A_1057 : vector<16xf32>
    %min3A_1059 = arith.constant 4.13516665 : f32
    %min3A_1060 = vector.broadcast %min3A_1059 : f32 to vector<16xf32>
    %min3A_1061 = arith.minimumf %mul3A_1058, %min3A_1060 : vector<16xf32>
    %get3A_1062 = arith.constant 48 : index
    %get3A_1063 = tpu.vector_load %arg21[%get3A_1062] {strides = array<i32>} : memref<128xf32, #tpu.memory_space<vmem>>, vector<16xf32>,
    %get3A_1064 = vector.shape_cast %get3A_1063 : vector<16xf32> to vector<16xf32>
    %mul3A_1065 = arith.constant 2.000000e-01 : f32
    %mul3A_1066 = vector.broadcast %mul3A_1065 : f32 to vector<16xf32>
    %mul3A_1067 = arith.mulf %get3A_1064, %mul3A_1066 : vector<16xf32>
    %min3A_1068 = arith.constant 4.13516665 : f32
    %min3A_1069 = vector.broadcast %min3A_1068 : f32 to vector<16xf32>
    %min3A_1070 = arith.minimumf %mul3A_1067, %min3A_1069 : vector<16xf32>
    %mul3A_1071 = arith.mulf %mul3A_1046, %sub3A_1031 : vector<16xf32>
    %add3A_1072 = arith.addf %mul3A_1071, %add3A_1036 : vector<16xf32>
    %mul3A_1073 = arith.mulf %mul3A_1052, %sub3A_1032 : vector<16xf32>
    %add3A_1074 = arith.addf %mul3A_1073, %add3A_1040 : vector<16xf32>
    %exp3A_1075 = math.exp %min3A_1061 : vector<16xf32>
    %mul3A_1076 = arith.mulf %exp3A_1075, %sub3A_1031 : vector<16xf32>
    %exp3A_1077 = math.exp %min3A_1070 : vector<16xf32>
    %mul3A_1078 = arith.mulf %exp3A_1077, %sub3A_1032 : vector<16xf32>
    %mul3A_1079 = arith.constant 5.000000e-01 : f32
    %mul3A_1080 = vector.broadcast %mul3A_1079 : f32 to vector<16xf32>
    %mul3A_1081 = arith.mulf %mul3A_1080, %mul3A_1076 : vector<16xf32>
    %sub3A_1082 = arith.subf %add3A_1072, %mul3A_1081 : vector<16xf32>
    %jit3A_1083 = arith.constant 0.000000e+00 : f32
    %jit3A_1084 = arith.constant 1.216000e+03 : f32
    %max3A_1085 = vector.broadcast %jit3A_1083 : f32 to vector<16xf32>
    %max3A_1086 = arith.maximumf %max3A_1085, %sub3A_1082 : vector<16xf32>
    %min3A_1087 = vector.broadcast %jit3A_1084 : f32 to vector<16xf32>
    %min3A_1088 = arith.minimumf %min3A_1087, %max3A_1086 : vector<16xf32>
    %mul3A_1089 = arith.constant 5.000000e-01 : f32
    %mul3A_1090 = vector.broadcast %mul3A_1089 : f32 to vector<16xf32>
    %mul3A_1091 = arith.mulf %mul3A_1090, %mul3A_1078 : vector<16xf32>
    %sub3A_1092 = arith.subf %add3A_1074, %mul3A_1091 : vector<16xf32>
    %jit3A_1093 = arith.constant 0.000000e+00 : f32
    %jit3A_1094 = arith.constant 8.000000e+02 : f32
    %max3A_1095 = vector.broadcast %jit3A_1093 : f32 to vector<16xf32>
    %max3A_1096 = arith.maximumf %max3A_1095, %sub3A_1092 : vector<16xf32>
    %min3A_1097 = vector.broadcast %jit3A_1094 : f32 to vector<16xf32>
    %min3A_1098 = arith.minimumf %min3A_1097, %max3A_1096 : vector<16xf32>
    %mul3A_1099 = arith.constant 5.000000e-01 : f32
    %mul3A_1100 = vector.broadcast %mul3A_1099 : f32 to vector<16xf32>
    %mul3A_1101 = arith.mulf %mul3A_1100, %mul3A_1076 : vector<16xf32>
    %add3A_1102 = arith.addf %add3A_1072, %mul3A_1101 : vector<16xf32>
    %jit3A_1103 = arith.constant 0.000000e+00 : f32
    %jit3A_1104 = arith.constant 1.216000e+03 : f32
    %max3A_1105 = vector.broadcast %jit3A_1103 : f32 to vector<16xf32>
    %max3A_1106 = arith.maximumf %max3A_1105, %add3A_1102 : vector<16xf32>
    %min3A_1107 = vector.broadcast %jit3A_1104 : f32 to vector<16xf32>
    %min3A_1108 = arith.minimumf %min3A_1107, %max3A_1106 : vector<16xf32>
    %mul3A_1109 = arith.constant 5.000000e-01 : f32
    %mul3A_1110 = vector.broadcast %mul3A_1109 : f32 to vector<16xf32>
    %mul3A_1111 = arith.mulf %mul3A_1110, %mul3A_1078 : vector<16xf32>
    %add3A_1112 = arith.addf %add3A_1074, %mul3A_1111 : vector<16xf32>
    %jit3A_1113 = arith.constant 0.000000e+00 : f32
    %jit3A_1114 = arith.constant 8.000000e+02 : f32
    %max3A_1115 = vector.broadcast %jit3A_1113 : f32 to vector<16xf32>
    %max3A_1116 = arith.maximumf %max3A_1115, %add3A_1112 : vector<16xf32>
    %min3A_1117 = vector.broadcast %jit3A_1114 : f32 to vector<16xf32>
    %min3A_1118 = arith.minimumf %min3A_1117, %max3A_1116 : vector<16xf32>
    %swap3A_1119 = arith.constant 48 : index
    %swap3A_1120 = tpu.vector_load %arg18[%swap3A_1119] {strides = array<i32>} : memref<128xf32, #tpu.memory_space<vmem>>, vector<16xf32>,
    %swap3A_1121 = vector.shape_cast %swap3A_1120 : vector<16xf32> to vector<16xf32>
    %swap3A_1122 = vector.shape_cast %min3A_1088 : vector<16xf32> to vector<16xf32>
    tpu.vector_store %arg18[%swap3A_1119], %swap3A_1122 {strides = array<i32>} : memref<128xf32, #tpu.memory_space<vmem>>, vector<16xf32>,
    %swap3A_1123 = arith.constant 48 : index
    %swap3A_1124 = tpu.vector_load %arg19[%swap3A_1123] {strides = array<i32>} : memref<128xf32, #tpu.memory_space<vmem>>, vector<16xf32>,
    %swap3A_1125 = vector.shape_cast %swap3A_1124 : vector<16xf32> to vector<16xf32>
    %swap3A_1126 = vector.shape_cast %min3A_1098 : vector<16xf32> to vector<16xf32>
    tpu.vector_store %arg19[%swap3A_1123], %swap3A_1126 {strides = array<i32>} : memref<128xf32, #tpu.memory_space<vmem>>, vector<16xf32>,
    %swap3A_1127 = arith.constant 48 : index
    %swap3A_1128 = tpu.vector_load %arg20[%swap3A_1127] {strides = array<i32>} : memref<128xf32, #tpu.memory_space<vmem>>, vector<16xf32>,
    %swap3A_1129 = vector.shape_cast %swap3A_1128 : vector<16xf32> to vector<16xf32>
    %swap3A_1130 = vector.shape_cast %min3A_1108 : vector<16xf32> to vector<16xf32>
    tpu.vector_store %arg20[%swap3A_1127], %swap3A_1130 {strides = array<i32>} : memref<128xf32, #tpu.memory_space<vmem>>, vector<16xf32>,
    %swap3A_1131 = arith.constant 48 : index
    %swap3A_1132 = tpu.vector_load %arg21[%swap3A_1131] {strides = array<i32>} : memref<128xf32, #tpu.memory_space<vmem>>, vector<16xf32>,
    %swap3A_1133 = vector.shape_cast %swap3A_1132 : vector<16xf32> to vector<16xf32>
    %swap3A_1134 = vector.shape_cast %min3A_1118 : vector<16xf32> to vector<16xf32>
    tpu.vector_store %arg21[%swap3A_1131], %swap3A_1134 {strides = array<i32>} : memref<128xf32, #tpu.memory_space<vmem>>, vector<16xf32>,
    %swap3A_1135 = arith.constant 48 : index
    %swap3A_1136 = tpu.vector_load %arg22[%swap3A_1135] {strides = array<i32>} : memref<128xf32, #tpu.memory_space<vmem>>, vector<16xf32>,
    %swap3A_1137 = vector.shape_cast %swap3A_1136 : vector<16xf32> to vector<16xf32>
    %swap3A_1138 = vector.shape_cast %convert_element_type3A_1018 : vector<16xf32> to vector<16xf32>
    tpu.vector_store %arg22[%swap3A_1135], %swap3A_1138 {strides = array<i32>} : memref<128xf32, #tpu.memory_space<vmem>>, vector<16xf32>,
    %get3A_1139 = arith.constant 64 : index
    %get3A_1140 = tpu.vector_load %arg13[%get3A_1139] {strides = array<i32>} : memref<128xi32, #tpu.memory_space<vmem>>, vector<16xi32>,
    %get3A_1141 = vector.shape_cast %get3A_1140 : vector<16xi32> to vector<16xi32>
    %and3A_1142 = arith.constant 511 : i32
    %and3A_1143 = vector.broadcast %and3A_1142 : i32 to vector<16xi32>
    %and3A_1144 = arith.andi %get3A_1141, %and3A_1143 : vector<16xi32>
    %convert_element_type3A_1145 = arith.sitofp %and3A_1144 : vector<16xi32> to vector<16xf32>
    %get3A_1146 = arith.constant 64 : index
    %get3A_1147 = tpu.vector_load %arg22[%get3A_1146] {strides = array<i32>} : memref<128xf32, #tpu.memory_space<vmem>>, vector<16xf32>,
    %get3A_1148 = vector.shape_cast %get3A_1147 : vector<16xf32> to vector<16xf32>
    %get3A_1149 = arith.constant 64 : index
    %get3A_1150 = tpu.vector_load %arg23[%get3A_1149] {strides = array<i32>} : memref<128xf32, #tpu.memory_space<vmem>>, vector<16xf32>,
    %get3A_1151 = vector.shape_cast %get3A_1150 : vector<16xf32> to vector<16xf32>
    %get3A_1152 = arith.constant 64 : index
    %get3A_1153 = tpu.vector_load %arg24[%get3A_1152] {strides = array<i32>} : memref<128xf32, #tpu.memory_space<vmem>>, vector<16xf32>,
    %get3A_1154 = vector.shape_cast %get3A_1153 : vector<16xf32> to vector<16xf32>
    %get3A_1155 = arith.constant 64 : index
    %get3A_1156 = tpu.vector_load %arg25[%get3A_1155] {strides = array<i32>} : memref<128xf32, #tpu.memory_space<vmem>>, vector<16xf32>,
    %get3A_1157 = vector.shape_cast %get3A_1156 : vector<16xf32> to vector<16xf32>
    %sub3A_1158 = arith.subf %get3A_1154, %get3A_1148 : vector<16xf32>
    %sub3A_1159 = arith.subf %get3A_1157, %get3A_1151 : vector<16xf32>
    %mul3A_1160 = arith.constant 5.000000e-01 : f32
    %mul3A_1161 = vector.broadcast %mul3A_1160 : f32 to vector<16xf32>
    %mul3A_1162 = arith.mulf %mul3A_1161, %sub3A_1158 : vector<16xf32>
    %add3A_1163 = arith.addf %get3A_1148, %mul3A_1162 : vector<16xf32>
    %mul3A_1164 = arith.constant 5.000000e-01 : f32
    %mul3A_1165 = vector.broadcast %mul3A_1164 : f32 to vector<16xf32>
    %mul3A_1166 = arith.mulf %mul3A_1165, %sub3A_1159 : vector<16xf32>
    %add3A_1167 = arith.addf %get3A_1151, %mul3A_1166 : vector<16xf32>
    %get3A_1168 = arith.constant 64 : index
    %get3A_1169 = tpu.vector_load %arg18[%get3A_1168] {strides = array<i32>} : memref<128xf32, #tpu.memory_space<vmem>>, vector<16xf32>,
    %get3A_1170 = vector.shape_cast %get3A_1169 : vector<16xf32> to vector<16xf32>
    %mul3A_1171 = arith.constant 1.000000e-01 : f32
    %mul3A_1172 = vector.broadcast %mul3A_1171 : f32 to vector<16xf32>
    %mul3A_1173 = arith.mulf %get3A_1170, %mul3A_1172 : vector<16xf32>
    %get3A_1174 = arith.constant 64 : index
    %get3A_1175 = tpu.vector_load %arg19[%get3A_1174] {strides = array<i32>} : memref<128xf32, #tpu.memory_space<vmem>>, vector<16xf32>,
    %get3A_1176 = vector.shape_cast %get3A_1175 : vector<16xf32> to vector<16xf32>
    %mul3A_1177 = arith.constant 1.000000e-01 : f32
    %mul3A_1178 = vector.broadcast %mul3A_1177 : f32 to vector<16xf32>
    %mul3A_1179 = arith.mulf %get3A_1176, %mul3A_1178 : vector<16xf32>
    %get3A_1180 = arith.constant 64 : index
    %get3A_1181 = tpu.vector_load %arg20[%get3A_1180] {strides = array<i32>} : memref<128xf32, #tpu.memory_space<vmem>>, vector<16xf32>,
    %get3A_1182 = vector.shape_cast %get3A_1181 : vector<16xf32> to vector<16xf32>
    %mul3A_1183 = arith.constant 2.000000e-01 : f32
    %mul3A_1184 = vector.broadcast %mul3A_1183 : f32 to vector<16xf32>
    %mul3A_1185 = arith.mulf %get3A_1182, %mul3A_1184 : vector<16xf32>
    %min3A_1186 = arith.constant 4.13516665 : f32
    %min3A_1187 = vector.broadcast %min3A_1186 : f32 to vector<16xf32>
    %min3A_1188 = arith.minimumf %mul3A_1185, %min3A_1187 : vector<16xf32>
    %get3A_1189 = arith.constant 64 : index
    %get3A_1190 = tpu.vector_load %arg21[%get3A_1189] {strides = array<i32>} : memref<128xf32, #tpu.memory_space<vmem>>, vector<16xf32>,
    %get3A_1191 = vector.shape_cast %get3A_1190 : vector<16xf32> to vector<16xf32>
    %mul3A_1192 = arith.constant 2.000000e-01 : f32
    %mul3A_1193 = vector.broadcast %mul3A_1192 : f32 to vector<16xf32>
    %mul3A_1194 = arith.mulf %get3A_1191, %mul3A_1193 : vector<16xf32>
    %min3A_1195 = arith.constant 4.13516665 : f32
    %min3A_1196 = vector.broadcast %min3A_1195 : f32 to vector<16xf32>
    %min3A_1197 = arith.minimumf %mul3A_1194, %min3A_1196 : vector<16xf32>
    %mul3A_1198 = arith.mulf %mul3A_1173, %sub3A_1158 : vector<16xf32>
    %add3A_1199 = arith.addf %mul3A_1198, %add3A_1163 : vector<16xf32>
    %mul3A_1200 = arith.mulf %mul3A_1179, %sub3A_1159 : vector<16xf32>
    %add3A_1201 = arith.addf %mul3A_1200, %add3A_1167 : vector<16xf32>
    %exp3A_1202 = math.exp %min3A_1188 : vector<16xf32>
    %mul3A_1203 = arith.mulf %exp3A_1202, %sub3A_1158 : vector<16xf32>
    %exp3A_1204 = math.exp %min3A_1197 : vector<16xf32>
    %mul3A_1205 = arith.mulf %exp3A_1204, %sub3A_1159 : vector<16xf32>
    %mul3A_1206 = arith.constant 5.000000e-01 : f32
    %mul3A_1207 = vector.broadcast %mul3A_1206 : f32 to vector<16xf32>
    %mul3A_1208 = arith.mulf %mul3A_1207, %mul3A_1203 : vector<16xf32>
    %sub3A_1209 = arith.subf %add3A_1199, %mul3A_1208 : vector<16xf32>
    %jit3A_1210 = arith.constant 0.000000e+00 : f32
    %jit3A_1211 = arith.constant 1.216000e+03 : f32
    %max3A_1212 = vector.broadcast %jit3A_1210 : f32 to vector<16xf32>
    %max3A_1213 = arith.maximumf %max3A_1212, %sub3A_1209 : vector<16xf32>
    %min3A_1214 = vector.broadcast %jit3A_1211 : f32 to vector<16xf32>
    %min3A_1215 = arith.minimumf %min3A_1214, %max3A_1213 : vector<16xf32>
    %mul3A_1216 = arith.constant 5.000000e-01 : f32
    %mul3A_1217 = vector.broadcast %mul3A_1216 : f32 to vector<16xf32>
    %mul3A_1218 = arith.mulf %mul3A_1217, %mul3A_1205 : vector<16xf32>
    %sub3A_1219 = arith.subf %add3A_1201, %mul3A_1218 : vector<16xf32>
    %jit3A_1220 = arith.constant 0.000000e+00 : f32
    %jit3A_1221 = arith.constant 8.000000e+02 : f32
    %max3A_1222 = vector.broadcast %jit3A_1220 : f32 to vector<16xf32>
    %max3A_1223 = arith.maximumf %max3A_1222, %sub3A_1219 : vector<16xf32>
    %min3A_1224 = vector.broadcast %jit3A_1221 : f32 to vector<16xf32>
    %min3A_1225 = arith.minimumf %min3A_1224, %max3A_1223 : vector<16xf32>
    %mul3A_1226 = arith.constant 5.000000e-01 : f32
    %mul3A_1227 = vector.broadcast %mul3A_1226 : f32 to vector<16xf32>
    %mul3A_1228 = arith.mulf %mul3A_1227, %mul3A_1203 : vector<16xf32>
    %add3A_1229 = arith.addf %add3A_1199, %mul3A_1228 : vector<16xf32>
    %jit3A_1230 = arith.constant 0.000000e+00 : f32
    %jit3A_1231 = arith.constant 1.216000e+03 : f32
    %max3A_1232 = vector.broadcast %jit3A_1230 : f32 to vector<16xf32>
    %max3A_1233 = arith.maximumf %max3A_1232, %add3A_1229 : vector<16xf32>
    %min3A_1234 = vector.broadcast %jit3A_1231 : f32 to vector<16xf32>
    %min3A_1235 = arith.minimumf %min3A_1234, %max3A_1233 : vector<16xf32>
    %mul3A_1236 = arith.constant 5.000000e-01 : f32
    %mul3A_1237 = vector.broadcast %mul3A_1236 : f32 to vector<16xf32>
    %mul3A_1238 = arith.mulf %mul3A_1237, %mul3A_1205 : vector<16xf32>
    %add3A_1239 = arith.addf %add3A_1201, %mul3A_1238 : vector<16xf32>
    %jit3A_1240 = arith.constant 0.000000e+00 : f32
    %jit3A_1241 = arith.constant 8.000000e+02 : f32
    %max3A_1242 = vector.broadcast %jit3A_1240 : f32 to vector<16xf32>
    %max3A_1243 = arith.maximumf %max3A_1242, %add3A_1239 : vector<16xf32>
    %min3A_1244 = vector.broadcast %jit3A_1241 : f32 to vector<16xf32>
    %min3A_1245 = arith.minimumf %min3A_1244, %max3A_1243 : vector<16xf32>
    %swap3A_1246 = arith.constant 64 : index
    %swap3A_1247 = tpu.vector_load %arg18[%swap3A_1246] {strides = array<i32>} : memref<128xf32, #tpu.memory_space<vmem>>, vector<16xf32>,
    %swap3A_1248 = vector.shape_cast %swap3A_1247 : vector<16xf32> to vector<16xf32>
    %swap3A_1249 = vector.shape_cast %min3A_1215 : vector<16xf32> to vector<16xf32>
    tpu.vector_store %arg18[%swap3A_1246], %swap3A_1249 {strides = array<i32>} : memref<128xf32, #tpu.memory_space<vmem>>, vector<16xf32>,
    %swap3A_1250 = arith.constant 64 : index
    %swap3A_1251 = tpu.vector_load %arg19[%swap3A_1250] {strides = array<i32>} : memref<128xf32, #tpu.memory_space<vmem>>, vector<16xf32>,
    %swap3A_1252 = vector.shape_cast %swap3A_1251 : vector<16xf32> to vector<16xf32>
    %swap3A_1253 = vector.shape_cast %min3A_1225 : vector<16xf32> to vector<16xf32>
    tpu.vector_store %arg19[%swap3A_1250], %swap3A_1253 {strides = array<i32>} : memref<128xf32, #tpu.memory_space<vmem>>, vector<16xf32>,
    %swap3A_1254 = arith.constant 64 : index
    %swap3A_1255 = tpu.vector_load %arg20[%swap3A_1254] {strides = array<i32>} : memref<128xf32, #tpu.memory_space<vmem>>, vector<16xf32>,
    %swap3A_1256 = vector.shape_cast %swap3A_1255 : vector<16xf32> to vector<16xf32>
    %swap3A_1257 = vector.shape_cast %min3A_1235 : vector<16xf32> to vector<16xf32>
    tpu.vector_store %arg20[%swap3A_1254], %swap3A_1257 {strides = array<i32>} : memref<128xf32, #tpu.memory_space<vmem>>, vector<16xf32>,
    %swap3A_1258 = arith.constant 64 : index
    %swap3A_1259 = tpu.vector_load %arg21[%swap3A_1258] {strides = array<i32>} : memref<128xf32, #tpu.memory_space<vmem>>, vector<16xf32>,
    %swap3A_1260 = vector.shape_cast %swap3A_1259 : vector<16xf32> to vector<16xf32>
    %swap3A_1261 = vector.shape_cast %min3A_1245 : vector<16xf32> to vector<16xf32>
    tpu.vector_store %arg21[%swap3A_1258], %swap3A_1261 {strides = array<i32>} : memref<128xf32, #tpu.memory_space<vmem>>, vector<16xf32>,
    %swap3A_1262 = arith.constant 64 : index
    %swap3A_1263 = tpu.vector_load %arg22[%swap3A_1262] {strides = array<i32>} : memref<128xf32, #tpu.memory_space<vmem>>, vector<16xf32>,
    %swap3A_1264 = vector.shape_cast %swap3A_1263 : vector<16xf32> to vector<16xf32>
    %swap3A_1265 = vector.shape_cast %convert_element_type3A_1145 : vector<16xf32> to vector<16xf32>
    tpu.vector_store %arg22[%swap3A_1262], %swap3A_1265 {strides = array<i32>} : memref<128xf32, #tpu.memory_space<vmem>>, vector<16xf32>,
    %get3A_1266 = arith.constant 80 : index
    %get3A_1267 = tpu.vector_load %arg13[%get3A_1266] {strides = array<i32>} : memref<128xi32, #tpu.memory_space<vmem>>, vector<16xi32>,
    %get3A_1268 = vector.shape_cast %get3A_1267 : vector<16xi32> to vector<16xi32>
    %and3A_1269 = arith.constant 511 : i32
    %and3A_1270 = vector.broadcast %and3A_1269 : i32 to vector<16xi32>
    %and3A_1271 = arith.andi %get3A_1268, %and3A_1270 : vector<16xi32>
    %convert_element_type3A_1272 = arith.sitofp %and3A_1271 : vector<16xi32> to vector<16xf32>
    %get3A_1273 = arith.constant 80 : index
    %get3A_1274 = tpu.vector_load %arg22[%get3A_1273] {strides = array<i32>} : memref<128xf32, #tpu.memory_space<vmem>>, vector<16xf32>,
    %get3A_1275 = vector.shape_cast %get3A_1274 : vector<16xf32> to vector<16xf32>
    %get3A_1276 = arith.constant 80 : index
    %get3A_1277 = tpu.vector_load %arg23[%get3A_1276] {strides = array<i32>} : memref<128xf32, #tpu.memory_space<vmem>>, vector<16xf32>,
    %get3A_1278 = vector.shape_cast %get3A_1277 : vector<16xf32> to vector<16xf32>
    %get3A_1279 = arith.constant 80 : index
    %get3A_1280 = tpu.vector_load %arg24[%get3A_1279] {strides = array<i32>} : memref<128xf32, #tpu.memory_space<vmem>>, vector<16xf32>,
    %get3A_1281 = vector.shape_cast %get3A_1280 : vector<16xf32> to vector<16xf32>
    %get3A_1282 = arith.constant 80 : index
    %get3A_1283 = tpu.vector_load %arg25[%get3A_1282] {strides = array<i32>} : memref<128xf32, #tpu.memory_space<vmem>>, vector<16xf32>,
    %get3A_1284 = vector.shape_cast %get3A_1283 : vector<16xf32> to vector<16xf32>
    %sub3A_1285 = arith.subf %get3A_1281, %get3A_1275 : vector<16xf32>
    %sub3A_1286 = arith.subf %get3A_1284, %get3A_1278 : vector<16xf32>
    %mul3A_1287 = arith.constant 5.000000e-01 : f32
    %mul3A_1288 = vector.broadcast %mul3A_1287 : f32 to vector<16xf32>
    %mul3A_1289 = arith.mulf %mul3A_1288, %sub3A_1285 : vector<16xf32>
    %add3A_1290 = arith.addf %get3A_1275, %mul3A_1289 : vector<16xf32>
    %mul3A_1291 = arith.constant 5.000000e-01 : f32
    %mul3A_1292 = vector.broadcast %mul3A_1291 : f32 to vector<16xf32>
    %mul3A_1293 = arith.mulf %mul3A_1292, %sub3A_1286 : vector<16xf32>
    %add3A_1294 = arith.addf %get3A_1278, %mul3A_1293 : vector<16xf32>
    %get3A_1295 = arith.constant 80 : index
    %get3A_1296 = tpu.vector_load %arg18[%get3A_1295] {strides = array<i32>} : memref<128xf32, #tpu.memory_space<vmem>>, vector<16xf32>,
    %get3A_1297 = vector.shape_cast %get3A_1296 : vector<16xf32> to vector<16xf32>
    %mul3A_1298 = arith.constant 1.000000e-01 : f32
    %mul3A_1299 = vector.broadcast %mul3A_1298 : f32 to vector<16xf32>
    %mul3A_1300 = arith.mulf %get3A_1297, %mul3A_1299 : vector<16xf32>
    %get3A_1301 = arith.constant 80 : index
    %get3A_1302 = tpu.vector_load %arg19[%get3A_1301] {strides = array<i32>} : memref<128xf32, #tpu.memory_space<vmem>>, vector<16xf32>,
    %get3A_1303 = vector.shape_cast %get3A_1302 : vector<16xf32> to vector<16xf32>
    %mul3A_1304 = arith.constant 1.000000e-01 : f32
    %mul3A_1305 = vector.broadcast %mul3A_1304 : f32 to vector<16xf32>
    %mul3A_1306 = arith.mulf %get3A_1303, %mul3A_1305 : vector<16xf32>
    %get3A_1307 = arith.constant 80 : index
    %get3A_1308 = tpu.vector_load %arg20[%get3A_1307] {strides = array<i32>} : memref<128xf32, #tpu.memory_space<vmem>>, vector<16xf32>,
    %get3A_1309 = vector.shape_cast %get3A_1308 : vector<16xf32> to vector<16xf32>
    %mul3A_1310 = arith.constant 2.000000e-01 : f32
    %mul3A_1311 = vector.broadcast %mul3A_1310 : f32 to vector<16xf32>
    %mul3A_1312 = arith.mulf %get3A_1309, %mul3A_1311 : vector<16xf32>
    %min3A_1313 = arith.constant 4.13516665 : f32
    %min3A_1314 = vector.broadcast %min3A_1313 : f32 to vector<16xf32>
    %min3A_1315 = arith.minimumf %mul3A_1312, %min3A_1314 : vector<16xf32>
    %get3A_1316 = arith.constant 80 : index
    %get3A_1317 = tpu.vector_load %arg21[%get3A_1316] {strides = array<i32>} : memref<128xf32, #tpu.memory_space<vmem>>, vector<16xf32>,
    %get3A_1318 = vector.shape_cast %get3A_1317 : vector<16xf32> to vector<16xf32>
    %mul3A_1319 = arith.constant 2.000000e-01 : f32
    %mul3A_1320 = vector.broadcast %mul3A_1319 : f32 to vector<16xf32>
    %mul3A_1321 = arith.mulf %get3A_1318, %mul3A_1320 : vector<16xf32>
    %min3A_1322 = arith.constant 4.13516665 : f32
    %min3A_1323 = vector.broadcast %min3A_1322 : f32 to vector<16xf32>
    %min3A_1324 = arith.minimumf %mul3A_1321, %min3A_1323 : vector<16xf32>
    %mul3A_1325 = arith.mulf %mul3A_1300, %sub3A_1285 : vector<16xf32>
    %add3A_1326 = arith.addf %mul3A_1325, %add3A_1290 : vector<16xf32>
    %mul3A_1327 = arith.mulf %mul3A_1306, %sub3A_1286 : vector<16xf32>
    %add3A_1328 = arith.addf %mul3A_1327, %add3A_1294 : vector<16xf32>
    %exp3A_1329 = math.exp %min3A_1315 : vector<16xf32>
    %mul3A_1330 = arith.mulf %exp3A_1329, %sub3A_1285 : vector<16xf32>
    %exp3A_1331 = math.exp %min3A_1324 : vector<16xf32>
    %mul3A_1332 = arith.mulf %exp3A_1331, %sub3A_1286 : vector<16xf32>
    %mul3A_1333 = arith.constant 5.000000e-01 : f32
    %mul3A_1334 = vector.broadcast %mul3A_1333 : f32 to vector<16xf32>
    %mul3A_1335 = arith.mulf %mul3A_1334, %mul3A_1330 : vector<16xf32>
    %sub3A_1336 = arith.subf %add3A_1326, %mul3A_1335 : vector<16xf32>
    %jit3A_1337 = arith.constant 0.000000e+00 : f32
    %jit3A_1338 = arith.constant 1.216000e+03 : f32
    %max3A_1339 = vector.broadcast %jit3A_1337 : f32 to vector<16xf32>
    %max3A_1340 = arith.maximumf %max3A_1339, %sub3A_1336 : vector<16xf32>
    %min3A_1341 = vector.broadcast %jit3A_1338 : f32 to vector<16xf32>
    %min3A_1342 = arith.minimumf %min3A_1341, %max3A_1340 : vector<16xf32>
    %mul3A_1343 = arith.constant 5.000000e-01 : f32
    %mul3A_1344 = vector.broadcast %mul3A_1343 : f32 to vector<16xf32>
    %mul3A_1345 = arith.mulf %mul3A_1344, %mul3A_1332 : vector<16xf32>
    %sub3A_1346 = arith.subf %add3A_1328, %mul3A_1345 : vector<16xf32>
    %jit3A_1347 = arith.constant 0.000000e+00 : f32
    %jit3A_1348 = arith.constant 8.000000e+02 : f32
    %max3A_1349 = vector.broadcast %jit3A_1347 : f32 to vector<16xf32>
    %max3A_1350 = arith.maximumf %max3A_1349, %sub3A_1346 : vector<16xf32>
    %min3A_1351 = vector.broadcast %jit3A_1348 : f32 to vector<16xf32>
    %min3A_1352 = arith.minimumf %min3A_1351, %max3A_1350 : vector<16xf32>
    %mul3A_1353 = arith.constant 5.000000e-01 : f32
    %mul3A_1354 = vector.broadcast %mul3A_1353 : f32 to vector<16xf32>
    %mul3A_1355 = arith.mulf %mul3A_1354, %mul3A_1330 : vector<16xf32>
    %add3A_1356 = arith.addf %add3A_1326, %mul3A_1355 : vector<16xf32>
    %jit3A_1357 = arith.constant 0.000000e+00 : f32
    %jit3A_1358 = arith.constant 1.216000e+03 : f32
    %max3A_1359 = vector.broadcast %jit3A_1357 : f32 to vector<16xf32>
    %max3A_1360 = arith.maximumf %max3A_1359, %add3A_1356 : vector<16xf32>
    %min3A_1361 = vector.broadcast %jit3A_1358 : f32 to vector<16xf32>
    %min3A_1362 = arith.minimumf %min3A_1361, %max3A_1360 : vector<16xf32>
    %mul3A_1363 = arith.constant 5.000000e-01 : f32
    %mul3A_1364 = vector.broadcast %mul3A_1363 : f32 to vector<16xf32>
    %mul3A_1365 = arith.mulf %mul3A_1364, %mul3A_1332 : vector<16xf32>
    %add3A_1366 = arith.addf %add3A_1328, %mul3A_1365 : vector<16xf32>
    %jit3A_1367 = arith.constant 0.000000e+00 : f32
    %jit3A_1368 = arith.constant 8.000000e+02 : f32
    %max3A_1369 = vector.broadcast %jit3A_1367 : f32 to vector<16xf32>
    %max3A_1370 = arith.maximumf %max3A_1369, %add3A_1366 : vector<16xf32>
    %min3A_1371 = vector.broadcast %jit3A_1368 : f32 to vector<16xf32>
    %min3A_1372 = arith.minimumf %min3A_1371, %max3A_1370 : vector<16xf32>
    %swap3A_1373 = arith.constant 80 : index
    %swap3A_1374 = tpu.vector_load %arg18[%swap3A_1373] {strides = array<i32>} : memref<128xf32, #tpu.memory_space<vmem>>, vector<16xf32>,
    %swap3A_1375 = vector.shape_cast %swap3A_1374 : vector<16xf32> to vector<16xf32>
    %swap3A_1376 = vector.shape_cast %min3A_1342 : vector<16xf32> to vector<16xf32>
    tpu.vector_store %arg18[%swap3A_1373], %swap3A_1376 {strides = array<i32>} : memref<128xf32, #tpu.memory_space<vmem>>, vector<16xf32>,
    %swap3A_1377 = arith.constant 80 : index
    %swap3A_1378 = tpu.vector_load %arg19[%swap3A_1377] {strides = array<i32>} : memref<128xf32, #tpu.memory_space<vmem>>, vector<16xf32>,
    %swap3A_1379 = vector.shape_cast %swap3A_1378 : vector<16xf32> to vector<16xf32>
    %swap3A_1380 = vector.shape_cast %min3A_1352 : vector<16xf32> to vector<16xf32>
    tpu.vector_store %arg19[%swap3A_1377], %swap3A_1380 {strides = array<i32>} : memref<128xf32, #tpu.memory_space<vmem>>, vector<16xf32>,
    %swap3A_1381 = arith.constant 80 : index
    %swap3A_1382 = tpu.vector_load %arg20[%swap3A_1381] {strides = array<i32>} : memref<128xf32, #tpu.memory_space<vmem>>, vector<16xf32>,
    %swap3A_1383 = vector.shape_cast %swap3A_1382 : vector<16xf32> to vector<16xf32>
    %swap3A_1384 = vector.shape_cast %min3A_1362 : vector<16xf32> to vector<16xf32>
    tpu.vector_store %arg20[%swap3A_1381], %swap3A_1384 {strides = array<i32>} : memref<128xf32, #tpu.memory_space<vmem>>, vector<16xf32>,
    %swap3A_1385 = arith.constant 80 : index
    %swap3A_1386 = tpu.vector_load %arg21[%swap3A_1385] {strides = array<i32>} : memref<128xf32, #tpu.memory_space<vmem>>, vector<16xf32>,
    %swap3A_1387 = vector.shape_cast %swap3A_1386 : vector<16xf32> to vector<16xf32>
    %swap3A_1388 = vector.shape_cast %min3A_1372 : vector<16xf32> to vector<16xf32>
    tpu.vector_store %arg21[%swap3A_1385], %swap3A_1388 {strides = array<i32>} : memref<128xf32, #tpu.memory_space<vmem>>, vector<16xf32>,
    %swap3A_1389 = arith.constant 80 : index
    %swap3A_1390 = tpu.vector_load %arg22[%swap3A_1389] {strides = array<i32>} : memref<128xf32, #tpu.memory_space<vmem>>, vector<16xf32>,
    %swap3A_1391 = vector.shape_cast %swap3A_1390 : vector<16xf32> to vector<16xf32>
    %swap3A_1392 = vector.shape_cast %convert_element_type3A_1272 : vector<16xf32> to vector<16xf32>
    tpu.vector_store %arg22[%swap3A_1389], %swap3A_1392 {strides = array<i32>} : memref<128xf32, #tpu.memory_space<vmem>>, vector<16xf32>,
    %get3A_1393 = arith.constant 96 : index
    %get3A_1394 = tpu.vector_load %arg13[%get3A_1393] {strides = array<i32>} : memref<128xi32, #tpu.memory_space<vmem>>, vector<16xi32>,
    %get3A_1395 = vector.shape_cast %get3A_1394 : vector<16xi32> to vector<16xi32>
    %and3A_1396 = arith.constant 511 : i32
    %and3A_1397 = vector.broadcast %and3A_1396 : i32 to vector<16xi32>
    %and3A_1398 = arith.andi %get3A_1395, %and3A_1397 : vector<16xi32>
    %convert_element_type3A_1399 = arith.sitofp %and3A_1398 : vector<16xi32> to vector<16xf32>
    %get3A_1400 = arith.constant 96 : index
    %get3A_1401 = tpu.vector_load %arg22[%get3A_1400] {strides = array<i32>} : memref<128xf32, #tpu.memory_space<vmem>>, vector<16xf32>,
    %get3A_1402 = vector.shape_cast %get3A_1401 : vector<16xf32> to vector<16xf32>
    %get3A_1403 = arith.constant 96 : index
    %get3A_1404 = tpu.vector_load %arg23[%get3A_1403] {strides = array<i32>} : memref<128xf32, #tpu.memory_space<vmem>>, vector<16xf32>,
    %get3A_1405 = vector.shape_cast %get3A_1404 : vector<16xf32> to vector<16xf32>
    %get3A_1406 = arith.constant 96 : index
    %get3A_1407 = tpu.vector_load %arg24[%get3A_1406] {strides = array<i32>} : memref<128xf32, #tpu.memory_space<vmem>>, vector<16xf32>,
    %get3A_1408 = vector.shape_cast %get3A_1407 : vector<16xf32> to vector<16xf32>
    %get3A_1409 = arith.constant 96 : index
    %get3A_1410 = tpu.vector_load %arg25[%get3A_1409] {strides = array<i32>} : memref<128xf32, #tpu.memory_space<vmem>>, vector<16xf32>,
    %get3A_1411 = vector.shape_cast %get3A_1410 : vector<16xf32> to vector<16xf32>
    %sub3A_1412 = arith.subf %get3A_1408, %get3A_1402 : vector<16xf32>
    %sub3A_1413 = arith.subf %get3A_1411, %get3A_1405 : vector<16xf32>
    %mul3A_1414 = arith.constant 5.000000e-01 : f32
    %mul3A_1415 = vector.broadcast %mul3A_1414 : f32 to vector<16xf32>
    %mul3A_1416 = arith.mulf %mul3A_1415, %sub3A_1412 : vector<16xf32>
    %add3A_1417 = arith.addf %get3A_1402, %mul3A_1416 : vector<16xf32>
    %mul3A_1418 = arith.constant 5.000000e-01 : f32
    %mul3A_1419 = vector.broadcast %mul3A_1418 : f32 to vector<16xf32>
    %mul3A_1420 = arith.mulf %mul3A_1419, %sub3A_1413 : vector<16xf32>
    %add3A_1421 = arith.addf %get3A_1405, %mul3A_1420 : vector<16xf32>
    %get3A_1422 = arith.constant 96 : index
    %get3A_1423 = tpu.vector_load %arg18[%get3A_1422] {strides = array<i32>} : memref<128xf32, #tpu.memory_space<vmem>>, vector<16xf32>,
    %get3A_1424 = vector.shape_cast %get3A_1423 : vector<16xf32> to vector<16xf32>
    %mul3A_1425 = arith.constant 1.000000e-01 : f32
    %mul3A_1426 = vector.broadcast %mul3A_1425 : f32 to vector<16xf32>
    %mul3A_1427 = arith.mulf %get3A_1424, %mul3A_1426 : vector<16xf32>
    %get3A_1428 = arith.constant 96 : index
    %get3A_1429 = tpu.vector_load %arg19[%get3A_1428] {strides = array<i32>} : memref<128xf32, #tpu.memory_space<vmem>>, vector<16xf32>,
    %get3A_1430 = vector.shape_cast %get3A_1429 : vector<16xf32> to vector<16xf32>
    %mul3A_1431 = arith.constant 1.000000e-01 : f32
    %mul3A_1432 = vector.broadcast %mul3A_1431 : f32 to vector<16xf32>
    %mul3A_1433 = arith.mulf %get3A_1430, %mul3A_1432 : vector<16xf32>
    %get3A_1434 = arith.constant 96 : index
    %get3A_1435 = tpu.vector_load %arg20[%get3A_1434] {strides = array<i32>} : memref<128xf32, #tpu.memory_space<vmem>>, vector<16xf32>,
    %get3A_1436 = vector.shape_cast %get3A_1435 : vector<16xf32> to vector<16xf32>
    %mul3A_1437 = arith.constant 2.000000e-01 : f32
    %mul3A_1438 = vector.broadcast %mul3A_1437 : f32 to vector<16xf32>
    %mul3A_1439 = arith.mulf %get3A_1436, %mul3A_1438 : vector<16xf32>
    %min3A_1440 = arith.constant 4.13516665 : f32
    %min3A_1441 = vector.broadcast %min3A_1440 : f32 to vector<16xf32>
    %min3A_1442 = arith.minimumf %mul3A_1439, %min3A_1441 : vector<16xf32>
    %get3A_1443 = arith.constant 96 : index
    %get3A_1444 = tpu.vector_load %arg21[%get3A_1443] {strides = array<i32>} : memref<128xf32, #tpu.memory_space<vmem>>, vector<16xf32>,
    %get3A_1445 = vector.shape_cast %get3A_1444 : vector<16xf32> to vector<16xf32>
    %mul3A_1446 = arith.constant 2.000000e-01 : f32
    %mul3A_1447 = vector.broadcast %mul3A_1446 : f32 to vector<16xf32>
    %mul3A_1448 = arith.mulf %get3A_1445, %mul3A_1447 : vector<16xf32>
    %min3A_1449 = arith.constant 4.13516665 : f32
    %min3A_1450 = vector.broadcast %min3A_1449 : f32 to vector<16xf32>
    %min3A_1451 = arith.minimumf %mul3A_1448, %min3A_1450 : vector<16xf32>
    %mul3A_1452 = arith.mulf %mul3A_1427, %sub3A_1412 : vector<16xf32>
    %add3A_1453 = arith.addf %mul3A_1452, %add3A_1417 : vector<16xf32>
    %mul3A_1454 = arith.mulf %mul3A_1433, %sub3A_1413 : vector<16xf32>
    %add3A_1455 = arith.addf %mul3A_1454, %add3A_1421 : vector<16xf32>
    %exp3A_1456 = math.exp %min3A_1442 : vector<16xf32>
    %mul3A_1457 = arith.mulf %exp3A_1456, %sub3A_1412 : vector<16xf32>
    %exp3A_1458 = math.exp %min3A_1451 : vector<16xf32>
    %mul3A_1459 = arith.mulf %exp3A_1458, %sub3A_1413 : vector<16xf32>
    %mul3A_1460 = arith.constant 5.000000e-01 : f32
    %mul3A_1461 = vector.broadcast %mul3A_1460 : f32 to vector<16xf32>
    %mul3A_1462 = arith.mulf %mul3A_1461, %mul3A_1457 : vector<16xf32>
    %sub3A_1463 = arith.subf %add3A_1453, %mul3A_1462 : vector<16xf32>
    %jit3A_1464 = arith.constant 0.000000e+00 : f32
    %jit3A_1465 = arith.constant 1.216000e+03 : f32
    %max3A_1466 = vector.broadcast %jit3A_1464 : f32 to vector<16xf32>
    %max3A_1467 = arith.maximumf %max3A_1466, %sub3A_1463 : vector<16xf32>
    %min3A_1468 = vector.broadcast %jit3A_1465 : f32 to vector<16xf32>
    %min3A_1469 = arith.minimumf %min3A_1468, %max3A_1467 : vector<16xf32>
    %mul3A_1470 = arith.constant 5.000000e-01 : f32
    %mul3A_1471 = vector.broadcast %mul3A_1470 : f32 to vector<16xf32>
    %mul3A_1472 = arith.mulf %mul3A_1471, %mul3A_1459 : vector<16xf32>
    %sub3A_1473 = arith.subf %add3A_1455, %mul3A_1472 : vector<16xf32>
    %jit3A_1474 = arith.constant 0.000000e+00 : f32
    %jit3A_1475 = arith.constant 8.000000e+02 : f32
    %max3A_1476 = vector.broadcast %jit3A_1474 : f32 to vector<16xf32>
    %max3A_1477 = arith.maximumf %max3A_1476, %sub3A_1473 : vector<16xf32>
    %min3A_1478 = vector.broadcast %jit3A_1475 : f32 to vector<16xf32>
    %min3A_1479 = arith.minimumf %min3A_1478, %max3A_1477 : vector<16xf32>
    %mul3A_1480 = arith.constant 5.000000e-01 : f32
    %mul3A_1481 = vector.broadcast %mul3A_1480 : f32 to vector<16xf32>
    %mul3A_1482 = arith.mulf %mul3A_1481, %mul3A_1457 : vector<16xf32>
    %add3A_1483 = arith.addf %add3A_1453, %mul3A_1482 : vector<16xf32>
    %jit3A_1484 = arith.constant 0.000000e+00 : f32
    %jit3A_1485 = arith.constant 1.216000e+03 : f32
    %max3A_1486 = vector.broadcast %jit3A_1484 : f32 to vector<16xf32>
    %max3A_1487 = arith.maximumf %max3A_1486, %add3A_1483 : vector<16xf32>
    %min3A_1488 = vector.broadcast %jit3A_1485 : f32 to vector<16xf32>
    %min3A_1489 = arith.minimumf %min3A_1488, %max3A_1487 : vector<16xf32>
    %mul3A_1490 = arith.constant 5.000000e-01 : f32
    %mul3A_1491 = vector.broadcast %mul3A_1490 : f32 to vector<16xf32>
    %mul3A_1492 = arith.mulf %mul3A_1491, %mul3A_1459 : vector<16xf32>
    %add3A_1493 = arith.addf %add3A_1455, %mul3A_1492 : vector<16xf32>
    %jit3A_1494 = arith.constant 0.000000e+00 : f32
    %jit3A_1495 = arith.constant 8.000000e+02 : f32
    %max3A_1496 = vector.broadcast %jit3A_1494 : f32 to vector<16xf32>
    %max3A_1497 = arith.maximumf %max3A_1496, %add3A_1493 : vector<16xf32>
    %min3A_1498 = vector.broadcast %jit3A_1495 : f32 to vector<16xf32>
    %min3A_1499 = arith.minimumf %min3A_1498, %max3A_1497 : vector<16xf32>
    %swap3A_1500 = arith.constant 96 : index
    %swap3A_1501 = tpu.vector_load %arg18[%swap3A_1500] {strides = array<i32>} : memref<128xf32, #tpu.memory_space<vmem>>, vector<16xf32>,
    %swap3A_1502 = vector.shape_cast %swap3A_1501 : vector<16xf32> to vector<16xf32>
    %swap3A_1503 = vector.shape_cast %min3A_1469 : vector<16xf32> to vector<16xf32>
    tpu.vector_store %arg18[%swap3A_1500], %swap3A_1503 {strides = array<i32>} : memref<128xf32, #tpu.memory_space<vmem>>, vector<16xf32>,
    %swap3A_1504 = arith.constant 96 : index
    %swap3A_1505 = tpu.vector_load %arg19[%swap3A_1504] {strides = array<i32>} : memref<128xf32, #tpu.memory_space<vmem>>, vector<16xf32>,
    %swap3A_1506 = vector.shape_cast %swap3A_1505 : vector<16xf32> to vector<16xf32>
    %swap3A_1507 = vector.shape_cast %min3A_1479 : vector<16xf32> to vector<16xf32>
    tpu.vector_store %arg19[%swap3A_1504], %swap3A_1507 {strides = array<i32>} : memref<128xf32, #tpu.memory_space<vmem>>, vector<16xf32>,
    %swap3A_1508 = arith.constant 96 : index
    %swap3A_1509 = tpu.vector_load %arg20[%swap3A_1508] {strides = array<i32>} : memref<128xf32, #tpu.memory_space<vmem>>, vector<16xf32>,
    %swap3A_1510 = vector.shape_cast %swap3A_1509 : vector<16xf32> to vector<16xf32>
    %swap3A_1511 = vector.shape_cast %min3A_1489 : vector<16xf32> to vector<16xf32>
    tpu.vector_store %arg20[%swap3A_1508], %swap3A_1511 {strides = array<i32>} : memref<128xf32, #tpu.memory_space<vmem>>, vector<16xf32>,
    %swap3A_1512 = arith.constant 96 : index
    %swap3A_1513 = tpu.vector_load %arg21[%swap3A_1512] {strides = array<i32>} : memref<128xf32, #tpu.memory_space<vmem>>, vector<16xf32>,
    %swap3A_1514 = vector.shape_cast %swap3A_1513 : vector<16xf32> to vector<16xf32>
    %swap3A_1515 = vector.shape_cast %min3A_1499 : vector<16xf32> to vector<16xf32>
    tpu.vector_store %arg21[%swap3A_1512], %swap3A_1515 {strides = array<i32>} : memref<128xf32, #tpu.memory_space<vmem>>, vector<16xf32>,
    %swap3A_1516 = arith.constant 96 : index
    %swap3A_1517 = tpu.vector_load %arg22[%swap3A_1516] {strides = array<i32>} : memref<128xf32, #tpu.memory_space<vmem>>, vector<16xf32>,
    %swap3A_1518 = vector.shape_cast %swap3A_1517 : vector<16xf32> to vector<16xf32>
    %swap3A_1519 = vector.shape_cast %convert_element_type3A_1399 : vector<16xf32> to vector<16xf32>
    tpu.vector_store %arg22[%swap3A_1516], %swap3A_1519 {strides = array<i32>} : memref<128xf32, #tpu.memory_space<vmem>>, vector<16xf32>,
    %get3A_1520 = arith.constant 112 : index
    %get3A_1521 = tpu.vector_load %arg13[%get3A_1520] {strides = array<i32>} : memref<128xi32, #tpu.memory_space<vmem>>, vector<16xi32>,
    %get3A_1522 = vector.shape_cast %get3A_1521 : vector<16xi32> to vector<16xi32>
    %and3A_1523 = arith.constant 511 : i32
    %and3A_1524 = vector.broadcast %and3A_1523 : i32 to vector<16xi32>
    %and3A_1525 = arith.andi %get3A_1522, %and3A_1524 : vector<16xi32>
    %convert_element_type3A_1526 = arith.sitofp %and3A_1525 : vector<16xi32> to vector<16xf32>
    %get3A_1527 = arith.constant 112 : index
    %get3A_1528 = tpu.vector_load %arg22[%get3A_1527] {strides = array<i32>} : memref<128xf32, #tpu.memory_space<vmem>>, vector<16xf32>,
    %get3A_1529 = vector.shape_cast %get3A_1528 : vector<16xf32> to vector<16xf32>
    %get3A_1530 = arith.constant 112 : index
    %get3A_1531 = tpu.vector_load %arg23[%get3A_1530] {strides = array<i32>} : memref<128xf32, #tpu.memory_space<vmem>>, vector<16xf32>,
    %get3A_1532 = vector.shape_cast %get3A_1531 : vector<16xf32> to vector<16xf32>
    %get3A_1533 = arith.constant 112 : index
    %get3A_1534 = tpu.vector_load %arg24[%get3A_1533] {strides = array<i32>} : memref<128xf32, #tpu.memory_space<vmem>>, vector<16xf32>,
    %get3A_1535 = vector.shape_cast %get3A_1534 : vector<16xf32> to vector<16xf32>
    %get3A_1536 = arith.constant 112 : index
    %get3A_1537 = tpu.vector_load %arg25[%get3A_1536] {strides = array<i32>} : memref<128xf32, #tpu.memory_space<vmem>>, vector<16xf32>,
    %get3A_1538 = vector.shape_cast %get3A_1537 : vector<16xf32> to vector<16xf32>
    %sub3A_1539 = arith.subf %get3A_1535, %get3A_1529 : vector<16xf32>
    %sub3A_1540 = arith.subf %get3A_1538, %get3A_1532 : vector<16xf32>
    %mul3A_1541 = arith.constant 5.000000e-01 : f32
    %mul3A_1542 = vector.broadcast %mul3A_1541 : f32 to vector<16xf32>
    %mul3A_1543 = arith.mulf %mul3A_1542, %sub3A_1539 : vector<16xf32>
    %add3A_1544 = arith.addf %get3A_1529, %mul3A_1543 : vector<16xf32>
    %mul3A_1545 = arith.constant 5.000000e-01 : f32
    %mul3A_1546 = vector.broadcast %mul3A_1545 : f32 to vector<16xf32>
    %mul3A_1547 = arith.mulf %mul3A_1546, %sub3A_1540 : vector<16xf32>
    %add3A_1548 = arith.addf %get3A_1532, %mul3A_1547 : vector<16xf32>
    %get3A_1549 = arith.constant 112 : index
    %get3A_1550 = tpu.vector_load %arg18[%get3A_1549] {strides = array<i32>} : memref<128xf32, #tpu.memory_space<vmem>>, vector<16xf32>,
    %get3A_1551 = vector.shape_cast %get3A_1550 : vector<16xf32> to vector<16xf32>
    %mul3A_1552 = arith.constant 1.000000e-01 : f32
    %mul3A_1553 = vector.broadcast %mul3A_1552 : f32 to vector<16xf32>
    %mul3A_1554 = arith.mulf %get3A_1551, %mul3A_1553 : vector<16xf32>
    %get3A_1555 = arith.constant 112 : index
    %get3A_1556 = tpu.vector_load %arg19[%get3A_1555] {strides = array<i32>} : memref<128xf32, #tpu.memory_space<vmem>>, vector<16xf32>,
    %get3A_1557 = vector.shape_cast %get3A_1556 : vector<16xf32> to vector<16xf32>
    %mul3A_1558 = arith.constant 1.000000e-01 : f32
    %mul3A_1559 = vector.broadcast %mul3A_1558 : f32 to vector<16xf32>
    %mul3A_1560 = arith.mulf %get3A_1557, %mul3A_1559 : vector<16xf32>
    %get3A_1561 = arith.constant 112 : index
    %get3A_1562 = tpu.vector_load %arg20[%get3A_1561] {strides = array<i32>} : memref<128xf32, #tpu.memory_space<vmem>>, vector<16xf32>,
    %get3A_1563 = vector.shape_cast %get3A_1562 : vector<16xf32> to vector<16xf32>
    %mul3A_1564 = arith.constant 2.000000e-01 : f32
    %mul3A_1565 = vector.broadcast %mul3A_1564 : f32 to vector<16xf32>
    %mul3A_1566 = arith.mulf %get3A_1563, %mul3A_1565 : vector<16xf32>
    %min3A_1567 = arith.constant 4.13516665 : f32
    %min3A_1568 = vector.broadcast %min3A_1567 : f32 to vector<16xf32>
    %min3A_1569 = arith.minimumf %mul3A_1566, %min3A_1568 : vector<16xf32>
    %get3A_1570 = arith.constant 112 : index
    %get3A_1571 = tpu.vector_load %arg21[%get3A_1570] {strides = array<i32>} : memref<128xf32, #tpu.memory_space<vmem>>, vector<16xf32>,
    %get3A_1572 = vector.shape_cast %get3A_1571 : vector<16xf32> to vector<16xf32>
    %mul3A_1573 = arith.constant 2.000000e-01 : f32
    %mul3A_1574 = vector.broadcast %mul3A_1573 : f32 to vector<16xf32>
    %mul3A_1575 = arith.mulf %get3A_1572, %mul3A_1574 : vector<16xf32>
    %min3A_1576 = arith.constant 4.13516665 : f32
    %min3A_1577 = vector.broadcast %min3A_1576 : f32 to vector<16xf32>
    %min3A_1578 = arith.minimumf %mul3A_1575, %min3A_1577 : vector<16xf32>
    %mul3A_1579 = arith.mulf %mul3A_1554, %sub3A_1539 : vector<16xf32>
    %add3A_1580 = arith.addf %mul3A_1579, %add3A_1544 : vector<16xf32>
    %mul3A_1581 = arith.mulf %mul3A_1560, %sub3A_1540 : vector<16xf32>
    %add3A_1582 = arith.addf %mul3A_1581, %add3A_1548 : vector<16xf32>
    %exp3A_1583 = math.exp %min3A_1569 : vector<16xf32>
    %mul3A_1584 = arith.mulf %exp3A_1583, %sub3A_1539 : vector<16xf32>
    %exp3A_1585 = math.exp %min3A_1578 : vector<16xf32>
    %mul3A_1586 = arith.mulf %exp3A_1585, %sub3A_1540 : vector<16xf32>
    %mul3A_1587 = arith.constant 5.000000e-01 : f32
    %mul3A_1588 = vector.broadcast %mul3A_1587 : f32 to vector<16xf32>
    %mul3A_1589 = arith.mulf %mul3A_1588, %mul3A_1584 : vector<16xf32>
    %sub3A_1590 = arith.subf %add3A_1580, %mul3A_1589 : vector<16xf32>
    %jit3A_1591 = arith.constant 0.000000e+00 : f32
    %jit3A_1592 = arith.constant 1.216000e+03 : f32
    %max3A_1593 = vector.broadcast %jit3A_1591 : f32 to vector<16xf32>
    %max3A_1594 = arith.maximumf %max3A_1593, %sub3A_1590 : vector<16xf32>
    %min3A_1595 = vector.broadcast %jit3A_1592 : f32 to vector<16xf32>
    %min3A_1596 = arith.minimumf %min3A_1595, %max3A_1594 : vector<16xf32>
    %mul3A_1597 = arith.constant 5.000000e-01 : f32
    %mul3A_1598 = vector.broadcast %mul3A_1597 : f32 to vector<16xf32>
    %mul3A_1599 = arith.mulf %mul3A_1598, %mul3A_1586 : vector<16xf32>
    %sub3A_1600 = arith.subf %add3A_1582, %mul3A_1599 : vector<16xf32>
    %jit3A_1601 = arith.constant 0.000000e+00 : f32
    %jit3A_1602 = arith.constant 8.000000e+02 : f32
    %max3A_1603 = vector.broadcast %jit3A_1601 : f32 to vector<16xf32>
    %max3A_1604 = arith.maximumf %max3A_1603, %sub3A_1600 : vector<16xf32>
    %min3A_1605 = vector.broadcast %jit3A_1602 : f32 to vector<16xf32>
    %min3A_1606 = arith.minimumf %min3A_1605, %max3A_1604 : vector<16xf32>
    %mul3A_1607 = arith.constant 5.000000e-01 : f32
    %mul3A_1608 = vector.broadcast %mul3A_1607 : f32 to vector<16xf32>
    %mul3A_1609 = arith.mulf %mul3A_1608, %mul3A_1584 : vector<16xf32>
    %add3A_1610 = arith.addf %add3A_1580, %mul3A_1609 : vector<16xf32>
    %jit3A_1611 = arith.constant 0.000000e+00 : f32
    %jit3A_1612 = arith.constant 1.216000e+03 : f32
    %max3A_1613 = vector.broadcast %jit3A_1611 : f32 to vector<16xf32>
    %max3A_1614 = arith.maximumf %max3A_1613, %add3A_1610 : vector<16xf32>
    %min3A_1615 = vector.broadcast %jit3A_1612 : f32 to vector<16xf32>
    %min3A_1616 = arith.minimumf %min3A_1615, %max3A_1614 : vector<16xf32>
    %mul3A_1617 = arith.constant 5.000000e-01 : f32
    %mul3A_1618 = vector.broadcast %mul3A_1617 : f32 to vector<16xf32>
    %mul3A_1619 = arith.mulf %mul3A_1618, %mul3A_1586 : vector<16xf32>
    %add3A_1620 = arith.addf %add3A_1582, %mul3A_1619 : vector<16xf32>
    %jit3A_1621 = arith.constant 0.000000e+00 : f32
    %jit3A_1622 = arith.constant 8.000000e+02 : f32
    %max3A_1623 = vector.broadcast %jit3A_1621 : f32 to vector<16xf32>
    %max3A_1624 = arith.maximumf %max3A_1623, %add3A_1620 : vector<16xf32>
    %min3A_1625 = vector.broadcast %jit3A_1622 : f32 to vector<16xf32>
    %min3A_1626 = arith.minimumf %min3A_1625, %max3A_1624 : vector<16xf32>
    %swap3A_1627 = arith.constant 112 : index
    %swap3A_1628 = tpu.vector_load %arg18[%swap3A_1627] {strides = array<i32>} : memref<128xf32, #tpu.memory_space<vmem>>, vector<16xf32>,
    %swap3A_1629 = vector.shape_cast %swap3A_1628 : vector<16xf32> to vector<16xf32>
    %swap3A_1630 = vector.shape_cast %min3A_1596 : vector<16xf32> to vector<16xf32>
    tpu.vector_store %arg18[%swap3A_1627], %swap3A_1630 {strides = array<i32>} : memref<128xf32, #tpu.memory_space<vmem>>, vector<16xf32>,
    %swap3A_1631 = arith.constant 112 : index
    %swap3A_1632 = tpu.vector_load %arg19[%swap3A_1631] {strides = array<i32>} : memref<128xf32, #tpu.memory_space<vmem>>, vector<16xf32>,
    %swap3A_1633 = vector.shape_cast %swap3A_1632 : vector<16xf32> to vector<16xf32>
    %swap3A_1634 = vector.shape_cast %min3A_1606 : vector<16xf32> to vector<16xf32>
    tpu.vector_store %arg19[%swap3A_1631], %swap3A_1634 {strides = array<i32>} : memref<128xf32, #tpu.memory_space<vmem>>, vector<16xf32>,
    %swap3A_1635 = arith.constant 112 : index
    %swap3A_1636 = tpu.vector_load %arg20[%swap3A_1635] {strides = array<i32>} : memref<128xf32, #tpu.memory_space<vmem>>, vector<16xf32>,
    %swap3A_1637 = vector.shape_cast %swap3A_1636 : vector<16xf32> to vector<16xf32>
    %swap3A_1638 = vector.shape_cast %min3A_1616 : vector<16xf32> to vector<16xf32>
    tpu.vector_store %arg20[%swap3A_1635], %swap3A_1638 {strides = array<i32>} : memref<128xf32, #tpu.memory_space<vmem>>, vector<16xf32>,
    %swap3A_1639 = arith.constant 112 : index
    %swap3A_1640 = tpu.vector_load %arg21[%swap3A_1639] {strides = array<i32>} : memref<128xf32, #tpu.memory_space<vmem>>, vector<16xf32>,
    %swap3A_1641 = vector.shape_cast %swap3A_1640 : vector<16xf32> to vector<16xf32>
    %swap3A_1642 = vector.shape_cast %min3A_1626 : vector<16xf32> to vector<16xf32>
    tpu.vector_store %arg21[%swap3A_1639], %swap3A_1642 {strides = array<i32>} : memref<128xf32, #tpu.memory_space<vmem>>, vector<16xf32>,
    %swap3A_1643 = arith.constant 112 : index
    %swap3A_1644 = tpu.vector_load %arg22[%swap3A_1643] {strides = array<i32>} : memref<128xf32, #tpu.memory_space<vmem>>, vector<16xf32>,
    %swap3A_1645 = vector.shape_cast %swap3A_1644 : vector<16xf32> to vector<16xf32>
    %swap3A_1646 = vector.shape_cast %convert_element_type3A_1526 : vector<16xf32> to vector<16xf32>
    tpu.vector_store %arg22[%swap3A_1643], %swap3A_1646 {strides = array<i32>} : memref<128xf32, #tpu.memory_space<vmem>>, vector<16xf32>,
    "tpu.region"() ({
      %run_scoped3A = tpu.sem_alloc : memref<!tpu.dma_semaphore, #tpu.memory_space<semaphore_mem>>
      %dma_start3A_1647 = tpu.memref_slice %arg7[%mul3A_2] : memref<4096xf32, #tpu.memory_space<hbm>> -> memref<128xf32, #tpu.memory_space<hbm>>
      %dma_start3A_1648 = tpu.memref_slice %arg7[%mul3A_2] : memref<4096xf32, #tpu.memory_space<hbm>> -> memref<128xf32, #tpu.memory_space<hbm>>
      tpu.enqueue_dma source(%arg18 : memref<128xf32, #tpu.memory_space<vmem>>) target(%dma_start3A_1648 : memref<128xf32, #tpu.memory_space<hbm>>) target_semaphore(%run_scoped3A : memref<!tpu.dma_semaphore, #tpu.memory_space<semaphore_mem>>)
      %dma_wait3A_1649 = tpu.memref_slice %arg7[%mul3A_2] : memref<4096xf32, #tpu.memory_space<hbm>> -> memref<128xf32, #tpu.memory_space<hbm>>
      %dma_wait3A_1650 = tpu.memref_slice %arg7[%mul3A_2] : memref<4096xf32, #tpu.memory_space<hbm>> -> memref<128xf32, #tpu.memory_space<hbm>>
      tpu.wait_dma2 semaphore(%run_scoped3A : memref<!tpu.dma_semaphore, #tpu.memory_space<semaphore_mem>>) src(%arg18 : memref<128xf32, #tpu.memory_space<vmem>>) dst(%dma_wait3A_1650 : memref<128xf32, #tpu.memory_space<hbm>>)
      tpu.yield
    }) : () -> ()
    "tpu.region"() ({
      %run_scoped3A = tpu.sem_alloc : memref<!tpu.dma_semaphore, #tpu.memory_space<semaphore_mem>>
      %dma_start3A_1647 = tpu.memref_slice %arg8[%mul3A_2] : memref<4096xf32, #tpu.memory_space<hbm>> -> memref<128xf32, #tpu.memory_space<hbm>>
      %dma_start3A_1648 = tpu.memref_slice %arg8[%mul3A_2] : memref<4096xf32, #tpu.memory_space<hbm>> -> memref<128xf32, #tpu.memory_space<hbm>>
      tpu.enqueue_dma source(%arg19 : memref<128xf32, #tpu.memory_space<vmem>>) target(%dma_start3A_1648 : memref<128xf32, #tpu.memory_space<hbm>>) target_semaphore(%run_scoped3A : memref<!tpu.dma_semaphore, #tpu.memory_space<semaphore_mem>>)
      %dma_wait3A_1649 = tpu.memref_slice %arg8[%mul3A_2] : memref<4096xf32, #tpu.memory_space<hbm>> -> memref<128xf32, #tpu.memory_space<hbm>>
      %dma_wait3A_1650 = tpu.memref_slice %arg8[%mul3A_2] : memref<4096xf32, #tpu.memory_space<hbm>> -> memref<128xf32, #tpu.memory_space<hbm>>
      tpu.wait_dma2 semaphore(%run_scoped3A : memref<!tpu.dma_semaphore, #tpu.memory_space<semaphore_mem>>) src(%arg19 : memref<128xf32, #tpu.memory_space<vmem>>) dst(%dma_wait3A_1650 : memref<128xf32, #tpu.memory_space<hbm>>)
      tpu.yield
    }) : () -> ()
    "tpu.region"() ({
      %run_scoped3A = tpu.sem_alloc : memref<!tpu.dma_semaphore, #tpu.memory_space<semaphore_mem>>
      %dma_start3A_1647 = tpu.memref_slice %arg9[%mul3A_2] : memref<4096xf32, #tpu.memory_space<hbm>> -> memref<128xf32, #tpu.memory_space<hbm>>
      %dma_start3A_1648 = tpu.memref_slice %arg9[%mul3A_2] : memref<4096xf32, #tpu.memory_space<hbm>> -> memref<128xf32, #tpu.memory_space<hbm>>
      tpu.enqueue_dma source(%arg20 : memref<128xf32, #tpu.memory_space<vmem>>) target(%dma_start3A_1648 : memref<128xf32, #tpu.memory_space<hbm>>) target_semaphore(%run_scoped3A : memref<!tpu.dma_semaphore, #tpu.memory_space<semaphore_mem>>)
      %dma_wait3A_1649 = tpu.memref_slice %arg9[%mul3A_2] : memref<4096xf32, #tpu.memory_space<hbm>> -> memref<128xf32, #tpu.memory_space<hbm>>
      %dma_wait3A_1650 = tpu.memref_slice %arg9[%mul3A_2] : memref<4096xf32, #tpu.memory_space<hbm>> -> memref<128xf32, #tpu.memory_space<hbm>>
      tpu.wait_dma2 semaphore(%run_scoped3A : memref<!tpu.dma_semaphore, #tpu.memory_space<semaphore_mem>>) src(%arg20 : memref<128xf32, #tpu.memory_space<vmem>>) dst(%dma_wait3A_1650 : memref<128xf32, #tpu.memory_space<hbm>>)
      tpu.yield
    }) : () -> ()
    "tpu.region"() ({
      %run_scoped3A = tpu.sem_alloc : memref<!tpu.dma_semaphore, #tpu.memory_space<semaphore_mem>>
      %dma_start3A_1647 = tpu.memref_slice %arg10[%mul3A_2] : memref<4096xf32, #tpu.memory_space<hbm>> -> memref<128xf32, #tpu.memory_space<hbm>>
      %dma_start3A_1648 = tpu.memref_slice %arg10[%mul3A_2] : memref<4096xf32, #tpu.memory_space<hbm>> -> memref<128xf32, #tpu.memory_space<hbm>>
      tpu.enqueue_dma source(%arg21 : memref<128xf32, #tpu.memory_space<vmem>>) target(%dma_start3A_1648 : memref<128xf32, #tpu.memory_space<hbm>>) target_semaphore(%run_scoped3A : memref<!tpu.dma_semaphore, #tpu.memory_space<semaphore_mem>>)
      %dma_wait3A_1649 = tpu.memref_slice %arg10[%mul3A_2] : memref<4096xf32, #tpu.memory_space<hbm>> -> memref<128xf32, #tpu.memory_space<hbm>>
      %dma_wait3A_1650 = tpu.memref_slice %arg10[%mul3A_2] : memref<4096xf32, #tpu.memory_space<hbm>> -> memref<128xf32, #tpu.memory_space<hbm>>
      tpu.wait_dma2 semaphore(%run_scoped3A : memref<!tpu.dma_semaphore, #tpu.memory_space<semaphore_mem>>) src(%arg21 : memref<128xf32, #tpu.memory_space<vmem>>) dst(%dma_wait3A_1650 : memref<128xf32, #tpu.memory_space<hbm>>)
      tpu.yield
    }) : () -> ()
    "tpu.region"() ({
      %run_scoped3A = tpu.sem_alloc : memref<!tpu.dma_semaphore, #tpu.memory_space<semaphore_mem>>
      %dma_start3A_1647 = tpu.memref_slice %arg11[%mul3A_2] : memref<4096xf32, #tpu.memory_space<hbm>> -> memref<128xf32, #tpu.memory_space<hbm>>
      %dma_start3A_1648 = tpu.memref_slice %arg11[%mul3A_2] : memref<4096xf32, #tpu.memory_space<hbm>> -> memref<128xf32, #tpu.memory_space<hbm>>
      tpu.enqueue_dma source(%arg22 : memref<128xf32, #tpu.memory_space<vmem>>) target(%dma_start3A_1648 : memref<128xf32, #tpu.memory_space<hbm>>) target_semaphore(%run_scoped3A : memref<!tpu.dma_semaphore, #tpu.memory_space<semaphore_mem>>)
      %dma_wait3A_1649 = tpu.memref_slice %arg11[%mul3A_2] : memref<4096xf32, #tpu.memory_space<hbm>> -> memref<128xf32, #tpu.memory_space<hbm>>
      %dma_wait3A_1650 = tpu.memref_slice %arg11[%mul3A_2] : memref<4096xf32, #tpu.memory_space<hbm>> -> memref<128xf32, #tpu.memory_space<hbm>>
      tpu.wait_dma2 semaphore(%run_scoped3A : memref<!tpu.dma_semaphore, #tpu.memory_space<semaphore_mem>>) src(%arg22 : memref<128xf32, #tpu.memory_space<vmem>>) dst(%dma_wait3A_1650 : memref<128xf32, #tpu.memory_space<hbm>>)
      tpu.yield
    }) : () -> ()
    return
  }
}

module attributes {stable_mosaic.version = 14 : i64} {
  func.func @_stage_a_body(%arg0: i32, %arg1: memref<2048x128xf32, #tpu.memory_space<vmem>>, %arg2: memref<2048x384xf32, #tpu.memory_space<vmem>>, %arg3: memref<2048x4xf32, #tpu.memory_space<vmem>>, %arg4: memref<2048x8xi32, #tpu.memory_space<vmem>>, %arg5: memref<2048x8xi32, #tpu.memory_space<vmem>>) attributes {dimension_semantics = [#tpu.dimension_semantics<arbitrary>], iteration_bounds = array<i64: 10>, scalar_prefetch = 0 : i64, scratch_operands = 0 : i64, tpu.core_type = #tpu.core_type<tc>, window_params = [{transform_indices = @transform_0, window_bounds = array<i64: 2048, 128>}, {transform_indices = @transform_1, window_bounds = array<i64: 2048, 384>}, {transform_indices = @transform_2, window_bounds = array<i64: 2048, 4>}, {transform_indices = @transform_3, window_bounds = array<i64: 2048, 8>}, {transform_indices = @transform_4, window_bounds = array<i64: 2048, 8>}]} {
    %iota3A = tpu.iota {dimensions = array<i32: 1>} : vector<2048x128xi32>
    %lt3A = arith.constant 91 : i32
    %lt3A_0 = vector.broadcast %lt3A : i32 to vector<2048x128xi32>
    %lt3A_1 = arith.cmpi slt, %iota3A, %lt3A_0 : vector<2048x128xi32>
    %get3A = arith.constant 0 : index
    %get3A_2 = arith.constant 0 : index
    %get3A_3 = vector.load %arg1[%get3A, %get3A_2] : memref<2048x128xf32, #tpu.memory_space<vmem>>, vector<2048x128xf32>
    %jit3A = arith.constant -1.000000e+30 : f32
    %broadcast_in_dim3A = vector.broadcast %jit3A : f32 to vector<2048x128xf32>
    %select_n3A = arith.select %lt3A_1, %get3A_3, %broadcast_in_dim3A : vector<2048x128xi1>, vector<2048x128xf32>
    %reduce_max3A = arith.constant dense<0xFF800000> : vector<2048xf32>
    %reduce_max3A_4 = vector.multi_reduction <maximumf>, %select_n3A, %reduce_max3A [1] : vector<2048x128xf32> to vector<2048xf32>
    %broadcast_in_dim3A_5 = vector.shape_cast %reduce_max3A_4 : vector<2048xf32> to vector<2048x1xf32>
    %sub3A = vector.broadcast %broadcast_in_dim3A_5 : vector<2048x1xf32> to vector<2048x128xf32>
    %sub3A_6 = arith.subf %get3A_3, %sub3A : vector<2048x128xf32>
    %exp3A = math.exp %sub3A_6 : vector<2048x128xf32>
    %jit3A_7 = arith.constant 0.000000e+00 : f32
    %broadcast_in_dim3A_8 = vector.broadcast %jit3A_7 : f32 to vector<2048x128xf32>
    %select_n3A_9 = arith.select %lt3A_1, %exp3A, %broadcast_in_dim3A_8 : vector<2048x128xi1>, vector<2048x128xf32>
    %reduce_sum3A = arith.constant dense<0.000000e+00> : vector<2048xf32>
    %reduce_sum3A_10 = vector.multi_reduction <add>, %select_n3A_9, %reduce_sum3A [1] : vector<2048x128xf32> to vector<2048xf32>
    %broadcast_in_dim3A_11 = vector.shape_cast %reduce_sum3A_10 : vector<2048xf32> to vector<2048x1xf32>
    %div3A = vector.broadcast %broadcast_in_dim3A_11 : vector<2048x1xf32> to vector<2048x128xf32>
    %div3A_12 = arith.divf %select_n3A_9, %div3A : vector<2048x128xf32>
    %get3A_13 = arith.constant 0 : index
    %get3A_14 = arith.constant 0 : index
    %get3A_15 = vector.load %arg2[%get3A_13, %get3A_14] : memref<2048x384xf32, #tpu.memory_space<vmem>>, vector<2048x384xf32>
    %iota3A_16 = tpu.iota {dimensions = array<i32: 0>} : vector<384x128xi32>
    %iota3A_17 = tpu.iota {dimensions = array<i32: 1>} : vector<384x128xi32>
    %mul3A = arith.constant 4 : i32
    %mul3A_18 = vector.broadcast %mul3A : i32 to vector<384x128xi32>
    %mul3A_19 = arith.muli %iota3A_17, %mul3A_18 : vector<384x128xi32>
    %add3A = arith.constant 0 : i32
    %add3A_20 = vector.broadcast %add3A : i32 to vector<384x128xi32>
    %add3A_21 = arith.addi %mul3A_19, %add3A_20 : vector<384x128xi32>
    %eq3A = arith.cmpi eq, %iota3A_16, %add3A_21 : vector<384x128xi32>
    %convert_element_type3A = arith.extui %eq3A : vector<384x128xi1> to vector<384x128xi32>
    %convert_element_type3A_22 = arith.sitofp %convert_element_type3A : vector<384x128xi32> to vector<384x128xf32>
    %dot_general3A = arith.constant dense<0.000000e+00> : vector<2048x128xf32>
    %dot_general3A_23 = tpu.matmul %get3A_15, %convert_element_type3A_22, %dot_general3A {dimension_numbers = #tpu.dot_dimension_numbers<[1], [0], [0], [1], [0, 0, 1, 1], [], []>, transpose_lhs_hint = false} : vector<2048x384xf32>, vector<384x128xf32>, vector<2048x128xf32> -> vector<2048x128xf32>
    %mul3A_24 = arith.constant 1.000000e-01 : f32
    %mul3A_25 = vector.broadcast %mul3A_24 : f32 to vector<2048x128xf32>
    %mul3A_26 = arith.mulf %dot_general3A_23, %mul3A_25 : vector<2048x128xf32>
    %mul3A_27 = arith.constant 4 : i32
    %mul3A_28 = vector.broadcast %mul3A_27 : i32 to vector<384x128xi32>
    %mul3A_29 = arith.muli %iota3A_17, %mul3A_28 : vector<384x128xi32>
    %add3A_30 = arith.constant 1 : i32
    %add3A_31 = vector.broadcast %add3A_30 : i32 to vector<384x128xi32>
    %add3A_32 = arith.addi %mul3A_29, %add3A_31 : vector<384x128xi32>
    %eq3A_33 = arith.cmpi eq, %iota3A_16, %add3A_32 : vector<384x128xi32>
    %convert_element_type3A_34 = arith.extui %eq3A_33 : vector<384x128xi1> to vector<384x128xi32>
    %convert_element_type3A_35 = arith.sitofp %convert_element_type3A_34 : vector<384x128xi32> to vector<384x128xf32>
    %dot_general3A_36 = arith.constant dense<0.000000e+00> : vector<2048x128xf32>
    %dot_general3A_37 = tpu.matmul %get3A_15, %convert_element_type3A_35, %dot_general3A_36 {dimension_numbers = #tpu.dot_dimension_numbers<[1], [0], [0], [1], [0, 0, 1, 1], [], []>, transpose_lhs_hint = false} : vector<2048x384xf32>, vector<384x128xf32>, vector<2048x128xf32> -> vector<2048x128xf32>
    %mul3A_38 = arith.constant 1.000000e-01 : f32
    %mul3A_39 = vector.broadcast %mul3A_38 : f32 to vector<2048x128xf32>
    %mul3A_40 = arith.mulf %dot_general3A_37, %mul3A_39 : vector<2048x128xf32>
    %mul3A_41 = arith.constant 4 : i32
    %mul3A_42 = vector.broadcast %mul3A_41 : i32 to vector<384x128xi32>
    %mul3A_43 = arith.muli %iota3A_17, %mul3A_42 : vector<384x128xi32>
    %add3A_44 = arith.constant 2 : i32
    %add3A_45 = vector.broadcast %add3A_44 : i32 to vector<384x128xi32>
    %add3A_46 = arith.addi %mul3A_43, %add3A_45 : vector<384x128xi32>
    %eq3A_47 = arith.cmpi eq, %iota3A_16, %add3A_46 : vector<384x128xi32>
    %convert_element_type3A_48 = arith.extui %eq3A_47 : vector<384x128xi1> to vector<384x128xi32>
    %convert_element_type3A_49 = arith.sitofp %convert_element_type3A_48 : vector<384x128xi32> to vector<384x128xf32>
    %dot_general3A_50 = arith.constant dense<0.000000e+00> : vector<2048x128xf32>
    %dot_general3A_51 = tpu.matmul %get3A_15, %convert_element_type3A_49, %dot_general3A_50 {dimension_numbers = #tpu.dot_dimension_numbers<[1], [0], [0], [1], [0, 0, 1, 1], [], []>, transpose_lhs_hint = false} : vector<2048x384xf32>, vector<384x128xf32>, vector<2048x128xf32> -> vector<2048x128xf32>
    %mul3A_52 = arith.constant 2.000000e-01 : f32
    %mul3A_53 = vector.broadcast %mul3A_52 : f32 to vector<2048x128xf32>
    %mul3A_54 = arith.mulf %dot_general3A_51, %mul3A_53 : vector<2048x128xf32>
    %min3A = arith.constant 4.13516665 : f32
    %min3A_55 = vector.broadcast %min3A : f32 to vector<2048x128xf32>
    %min3A_56 = arith.minimumf %mul3A_54, %min3A_55 : vector<2048x128xf32>
    %mul3A_57 = arith.constant 4 : i32
    %mul3A_58 = vector.broadcast %mul3A_57 : i32 to vector<384x128xi32>
    %mul3A_59 = arith.muli %iota3A_17, %mul3A_58 : vector<384x128xi32>
    %add3A_60 = arith.constant 3 : i32
    %add3A_61 = vector.broadcast %add3A_60 : i32 to vector<384x128xi32>
    %add3A_62 = arith.addi %mul3A_59, %add3A_61 : vector<384x128xi32>
    %eq3A_63 = arith.cmpi eq, %iota3A_16, %add3A_62 : vector<384x128xi32>
    %convert_element_type3A_64 = arith.extui %eq3A_63 : vector<384x128xi1> to vector<384x128xi32>
    %convert_element_type3A_65 = arith.sitofp %convert_element_type3A_64 : vector<384x128xi32> to vector<384x128xf32>
    %dot_general3A_66 = arith.constant dense<0.000000e+00> : vector<2048x128xf32>
    %dot_general3A_67 = tpu.matmul %get3A_15, %convert_element_type3A_65, %dot_general3A_66 {dimension_numbers = #tpu.dot_dimension_numbers<[1], [0], [0], [1], [0, 0, 1, 1], [], []>, transpose_lhs_hint = false} : vector<2048x384xf32>, vector<384x128xf32>, vector<2048x128xf32> -> vector<2048x128xf32>
    %mul3A_68 = arith.constant 2.000000e-01 : f32
    %mul3A_69 = vector.broadcast %mul3A_68 : f32 to vector<2048x128xf32>
    %mul3A_70 = arith.mulf %dot_general3A_67, %mul3A_69 : vector<2048x128xf32>
    %min3A_71 = arith.constant 4.13516665 : f32
    %min3A_72 = vector.broadcast %min3A_71 : f32 to vector<2048x128xf32>
    %min3A_73 = arith.minimumf %mul3A_70, %min3A_72 : vector<2048x128xf32>
    %get3A_74 = arith.constant 0 : index
    %get3A_75 = arith.constant 0 : index
    %get3A_76 = vector.load %arg3[%get3A_74, %get3A_75] : memref<2048x4xf32, #tpu.memory_space<vmem>>, vector<2048x4xf32>
    %slice3A = vector.extract_strided_slice %get3A_76 {offsets = [0, 2], sizes = [2048, 1], strides = [1, 1]} : vector<2048x4xf32> to vector<2048x1xf32>
    %slice3A_77 = vector.extract_strided_slice %get3A_76 {offsets = [0, 0], sizes = [2048, 1], strides = [1, 1]} : vector<2048x4xf32> to vector<2048x1xf32>
    %sub3A_78 = arith.subf %slice3A, %slice3A_77 : vector<2048x1xf32>
    %slice3A_79 = vector.extract_strided_slice %get3A_76 {offsets = [0, 3], sizes = [2048, 1], strides = [1, 1]} : vector<2048x4xf32> to vector<2048x1xf32>
    %slice3A_80 = vector.extract_strided_slice %get3A_76 {offsets = [0, 1], sizes = [2048, 1], strides = [1, 1]} : vector<2048x4xf32> to vector<2048x1xf32>
    %sub3A_81 = arith.subf %slice3A_79, %slice3A_80 : vector<2048x1xf32>
    %slice3A_82 = vector.extract_strided_slice %get3A_76 {offsets = [0, 0], sizes = [2048, 1], strides = [1, 1]} : vector<2048x4xf32> to vector<2048x1xf32>
    %mul3A_83 = arith.constant 5.000000e-01 : f32
    %mul3A_84 = vector.broadcast %mul3A_83 : f32 to vector<2048x1xf32>
    %mul3A_85 = arith.mulf %mul3A_84, %sub3A_78 : vector<2048x1xf32>
    %add3A_86 = arith.addf %slice3A_82, %mul3A_85 : vector<2048x1xf32>
    %slice3A_87 = vector.extract_strided_slice %get3A_76 {offsets = [0, 1], sizes = [2048, 1], strides = [1, 1]} : vector<2048x4xf32> to vector<2048x1xf32>
    %mul3A_88 = arith.constant 5.000000e-01 : f32
    %mul3A_89 = vector.broadcast %mul3A_88 : f32 to vector<2048x1xf32>
    %mul3A_90 = arith.mulf %mul3A_89, %sub3A_81 : vector<2048x1xf32>
    %add3A_91 = arith.addf %slice3A_87, %mul3A_90 : vector<2048x1xf32>
    %mul3A_92 = vector.broadcast %sub3A_78 : vector<2048x1xf32> to vector<2048x128xf32>
    %mul3A_93 = arith.mulf %mul3A_26, %mul3A_92 : vector<2048x128xf32>
    %add3A_94 = vector.broadcast %add3A_86 : vector<2048x1xf32> to vector<2048x128xf32>
    %add3A_95 = arith.addf %mul3A_93, %add3A_94 : vector<2048x128xf32>
    %mul3A_96 = vector.broadcast %sub3A_81 : vector<2048x1xf32> to vector<2048x128xf32>
    %mul3A_97 = arith.mulf %mul3A_40, %mul3A_96 : vector<2048x128xf32>
    %add3A_98 = vector.broadcast %add3A_91 : vector<2048x1xf32> to vector<2048x128xf32>
    %add3A_99 = arith.addf %mul3A_97, %add3A_98 : vector<2048x128xf32>
    %exp3A_100 = math.exp %min3A_56 : vector<2048x128xf32>
    %mul3A_101 = vector.broadcast %sub3A_78 : vector<2048x1xf32> to vector<2048x128xf32>
    %mul3A_102 = arith.mulf %exp3A_100, %mul3A_101 : vector<2048x128xf32>
    %exp3A_103 = math.exp %min3A_73 : vector<2048x128xf32>
    %mul3A_104 = vector.broadcast %sub3A_81 : vector<2048x1xf32> to vector<2048x128xf32>
    %mul3A_105 = arith.mulf %exp3A_103, %mul3A_104 : vector<2048x128xf32>
    %mul3A_106 = arith.constant 5.000000e-01 : f32
    %mul3A_107 = vector.broadcast %mul3A_106 : f32 to vector<2048x128xf32>
    %mul3A_108 = arith.mulf %mul3A_107, %mul3A_102 : vector<2048x128xf32>
    %sub3A_109 = arith.subf %add3A_95, %mul3A_108 : vector<2048x128xf32>
    %jit3A_110 = arith.constant 0.000000e+00 : f32
    %jit3A_111 = arith.constant 1.216000e+03 : f32
    %max3A = vector.broadcast %jit3A_110 : f32 to vector<2048x128xf32>
    %max3A_112 = arith.maximumf %max3A, %sub3A_109 : vector<2048x128xf32>
    %min3A_113 = vector.broadcast %jit3A_111 : f32 to vector<2048x128xf32>
    %min3A_114 = arith.minimumf %min3A_113, %max3A_112 : vector<2048x128xf32>
    %mul3A_115 = arith.constant 5.000000e-01 : f32
    %mul3A_116 = vector.broadcast %mul3A_115 : f32 to vector<2048x128xf32>
    %mul3A_117 = arith.mulf %mul3A_116, %mul3A_105 : vector<2048x128xf32>
    %sub3A_118 = arith.subf %add3A_99, %mul3A_117 : vector<2048x128xf32>
    %jit3A_119 = arith.constant 0.000000e+00 : f32
    %jit3A_120 = arith.constant 8.000000e+02 : f32
    %max3A_121 = vector.broadcast %jit3A_119 : f32 to vector<2048x128xf32>
    %max3A_122 = arith.maximumf %max3A_121, %sub3A_118 : vector<2048x128xf32>
    %min3A_123 = vector.broadcast %jit3A_120 : f32 to vector<2048x128xf32>
    %min3A_124 = arith.minimumf %min3A_123, %max3A_122 : vector<2048x128xf32>
    %mul3A_125 = arith.constant 5.000000e-01 : f32
    %mul3A_126 = vector.broadcast %mul3A_125 : f32 to vector<2048x128xf32>
    %mul3A_127 = arith.mulf %mul3A_126, %mul3A_102 : vector<2048x128xf32>
    %add3A_128 = arith.addf %add3A_95, %mul3A_127 : vector<2048x128xf32>
    %jit3A_129 = arith.constant 0.000000e+00 : f32
    %jit3A_130 = arith.constant 1.216000e+03 : f32
    %max3A_131 = vector.broadcast %jit3A_129 : f32 to vector<2048x128xf32>
    %max3A_132 = arith.maximumf %max3A_131, %add3A_128 : vector<2048x128xf32>
    %min3A_133 = vector.broadcast %jit3A_130 : f32 to vector<2048x128xf32>
    %min3A_134 = arith.minimumf %min3A_133, %max3A_132 : vector<2048x128xf32>
    %mul3A_135 = arith.constant 5.000000e-01 : f32
    %mul3A_136 = vector.broadcast %mul3A_135 : f32 to vector<2048x128xf32>
    %mul3A_137 = arith.mulf %mul3A_136, %mul3A_105 : vector<2048x128xf32>
    %add3A_138 = arith.addf %add3A_99, %mul3A_137 : vector<2048x128xf32>
    %jit3A_139 = arith.constant 0.000000e+00 : f32
    %jit3A_140 = arith.constant 8.000000e+02 : f32
    %max3A_141 = vector.broadcast %jit3A_139 : f32 to vector<2048x128xf32>
    %max3A_142 = arith.maximumf %max3A_141, %add3A_138 : vector<2048x128xf32>
    %min3A_143 = vector.broadcast %jit3A_140 : f32 to vector<2048x128xf32>
    %min3A_144 = arith.minimumf %min3A_143, %max3A_142 : vector<2048x128xf32>
    %gt3A = arith.constant 5.000000e-02 : f32
    %gt3A_145 = vector.broadcast %gt3A : f32 to vector<2048x128xf32>
    %gt3A_146 = arith.cmpf ogt, %div3A_12, %gt3A_145 : vector<2048x128xf32>
    %sub3A_147 = arith.subf %min3A_134, %min3A_114 : vector<2048x128xf32>
    %ge3A = arith.constant 0.00999999977 : f32
    %ge3A_148 = vector.broadcast %ge3A : f32 to vector<2048x128xf32>
    %ge3A_149 = arith.cmpf oge, %sub3A_147, %ge3A_148 : vector<2048x128xf32>
    %and3A = arith.andi %gt3A_146, %ge3A_149 : vector<2048x128xi1>
    %sub3A_150 = arith.subf %min3A_144, %min3A_124 : vector<2048x128xf32>
    %ge3A_151 = arith.constant 0.00999999977 : f32
    %ge3A_152 = vector.broadcast %ge3A_151 : f32 to vector<2048x128xf32>
    %ge3A_153 = arith.cmpf oge, %sub3A_150, %ge3A_152 : vector<2048x128xf32>
    %and3A_154 = arith.andi %and3A, %ge3A_153 : vector<2048x128xi1>
    %ge3A_155 = arith.constant 1 : i32
    %ge3A_156 = vector.broadcast %ge3A_155 : i32 to vector<2048x128xi32>
    %ge3A_157 = arith.cmpi sge, %iota3A, %ge3A_156 : vector<2048x128xi32>
    %and3A_158 = arith.andi %and3A_154, %ge3A_157 : vector<2048x128xi1>
    %and3A_159 = arith.andi %and3A_158, %lt3A_1 : vector<2048x128xi1>
    %bitcast_convert_type3A = tpu.bitcast %div3A_12 : vector<2048x128xf32> -> vector<2048x128xi32>
    %jit3A_160 = arith.constant -2147483648 : i32
    %broadcast_in_dim3A_161 = vector.broadcast %jit3A_160 : i32 to vector<2048x128xi32>
    %select_n3A_162 = arith.select %and3A_159, %bitcast_convert_type3A, %broadcast_in_dim3A_161 : vector<2048x128xi1>, vector<2048x128xi32>
    %mul3A_163 = arith.constant 2048 : i32
    %mul3A_164 = arith.muli %arg0, %mul3A_163 : i32
    %iota3A_165 = tpu.iota {dimensions = array<i32: 0>} : vector<2048x1xi32>
    %add3A_166 = vector.broadcast %mul3A_164 : i32 to vector<2048x1xi32>
    %add3A_167 = arith.addi %add3A_166, %iota3A_165 : vector<2048x1xi32>
    %reduce_max3A_168 = arith.constant dense<-2147483648> : vector<2048xi32>
    %reduce_max3A_169 = vector.multi_reduction <maxsi>, %select_n3A_162, %reduce_max3A_168 [1] : vector<2048x128xi32> to vector<2048xi32>
    %broadcast_in_dim3A_170 = vector.shape_cast %reduce_max3A_169 : vector<2048xi32> to vector<2048x1xi32>
    %eq3A_171 = vector.broadcast %broadcast_in_dim3A_170 : vector<2048x1xi32> to vector<2048x128xi32>
    %eq3A_172 = arith.cmpi eq, %select_n3A_162, %eq3A_171 : vector<2048x128xi32>
    %jit3A_173 = arith.constant 128 : i32
    %broadcast_in_dim3A_174 = vector.broadcast %jit3A_173 : i32 to vector<2048x128xi32>
    %select_n3A_175 = arith.select %eq3A_172, %iota3A, %broadcast_in_dim3A_174 : vector<2048x128xi1>, vector<2048x128xi32>
    %reduce_min3A = arith.constant dense<2147483647> : vector<2048xi32>
    %reduce_min3A_176 = vector.multi_reduction <minsi>, %select_n3A_175, %reduce_min3A [1] : vector<2048x128xi32> to vector<2048xi32>
    %broadcast_in_dim3A_177 = vector.shape_cast %reduce_min3A_176 : vector<2048xi32> to vector<2048x1xi32>
    %mul3A_178 = arith.constant 512 : i32
    %mul3A_179 = vector.broadcast %mul3A_178 : i32 to vector<2048x1xi32>
    %mul3A_180 = arith.muli %add3A_167, %mul3A_179 : vector<2048x1xi32>
    %add3A_181 = arith.addi %mul3A_180, %broadcast_in_dim3A_177 : vector<2048x1xi32>
    %eq3A_182 = vector.broadcast %broadcast_in_dim3A_177 : vector<2048x1xi32> to vector<2048x128xi32>
    %eq3A_183 = arith.cmpi eq, %iota3A, %eq3A_182 : vector<2048x128xi32>
    %jit3A_184 = arith.constant -2147483648 : i32
    %broadcast_in_dim3A_185 = vector.broadcast %jit3A_184 : i32 to vector<2048x128xi32>
    %select_n3A_186 = arith.select %eq3A_183, %broadcast_in_dim3A_185, %select_n3A_162 : vector<2048x128xi1>, vector<2048x128xi32>
    %reduce_max3A_187 = arith.constant dense<-2147483648> : vector<2048xi32>
    %reduce_max3A_188 = vector.multi_reduction <maxsi>, %select_n3A_186, %reduce_max3A_187 [1] : vector<2048x128xi32> to vector<2048xi32>
    %broadcast_in_dim3A_189 = vector.shape_cast %reduce_max3A_188 : vector<2048xi32> to vector<2048x1xi32>
    %eq3A_190 = vector.broadcast %broadcast_in_dim3A_189 : vector<2048x1xi32> to vector<2048x128xi32>
    %eq3A_191 = arith.cmpi eq, %select_n3A_186, %eq3A_190 : vector<2048x128xi32>
    %jit3A_192 = arith.constant 128 : i32
    %broadcast_in_dim3A_193 = vector.broadcast %jit3A_192 : i32 to vector<2048x128xi32>
    %select_n3A_194 = arith.select %eq3A_191, %iota3A, %broadcast_in_dim3A_193 : vector<2048x128xi1>, vector<2048x128xi32>
    %reduce_min3A_195 = arith.constant dense<2147483647> : vector<2048xi32>
    %reduce_min3A_196 = vector.multi_reduction <minsi>, %select_n3A_194, %reduce_min3A_195 [1] : vector<2048x128xi32> to vector<2048xi32>
    %broadcast_in_dim3A_197 = vector.shape_cast %reduce_min3A_196 : vector<2048xi32> to vector<2048x1xi32>
    %mul3A_198 = arith.constant 512 : i32
    %mul3A_199 = vector.broadcast %mul3A_198 : i32 to vector<2048x1xi32>
    %mul3A_200 = arith.muli %add3A_167, %mul3A_199 : vector<2048x1xi32>
    %add3A_201 = arith.addi %mul3A_200, %broadcast_in_dim3A_197 : vector<2048x1xi32>
    %eq3A_202 = vector.broadcast %broadcast_in_dim3A_197 : vector<2048x1xi32> to vector<2048x128xi32>
    %eq3A_203 = arith.cmpi eq, %iota3A, %eq3A_202 : vector<2048x128xi32>
    %jit3A_204 = arith.constant -2147483648 : i32
    %broadcast_in_dim3A_205 = vector.broadcast %jit3A_204 : i32 to vector<2048x128xi32>
    %select_n3A_206 = arith.select %eq3A_203, %broadcast_in_dim3A_205, %select_n3A_186 : vector<2048x128xi1>, vector<2048x128xi32>
    %reduce_max3A_207 = arith.constant dense<-2147483648> : vector<2048xi32>
    %reduce_max3A_208 = vector.multi_reduction <maxsi>, %select_n3A_206, %reduce_max3A_207 [1] : vector<2048x128xi32> to vector<2048xi32>
    %broadcast_in_dim3A_209 = vector.shape_cast %reduce_max3A_208 : vector<2048xi32> to vector<2048x1xi32>
    %eq3A_210 = vector.broadcast %broadcast_in_dim3A_209 : vector<2048x1xi32> to vector<2048x128xi32>
    %eq3A_211 = arith.cmpi eq, %select_n3A_206, %eq3A_210 : vector<2048x128xi32>
    %jit3A_212 = arith.constant 128 : i32
    %broadcast_in_dim3A_213 = vector.broadcast %jit3A_212 : i32 to vector<2048x128xi32>
    %select_n3A_214 = arith.select %eq3A_211, %iota3A, %broadcast_in_dim3A_213 : vector<2048x128xi1>, vector<2048x128xi32>
    %reduce_min3A_215 = arith.constant dense<2147483647> : vector<2048xi32>
    %reduce_min3A_216 = vector.multi_reduction <minsi>, %select_n3A_214, %reduce_min3A_215 [1] : vector<2048x128xi32> to vector<2048xi32>
    %broadcast_in_dim3A_217 = vector.shape_cast %reduce_min3A_216 : vector<2048xi32> to vector<2048x1xi32>
    %mul3A_218 = arith.constant 512 : i32
    %mul3A_219 = vector.broadcast %mul3A_218 : i32 to vector<2048x1xi32>
    %mul3A_220 = arith.muli %add3A_167, %mul3A_219 : vector<2048x1xi32>
    %add3A_221 = arith.addi %mul3A_220, %broadcast_in_dim3A_217 : vector<2048x1xi32>
    %eq3A_222 = vector.broadcast %broadcast_in_dim3A_217 : vector<2048x1xi32> to vector<2048x128xi32>
    %eq3A_223 = arith.cmpi eq, %iota3A, %eq3A_222 : vector<2048x128xi32>
    %jit3A_224 = arith.constant -2147483648 : i32
    %broadcast_in_dim3A_225 = vector.broadcast %jit3A_224 : i32 to vector<2048x128xi32>
    %select_n3A_226 = arith.select %eq3A_223, %broadcast_in_dim3A_225, %select_n3A_206 : vector<2048x128xi1>, vector<2048x128xi32>
    %reduce_max3A_227 = arith.constant dense<-2147483648> : vector<2048xi32>
    %reduce_max3A_228 = vector.multi_reduction <maxsi>, %select_n3A_226, %reduce_max3A_227 [1] : vector<2048x128xi32> to vector<2048xi32>
    %broadcast_in_dim3A_229 = vector.shape_cast %reduce_max3A_228 : vector<2048xi32> to vector<2048x1xi32>
    %eq3A_230 = vector.broadcast %broadcast_in_dim3A_229 : vector<2048x1xi32> to vector<2048x128xi32>
    %eq3A_231 = arith.cmpi eq, %select_n3A_226, %eq3A_230 : vector<2048x128xi32>
    %jit3A_232 = arith.constant 128 : i32
    %broadcast_in_dim3A_233 = vector.broadcast %jit3A_232 : i32 to vector<2048x128xi32>
    %select_n3A_234 = arith.select %eq3A_231, %iota3A, %broadcast_in_dim3A_233 : vector<2048x128xi1>, vector<2048x128xi32>
    %reduce_min3A_235 = arith.constant dense<2147483647> : vector<2048xi32>
    %reduce_min3A_236 = vector.multi_reduction <minsi>, %select_n3A_234, %reduce_min3A_235 [1] : vector<2048x128xi32> to vector<2048xi32>
    %broadcast_in_dim3A_237 = vector.shape_cast %reduce_min3A_236 : vector<2048xi32> to vector<2048x1xi32>
    %mul3A_238 = arith.constant 512 : i32
    %mul3A_239 = vector.broadcast %mul3A_238 : i32 to vector<2048x1xi32>
    %mul3A_240 = arith.muli %add3A_167, %mul3A_239 : vector<2048x1xi32>
    %add3A_241 = arith.addi %mul3A_240, %broadcast_in_dim3A_237 : vector<2048x1xi32>
    %eq3A_242 = vector.broadcast %broadcast_in_dim3A_237 : vector<2048x1xi32> to vector<2048x128xi32>
    %eq3A_243 = arith.cmpi eq, %iota3A, %eq3A_242 : vector<2048x128xi32>
    %jit3A_244 = arith.constant -2147483648 : i32
    %broadcast_in_dim3A_245 = vector.broadcast %jit3A_244 : i32 to vector<2048x128xi32>
    %select_n3A_246 = arith.select %eq3A_243, %broadcast_in_dim3A_245, %select_n3A_226 : vector<2048x128xi1>, vector<2048x128xi32>
    %reduce_max3A_247 = arith.constant dense<-2147483648> : vector<2048xi32>
    %reduce_max3A_248 = vector.multi_reduction <maxsi>, %select_n3A_246, %reduce_max3A_247 [1] : vector<2048x128xi32> to vector<2048xi32>
    %broadcast_in_dim3A_249 = vector.shape_cast %reduce_max3A_248 : vector<2048xi32> to vector<2048x1xi32>
    %eq3A_250 = vector.broadcast %broadcast_in_dim3A_249 : vector<2048x1xi32> to vector<2048x128xi32>
    %eq3A_251 = arith.cmpi eq, %select_n3A_246, %eq3A_250 : vector<2048x128xi32>
    %jit3A_252 = arith.constant 128 : i32
    %broadcast_in_dim3A_253 = vector.broadcast %jit3A_252 : i32 to vector<2048x128xi32>
    %select_n3A_254 = arith.select %eq3A_251, %iota3A, %broadcast_in_dim3A_253 : vector<2048x128xi1>, vector<2048x128xi32>
    %reduce_min3A_255 = arith.constant dense<2147483647> : vector<2048xi32>
    %reduce_min3A_256 = vector.multi_reduction <minsi>, %select_n3A_254, %reduce_min3A_255 [1] : vector<2048x128xi32> to vector<2048xi32>
    %broadcast_in_dim3A_257 = vector.shape_cast %reduce_min3A_256 : vector<2048xi32> to vector<2048x1xi32>
    %mul3A_258 = arith.constant 512 : i32
    %mul3A_259 = vector.broadcast %mul3A_258 : i32 to vector<2048x1xi32>
    %mul3A_260 = arith.muli %add3A_167, %mul3A_259 : vector<2048x1xi32>
    %add3A_261 = arith.addi %mul3A_260, %broadcast_in_dim3A_257 : vector<2048x1xi32>
    %eq3A_262 = vector.broadcast %broadcast_in_dim3A_257 : vector<2048x1xi32> to vector<2048x128xi32>
    %eq3A_263 = arith.cmpi eq, %iota3A, %eq3A_262 : vector<2048x128xi32>
    %jit3A_264 = arith.constant -2147483648 : i32
    %broadcast_in_dim3A_265 = vector.broadcast %jit3A_264 : i32 to vector<2048x128xi32>
    %select_n3A_266 = arith.select %eq3A_263, %broadcast_in_dim3A_265, %select_n3A_246 : vector<2048x128xi1>, vector<2048x128xi32>
    %reduce_max3A_267 = arith.constant dense<-2147483648> : vector<2048xi32>
    %reduce_max3A_268 = vector.multi_reduction <maxsi>, %select_n3A_266, %reduce_max3A_267 [1] : vector<2048x128xi32> to vector<2048xi32>
    %broadcast_in_dim3A_269 = vector.shape_cast %reduce_max3A_268 : vector<2048xi32> to vector<2048x1xi32>
    %eq3A_270 = vector.broadcast %broadcast_in_dim3A_269 : vector<2048x1xi32> to vector<2048x128xi32>
    %eq3A_271 = arith.cmpi eq, %select_n3A_266, %eq3A_270 : vector<2048x128xi32>
    %jit3A_272 = arith.constant 128 : i32
    %broadcast_in_dim3A_273 = vector.broadcast %jit3A_272 : i32 to vector<2048x128xi32>
    %select_n3A_274 = arith.select %eq3A_271, %iota3A, %broadcast_in_dim3A_273 : vector<2048x128xi1>, vector<2048x128xi32>
    %reduce_min3A_275 = arith.constant dense<2147483647> : vector<2048xi32>
    %reduce_min3A_276 = vector.multi_reduction <minsi>, %select_n3A_274, %reduce_min3A_275 [1] : vector<2048x128xi32> to vector<2048xi32>
    %broadcast_in_dim3A_277 = vector.shape_cast %reduce_min3A_276 : vector<2048xi32> to vector<2048x1xi32>
    %mul3A_278 = arith.constant 512 : i32
    %mul3A_279 = vector.broadcast %mul3A_278 : i32 to vector<2048x1xi32>
    %mul3A_280 = arith.muli %add3A_167, %mul3A_279 : vector<2048x1xi32>
    %add3A_281 = arith.addi %mul3A_280, %broadcast_in_dim3A_277 : vector<2048x1xi32>
    %eq3A_282 = vector.broadcast %broadcast_in_dim3A_277 : vector<2048x1xi32> to vector<2048x128xi32>
    %eq3A_283 = arith.cmpi eq, %iota3A, %eq3A_282 : vector<2048x128xi32>
    %jit3A_284 = arith.constant -2147483648 : i32
    %broadcast_in_dim3A_285 = vector.broadcast %jit3A_284 : i32 to vector<2048x128xi32>
    %select_n3A_286 = arith.select %eq3A_283, %broadcast_in_dim3A_285, %select_n3A_266 : vector<2048x128xi1>, vector<2048x128xi32>
    %reduce_max3A_287 = arith.constant dense<-2147483648> : vector<2048xi32>
    %reduce_max3A_288 = vector.multi_reduction <maxsi>, %select_n3A_286, %reduce_max3A_287 [1] : vector<2048x128xi32> to vector<2048xi32>
    %broadcast_in_dim3A_289 = vector.shape_cast %reduce_max3A_288 : vector<2048xi32> to vector<2048x1xi32>
    %eq3A_290 = vector.broadcast %broadcast_in_dim3A_289 : vector<2048x1xi32> to vector<2048x128xi32>
    %eq3A_291 = arith.cmpi eq, %select_n3A_286, %eq3A_290 : vector<2048x128xi32>
    %jit3A_292 = arith.constant 128 : i32
    %broadcast_in_dim3A_293 = vector.broadcast %jit3A_292 : i32 to vector<2048x128xi32>
    %select_n3A_294 = arith.select %eq3A_291, %iota3A, %broadcast_in_dim3A_293 : vector<2048x128xi1>, vector<2048x128xi32>
    %reduce_min3A_295 = arith.constant dense<2147483647> : vector<2048xi32>
    %reduce_min3A_296 = vector.multi_reduction <minsi>, %select_n3A_294, %reduce_min3A_295 [1] : vector<2048x128xi32> to vector<2048xi32>
    %broadcast_in_dim3A_297 = vector.shape_cast %reduce_min3A_296 : vector<2048xi32> to vector<2048x1xi32>
    %mul3A_298 = arith.constant 512 : i32
    %mul3A_299 = vector.broadcast %mul3A_298 : i32 to vector<2048x1xi32>
    %mul3A_300 = arith.muli %add3A_167, %mul3A_299 : vector<2048x1xi32>
    %add3A_301 = arith.addi %mul3A_300, %broadcast_in_dim3A_297 : vector<2048x1xi32>
    %eq3A_302 = vector.broadcast %broadcast_in_dim3A_297 : vector<2048x1xi32> to vector<2048x128xi32>
    %eq3A_303 = arith.cmpi eq, %iota3A, %eq3A_302 : vector<2048x128xi32>
    %jit3A_304 = arith.constant -2147483648 : i32
    %broadcast_in_dim3A_305 = vector.broadcast %jit3A_304 : i32 to vector<2048x128xi32>
    %select_n3A_306 = arith.select %eq3A_303, %broadcast_in_dim3A_305, %select_n3A_286 : vector<2048x128xi1>, vector<2048x128xi32>
    %reduce_max3A_307 = arith.constant dense<-2147483648> : vector<2048xi32>
    %reduce_max3A_308 = vector.multi_reduction <maxsi>, %select_n3A_306, %reduce_max3A_307 [1] : vector<2048x128xi32> to vector<2048xi32>
    %broadcast_in_dim3A_309 = vector.shape_cast %reduce_max3A_308 : vector<2048xi32> to vector<2048x1xi32>
    %eq3A_310 = vector.broadcast %broadcast_in_dim3A_309 : vector<2048x1xi32> to vector<2048x128xi32>
    %eq3A_311 = arith.cmpi eq, %select_n3A_306, %eq3A_310 : vector<2048x128xi32>
    %jit3A_312 = arith.constant 128 : i32
    %broadcast_in_dim3A_313 = vector.broadcast %jit3A_312 : i32 to vector<2048x128xi32>
    %select_n3A_314 = arith.select %eq3A_311, %iota3A, %broadcast_in_dim3A_313 : vector<2048x128xi1>, vector<2048x128xi32>
    %reduce_min3A_315 = arith.constant dense<2147483647> : vector<2048xi32>
    %reduce_min3A_316 = vector.multi_reduction <minsi>, %select_n3A_314, %reduce_min3A_315 [1] : vector<2048x128xi32> to vector<2048xi32>
    %broadcast_in_dim3A_317 = vector.shape_cast %reduce_min3A_316 : vector<2048xi32> to vector<2048x1xi32>
    %mul3A_318 = arith.constant 512 : i32
    %mul3A_319 = vector.broadcast %mul3A_318 : i32 to vector<2048x1xi32>
    %mul3A_320 = arith.muli %add3A_167, %mul3A_319 : vector<2048x1xi32>
    %add3A_321 = arith.addi %mul3A_320, %broadcast_in_dim3A_317 : vector<2048x1xi32>
    %concatenate3A = tpu.concatenate %broadcast_in_dim3A_170, %broadcast_in_dim3A_189, %broadcast_in_dim3A_209, %broadcast_in_dim3A_229, %broadcast_in_dim3A_249, %broadcast_in_dim3A_269, %broadcast_in_dim3A_289, %broadcast_in_dim3A_309 in 1 : vector<2048x1xi32>, vector<2048x1xi32>, vector<2048x1xi32>, vector<2048x1xi32>, vector<2048x1xi32>, vector<2048x1xi32>, vector<2048x1xi32>, vector<2048x1xi32> -> vector<2048x8xi32>
    %swap3A = arith.constant 0 : index
    %swap3A_322 = arith.constant 0 : index
    %swap3A_323 = vector.load %arg4[%swap3A, %swap3A_322] : memref<2048x8xi32, #tpu.memory_space<vmem>>, vector<2048x8xi32>
    tpu.vector_store %arg4[%swap3A, %swap3A_322], %concatenate3A {strides = array<i32>} : memref<2048x8xi32, #tpu.memory_space<vmem>>, vector<2048x8xi32>,
    %concatenate3A_324 = tpu.concatenate %add3A_181, %add3A_201, %add3A_221, %add3A_241, %add3A_261, %add3A_281, %add3A_301, %add3A_321 in 1 : vector<2048x1xi32>, vector<2048x1xi32>, vector<2048x1xi32>, vector<2048x1xi32>, vector<2048x1xi32>, vector<2048x1xi32>, vector<2048x1xi32>, vector<2048x1xi32> -> vector<2048x8xi32>
    %swap3A_325 = arith.constant 0 : index
    %swap3A_326 = arith.constant 0 : index
    %swap3A_327 = vector.load %arg5[%swap3A_325, %swap3A_326] : memref<2048x8xi32, #tpu.memory_space<vmem>>, vector<2048x8xi32>
    tpu.vector_store %arg5[%swap3A_325, %swap3A_326], %concatenate3A_324 {strides = array<i32>} : memref<2048x8xi32, #tpu.memory_space<vmem>>, vector<2048x8xi32>,
    return
  }
  func.func @transform_0(%arg0: i32) -> (i32, i32) {
    %c0_i32 = arith.constant 0 : i32
    %c0_i32_0 = arith.constant 0 : i32
    return %arg0, %c0_i32 : i32, i32
  }
  func.func @transform_1(%arg0: i32) -> (i32, i32) {
    %c0_i32 = arith.constant 0 : i32
    %c0_i32_0 = arith.constant 0 : i32
    return %arg0, %c0_i32 : i32, i32
  }
  func.func @transform_2(%arg0: i32) -> (i32, i32) {
    %c0_i32 = arith.constant 0 : i32
    %c0_i32_0 = arith.constant 0 : i32
    return %arg0, %c0_i32 : i32, i32
  }
  func.func @transform_3(%arg0: i32) -> (i32, i32) {
    %c0_i32 = arith.constant 0 : i32
    %c0_i32_0 = arith.constant 0 : i32
    return %arg0, %c0_i32 : i32, i32
  }
  func.func @transform_4(%arg0: i32) -> (i32, i32) {
    %c0_i32 = arith.constant 0 : i32
    %c0_i32_0 = arith.constant 0 : i32
    return %arg0, %c0_i32 : i32, i32
  }
}

module attributes {stable_mosaic.version = 14 : i64} {
  func.func @_stage_a2_body(%arg0: memref<160x1024xi32, #tpu.memory_space<vmem>>, %arg1: memref<160x64xi32, #tpu.memory_space<vmem>>, %arg2: memref<160x64xi32, #tpu.memory_space<vmem>>) attributes {dimension_semantics = [], scalar_prefetch = 0 : i64, scratch_operands = 0 : i64, tpu.core_type = #tpu.core_type<tc>} {
    %iota3A = tpu.iota {dimensions = array<i32: 1>} : vector<160x1024xi32>
    %iota3A_0 = tpu.iota {dimensions = array<i32: 0>} : vector<160x1xi32>
    %get3A = arith.constant 0 : index
    %get3A_1 = arith.constant 0 : index
    %get3A_2 = vector.load %arg0[%get3A, %get3A_1] : memref<160x1024xi32, #tpu.memory_space<vmem>>, vector<160x1024xi32>
    %reduce_max3A = arith.constant dense<-2147483648> : vector<160xi32>
    %reduce_max3A_3 = vector.multi_reduction <maxsi>, %get3A_2, %reduce_max3A [1] : vector<160x1024xi32> to vector<160xi32>
    %broadcast_in_dim3A = vector.shape_cast %reduce_max3A_3 : vector<160xi32> to vector<160x1xi32>
    %eq3A = vector.broadcast %broadcast_in_dim3A : vector<160x1xi32> to vector<160x1024xi32>
    %eq3A_4 = arith.cmpi eq, %get3A_2, %eq3A : vector<160x1024xi32>
    %jit3A = arith.constant 1024 : i32
    %broadcast_in_dim3A_5 = vector.broadcast %jit3A : i32 to vector<160x1024xi32>
    %select_n3A = arith.select %eq3A_4, %iota3A, %broadcast_in_dim3A_5 : vector<160x1024xi1>, vector<160x1024xi32>
    %reduce_min3A = arith.constant dense<2147483647> : vector<160xi32>
    %reduce_min3A_6 = vector.multi_reduction <minsi>, %select_n3A, %reduce_min3A [1] : vector<160x1024xi32> to vector<160xi32>
    %broadcast_in_dim3A_7 = vector.shape_cast %reduce_min3A_6 : vector<160xi32> to vector<160x1xi32>
    %mul3A = arith.constant 1024 : i32
    %mul3A_8 = vector.broadcast %mul3A : i32 to vector<160x1xi32>
    %mul3A_9 = arith.muli %iota3A_0, %mul3A_8 : vector<160x1xi32>
    %add3A = arith.addi %mul3A_9, %broadcast_in_dim3A_7 : vector<160x1xi32>
    %eq3A_10 = vector.broadcast %broadcast_in_dim3A_7 : vector<160x1xi32> to vector<160x1024xi32>
    %eq3A_11 = arith.cmpi eq, %iota3A, %eq3A_10 : vector<160x1024xi32>
    %jit3A_12 = arith.constant -2147483648 : i32
    %broadcast_in_dim3A_13 = vector.broadcast %jit3A_12 : i32 to vector<160x1024xi32>
    %select_n3A_14 = arith.select %eq3A_11, %broadcast_in_dim3A_13, %get3A_2 : vector<160x1024xi1>, vector<160x1024xi32>
    %reduce_max3A_15 = arith.constant dense<-2147483648> : vector<160xi32>
    %reduce_max3A_16 = vector.multi_reduction <maxsi>, %select_n3A_14, %reduce_max3A_15 [1] : vector<160x1024xi32> to vector<160xi32>
    %broadcast_in_dim3A_17 = vector.shape_cast %reduce_max3A_16 : vector<160xi32> to vector<160x1xi32>
    %eq3A_18 = vector.broadcast %broadcast_in_dim3A_17 : vector<160x1xi32> to vector<160x1024xi32>
    %eq3A_19 = arith.cmpi eq, %select_n3A_14, %eq3A_18 : vector<160x1024xi32>
    %jit3A_20 = arith.constant 1024 : i32
    %broadcast_in_dim3A_21 = vector.broadcast %jit3A_20 : i32 to vector<160x1024xi32>
    %select_n3A_22 = arith.select %eq3A_19, %iota3A, %broadcast_in_dim3A_21 : vector<160x1024xi1>, vector<160x1024xi32>
    %reduce_min3A_23 = arith.constant dense<2147483647> : vector<160xi32>
    %reduce_min3A_24 = vector.multi_reduction <minsi>, %select_n3A_22, %reduce_min3A_23 [1] : vector<160x1024xi32> to vector<160xi32>
    %broadcast_in_dim3A_25 = vector.shape_cast %reduce_min3A_24 : vector<160xi32> to vector<160x1xi32>
    %mul3A_26 = arith.constant 1024 : i32
    %mul3A_27 = vector.broadcast %mul3A_26 : i32 to vector<160x1xi32>
    %mul3A_28 = arith.muli %iota3A_0, %mul3A_27 : vector<160x1xi32>
    %add3A_29 = arith.addi %mul3A_28, %broadcast_in_dim3A_25 : vector<160x1xi32>
    %eq3A_30 = vector.broadcast %broadcast_in_dim3A_25 : vector<160x1xi32> to vector<160x1024xi32>
    %eq3A_31 = arith.cmpi eq, %iota3A, %eq3A_30 : vector<160x1024xi32>
    %jit3A_32 = arith.constant -2147483648 : i32
    %broadcast_in_dim3A_33 = vector.broadcast %jit3A_32 : i32 to vector<160x1024xi32>
    %select_n3A_34 = arith.select %eq3A_31, %broadcast_in_dim3A_33, %select_n3A_14 : vector<160x1024xi1>, vector<160x1024xi32>
    %reduce_max3A_35 = arith.constant dense<-2147483648> : vector<160xi32>
    %reduce_max3A_36 = vector.multi_reduction <maxsi>, %select_n3A_34, %reduce_max3A_35 [1] : vector<160x1024xi32> to vector<160xi32>
    %broadcast_in_dim3A_37 = vector.shape_cast %reduce_max3A_36 : vector<160xi32> to vector<160x1xi32>
    %eq3A_38 = vector.broadcast %broadcast_in_dim3A_37 : vector<160x1xi32> to vector<160x1024xi32>
    %eq3A_39 = arith.cmpi eq, %select_n3A_34, %eq3A_38 : vector<160x1024xi32>
    %jit3A_40 = arith.constant 1024 : i32
    %broadcast_in_dim3A_41 = vector.broadcast %jit3A_40 : i32 to vector<160x1024xi32>
    %select_n3A_42 = arith.select %eq3A_39, %iota3A, %broadcast_in_dim3A_41 : vector<160x1024xi1>, vector<160x1024xi32>
    %reduce_min3A_43 = arith.constant dense<2147483647> : vector<160xi32>
    %reduce_min3A_44 = vector.multi_reduction <minsi>, %select_n3A_42, %reduce_min3A_43 [1] : vector<160x1024xi32> to vector<160xi32>
    %broadcast_in_dim3A_45 = vector.shape_cast %reduce_min3A_44 : vector<160xi32> to vector<160x1xi32>
    %mul3A_46 = arith.constant 1024 : i32
    %mul3A_47 = vector.broadcast %mul3A_46 : i32 to vector<160x1xi32>
    %mul3A_48 = arith.muli %iota3A_0, %mul3A_47 : vector<160x1xi32>
    %add3A_49 = arith.addi %mul3A_48, %broadcast_in_dim3A_45 : vector<160x1xi32>
    %eq3A_50 = vector.broadcast %broadcast_in_dim3A_45 : vector<160x1xi32> to vector<160x1024xi32>
    %eq3A_51 = arith.cmpi eq, %iota3A, %eq3A_50 : vector<160x1024xi32>
    %jit3A_52 = arith.constant -2147483648 : i32
    %broadcast_in_dim3A_53 = vector.broadcast %jit3A_52 : i32 to vector<160x1024xi32>
    %select_n3A_54 = arith.select %eq3A_51, %broadcast_in_dim3A_53, %select_n3A_34 : vector<160x1024xi1>, vector<160x1024xi32>
    %reduce_max3A_55 = arith.constant dense<-2147483648> : vector<160xi32>
    %reduce_max3A_56 = vector.multi_reduction <maxsi>, %select_n3A_54, %reduce_max3A_55 [1] : vector<160x1024xi32> to vector<160xi32>
    %broadcast_in_dim3A_57 = vector.shape_cast %reduce_max3A_56 : vector<160xi32> to vector<160x1xi32>
    %eq3A_58 = vector.broadcast %broadcast_in_dim3A_57 : vector<160x1xi32> to vector<160x1024xi32>
    %eq3A_59 = arith.cmpi eq, %select_n3A_54, %eq3A_58 : vector<160x1024xi32>
    %jit3A_60 = arith.constant 1024 : i32
    %broadcast_in_dim3A_61 = vector.broadcast %jit3A_60 : i32 to vector<160x1024xi32>
    %select_n3A_62 = arith.select %eq3A_59, %iota3A, %broadcast_in_dim3A_61 : vector<160x1024xi1>, vector<160x1024xi32>
    %reduce_min3A_63 = arith.constant dense<2147483647> : vector<160xi32>
    %reduce_min3A_64 = vector.multi_reduction <minsi>, %select_n3A_62, %reduce_min3A_63 [1] : vector<160x1024xi32> to vector<160xi32>
    %broadcast_in_dim3A_65 = vector.shape_cast %reduce_min3A_64 : vector<160xi32> to vector<160x1xi32>
    %mul3A_66 = arith.constant 1024 : i32
    %mul3A_67 = vector.broadcast %mul3A_66 : i32 to vector<160x1xi32>
    %mul3A_68 = arith.muli %iota3A_0, %mul3A_67 : vector<160x1xi32>
    %add3A_69 = arith.addi %mul3A_68, %broadcast_in_dim3A_65 : vector<160x1xi32>
    %eq3A_70 = vector.broadcast %broadcast_in_dim3A_65 : vector<160x1xi32> to vector<160x1024xi32>
    %eq3A_71 = arith.cmpi eq, %iota3A, %eq3A_70 : vector<160x1024xi32>
    %jit3A_72 = arith.constant -2147483648 : i32
    %broadcast_in_dim3A_73 = vector.broadcast %jit3A_72 : i32 to vector<160x1024xi32>
    %select_n3A_74 = arith.select %eq3A_71, %broadcast_in_dim3A_73, %select_n3A_54 : vector<160x1024xi1>, vector<160x1024xi32>
    %reduce_max3A_75 = arith.constant dense<-2147483648> : vector<160xi32>
    %reduce_max3A_76 = vector.multi_reduction <maxsi>, %select_n3A_74, %reduce_max3A_75 [1] : vector<160x1024xi32> to vector<160xi32>
    %broadcast_in_dim3A_77 = vector.shape_cast %reduce_max3A_76 : vector<160xi32> to vector<160x1xi32>
    %eq3A_78 = vector.broadcast %broadcast_in_dim3A_77 : vector<160x1xi32> to vector<160x1024xi32>
    %eq3A_79 = arith.cmpi eq, %select_n3A_74, %eq3A_78 : vector<160x1024xi32>
    %jit3A_80 = arith.constant 1024 : i32
    %broadcast_in_dim3A_81 = vector.broadcast %jit3A_80 : i32 to vector<160x1024xi32>
    %select_n3A_82 = arith.select %eq3A_79, %iota3A, %broadcast_in_dim3A_81 : vector<160x1024xi1>, vector<160x1024xi32>
    %reduce_min3A_83 = arith.constant dense<2147483647> : vector<160xi32>
    %reduce_min3A_84 = vector.multi_reduction <minsi>, %select_n3A_82, %reduce_min3A_83 [1] : vector<160x1024xi32> to vector<160xi32>
    %broadcast_in_dim3A_85 = vector.shape_cast %reduce_min3A_84 : vector<160xi32> to vector<160x1xi32>
    %mul3A_86 = arith.constant 1024 : i32
    %mul3A_87 = vector.broadcast %mul3A_86 : i32 to vector<160x1xi32>
    %mul3A_88 = arith.muli %iota3A_0, %mul3A_87 : vector<160x1xi32>
    %add3A_89 = arith.addi %mul3A_88, %broadcast_in_dim3A_85 : vector<160x1xi32>
    %eq3A_90 = vector.broadcast %broadcast_in_dim3A_85 : vector<160x1xi32> to vector<160x1024xi32>
    %eq3A_91 = arith.cmpi eq, %iota3A, %eq3A_90 : vector<160x1024xi32>
    %jit3A_92 = arith.constant -2147483648 : i32
    %broadcast_in_dim3A_93 = vector.broadcast %jit3A_92 : i32 to vector<160x1024xi32>
    %select_n3A_94 = arith.select %eq3A_91, %broadcast_in_dim3A_93, %select_n3A_74 : vector<160x1024xi1>, vector<160x1024xi32>
    %reduce_max3A_95 = arith.constant dense<-2147483648> : vector<160xi32>
    %reduce_max3A_96 = vector.multi_reduction <maxsi>, %select_n3A_94, %reduce_max3A_95 [1] : vector<160x1024xi32> to vector<160xi32>
    %broadcast_in_dim3A_97 = vector.shape_cast %reduce_max3A_96 : vector<160xi32> to vector<160x1xi32>
    %eq3A_98 = vector.broadcast %broadcast_in_dim3A_97 : vector<160x1xi32> to vector<160x1024xi32>
    %eq3A_99 = arith.cmpi eq, %select_n3A_94, %eq3A_98 : vector<160x1024xi32>
    %jit3A_100 = arith.constant 1024 : i32
    %broadcast_in_dim3A_101 = vector.broadcast %jit3A_100 : i32 to vector<160x1024xi32>
    %select_n3A_102 = arith.select %eq3A_99, %iota3A, %broadcast_in_dim3A_101 : vector<160x1024xi1>, vector<160x1024xi32>
    %reduce_min3A_103 = arith.constant dense<2147483647> : vector<160xi32>
    %reduce_min3A_104 = vector.multi_reduction <minsi>, %select_n3A_102, %reduce_min3A_103 [1] : vector<160x1024xi32> to vector<160xi32>
    %broadcast_in_dim3A_105 = vector.shape_cast %reduce_min3A_104 : vector<160xi32> to vector<160x1xi32>
    %mul3A_106 = arith.constant 1024 : i32
    %mul3A_107 = vector.broadcast %mul3A_106 : i32 to vector<160x1xi32>
    %mul3A_108 = arith.muli %iota3A_0, %mul3A_107 : vector<160x1xi32>
    %add3A_109 = arith.addi %mul3A_108, %broadcast_in_dim3A_105 : vector<160x1xi32>
    %eq3A_110 = vector.broadcast %broadcast_in_dim3A_105 : vector<160x1xi32> to vector<160x1024xi32>
    %eq3A_111 = arith.cmpi eq, %iota3A, %eq3A_110 : vector<160x1024xi32>
    %jit3A_112 = arith.constant -2147483648 : i32
    %broadcast_in_dim3A_113 = vector.broadcast %jit3A_112 : i32 to vector<160x1024xi32>
    %select_n3A_114 = arith.select %eq3A_111, %broadcast_in_dim3A_113, %select_n3A_94 : vector<160x1024xi1>, vector<160x1024xi32>
    %reduce_max3A_115 = arith.constant dense<-2147483648> : vector<160xi32>
    %reduce_max3A_116 = vector.multi_reduction <maxsi>, %select_n3A_114, %reduce_max3A_115 [1] : vector<160x1024xi32> to vector<160xi32>
    %broadcast_in_dim3A_117 = vector.shape_cast %reduce_max3A_116 : vector<160xi32> to vector<160x1xi32>
    %eq3A_118 = vector.broadcast %broadcast_in_dim3A_117 : vector<160x1xi32> to vector<160x1024xi32>
    %eq3A_119 = arith.cmpi eq, %select_n3A_114, %eq3A_118 : vector<160x1024xi32>
    %jit3A_120 = arith.constant 1024 : i32
    %broadcast_in_dim3A_121 = vector.broadcast %jit3A_120 : i32 to vector<160x1024xi32>
    %select_n3A_122 = arith.select %eq3A_119, %iota3A, %broadcast_in_dim3A_121 : vector<160x1024xi1>, vector<160x1024xi32>
    %reduce_min3A_123 = arith.constant dense<2147483647> : vector<160xi32>
    %reduce_min3A_124 = vector.multi_reduction <minsi>, %select_n3A_122, %reduce_min3A_123 [1] : vector<160x1024xi32> to vector<160xi32>
    %broadcast_in_dim3A_125 = vector.shape_cast %reduce_min3A_124 : vector<160xi32> to vector<160x1xi32>
    %mul3A_126 = arith.constant 1024 : i32
    %mul3A_127 = vector.broadcast %mul3A_126 : i32 to vector<160x1xi32>
    %mul3A_128 = arith.muli %iota3A_0, %mul3A_127 : vector<160x1xi32>
    %add3A_129 = arith.addi %mul3A_128, %broadcast_in_dim3A_125 : vector<160x1xi32>
    %eq3A_130 = vector.broadcast %broadcast_in_dim3A_125 : vector<160x1xi32> to vector<160x1024xi32>
    %eq3A_131 = arith.cmpi eq, %iota3A, %eq3A_130 : vector<160x1024xi32>
    %jit3A_132 = arith.constant -2147483648 : i32
    %broadcast_in_dim3A_133 = vector.broadcast %jit3A_132 : i32 to vector<160x1024xi32>
    %select_n3A_134 = arith.select %eq3A_131, %broadcast_in_dim3A_133, %select_n3A_114 : vector<160x1024xi1>, vector<160x1024xi32>
    %reduce_max3A_135 = arith.constant dense<-2147483648> : vector<160xi32>
    %reduce_max3A_136 = vector.multi_reduction <maxsi>, %select_n3A_134, %reduce_max3A_135 [1] : vector<160x1024xi32> to vector<160xi32>
    %broadcast_in_dim3A_137 = vector.shape_cast %reduce_max3A_136 : vector<160xi32> to vector<160x1xi32>
    %eq3A_138 = vector.broadcast %broadcast_in_dim3A_137 : vector<160x1xi32> to vector<160x1024xi32>
    %eq3A_139 = arith.cmpi eq, %select_n3A_134, %eq3A_138 : vector<160x1024xi32>
    %jit3A_140 = arith.constant 1024 : i32
    %broadcast_in_dim3A_141 = vector.broadcast %jit3A_140 : i32 to vector<160x1024xi32>
    %select_n3A_142 = arith.select %eq3A_139, %iota3A, %broadcast_in_dim3A_141 : vector<160x1024xi1>, vector<160x1024xi32>
    %reduce_min3A_143 = arith.constant dense<2147483647> : vector<160xi32>
    %reduce_min3A_144 = vector.multi_reduction <minsi>, %select_n3A_142, %reduce_min3A_143 [1] : vector<160x1024xi32> to vector<160xi32>
    %broadcast_in_dim3A_145 = vector.shape_cast %reduce_min3A_144 : vector<160xi32> to vector<160x1xi32>
    %mul3A_146 = arith.constant 1024 : i32
    %mul3A_147 = vector.broadcast %mul3A_146 : i32 to vector<160x1xi32>
    %mul3A_148 = arith.muli %iota3A_0, %mul3A_147 : vector<160x1xi32>
    %add3A_149 = arith.addi %mul3A_148, %broadcast_in_dim3A_145 : vector<160x1xi32>
    %eq3A_150 = vector.broadcast %broadcast_in_dim3A_145 : vector<160x1xi32> to vector<160x1024xi32>
    %eq3A_151 = arith.cmpi eq, %iota3A, %eq3A_150 : vector<160x1024xi32>
    %jit3A_152 = arith.constant -2147483648 : i32
    %broadcast_in_dim3A_153 = vector.broadcast %jit3A_152 : i32 to vector<160x1024xi32>
    %select_n3A_154 = arith.select %eq3A_151, %broadcast_in_dim3A_153, %select_n3A_134 : vector<160x1024xi1>, vector<160x1024xi32>
    %reduce_max3A_155 = arith.constant dense<-2147483648> : vector<160xi32>
    %reduce_max3A_156 = vector.multi_reduction <maxsi>, %select_n3A_154, %reduce_max3A_155 [1] : vector<160x1024xi32> to vector<160xi32>
    %broadcast_in_dim3A_157 = vector.shape_cast %reduce_max3A_156 : vector<160xi32> to vector<160x1xi32>
    %eq3A_158 = vector.broadcast %broadcast_in_dim3A_157 : vector<160x1xi32> to vector<160x1024xi32>
    %eq3A_159 = arith.cmpi eq, %select_n3A_154, %eq3A_158 : vector<160x1024xi32>
    %jit3A_160 = arith.constant 1024 : i32
    %broadcast_in_dim3A_161 = vector.broadcast %jit3A_160 : i32 to vector<160x1024xi32>
    %select_n3A_162 = arith.select %eq3A_159, %iota3A, %broadcast_in_dim3A_161 : vector<160x1024xi1>, vector<160x1024xi32>
    %reduce_min3A_163 = arith.constant dense<2147483647> : vector<160xi32>
    %reduce_min3A_164 = vector.multi_reduction <minsi>, %select_n3A_162, %reduce_min3A_163 [1] : vector<160x1024xi32> to vector<160xi32>
    %broadcast_in_dim3A_165 = vector.shape_cast %reduce_min3A_164 : vector<160xi32> to vector<160x1xi32>
    %mul3A_166 = arith.constant 1024 : i32
    %mul3A_167 = vector.broadcast %mul3A_166 : i32 to vector<160x1xi32>
    %mul3A_168 = arith.muli %iota3A_0, %mul3A_167 : vector<160x1xi32>
    %add3A_169 = arith.addi %mul3A_168, %broadcast_in_dim3A_165 : vector<160x1xi32>
    %eq3A_170 = vector.broadcast %broadcast_in_dim3A_165 : vector<160x1xi32> to vector<160x1024xi32>
    %eq3A_171 = arith.cmpi eq, %iota3A, %eq3A_170 : vector<160x1024xi32>
    %jit3A_172 = arith.constant -2147483648 : i32
    %broadcast_in_dim3A_173 = vector.broadcast %jit3A_172 : i32 to vector<160x1024xi32>
    %select_n3A_174 = arith.select %eq3A_171, %broadcast_in_dim3A_173, %select_n3A_154 : vector<160x1024xi1>, vector<160x1024xi32>
    %reduce_max3A_175 = arith.constant dense<-2147483648> : vector<160xi32>
    %reduce_max3A_176 = vector.multi_reduction <maxsi>, %select_n3A_174, %reduce_max3A_175 [1] : vector<160x1024xi32> to vector<160xi32>
    %broadcast_in_dim3A_177 = vector.shape_cast %reduce_max3A_176 : vector<160xi32> to vector<160x1xi32>
    %eq3A_178 = vector.broadcast %broadcast_in_dim3A_177 : vector<160x1xi32> to vector<160x1024xi32>
    %eq3A_179 = arith.cmpi eq, %select_n3A_174, %eq3A_178 : vector<160x1024xi32>
    %jit3A_180 = arith.constant 1024 : i32
    %broadcast_in_dim3A_181 = vector.broadcast %jit3A_180 : i32 to vector<160x1024xi32>
    %select_n3A_182 = arith.select %eq3A_179, %iota3A, %broadcast_in_dim3A_181 : vector<160x1024xi1>, vector<160x1024xi32>
    %reduce_min3A_183 = arith.constant dense<2147483647> : vector<160xi32>
    %reduce_min3A_184 = vector.multi_reduction <minsi>, %select_n3A_182, %reduce_min3A_183 [1] : vector<160x1024xi32> to vector<160xi32>
    %broadcast_in_dim3A_185 = vector.shape_cast %reduce_min3A_184 : vector<160xi32> to vector<160x1xi32>
    %mul3A_186 = arith.constant 1024 : i32
    %mul3A_187 = vector.broadcast %mul3A_186 : i32 to vector<160x1xi32>
    %mul3A_188 = arith.muli %iota3A_0, %mul3A_187 : vector<160x1xi32>
    %add3A_189 = arith.addi %mul3A_188, %broadcast_in_dim3A_185 : vector<160x1xi32>
    %eq3A_190 = vector.broadcast %broadcast_in_dim3A_185 : vector<160x1xi32> to vector<160x1024xi32>
    %eq3A_191 = arith.cmpi eq, %iota3A, %eq3A_190 : vector<160x1024xi32>
    %jit3A_192 = arith.constant -2147483648 : i32
    %broadcast_in_dim3A_193 = vector.broadcast %jit3A_192 : i32 to vector<160x1024xi32>
    %select_n3A_194 = arith.select %eq3A_191, %broadcast_in_dim3A_193, %select_n3A_174 : vector<160x1024xi1>, vector<160x1024xi32>
    %reduce_max3A_195 = arith.constant dense<-2147483648> : vector<160xi32>
    %reduce_max3A_196 = vector.multi_reduction <maxsi>, %select_n3A_194, %reduce_max3A_195 [1] : vector<160x1024xi32> to vector<160xi32>
    %broadcast_in_dim3A_197 = vector.shape_cast %reduce_max3A_196 : vector<160xi32> to vector<160x1xi32>
    %eq3A_198 = vector.broadcast %broadcast_in_dim3A_197 : vector<160x1xi32> to vector<160x1024xi32>
    %eq3A_199 = arith.cmpi eq, %select_n3A_194, %eq3A_198 : vector<160x1024xi32>
    %jit3A_200 = arith.constant 1024 : i32
    %broadcast_in_dim3A_201 = vector.broadcast %jit3A_200 : i32 to vector<160x1024xi32>
    %select_n3A_202 = arith.select %eq3A_199, %iota3A, %broadcast_in_dim3A_201 : vector<160x1024xi1>, vector<160x1024xi32>
    %reduce_min3A_203 = arith.constant dense<2147483647> : vector<160xi32>
    %reduce_min3A_204 = vector.multi_reduction <minsi>, %select_n3A_202, %reduce_min3A_203 [1] : vector<160x1024xi32> to vector<160xi32>
    %broadcast_in_dim3A_205 = vector.shape_cast %reduce_min3A_204 : vector<160xi32> to vector<160x1xi32>
    %mul3A_206 = arith.constant 1024 : i32
    %mul3A_207 = vector.broadcast %mul3A_206 : i32 to vector<160x1xi32>
    %mul3A_208 = arith.muli %iota3A_0, %mul3A_207 : vector<160x1xi32>
    %add3A_209 = arith.addi %mul3A_208, %broadcast_in_dim3A_205 : vector<160x1xi32>
    %eq3A_210 = vector.broadcast %broadcast_in_dim3A_205 : vector<160x1xi32> to vector<160x1024xi32>
    %eq3A_211 = arith.cmpi eq, %iota3A, %eq3A_210 : vector<160x1024xi32>
    %jit3A_212 = arith.constant -2147483648 : i32
    %broadcast_in_dim3A_213 = vector.broadcast %jit3A_212 : i32 to vector<160x1024xi32>
    %select_n3A_214 = arith.select %eq3A_211, %broadcast_in_dim3A_213, %select_n3A_194 : vector<160x1024xi1>, vector<160x1024xi32>
    %reduce_max3A_215 = arith.constant dense<-2147483648> : vector<160xi32>
    %reduce_max3A_216 = vector.multi_reduction <maxsi>, %select_n3A_214, %reduce_max3A_215 [1] : vector<160x1024xi32> to vector<160xi32>
    %broadcast_in_dim3A_217 = vector.shape_cast %reduce_max3A_216 : vector<160xi32> to vector<160x1xi32>
    %eq3A_218 = vector.broadcast %broadcast_in_dim3A_217 : vector<160x1xi32> to vector<160x1024xi32>
    %eq3A_219 = arith.cmpi eq, %select_n3A_214, %eq3A_218 : vector<160x1024xi32>
    %jit3A_220 = arith.constant 1024 : i32
    %broadcast_in_dim3A_221 = vector.broadcast %jit3A_220 : i32 to vector<160x1024xi32>
    %select_n3A_222 = arith.select %eq3A_219, %iota3A, %broadcast_in_dim3A_221 : vector<160x1024xi1>, vector<160x1024xi32>
    %reduce_min3A_223 = arith.constant dense<2147483647> : vector<160xi32>
    %reduce_min3A_224 = vector.multi_reduction <minsi>, %select_n3A_222, %reduce_min3A_223 [1] : vector<160x1024xi32> to vector<160xi32>
    %broadcast_in_dim3A_225 = vector.shape_cast %reduce_min3A_224 : vector<160xi32> to vector<160x1xi32>
    %mul3A_226 = arith.constant 1024 : i32
    %mul3A_227 = vector.broadcast %mul3A_226 : i32 to vector<160x1xi32>
    %mul3A_228 = arith.muli %iota3A_0, %mul3A_227 : vector<160x1xi32>
    %add3A_229 = arith.addi %mul3A_228, %broadcast_in_dim3A_225 : vector<160x1xi32>
    %eq3A_230 = vector.broadcast %broadcast_in_dim3A_225 : vector<160x1xi32> to vector<160x1024xi32>
    %eq3A_231 = arith.cmpi eq, %iota3A, %eq3A_230 : vector<160x1024xi32>
    %jit3A_232 = arith.constant -2147483648 : i32
    %broadcast_in_dim3A_233 = vector.broadcast %jit3A_232 : i32 to vector<160x1024xi32>
    %select_n3A_234 = arith.select %eq3A_231, %broadcast_in_dim3A_233, %select_n3A_214 : vector<160x1024xi1>, vector<160x1024xi32>
    %reduce_max3A_235 = arith.constant dense<-2147483648> : vector<160xi32>
    %reduce_max3A_236 = vector.multi_reduction <maxsi>, %select_n3A_234, %reduce_max3A_235 [1] : vector<160x1024xi32> to vector<160xi32>
    %broadcast_in_dim3A_237 = vector.shape_cast %reduce_max3A_236 : vector<160xi32> to vector<160x1xi32>
    %eq3A_238 = vector.broadcast %broadcast_in_dim3A_237 : vector<160x1xi32> to vector<160x1024xi32>
    %eq3A_239 = arith.cmpi eq, %select_n3A_234, %eq3A_238 : vector<160x1024xi32>
    %jit3A_240 = arith.constant 1024 : i32
    %broadcast_in_dim3A_241 = vector.broadcast %jit3A_240 : i32 to vector<160x1024xi32>
    %select_n3A_242 = arith.select %eq3A_239, %iota3A, %broadcast_in_dim3A_241 : vector<160x1024xi1>, vector<160x1024xi32>
    %reduce_min3A_243 = arith.constant dense<2147483647> : vector<160xi32>
    %reduce_min3A_244 = vector.multi_reduction <minsi>, %select_n3A_242, %reduce_min3A_243 [1] : vector<160x1024xi32> to vector<160xi32>
    %broadcast_in_dim3A_245 = vector.shape_cast %reduce_min3A_244 : vector<160xi32> to vector<160x1xi32>
    %mul3A_246 = arith.constant 1024 : i32
    %mul3A_247 = vector.broadcast %mul3A_246 : i32 to vector<160x1xi32>
    %mul3A_248 = arith.muli %iota3A_0, %mul3A_247 : vector<160x1xi32>
    %add3A_249 = arith.addi %mul3A_248, %broadcast_in_dim3A_245 : vector<160x1xi32>
    %eq3A_250 = vector.broadcast %broadcast_in_dim3A_245 : vector<160x1xi32> to vector<160x1024xi32>
    %eq3A_251 = arith.cmpi eq, %iota3A, %eq3A_250 : vector<160x1024xi32>
    %jit3A_252 = arith.constant -2147483648 : i32
    %broadcast_in_dim3A_253 = vector.broadcast %jit3A_252 : i32 to vector<160x1024xi32>
    %select_n3A_254 = arith.select %eq3A_251, %broadcast_in_dim3A_253, %select_n3A_234 : vector<160x1024xi1>, vector<160x1024xi32>
    %reduce_max3A_255 = arith.constant dense<-2147483648> : vector<160xi32>
    %reduce_max3A_256 = vector.multi_reduction <maxsi>, %select_n3A_254, %reduce_max3A_255 [1] : vector<160x1024xi32> to vector<160xi32>
    %broadcast_in_dim3A_257 = vector.shape_cast %reduce_max3A_256 : vector<160xi32> to vector<160x1xi32>
    %eq3A_258 = vector.broadcast %broadcast_in_dim3A_257 : vector<160x1xi32> to vector<160x1024xi32>
    %eq3A_259 = arith.cmpi eq, %select_n3A_254, %eq3A_258 : vector<160x1024xi32>
    %jit3A_260 = arith.constant 1024 : i32
    %broadcast_in_dim3A_261 = vector.broadcast %jit3A_260 : i32 to vector<160x1024xi32>
    %select_n3A_262 = arith.select %eq3A_259, %iota3A, %broadcast_in_dim3A_261 : vector<160x1024xi1>, vector<160x1024xi32>
    %reduce_min3A_263 = arith.constant dense<2147483647> : vector<160xi32>
    %reduce_min3A_264 = vector.multi_reduction <minsi>, %select_n3A_262, %reduce_min3A_263 [1] : vector<160x1024xi32> to vector<160xi32>
    %broadcast_in_dim3A_265 = vector.shape_cast %reduce_min3A_264 : vector<160xi32> to vector<160x1xi32>
    %mul3A_266 = arith.constant 1024 : i32
    %mul3A_267 = vector.broadcast %mul3A_266 : i32 to vector<160x1xi32>
    %mul3A_268 = arith.muli %iota3A_0, %mul3A_267 : vector<160x1xi32>
    %add3A_269 = arith.addi %mul3A_268, %broadcast_in_dim3A_265 : vector<160x1xi32>
    %eq3A_270 = vector.broadcast %broadcast_in_dim3A_265 : vector<160x1xi32> to vector<160x1024xi32>
    %eq3A_271 = arith.cmpi eq, %iota3A, %eq3A_270 : vector<160x1024xi32>
    %jit3A_272 = arith.constant -2147483648 : i32
    %broadcast_in_dim3A_273 = vector.broadcast %jit3A_272 : i32 to vector<160x1024xi32>
    %select_n3A_274 = arith.select %eq3A_271, %broadcast_in_dim3A_273, %select_n3A_254 : vector<160x1024xi1>, vector<160x1024xi32>
    %reduce_max3A_275 = arith.constant dense<-2147483648> : vector<160xi32>
    %reduce_max3A_276 = vector.multi_reduction <maxsi>, %select_n3A_274, %reduce_max3A_275 [1] : vector<160x1024xi32> to vector<160xi32>
    %broadcast_in_dim3A_277 = vector.shape_cast %reduce_max3A_276 : vector<160xi32> to vector<160x1xi32>
    %eq3A_278 = vector.broadcast %broadcast_in_dim3A_277 : vector<160x1xi32> to vector<160x1024xi32>
    %eq3A_279 = arith.cmpi eq, %select_n3A_274, %eq3A_278 : vector<160x1024xi32>
    %jit3A_280 = arith.constant 1024 : i32
    %broadcast_in_dim3A_281 = vector.broadcast %jit3A_280 : i32 to vector<160x1024xi32>
    %select_n3A_282 = arith.select %eq3A_279, %iota3A, %broadcast_in_dim3A_281 : vector<160x1024xi1>, vector<160x1024xi32>
    %reduce_min3A_283 = arith.constant dense<2147483647> : vector<160xi32>
    %reduce_min3A_284 = vector.multi_reduction <minsi>, %select_n3A_282, %reduce_min3A_283 [1] : vector<160x1024xi32> to vector<160xi32>
    %broadcast_in_dim3A_285 = vector.shape_cast %reduce_min3A_284 : vector<160xi32> to vector<160x1xi32>
    %mul3A_286 = arith.constant 1024 : i32
    %mul3A_287 = vector.broadcast %mul3A_286 : i32 to vector<160x1xi32>
    %mul3A_288 = arith.muli %iota3A_0, %mul3A_287 : vector<160x1xi32>
    %add3A_289 = arith.addi %mul3A_288, %broadcast_in_dim3A_285 : vector<160x1xi32>
    %eq3A_290 = vector.broadcast %broadcast_in_dim3A_285 : vector<160x1xi32> to vector<160x1024xi32>
    %eq3A_291 = arith.cmpi eq, %iota3A, %eq3A_290 : vector<160x1024xi32>
    %jit3A_292 = arith.constant -2147483648 : i32
    %broadcast_in_dim3A_293 = vector.broadcast %jit3A_292 : i32 to vector<160x1024xi32>
    %select_n3A_294 = arith.select %eq3A_291, %broadcast_in_dim3A_293, %select_n3A_274 : vector<160x1024xi1>, vector<160x1024xi32>
    %reduce_max3A_295 = arith.constant dense<-2147483648> : vector<160xi32>
    %reduce_max3A_296 = vector.multi_reduction <maxsi>, %select_n3A_294, %reduce_max3A_295 [1] : vector<160x1024xi32> to vector<160xi32>
    %broadcast_in_dim3A_297 = vector.shape_cast %reduce_max3A_296 : vector<160xi32> to vector<160x1xi32>
    %eq3A_298 = vector.broadcast %broadcast_in_dim3A_297 : vector<160x1xi32> to vector<160x1024xi32>
    %eq3A_299 = arith.cmpi eq, %select_n3A_294, %eq3A_298 : vector<160x1024xi32>
    %jit3A_300 = arith.constant 1024 : i32
    %broadcast_in_dim3A_301 = vector.broadcast %jit3A_300 : i32 to vector<160x1024xi32>
    %select_n3A_302 = arith.select %eq3A_299, %iota3A, %broadcast_in_dim3A_301 : vector<160x1024xi1>, vector<160x1024xi32>
    %reduce_min3A_303 = arith.constant dense<2147483647> : vector<160xi32>
    %reduce_min3A_304 = vector.multi_reduction <minsi>, %select_n3A_302, %reduce_min3A_303 [1] : vector<160x1024xi32> to vector<160xi32>
    %broadcast_in_dim3A_305 = vector.shape_cast %reduce_min3A_304 : vector<160xi32> to vector<160x1xi32>
    %mul3A_306 = arith.constant 1024 : i32
    %mul3A_307 = vector.broadcast %mul3A_306 : i32 to vector<160x1xi32>
    %mul3A_308 = arith.muli %iota3A_0, %mul3A_307 : vector<160x1xi32>
    %add3A_309 = arith.addi %mul3A_308, %broadcast_in_dim3A_305 : vector<160x1xi32>
    %eq3A_310 = vector.broadcast %broadcast_in_dim3A_305 : vector<160x1xi32> to vector<160x1024xi32>
    %eq3A_311 = arith.cmpi eq, %iota3A, %eq3A_310 : vector<160x1024xi32>
    %jit3A_312 = arith.constant -2147483648 : i32
    %broadcast_in_dim3A_313 = vector.broadcast %jit3A_312 : i32 to vector<160x1024xi32>
    %select_n3A_314 = arith.select %eq3A_311, %broadcast_in_dim3A_313, %select_n3A_294 : vector<160x1024xi1>, vector<160x1024xi32>
    %reduce_max3A_315 = arith.constant dense<-2147483648> : vector<160xi32>
    %reduce_max3A_316 = vector.multi_reduction <maxsi>, %select_n3A_314, %reduce_max3A_315 [1] : vector<160x1024xi32> to vector<160xi32>
    %broadcast_in_dim3A_317 = vector.shape_cast %reduce_max3A_316 : vector<160xi32> to vector<160x1xi32>
    %eq3A_318 = vector.broadcast %broadcast_in_dim3A_317 : vector<160x1xi32> to vector<160x1024xi32>
    %eq3A_319 = arith.cmpi eq, %select_n3A_314, %eq3A_318 : vector<160x1024xi32>
    %jit3A_320 = arith.constant 1024 : i32
    %broadcast_in_dim3A_321 = vector.broadcast %jit3A_320 : i32 to vector<160x1024xi32>
    %select_n3A_322 = arith.select %eq3A_319, %iota3A, %broadcast_in_dim3A_321 : vector<160x1024xi1>, vector<160x1024xi32>
    %reduce_min3A_323 = arith.constant dense<2147483647> : vector<160xi32>
    %reduce_min3A_324 = vector.multi_reduction <minsi>, %select_n3A_322, %reduce_min3A_323 [1] : vector<160x1024xi32> to vector<160xi32>
    %broadcast_in_dim3A_325 = vector.shape_cast %reduce_min3A_324 : vector<160xi32> to vector<160x1xi32>
    %mul3A_326 = arith.constant 1024 : i32
    %mul3A_327 = vector.broadcast %mul3A_326 : i32 to vector<160x1xi32>
    %mul3A_328 = arith.muli %iota3A_0, %mul3A_327 : vector<160x1xi32>
    %add3A_329 = arith.addi %mul3A_328, %broadcast_in_dim3A_325 : vector<160x1xi32>
    %eq3A_330 = vector.broadcast %broadcast_in_dim3A_325 : vector<160x1xi32> to vector<160x1024xi32>
    %eq3A_331 = arith.cmpi eq, %iota3A, %eq3A_330 : vector<160x1024xi32>
    %jit3A_332 = arith.constant -2147483648 : i32
    %broadcast_in_dim3A_333 = vector.broadcast %jit3A_332 : i32 to vector<160x1024xi32>
    %select_n3A_334 = arith.select %eq3A_331, %broadcast_in_dim3A_333, %select_n3A_314 : vector<160x1024xi1>, vector<160x1024xi32>
    %reduce_max3A_335 = arith.constant dense<-2147483648> : vector<160xi32>
    %reduce_max3A_336 = vector.multi_reduction <maxsi>, %select_n3A_334, %reduce_max3A_335 [1] : vector<160x1024xi32> to vector<160xi32>
    %broadcast_in_dim3A_337 = vector.shape_cast %reduce_max3A_336 : vector<160xi32> to vector<160x1xi32>
    %eq3A_338 = vector.broadcast %broadcast_in_dim3A_337 : vector<160x1xi32> to vector<160x1024xi32>
    %eq3A_339 = arith.cmpi eq, %select_n3A_334, %eq3A_338 : vector<160x1024xi32>
    %jit3A_340 = arith.constant 1024 : i32
    %broadcast_in_dim3A_341 = vector.broadcast %jit3A_340 : i32 to vector<160x1024xi32>
    %select_n3A_342 = arith.select %eq3A_339, %iota3A, %broadcast_in_dim3A_341 : vector<160x1024xi1>, vector<160x1024xi32>
    %reduce_min3A_343 = arith.constant dense<2147483647> : vector<160xi32>
    %reduce_min3A_344 = vector.multi_reduction <minsi>, %select_n3A_342, %reduce_min3A_343 [1] : vector<160x1024xi32> to vector<160xi32>
    %broadcast_in_dim3A_345 = vector.shape_cast %reduce_min3A_344 : vector<160xi32> to vector<160x1xi32>
    %mul3A_346 = arith.constant 1024 : i32
    %mul3A_347 = vector.broadcast %mul3A_346 : i32 to vector<160x1xi32>
    %mul3A_348 = arith.muli %iota3A_0, %mul3A_347 : vector<160x1xi32>
    %add3A_349 = arith.addi %mul3A_348, %broadcast_in_dim3A_345 : vector<160x1xi32>
    %eq3A_350 = vector.broadcast %broadcast_in_dim3A_345 : vector<160x1xi32> to vector<160x1024xi32>
    %eq3A_351 = arith.cmpi eq, %iota3A, %eq3A_350 : vector<160x1024xi32>
    %jit3A_352 = arith.constant -2147483648 : i32
    %broadcast_in_dim3A_353 = vector.broadcast %jit3A_352 : i32 to vector<160x1024xi32>
    %select_n3A_354 = arith.select %eq3A_351, %broadcast_in_dim3A_353, %select_n3A_334 : vector<160x1024xi1>, vector<160x1024xi32>
    %reduce_max3A_355 = arith.constant dense<-2147483648> : vector<160xi32>
    %reduce_max3A_356 = vector.multi_reduction <maxsi>, %select_n3A_354, %reduce_max3A_355 [1] : vector<160x1024xi32> to vector<160xi32>
    %broadcast_in_dim3A_357 = vector.shape_cast %reduce_max3A_356 : vector<160xi32> to vector<160x1xi32>
    %eq3A_358 = vector.broadcast %broadcast_in_dim3A_357 : vector<160x1xi32> to vector<160x1024xi32>
    %eq3A_359 = arith.cmpi eq, %select_n3A_354, %eq3A_358 : vector<160x1024xi32>
    %jit3A_360 = arith.constant 1024 : i32
    %broadcast_in_dim3A_361 = vector.broadcast %jit3A_360 : i32 to vector<160x1024xi32>
    %select_n3A_362 = arith.select %eq3A_359, %iota3A, %broadcast_in_dim3A_361 : vector<160x1024xi1>, vector<160x1024xi32>
    %reduce_min3A_363 = arith.constant dense<2147483647> : vector<160xi32>
    %reduce_min3A_364 = vector.multi_reduction <minsi>, %select_n3A_362, %reduce_min3A_363 [1] : vector<160x1024xi32> to vector<160xi32>
    %broadcast_in_dim3A_365 = vector.shape_cast %reduce_min3A_364 : vector<160xi32> to vector<160x1xi32>
    %mul3A_366 = arith.constant 1024 : i32
    %mul3A_367 = vector.broadcast %mul3A_366 : i32 to vector<160x1xi32>
    %mul3A_368 = arith.muli %iota3A_0, %mul3A_367 : vector<160x1xi32>
    %add3A_369 = arith.addi %mul3A_368, %broadcast_in_dim3A_365 : vector<160x1xi32>
    %eq3A_370 = vector.broadcast %broadcast_in_dim3A_365 : vector<160x1xi32> to vector<160x1024xi32>
    %eq3A_371 = arith.cmpi eq, %iota3A, %eq3A_370 : vector<160x1024xi32>
    %jit3A_372 = arith.constant -2147483648 : i32
    %broadcast_in_dim3A_373 = vector.broadcast %jit3A_372 : i32 to vector<160x1024xi32>
    %select_n3A_374 = arith.select %eq3A_371, %broadcast_in_dim3A_373, %select_n3A_354 : vector<160x1024xi1>, vector<160x1024xi32>
    %reduce_max3A_375 = arith.constant dense<-2147483648> : vector<160xi32>
    %reduce_max3A_376 = vector.multi_reduction <maxsi>, %select_n3A_374, %reduce_max3A_375 [1] : vector<160x1024xi32> to vector<160xi32>
    %broadcast_in_dim3A_377 = vector.shape_cast %reduce_max3A_376 : vector<160xi32> to vector<160x1xi32>
    %eq3A_378 = vector.broadcast %broadcast_in_dim3A_377 : vector<160x1xi32> to vector<160x1024xi32>
    %eq3A_379 = arith.cmpi eq, %select_n3A_374, %eq3A_378 : vector<160x1024xi32>
    %jit3A_380 = arith.constant 1024 : i32
    %broadcast_in_dim3A_381 = vector.broadcast %jit3A_380 : i32 to vector<160x1024xi32>
    %select_n3A_382 = arith.select %eq3A_379, %iota3A, %broadcast_in_dim3A_381 : vector<160x1024xi1>, vector<160x1024xi32>
    %reduce_min3A_383 = arith.constant dense<2147483647> : vector<160xi32>
    %reduce_min3A_384 = vector.multi_reduction <minsi>, %select_n3A_382, %reduce_min3A_383 [1] : vector<160x1024xi32> to vector<160xi32>
    %broadcast_in_dim3A_385 = vector.shape_cast %reduce_min3A_384 : vector<160xi32> to vector<160x1xi32>
    %mul3A_386 = arith.constant 1024 : i32
    %mul3A_387 = vector.broadcast %mul3A_386 : i32 to vector<160x1xi32>
    %mul3A_388 = arith.muli %iota3A_0, %mul3A_387 : vector<160x1xi32>
    %add3A_389 = arith.addi %mul3A_388, %broadcast_in_dim3A_385 : vector<160x1xi32>
    %eq3A_390 = vector.broadcast %broadcast_in_dim3A_385 : vector<160x1xi32> to vector<160x1024xi32>
    %eq3A_391 = arith.cmpi eq, %iota3A, %eq3A_390 : vector<160x1024xi32>
    %jit3A_392 = arith.constant -2147483648 : i32
    %broadcast_in_dim3A_393 = vector.broadcast %jit3A_392 : i32 to vector<160x1024xi32>
    %select_n3A_394 = arith.select %eq3A_391, %broadcast_in_dim3A_393, %select_n3A_374 : vector<160x1024xi1>, vector<160x1024xi32>
    %reduce_max3A_395 = arith.constant dense<-2147483648> : vector<160xi32>
    %reduce_max3A_396 = vector.multi_reduction <maxsi>, %select_n3A_394, %reduce_max3A_395 [1] : vector<160x1024xi32> to vector<160xi32>
    %broadcast_in_dim3A_397 = vector.shape_cast %reduce_max3A_396 : vector<160xi32> to vector<160x1xi32>
    %eq3A_398 = vector.broadcast %broadcast_in_dim3A_397 : vector<160x1xi32> to vector<160x1024xi32>
    %eq3A_399 = arith.cmpi eq, %select_n3A_394, %eq3A_398 : vector<160x1024xi32>
    %jit3A_400 = arith.constant 1024 : i32
    %broadcast_in_dim3A_401 = vector.broadcast %jit3A_400 : i32 to vector<160x1024xi32>
    %select_n3A_402 = arith.select %eq3A_399, %iota3A, %broadcast_in_dim3A_401 : vector<160x1024xi1>, vector<160x1024xi32>
    %reduce_min3A_403 = arith.constant dense<2147483647> : vector<160xi32>
    %reduce_min3A_404 = vector.multi_reduction <minsi>, %select_n3A_402, %reduce_min3A_403 [1] : vector<160x1024xi32> to vector<160xi32>
    %broadcast_in_dim3A_405 = vector.shape_cast %reduce_min3A_404 : vector<160xi32> to vector<160x1xi32>
    %mul3A_406 = arith.constant 1024 : i32
    %mul3A_407 = vector.broadcast %mul3A_406 : i32 to vector<160x1xi32>
    %mul3A_408 = arith.muli %iota3A_0, %mul3A_407 : vector<160x1xi32>
    %add3A_409 = arith.addi %mul3A_408, %broadcast_in_dim3A_405 : vector<160x1xi32>
    %eq3A_410 = vector.broadcast %broadcast_in_dim3A_405 : vector<160x1xi32> to vector<160x1024xi32>
    %eq3A_411 = arith.cmpi eq, %iota3A, %eq3A_410 : vector<160x1024xi32>
    %jit3A_412 = arith.constant -2147483648 : i32
    %broadcast_in_dim3A_413 = vector.broadcast %jit3A_412 : i32 to vector<160x1024xi32>
    %select_n3A_414 = arith.select %eq3A_411, %broadcast_in_dim3A_413, %select_n3A_394 : vector<160x1024xi1>, vector<160x1024xi32>
    %reduce_max3A_415 = arith.constant dense<-2147483648> : vector<160xi32>
    %reduce_max3A_416 = vector.multi_reduction <maxsi>, %select_n3A_414, %reduce_max3A_415 [1] : vector<160x1024xi32> to vector<160xi32>
    %broadcast_in_dim3A_417 = vector.shape_cast %reduce_max3A_416 : vector<160xi32> to vector<160x1xi32>
    %eq3A_418 = vector.broadcast %broadcast_in_dim3A_417 : vector<160x1xi32> to vector<160x1024xi32>
    %eq3A_419 = arith.cmpi eq, %select_n3A_414, %eq3A_418 : vector<160x1024xi32>
    %jit3A_420 = arith.constant 1024 : i32
    %broadcast_in_dim3A_421 = vector.broadcast %jit3A_420 : i32 to vector<160x1024xi32>
    %select_n3A_422 = arith.select %eq3A_419, %iota3A, %broadcast_in_dim3A_421 : vector<160x1024xi1>, vector<160x1024xi32>
    %reduce_min3A_423 = arith.constant dense<2147483647> : vector<160xi32>
    %reduce_min3A_424 = vector.multi_reduction <minsi>, %select_n3A_422, %reduce_min3A_423 [1] : vector<160x1024xi32> to vector<160xi32>
    %broadcast_in_dim3A_425 = vector.shape_cast %reduce_min3A_424 : vector<160xi32> to vector<160x1xi32>
    %mul3A_426 = arith.constant 1024 : i32
    %mul3A_427 = vector.broadcast %mul3A_426 : i32 to vector<160x1xi32>
    %mul3A_428 = arith.muli %iota3A_0, %mul3A_427 : vector<160x1xi32>
    %add3A_429 = arith.addi %mul3A_428, %broadcast_in_dim3A_425 : vector<160x1xi32>
    %eq3A_430 = vector.broadcast %broadcast_in_dim3A_425 : vector<160x1xi32> to vector<160x1024xi32>
    %eq3A_431 = arith.cmpi eq, %iota3A, %eq3A_430 : vector<160x1024xi32>
    %jit3A_432 = arith.constant -2147483648 : i32
    %broadcast_in_dim3A_433 = vector.broadcast %jit3A_432 : i32 to vector<160x1024xi32>
    %select_n3A_434 = arith.select %eq3A_431, %broadcast_in_dim3A_433, %select_n3A_414 : vector<160x1024xi1>, vector<160x1024xi32>
    %reduce_max3A_435 = arith.constant dense<-2147483648> : vector<160xi32>
    %reduce_max3A_436 = vector.multi_reduction <maxsi>, %select_n3A_434, %reduce_max3A_435 [1] : vector<160x1024xi32> to vector<160xi32>
    %broadcast_in_dim3A_437 = vector.shape_cast %reduce_max3A_436 : vector<160xi32> to vector<160x1xi32>
    %eq3A_438 = vector.broadcast %broadcast_in_dim3A_437 : vector<160x1xi32> to vector<160x1024xi32>
    %eq3A_439 = arith.cmpi eq, %select_n3A_434, %eq3A_438 : vector<160x1024xi32>
    %jit3A_440 = arith.constant 1024 : i32
    %broadcast_in_dim3A_441 = vector.broadcast %jit3A_440 : i32 to vector<160x1024xi32>
    %select_n3A_442 = arith.select %eq3A_439, %iota3A, %broadcast_in_dim3A_441 : vector<160x1024xi1>, vector<160x1024xi32>
    %reduce_min3A_443 = arith.constant dense<2147483647> : vector<160xi32>
    %reduce_min3A_444 = vector.multi_reduction <minsi>, %select_n3A_442, %reduce_min3A_443 [1] : vector<160x1024xi32> to vector<160xi32>
    %broadcast_in_dim3A_445 = vector.shape_cast %reduce_min3A_444 : vector<160xi32> to vector<160x1xi32>
    %mul3A_446 = arith.constant 1024 : i32
    %mul3A_447 = vector.broadcast %mul3A_446 : i32 to vector<160x1xi32>
    %mul3A_448 = arith.muli %iota3A_0, %mul3A_447 : vector<160x1xi32>
    %add3A_449 = arith.addi %mul3A_448, %broadcast_in_dim3A_445 : vector<160x1xi32>
    %eq3A_450 = vector.broadcast %broadcast_in_dim3A_445 : vector<160x1xi32> to vector<160x1024xi32>
    %eq3A_451 = arith.cmpi eq, %iota3A, %eq3A_450 : vector<160x1024xi32>
    %jit3A_452 = arith.constant -2147483648 : i32
    %broadcast_in_dim3A_453 = vector.broadcast %jit3A_452 : i32 to vector<160x1024xi32>
    %select_n3A_454 = arith.select %eq3A_451, %broadcast_in_dim3A_453, %select_n3A_434 : vector<160x1024xi1>, vector<160x1024xi32>
    %reduce_max3A_455 = arith.constant dense<-2147483648> : vector<160xi32>
    %reduce_max3A_456 = vector.multi_reduction <maxsi>, %select_n3A_454, %reduce_max3A_455 [1] : vector<160x1024xi32> to vector<160xi32>
    %broadcast_in_dim3A_457 = vector.shape_cast %reduce_max3A_456 : vector<160xi32> to vector<160x1xi32>
    %eq3A_458 = vector.broadcast %broadcast_in_dim3A_457 : vector<160x1xi32> to vector<160x1024xi32>
    %eq3A_459 = arith.cmpi eq, %select_n3A_454, %eq3A_458 : vector<160x1024xi32>
    %jit3A_460 = arith.constant 1024 : i32
    %broadcast_in_dim3A_461 = vector.broadcast %jit3A_460 : i32 to vector<160x1024xi32>
    %select_n3A_462 = arith.select %eq3A_459, %iota3A, %broadcast_in_dim3A_461 : vector<160x1024xi1>, vector<160x1024xi32>
    %reduce_min3A_463 = arith.constant dense<2147483647> : vector<160xi32>
    %reduce_min3A_464 = vector.multi_reduction <minsi>, %select_n3A_462, %reduce_min3A_463 [1] : vector<160x1024xi32> to vector<160xi32>
    %broadcast_in_dim3A_465 = vector.shape_cast %reduce_min3A_464 : vector<160xi32> to vector<160x1xi32>
    %mul3A_466 = arith.constant 1024 : i32
    %mul3A_467 = vector.broadcast %mul3A_466 : i32 to vector<160x1xi32>
    %mul3A_468 = arith.muli %iota3A_0, %mul3A_467 : vector<160x1xi32>
    %add3A_469 = arith.addi %mul3A_468, %broadcast_in_dim3A_465 : vector<160x1xi32>
    %eq3A_470 = vector.broadcast %broadcast_in_dim3A_465 : vector<160x1xi32> to vector<160x1024xi32>
    %eq3A_471 = arith.cmpi eq, %iota3A, %eq3A_470 : vector<160x1024xi32>
    %jit3A_472 = arith.constant -2147483648 : i32
    %broadcast_in_dim3A_473 = vector.broadcast %jit3A_472 : i32 to vector<160x1024xi32>
    %select_n3A_474 = arith.select %eq3A_471, %broadcast_in_dim3A_473, %select_n3A_454 : vector<160x1024xi1>, vector<160x1024xi32>
    %reduce_max3A_475 = arith.constant dense<-2147483648> : vector<160xi32>
    %reduce_max3A_476 = vector.multi_reduction <maxsi>, %select_n3A_474, %reduce_max3A_475 [1] : vector<160x1024xi32> to vector<160xi32>
    %broadcast_in_dim3A_477 = vector.shape_cast %reduce_max3A_476 : vector<160xi32> to vector<160x1xi32>
    %eq3A_478 = vector.broadcast %broadcast_in_dim3A_477 : vector<160x1xi32> to vector<160x1024xi32>
    %eq3A_479 = arith.cmpi eq, %select_n3A_474, %eq3A_478 : vector<160x1024xi32>
    %jit3A_480 = arith.constant 1024 : i32
    %broadcast_in_dim3A_481 = vector.broadcast %jit3A_480 : i32 to vector<160x1024xi32>
    %select_n3A_482 = arith.select %eq3A_479, %iota3A, %broadcast_in_dim3A_481 : vector<160x1024xi1>, vector<160x1024xi32>
    %reduce_min3A_483 = arith.constant dense<2147483647> : vector<160xi32>
    %reduce_min3A_484 = vector.multi_reduction <minsi>, %select_n3A_482, %reduce_min3A_483 [1] : vector<160x1024xi32> to vector<160xi32>
    %broadcast_in_dim3A_485 = vector.shape_cast %reduce_min3A_484 : vector<160xi32> to vector<160x1xi32>
    %mul3A_486 = arith.constant 1024 : i32
    %mul3A_487 = vector.broadcast %mul3A_486 : i32 to vector<160x1xi32>
    %mul3A_488 = arith.muli %iota3A_0, %mul3A_487 : vector<160x1xi32>
    %add3A_489 = arith.addi %mul3A_488, %broadcast_in_dim3A_485 : vector<160x1xi32>
    %eq3A_490 = vector.broadcast %broadcast_in_dim3A_485 : vector<160x1xi32> to vector<160x1024xi32>
    %eq3A_491 = arith.cmpi eq, %iota3A, %eq3A_490 : vector<160x1024xi32>
    %jit3A_492 = arith.constant -2147483648 : i32
    %broadcast_in_dim3A_493 = vector.broadcast %jit3A_492 : i32 to vector<160x1024xi32>
    %select_n3A_494 = arith.select %eq3A_491, %broadcast_in_dim3A_493, %select_n3A_474 : vector<160x1024xi1>, vector<160x1024xi32>
    %reduce_max3A_495 = arith.constant dense<-2147483648> : vector<160xi32>
    %reduce_max3A_496 = vector.multi_reduction <maxsi>, %select_n3A_494, %reduce_max3A_495 [1] : vector<160x1024xi32> to vector<160xi32>
    %broadcast_in_dim3A_497 = vector.shape_cast %reduce_max3A_496 : vector<160xi32> to vector<160x1xi32>
    %eq3A_498 = vector.broadcast %broadcast_in_dim3A_497 : vector<160x1xi32> to vector<160x1024xi32>
    %eq3A_499 = arith.cmpi eq, %select_n3A_494, %eq3A_498 : vector<160x1024xi32>
    %jit3A_500 = arith.constant 1024 : i32
    %broadcast_in_dim3A_501 = vector.broadcast %jit3A_500 : i32 to vector<160x1024xi32>
    %select_n3A_502 = arith.select %eq3A_499, %iota3A, %broadcast_in_dim3A_501 : vector<160x1024xi1>, vector<160x1024xi32>
    %reduce_min3A_503 = arith.constant dense<2147483647> : vector<160xi32>
    %reduce_min3A_504 = vector.multi_reduction <minsi>, %select_n3A_502, %reduce_min3A_503 [1] : vector<160x1024xi32> to vector<160xi32>
    %broadcast_in_dim3A_505 = vector.shape_cast %reduce_min3A_504 : vector<160xi32> to vector<160x1xi32>
    %mul3A_506 = arith.constant 1024 : i32
    %mul3A_507 = vector.broadcast %mul3A_506 : i32 to vector<160x1xi32>
    %mul3A_508 = arith.muli %iota3A_0, %mul3A_507 : vector<160x1xi32>
    %add3A_509 = arith.addi %mul3A_508, %broadcast_in_dim3A_505 : vector<160x1xi32>
    %eq3A_510 = vector.broadcast %broadcast_in_dim3A_505 : vector<160x1xi32> to vector<160x1024xi32>
    %eq3A_511 = arith.cmpi eq, %iota3A, %eq3A_510 : vector<160x1024xi32>
    %jit3A_512 = arith.constant -2147483648 : i32
    %broadcast_in_dim3A_513 = vector.broadcast %jit3A_512 : i32 to vector<160x1024xi32>
    %select_n3A_514 = arith.select %eq3A_511, %broadcast_in_dim3A_513, %select_n3A_494 : vector<160x1024xi1>, vector<160x1024xi32>
    %reduce_max3A_515 = arith.constant dense<-2147483648> : vector<160xi32>
    %reduce_max3A_516 = vector.multi_reduction <maxsi>, %select_n3A_514, %reduce_max3A_515 [1] : vector<160x1024xi32> to vector<160xi32>
    %broadcast_in_dim3A_517 = vector.shape_cast %reduce_max3A_516 : vector<160xi32> to vector<160x1xi32>
    %eq3A_518 = vector.broadcast %broadcast_in_dim3A_517 : vector<160x1xi32> to vector<160x1024xi32>
    %eq3A_519 = arith.cmpi eq, %select_n3A_514, %eq3A_518 : vector<160x1024xi32>
    %jit3A_520 = arith.constant 1024 : i32
    %broadcast_in_dim3A_521 = vector.broadcast %jit3A_520 : i32 to vector<160x1024xi32>
    %select_n3A_522 = arith.select %eq3A_519, %iota3A, %broadcast_in_dim3A_521 : vector<160x1024xi1>, vector<160x1024xi32>
    %reduce_min3A_523 = arith.constant dense<2147483647> : vector<160xi32>
    %reduce_min3A_524 = vector.multi_reduction <minsi>, %select_n3A_522, %reduce_min3A_523 [1] : vector<160x1024xi32> to vector<160xi32>
    %broadcast_in_dim3A_525 = vector.shape_cast %reduce_min3A_524 : vector<160xi32> to vector<160x1xi32>
    %mul3A_526 = arith.constant 1024 : i32
    %mul3A_527 = vector.broadcast %mul3A_526 : i32 to vector<160x1xi32>
    %mul3A_528 = arith.muli %iota3A_0, %mul3A_527 : vector<160x1xi32>
    %add3A_529 = arith.addi %mul3A_528, %broadcast_in_dim3A_525 : vector<160x1xi32>
    %eq3A_530 = vector.broadcast %broadcast_in_dim3A_525 : vector<160x1xi32> to vector<160x1024xi32>
    %eq3A_531 = arith.cmpi eq, %iota3A, %eq3A_530 : vector<160x1024xi32>
    %jit3A_532 = arith.constant -2147483648 : i32
    %broadcast_in_dim3A_533 = vector.broadcast %jit3A_532 : i32 to vector<160x1024xi32>
    %select_n3A_534 = arith.select %eq3A_531, %broadcast_in_dim3A_533, %select_n3A_514 : vector<160x1024xi1>, vector<160x1024xi32>
    %reduce_max3A_535 = arith.constant dense<-2147483648> : vector<160xi32>
    %reduce_max3A_536 = vector.multi_reduction <maxsi>, %select_n3A_534, %reduce_max3A_535 [1] : vector<160x1024xi32> to vector<160xi32>
    %broadcast_in_dim3A_537 = vector.shape_cast %reduce_max3A_536 : vector<160xi32> to vector<160x1xi32>
    %eq3A_538 = vector.broadcast %broadcast_in_dim3A_537 : vector<160x1xi32> to vector<160x1024xi32>
    %eq3A_539 = arith.cmpi eq, %select_n3A_534, %eq3A_538 : vector<160x1024xi32>
    %jit3A_540 = arith.constant 1024 : i32
    %broadcast_in_dim3A_541 = vector.broadcast %jit3A_540 : i32 to vector<160x1024xi32>
    %select_n3A_542 = arith.select %eq3A_539, %iota3A, %broadcast_in_dim3A_541 : vector<160x1024xi1>, vector<160x1024xi32>
    %reduce_min3A_543 = arith.constant dense<2147483647> : vector<160xi32>
    %reduce_min3A_544 = vector.multi_reduction <minsi>, %select_n3A_542, %reduce_min3A_543 [1] : vector<160x1024xi32> to vector<160xi32>
    %broadcast_in_dim3A_545 = vector.shape_cast %reduce_min3A_544 : vector<160xi32> to vector<160x1xi32>
    %mul3A_546 = arith.constant 1024 : i32
    %mul3A_547 = vector.broadcast %mul3A_546 : i32 to vector<160x1xi32>
    %mul3A_548 = arith.muli %iota3A_0, %mul3A_547 : vector<160x1xi32>
    %add3A_549 = arith.addi %mul3A_548, %broadcast_in_dim3A_545 : vector<160x1xi32>
    %eq3A_550 = vector.broadcast %broadcast_in_dim3A_545 : vector<160x1xi32> to vector<160x1024xi32>
    %eq3A_551 = arith.cmpi eq, %iota3A, %eq3A_550 : vector<160x1024xi32>
    %jit3A_552 = arith.constant -2147483648 : i32
    %broadcast_in_dim3A_553 = vector.broadcast %jit3A_552 : i32 to vector<160x1024xi32>
    %select_n3A_554 = arith.select %eq3A_551, %broadcast_in_dim3A_553, %select_n3A_534 : vector<160x1024xi1>, vector<160x1024xi32>
    %reduce_max3A_555 = arith.constant dense<-2147483648> : vector<160xi32>
    %reduce_max3A_556 = vector.multi_reduction <maxsi>, %select_n3A_554, %reduce_max3A_555 [1] : vector<160x1024xi32> to vector<160xi32>
    %broadcast_in_dim3A_557 = vector.shape_cast %reduce_max3A_556 : vector<160xi32> to vector<160x1xi32>
    %eq3A_558 = vector.broadcast %broadcast_in_dim3A_557 : vector<160x1xi32> to vector<160x1024xi32>
    %eq3A_559 = arith.cmpi eq, %select_n3A_554, %eq3A_558 : vector<160x1024xi32>
    %jit3A_560 = arith.constant 1024 : i32
    %broadcast_in_dim3A_561 = vector.broadcast %jit3A_560 : i32 to vector<160x1024xi32>
    %select_n3A_562 = arith.select %eq3A_559, %iota3A, %broadcast_in_dim3A_561 : vector<160x1024xi1>, vector<160x1024xi32>
    %reduce_min3A_563 = arith.constant dense<2147483647> : vector<160xi32>
    %reduce_min3A_564 = vector.multi_reduction <minsi>, %select_n3A_562, %reduce_min3A_563 [1] : vector<160x1024xi32> to vector<160xi32>
    %broadcast_in_dim3A_565 = vector.shape_cast %reduce_min3A_564 : vector<160xi32> to vector<160x1xi32>
    %mul3A_566 = arith.constant 1024 : i32
    %mul3A_567 = vector.broadcast %mul3A_566 : i32 to vector<160x1xi32>
    %mul3A_568 = arith.muli %iota3A_0, %mul3A_567 : vector<160x1xi32>
    %add3A_569 = arith.addi %mul3A_568, %broadcast_in_dim3A_565 : vector<160x1xi32>
    %eq3A_570 = vector.broadcast %broadcast_in_dim3A_565 : vector<160x1xi32> to vector<160x1024xi32>
    %eq3A_571 = arith.cmpi eq, %iota3A, %eq3A_570 : vector<160x1024xi32>
    %jit3A_572 = arith.constant -2147483648 : i32
    %broadcast_in_dim3A_573 = vector.broadcast %jit3A_572 : i32 to vector<160x1024xi32>
    %select_n3A_574 = arith.select %eq3A_571, %broadcast_in_dim3A_573, %select_n3A_554 : vector<160x1024xi1>, vector<160x1024xi32>
    %reduce_max3A_575 = arith.constant dense<-2147483648> : vector<160xi32>
    %reduce_max3A_576 = vector.multi_reduction <maxsi>, %select_n3A_574, %reduce_max3A_575 [1] : vector<160x1024xi32> to vector<160xi32>
    %broadcast_in_dim3A_577 = vector.shape_cast %reduce_max3A_576 : vector<160xi32> to vector<160x1xi32>
    %eq3A_578 = vector.broadcast %broadcast_in_dim3A_577 : vector<160x1xi32> to vector<160x1024xi32>
    %eq3A_579 = arith.cmpi eq, %select_n3A_574, %eq3A_578 : vector<160x1024xi32>
    %jit3A_580 = arith.constant 1024 : i32
    %broadcast_in_dim3A_581 = vector.broadcast %jit3A_580 : i32 to vector<160x1024xi32>
    %select_n3A_582 = arith.select %eq3A_579, %iota3A, %broadcast_in_dim3A_581 : vector<160x1024xi1>, vector<160x1024xi32>
    %reduce_min3A_583 = arith.constant dense<2147483647> : vector<160xi32>
    %reduce_min3A_584 = vector.multi_reduction <minsi>, %select_n3A_582, %reduce_min3A_583 [1] : vector<160x1024xi32> to vector<160xi32>
    %broadcast_in_dim3A_585 = vector.shape_cast %reduce_min3A_584 : vector<160xi32> to vector<160x1xi32>
    %mul3A_586 = arith.constant 1024 : i32
    %mul3A_587 = vector.broadcast %mul3A_586 : i32 to vector<160x1xi32>
    %mul3A_588 = arith.muli %iota3A_0, %mul3A_587 : vector<160x1xi32>
    %add3A_589 = arith.addi %mul3A_588, %broadcast_in_dim3A_585 : vector<160x1xi32>
    %eq3A_590 = vector.broadcast %broadcast_in_dim3A_585 : vector<160x1xi32> to vector<160x1024xi32>
    %eq3A_591 = arith.cmpi eq, %iota3A, %eq3A_590 : vector<160x1024xi32>
    %jit3A_592 = arith.constant -2147483648 : i32
    %broadcast_in_dim3A_593 = vector.broadcast %jit3A_592 : i32 to vector<160x1024xi32>
    %select_n3A_594 = arith.select %eq3A_591, %broadcast_in_dim3A_593, %select_n3A_574 : vector<160x1024xi1>, vector<160x1024xi32>
    %reduce_max3A_595 = arith.constant dense<-2147483648> : vector<160xi32>
    %reduce_max3A_596 = vector.multi_reduction <maxsi>, %select_n3A_594, %reduce_max3A_595 [1] : vector<160x1024xi32> to vector<160xi32>
    %broadcast_in_dim3A_597 = vector.shape_cast %reduce_max3A_596 : vector<160xi32> to vector<160x1xi32>
    %eq3A_598 = vector.broadcast %broadcast_in_dim3A_597 : vector<160x1xi32> to vector<160x1024xi32>
    %eq3A_599 = arith.cmpi eq, %select_n3A_594, %eq3A_598 : vector<160x1024xi32>
    %jit3A_600 = arith.constant 1024 : i32
    %broadcast_in_dim3A_601 = vector.broadcast %jit3A_600 : i32 to vector<160x1024xi32>
    %select_n3A_602 = arith.select %eq3A_599, %iota3A, %broadcast_in_dim3A_601 : vector<160x1024xi1>, vector<160x1024xi32>
    %reduce_min3A_603 = arith.constant dense<2147483647> : vector<160xi32>
    %reduce_min3A_604 = vector.multi_reduction <minsi>, %select_n3A_602, %reduce_min3A_603 [1] : vector<160x1024xi32> to vector<160xi32>
    %broadcast_in_dim3A_605 = vector.shape_cast %reduce_min3A_604 : vector<160xi32> to vector<160x1xi32>
    %mul3A_606 = arith.constant 1024 : i32
    %mul3A_607 = vector.broadcast %mul3A_606 : i32 to vector<160x1xi32>
    %mul3A_608 = arith.muli %iota3A_0, %mul3A_607 : vector<160x1xi32>
    %add3A_609 = arith.addi %mul3A_608, %broadcast_in_dim3A_605 : vector<160x1xi32>
    %eq3A_610 = vector.broadcast %broadcast_in_dim3A_605 : vector<160x1xi32> to vector<160x1024xi32>
    %eq3A_611 = arith.cmpi eq, %iota3A, %eq3A_610 : vector<160x1024xi32>
    %jit3A_612 = arith.constant -2147483648 : i32
    %broadcast_in_dim3A_613 = vector.broadcast %jit3A_612 : i32 to vector<160x1024xi32>
    %select_n3A_614 = arith.select %eq3A_611, %broadcast_in_dim3A_613, %select_n3A_594 : vector<160x1024xi1>, vector<160x1024xi32>
    %reduce_max3A_615 = arith.constant dense<-2147483648> : vector<160xi32>
    %reduce_max3A_616 = vector.multi_reduction <maxsi>, %select_n3A_614, %reduce_max3A_615 [1] : vector<160x1024xi32> to vector<160xi32>
    %broadcast_in_dim3A_617 = vector.shape_cast %reduce_max3A_616 : vector<160xi32> to vector<160x1xi32>
    %eq3A_618 = vector.broadcast %broadcast_in_dim3A_617 : vector<160x1xi32> to vector<160x1024xi32>
    %eq3A_619 = arith.cmpi eq, %select_n3A_614, %eq3A_618 : vector<160x1024xi32>
    %jit3A_620 = arith.constant 1024 : i32
    %broadcast_in_dim3A_621 = vector.broadcast %jit3A_620 : i32 to vector<160x1024xi32>
    %select_n3A_622 = arith.select %eq3A_619, %iota3A, %broadcast_in_dim3A_621 : vector<160x1024xi1>, vector<160x1024xi32>
    %reduce_min3A_623 = arith.constant dense<2147483647> : vector<160xi32>
    %reduce_min3A_624 = vector.multi_reduction <minsi>, %select_n3A_622, %reduce_min3A_623 [1] : vector<160x1024xi32> to vector<160xi32>
    %broadcast_in_dim3A_625 = vector.shape_cast %reduce_min3A_624 : vector<160xi32> to vector<160x1xi32>
    %mul3A_626 = arith.constant 1024 : i32
    %mul3A_627 = vector.broadcast %mul3A_626 : i32 to vector<160x1xi32>
    %mul3A_628 = arith.muli %iota3A_0, %mul3A_627 : vector<160x1xi32>
    %add3A_629 = arith.addi %mul3A_628, %broadcast_in_dim3A_625 : vector<160x1xi32>
    %eq3A_630 = vector.broadcast %broadcast_in_dim3A_625 : vector<160x1xi32> to vector<160x1024xi32>
    %eq3A_631 = arith.cmpi eq, %iota3A, %eq3A_630 : vector<160x1024xi32>
    %jit3A_632 = arith.constant -2147483648 : i32
    %broadcast_in_dim3A_633 = vector.broadcast %jit3A_632 : i32 to vector<160x1024xi32>
    %select_n3A_634 = arith.select %eq3A_631, %broadcast_in_dim3A_633, %select_n3A_614 : vector<160x1024xi1>, vector<160x1024xi32>
    %reduce_max3A_635 = arith.constant dense<-2147483648> : vector<160xi32>
    %reduce_max3A_636 = vector.multi_reduction <maxsi>, %select_n3A_634, %reduce_max3A_635 [1] : vector<160x1024xi32> to vector<160xi32>
    %broadcast_in_dim3A_637 = vector.shape_cast %reduce_max3A_636 : vector<160xi32> to vector<160x1xi32>
    %eq3A_638 = vector.broadcast %broadcast_in_dim3A_637 : vector<160x1xi32> to vector<160x1024xi32>
    %eq3A_639 = arith.cmpi eq, %select_n3A_634, %eq3A_638 : vector<160x1024xi32>
    %jit3A_640 = arith.constant 1024 : i32
    %broadcast_in_dim3A_641 = vector.broadcast %jit3A_640 : i32 to vector<160x1024xi32>
    %select_n3A_642 = arith.select %eq3A_639, %iota3A, %broadcast_in_dim3A_641 : vector<160x1024xi1>, vector<160x1024xi32>
    %reduce_min3A_643 = arith.constant dense<2147483647> : vector<160xi32>
    %reduce_min3A_644 = vector.multi_reduction <minsi>, %select_n3A_642, %reduce_min3A_643 [1] : vector<160x1024xi32> to vector<160xi32>
    %broadcast_in_dim3A_645 = vector.shape_cast %reduce_min3A_644 : vector<160xi32> to vector<160x1xi32>
    %mul3A_646 = arith.constant 1024 : i32
    %mul3A_647 = vector.broadcast %mul3A_646 : i32 to vector<160x1xi32>
    %mul3A_648 = arith.muli %iota3A_0, %mul3A_647 : vector<160x1xi32>
    %add3A_649 = arith.addi %mul3A_648, %broadcast_in_dim3A_645 : vector<160x1xi32>
    %eq3A_650 = vector.broadcast %broadcast_in_dim3A_645 : vector<160x1xi32> to vector<160x1024xi32>
    %eq3A_651 = arith.cmpi eq, %iota3A, %eq3A_650 : vector<160x1024xi32>
    %jit3A_652 = arith.constant -2147483648 : i32
    %broadcast_in_dim3A_653 = vector.broadcast %jit3A_652 : i32 to vector<160x1024xi32>
    %select_n3A_654 = arith.select %eq3A_651, %broadcast_in_dim3A_653, %select_n3A_634 : vector<160x1024xi1>, vector<160x1024xi32>
    %reduce_max3A_655 = arith.constant dense<-2147483648> : vector<160xi32>
    %reduce_max3A_656 = vector.multi_reduction <maxsi>, %select_n3A_654, %reduce_max3A_655 [1] : vector<160x1024xi32> to vector<160xi32>
    %broadcast_in_dim3A_657 = vector.shape_cast %reduce_max3A_656 : vector<160xi32> to vector<160x1xi32>
    %eq3A_658 = vector.broadcast %broadcast_in_dim3A_657 : vector<160x1xi32> to vector<160x1024xi32>
    %eq3A_659 = arith.cmpi eq, %select_n3A_654, %eq3A_658 : vector<160x1024xi32>
    %jit3A_660 = arith.constant 1024 : i32
    %broadcast_in_dim3A_661 = vector.broadcast %jit3A_660 : i32 to vector<160x1024xi32>
    %select_n3A_662 = arith.select %eq3A_659, %iota3A, %broadcast_in_dim3A_661 : vector<160x1024xi1>, vector<160x1024xi32>
    %reduce_min3A_663 = arith.constant dense<2147483647> : vector<160xi32>
    %reduce_min3A_664 = vector.multi_reduction <minsi>, %select_n3A_662, %reduce_min3A_663 [1] : vector<160x1024xi32> to vector<160xi32>
    %broadcast_in_dim3A_665 = vector.shape_cast %reduce_min3A_664 : vector<160xi32> to vector<160x1xi32>
    %mul3A_666 = arith.constant 1024 : i32
    %mul3A_667 = vector.broadcast %mul3A_666 : i32 to vector<160x1xi32>
    %mul3A_668 = arith.muli %iota3A_0, %mul3A_667 : vector<160x1xi32>
    %add3A_669 = arith.addi %mul3A_668, %broadcast_in_dim3A_665 : vector<160x1xi32>
    %eq3A_670 = vector.broadcast %broadcast_in_dim3A_665 : vector<160x1xi32> to vector<160x1024xi32>
    %eq3A_671 = arith.cmpi eq, %iota3A, %eq3A_670 : vector<160x1024xi32>
    %jit3A_672 = arith.constant -2147483648 : i32
    %broadcast_in_dim3A_673 = vector.broadcast %jit3A_672 : i32 to vector<160x1024xi32>
    %select_n3A_674 = arith.select %eq3A_671, %broadcast_in_dim3A_673, %select_n3A_654 : vector<160x1024xi1>, vector<160x1024xi32>
    %reduce_max3A_675 = arith.constant dense<-2147483648> : vector<160xi32>
    %reduce_max3A_676 = vector.multi_reduction <maxsi>, %select_n3A_674, %reduce_max3A_675 [1] : vector<160x1024xi32> to vector<160xi32>
    %broadcast_in_dim3A_677 = vector.shape_cast %reduce_max3A_676 : vector<160xi32> to vector<160x1xi32>
    %eq3A_678 = vector.broadcast %broadcast_in_dim3A_677 : vector<160x1xi32> to vector<160x1024xi32>
    %eq3A_679 = arith.cmpi eq, %select_n3A_674, %eq3A_678 : vector<160x1024xi32>
    %jit3A_680 = arith.constant 1024 : i32
    %broadcast_in_dim3A_681 = vector.broadcast %jit3A_680 : i32 to vector<160x1024xi32>
    %select_n3A_682 = arith.select %eq3A_679, %iota3A, %broadcast_in_dim3A_681 : vector<160x1024xi1>, vector<160x1024xi32>
    %reduce_min3A_683 = arith.constant dense<2147483647> : vector<160xi32>
    %reduce_min3A_684 = vector.multi_reduction <minsi>, %select_n3A_682, %reduce_min3A_683 [1] : vector<160x1024xi32> to vector<160xi32>
    %broadcast_in_dim3A_685 = vector.shape_cast %reduce_min3A_684 : vector<160xi32> to vector<160x1xi32>
    %mul3A_686 = arith.constant 1024 : i32
    %mul3A_687 = vector.broadcast %mul3A_686 : i32 to vector<160x1xi32>
    %mul3A_688 = arith.muli %iota3A_0, %mul3A_687 : vector<160x1xi32>
    %add3A_689 = arith.addi %mul3A_688, %broadcast_in_dim3A_685 : vector<160x1xi32>
    %eq3A_690 = vector.broadcast %broadcast_in_dim3A_685 : vector<160x1xi32> to vector<160x1024xi32>
    %eq3A_691 = arith.cmpi eq, %iota3A, %eq3A_690 : vector<160x1024xi32>
    %jit3A_692 = arith.constant -2147483648 : i32
    %broadcast_in_dim3A_693 = vector.broadcast %jit3A_692 : i32 to vector<160x1024xi32>
    %select_n3A_694 = arith.select %eq3A_691, %broadcast_in_dim3A_693, %select_n3A_674 : vector<160x1024xi1>, vector<160x1024xi32>
    %reduce_max3A_695 = arith.constant dense<-2147483648> : vector<160xi32>
    %reduce_max3A_696 = vector.multi_reduction <maxsi>, %select_n3A_694, %reduce_max3A_695 [1] : vector<160x1024xi32> to vector<160xi32>
    %broadcast_in_dim3A_697 = vector.shape_cast %reduce_max3A_696 : vector<160xi32> to vector<160x1xi32>
    %eq3A_698 = vector.broadcast %broadcast_in_dim3A_697 : vector<160x1xi32> to vector<160x1024xi32>
    %eq3A_699 = arith.cmpi eq, %select_n3A_694, %eq3A_698 : vector<160x1024xi32>
    %jit3A_700 = arith.constant 1024 : i32
    %broadcast_in_dim3A_701 = vector.broadcast %jit3A_700 : i32 to vector<160x1024xi32>
    %select_n3A_702 = arith.select %eq3A_699, %iota3A, %broadcast_in_dim3A_701 : vector<160x1024xi1>, vector<160x1024xi32>
    %reduce_min3A_703 = arith.constant dense<2147483647> : vector<160xi32>
    %reduce_min3A_704 = vector.multi_reduction <minsi>, %select_n3A_702, %reduce_min3A_703 [1] : vector<160x1024xi32> to vector<160xi32>
    %broadcast_in_dim3A_705 = vector.shape_cast %reduce_min3A_704 : vector<160xi32> to vector<160x1xi32>
    %mul3A_706 = arith.constant 1024 : i32
    %mul3A_707 = vector.broadcast %mul3A_706 : i32 to vector<160x1xi32>
    %mul3A_708 = arith.muli %iota3A_0, %mul3A_707 : vector<160x1xi32>
    %add3A_709 = arith.addi %mul3A_708, %broadcast_in_dim3A_705 : vector<160x1xi32>
    %eq3A_710 = vector.broadcast %broadcast_in_dim3A_705 : vector<160x1xi32> to vector<160x1024xi32>
    %eq3A_711 = arith.cmpi eq, %iota3A, %eq3A_710 : vector<160x1024xi32>
    %jit3A_712 = arith.constant -2147483648 : i32
    %broadcast_in_dim3A_713 = vector.broadcast %jit3A_712 : i32 to vector<160x1024xi32>
    %select_n3A_714 = arith.select %eq3A_711, %broadcast_in_dim3A_713, %select_n3A_694 : vector<160x1024xi1>, vector<160x1024xi32>
    %reduce_max3A_715 = arith.constant dense<-2147483648> : vector<160xi32>
    %reduce_max3A_716 = vector.multi_reduction <maxsi>, %select_n3A_714, %reduce_max3A_715 [1] : vector<160x1024xi32> to vector<160xi32>
    %broadcast_in_dim3A_717 = vector.shape_cast %reduce_max3A_716 : vector<160xi32> to vector<160x1xi32>
    %eq3A_718 = vector.broadcast %broadcast_in_dim3A_717 : vector<160x1xi32> to vector<160x1024xi32>
    %eq3A_719 = arith.cmpi eq, %select_n3A_714, %eq3A_718 : vector<160x1024xi32>
    %jit3A_720 = arith.constant 1024 : i32
    %broadcast_in_dim3A_721 = vector.broadcast %jit3A_720 : i32 to vector<160x1024xi32>
    %select_n3A_722 = arith.select %eq3A_719, %iota3A, %broadcast_in_dim3A_721 : vector<160x1024xi1>, vector<160x1024xi32>
    %reduce_min3A_723 = arith.constant dense<2147483647> : vector<160xi32>
    %reduce_min3A_724 = vector.multi_reduction <minsi>, %select_n3A_722, %reduce_min3A_723 [1] : vector<160x1024xi32> to vector<160xi32>
    %broadcast_in_dim3A_725 = vector.shape_cast %reduce_min3A_724 : vector<160xi32> to vector<160x1xi32>
    %mul3A_726 = arith.constant 1024 : i32
    %mul3A_727 = vector.broadcast %mul3A_726 : i32 to vector<160x1xi32>
    %mul3A_728 = arith.muli %iota3A_0, %mul3A_727 : vector<160x1xi32>
    %add3A_729 = arith.addi %mul3A_728, %broadcast_in_dim3A_725 : vector<160x1xi32>
    %eq3A_730 = vector.broadcast %broadcast_in_dim3A_725 : vector<160x1xi32> to vector<160x1024xi32>
    %eq3A_731 = arith.cmpi eq, %iota3A, %eq3A_730 : vector<160x1024xi32>
    %jit3A_732 = arith.constant -2147483648 : i32
    %broadcast_in_dim3A_733 = vector.broadcast %jit3A_732 : i32 to vector<160x1024xi32>
    %select_n3A_734 = arith.select %eq3A_731, %broadcast_in_dim3A_733, %select_n3A_714 : vector<160x1024xi1>, vector<160x1024xi32>
    %reduce_max3A_735 = arith.constant dense<-2147483648> : vector<160xi32>
    %reduce_max3A_736 = vector.multi_reduction <maxsi>, %select_n3A_734, %reduce_max3A_735 [1] : vector<160x1024xi32> to vector<160xi32>
    %broadcast_in_dim3A_737 = vector.shape_cast %reduce_max3A_736 : vector<160xi32> to vector<160x1xi32>
    %eq3A_738 = vector.broadcast %broadcast_in_dim3A_737 : vector<160x1xi32> to vector<160x1024xi32>
    %eq3A_739 = arith.cmpi eq, %select_n3A_734, %eq3A_738 : vector<160x1024xi32>
    %jit3A_740 = arith.constant 1024 : i32
    %broadcast_in_dim3A_741 = vector.broadcast %jit3A_740 : i32 to vector<160x1024xi32>
    %select_n3A_742 = arith.select %eq3A_739, %iota3A, %broadcast_in_dim3A_741 : vector<160x1024xi1>, vector<160x1024xi32>
    %reduce_min3A_743 = arith.constant dense<2147483647> : vector<160xi32>
    %reduce_min3A_744 = vector.multi_reduction <minsi>, %select_n3A_742, %reduce_min3A_743 [1] : vector<160x1024xi32> to vector<160xi32>
    %broadcast_in_dim3A_745 = vector.shape_cast %reduce_min3A_744 : vector<160xi32> to vector<160x1xi32>
    %mul3A_746 = arith.constant 1024 : i32
    %mul3A_747 = vector.broadcast %mul3A_746 : i32 to vector<160x1xi32>
    %mul3A_748 = arith.muli %iota3A_0, %mul3A_747 : vector<160x1xi32>
    %add3A_749 = arith.addi %mul3A_748, %broadcast_in_dim3A_745 : vector<160x1xi32>
    %eq3A_750 = vector.broadcast %broadcast_in_dim3A_745 : vector<160x1xi32> to vector<160x1024xi32>
    %eq3A_751 = arith.cmpi eq, %iota3A, %eq3A_750 : vector<160x1024xi32>
    %jit3A_752 = arith.constant -2147483648 : i32
    %broadcast_in_dim3A_753 = vector.broadcast %jit3A_752 : i32 to vector<160x1024xi32>
    %select_n3A_754 = arith.select %eq3A_751, %broadcast_in_dim3A_753, %select_n3A_734 : vector<160x1024xi1>, vector<160x1024xi32>
    %reduce_max3A_755 = arith.constant dense<-2147483648> : vector<160xi32>
    %reduce_max3A_756 = vector.multi_reduction <maxsi>, %select_n3A_754, %reduce_max3A_755 [1] : vector<160x1024xi32> to vector<160xi32>
    %broadcast_in_dim3A_757 = vector.shape_cast %reduce_max3A_756 : vector<160xi32> to vector<160x1xi32>
    %eq3A_758 = vector.broadcast %broadcast_in_dim3A_757 : vector<160x1xi32> to vector<160x1024xi32>
    %eq3A_759 = arith.cmpi eq, %select_n3A_754, %eq3A_758 : vector<160x1024xi32>
    %jit3A_760 = arith.constant 1024 : i32
    %broadcast_in_dim3A_761 = vector.broadcast %jit3A_760 : i32 to vector<160x1024xi32>
    %select_n3A_762 = arith.select %eq3A_759, %iota3A, %broadcast_in_dim3A_761 : vector<160x1024xi1>, vector<160x1024xi32>
    %reduce_min3A_763 = arith.constant dense<2147483647> : vector<160xi32>
    %reduce_min3A_764 = vector.multi_reduction <minsi>, %select_n3A_762, %reduce_min3A_763 [1] : vector<160x1024xi32> to vector<160xi32>
    %broadcast_in_dim3A_765 = vector.shape_cast %reduce_min3A_764 : vector<160xi32> to vector<160x1xi32>
    %mul3A_766 = arith.constant 1024 : i32
    %mul3A_767 = vector.broadcast %mul3A_766 : i32 to vector<160x1xi32>
    %mul3A_768 = arith.muli %iota3A_0, %mul3A_767 : vector<160x1xi32>
    %add3A_769 = arith.addi %mul3A_768, %broadcast_in_dim3A_765 : vector<160x1xi32>
    %eq3A_770 = vector.broadcast %broadcast_in_dim3A_765 : vector<160x1xi32> to vector<160x1024xi32>
    %eq3A_771 = arith.cmpi eq, %iota3A, %eq3A_770 : vector<160x1024xi32>
    %jit3A_772 = arith.constant -2147483648 : i32
    %broadcast_in_dim3A_773 = vector.broadcast %jit3A_772 : i32 to vector<160x1024xi32>
    %select_n3A_774 = arith.select %eq3A_771, %broadcast_in_dim3A_773, %select_n3A_754 : vector<160x1024xi1>, vector<160x1024xi32>
    %reduce_max3A_775 = arith.constant dense<-2147483648> : vector<160xi32>
    %reduce_max3A_776 = vector.multi_reduction <maxsi>, %select_n3A_774, %reduce_max3A_775 [1] : vector<160x1024xi32> to vector<160xi32>
    %broadcast_in_dim3A_777 = vector.shape_cast %reduce_max3A_776 : vector<160xi32> to vector<160x1xi32>
    %eq3A_778 = vector.broadcast %broadcast_in_dim3A_777 : vector<160x1xi32> to vector<160x1024xi32>
    %eq3A_779 = arith.cmpi eq, %select_n3A_774, %eq3A_778 : vector<160x1024xi32>
    %jit3A_780 = arith.constant 1024 : i32
    %broadcast_in_dim3A_781 = vector.broadcast %jit3A_780 : i32 to vector<160x1024xi32>
    %select_n3A_782 = arith.select %eq3A_779, %iota3A, %broadcast_in_dim3A_781 : vector<160x1024xi1>, vector<160x1024xi32>
    %reduce_min3A_783 = arith.constant dense<2147483647> : vector<160xi32>
    %reduce_min3A_784 = vector.multi_reduction <minsi>, %select_n3A_782, %reduce_min3A_783 [1] : vector<160x1024xi32> to vector<160xi32>
    %broadcast_in_dim3A_785 = vector.shape_cast %reduce_min3A_784 : vector<160xi32> to vector<160x1xi32>
    %mul3A_786 = arith.constant 1024 : i32
    %mul3A_787 = vector.broadcast %mul3A_786 : i32 to vector<160x1xi32>
    %mul3A_788 = arith.muli %iota3A_0, %mul3A_787 : vector<160x1xi32>
    %add3A_789 = arith.addi %mul3A_788, %broadcast_in_dim3A_785 : vector<160x1xi32>
    %eq3A_790 = vector.broadcast %broadcast_in_dim3A_785 : vector<160x1xi32> to vector<160x1024xi32>
    %eq3A_791 = arith.cmpi eq, %iota3A, %eq3A_790 : vector<160x1024xi32>
    %jit3A_792 = arith.constant -2147483648 : i32
    %broadcast_in_dim3A_793 = vector.broadcast %jit3A_792 : i32 to vector<160x1024xi32>
    %select_n3A_794 = arith.select %eq3A_791, %broadcast_in_dim3A_793, %select_n3A_774 : vector<160x1024xi1>, vector<160x1024xi32>
    %reduce_max3A_795 = arith.constant dense<-2147483648> : vector<160xi32>
    %reduce_max3A_796 = vector.multi_reduction <maxsi>, %select_n3A_794, %reduce_max3A_795 [1] : vector<160x1024xi32> to vector<160xi32>
    %broadcast_in_dim3A_797 = vector.shape_cast %reduce_max3A_796 : vector<160xi32> to vector<160x1xi32>
    %eq3A_798 = vector.broadcast %broadcast_in_dim3A_797 : vector<160x1xi32> to vector<160x1024xi32>
    %eq3A_799 = arith.cmpi eq, %select_n3A_794, %eq3A_798 : vector<160x1024xi32>
    %jit3A_800 = arith.constant 1024 : i32
    %broadcast_in_dim3A_801 = vector.broadcast %jit3A_800 : i32 to vector<160x1024xi32>
    %select_n3A_802 = arith.select %eq3A_799, %iota3A, %broadcast_in_dim3A_801 : vector<160x1024xi1>, vector<160x1024xi32>
    %reduce_min3A_803 = arith.constant dense<2147483647> : vector<160xi32>
    %reduce_min3A_804 = vector.multi_reduction <minsi>, %select_n3A_802, %reduce_min3A_803 [1] : vector<160x1024xi32> to vector<160xi32>
    %broadcast_in_dim3A_805 = vector.shape_cast %reduce_min3A_804 : vector<160xi32> to vector<160x1xi32>
    %mul3A_806 = arith.constant 1024 : i32
    %mul3A_807 = vector.broadcast %mul3A_806 : i32 to vector<160x1xi32>
    %mul3A_808 = arith.muli %iota3A_0, %mul3A_807 : vector<160x1xi32>
    %add3A_809 = arith.addi %mul3A_808, %broadcast_in_dim3A_805 : vector<160x1xi32>
    %eq3A_810 = vector.broadcast %broadcast_in_dim3A_805 : vector<160x1xi32> to vector<160x1024xi32>
    %eq3A_811 = arith.cmpi eq, %iota3A, %eq3A_810 : vector<160x1024xi32>
    %jit3A_812 = arith.constant -2147483648 : i32
    %broadcast_in_dim3A_813 = vector.broadcast %jit3A_812 : i32 to vector<160x1024xi32>
    %select_n3A_814 = arith.select %eq3A_811, %broadcast_in_dim3A_813, %select_n3A_794 : vector<160x1024xi1>, vector<160x1024xi32>
    %reduce_max3A_815 = arith.constant dense<-2147483648> : vector<160xi32>
    %reduce_max3A_816 = vector.multi_reduction <maxsi>, %select_n3A_814, %reduce_max3A_815 [1] : vector<160x1024xi32> to vector<160xi32>
    %broadcast_in_dim3A_817 = vector.shape_cast %reduce_max3A_816 : vector<160xi32> to vector<160x1xi32>
    %eq3A_818 = vector.broadcast %broadcast_in_dim3A_817 : vector<160x1xi32> to vector<160x1024xi32>
    %eq3A_819 = arith.cmpi eq, %select_n3A_814, %eq3A_818 : vector<160x1024xi32>
    %jit3A_820 = arith.constant 1024 : i32
    %broadcast_in_dim3A_821 = vector.broadcast %jit3A_820 : i32 to vector<160x1024xi32>
    %select_n3A_822 = arith.select %eq3A_819, %iota3A, %broadcast_in_dim3A_821 : vector<160x1024xi1>, vector<160x1024xi32>
    %reduce_min3A_823 = arith.constant dense<2147483647> : vector<160xi32>
    %reduce_min3A_824 = vector.multi_reduction <minsi>, %select_n3A_822, %reduce_min3A_823 [1] : vector<160x1024xi32> to vector<160xi32>
    %broadcast_in_dim3A_825 = vector.shape_cast %reduce_min3A_824 : vector<160xi32> to vector<160x1xi32>
    %mul3A_826 = arith.constant 1024 : i32
    %mul3A_827 = vector.broadcast %mul3A_826 : i32 to vector<160x1xi32>
    %mul3A_828 = arith.muli %iota3A_0, %mul3A_827 : vector<160x1xi32>
    %add3A_829 = arith.addi %mul3A_828, %broadcast_in_dim3A_825 : vector<160x1xi32>
    %eq3A_830 = vector.broadcast %broadcast_in_dim3A_825 : vector<160x1xi32> to vector<160x1024xi32>
    %eq3A_831 = arith.cmpi eq, %iota3A, %eq3A_830 : vector<160x1024xi32>
    %jit3A_832 = arith.constant -2147483648 : i32
    %broadcast_in_dim3A_833 = vector.broadcast %jit3A_832 : i32 to vector<160x1024xi32>
    %select_n3A_834 = arith.select %eq3A_831, %broadcast_in_dim3A_833, %select_n3A_814 : vector<160x1024xi1>, vector<160x1024xi32>
    %reduce_max3A_835 = arith.constant dense<-2147483648> : vector<160xi32>
    %reduce_max3A_836 = vector.multi_reduction <maxsi>, %select_n3A_834, %reduce_max3A_835 [1] : vector<160x1024xi32> to vector<160xi32>
    %broadcast_in_dim3A_837 = vector.shape_cast %reduce_max3A_836 : vector<160xi32> to vector<160x1xi32>
    %eq3A_838 = vector.broadcast %broadcast_in_dim3A_837 : vector<160x1xi32> to vector<160x1024xi32>
    %eq3A_839 = arith.cmpi eq, %select_n3A_834, %eq3A_838 : vector<160x1024xi32>
    %jit3A_840 = arith.constant 1024 : i32
    %broadcast_in_dim3A_841 = vector.broadcast %jit3A_840 : i32 to vector<160x1024xi32>
    %select_n3A_842 = arith.select %eq3A_839, %iota3A, %broadcast_in_dim3A_841 : vector<160x1024xi1>, vector<160x1024xi32>
    %reduce_min3A_843 = arith.constant dense<2147483647> : vector<160xi32>
    %reduce_min3A_844 = vector.multi_reduction <minsi>, %select_n3A_842, %reduce_min3A_843 [1] : vector<160x1024xi32> to vector<160xi32>
    %broadcast_in_dim3A_845 = vector.shape_cast %reduce_min3A_844 : vector<160xi32> to vector<160x1xi32>
    %mul3A_846 = arith.constant 1024 : i32
    %mul3A_847 = vector.broadcast %mul3A_846 : i32 to vector<160x1xi32>
    %mul3A_848 = arith.muli %iota3A_0, %mul3A_847 : vector<160x1xi32>
    %add3A_849 = arith.addi %mul3A_848, %broadcast_in_dim3A_845 : vector<160x1xi32>
    %eq3A_850 = vector.broadcast %broadcast_in_dim3A_845 : vector<160x1xi32> to vector<160x1024xi32>
    %eq3A_851 = arith.cmpi eq, %iota3A, %eq3A_850 : vector<160x1024xi32>
    %jit3A_852 = arith.constant -2147483648 : i32
    %broadcast_in_dim3A_853 = vector.broadcast %jit3A_852 : i32 to vector<160x1024xi32>
    %select_n3A_854 = arith.select %eq3A_851, %broadcast_in_dim3A_853, %select_n3A_834 : vector<160x1024xi1>, vector<160x1024xi32>
    %reduce_max3A_855 = arith.constant dense<-2147483648> : vector<160xi32>
    %reduce_max3A_856 = vector.multi_reduction <maxsi>, %select_n3A_854, %reduce_max3A_855 [1] : vector<160x1024xi32> to vector<160xi32>
    %broadcast_in_dim3A_857 = vector.shape_cast %reduce_max3A_856 : vector<160xi32> to vector<160x1xi32>
    %eq3A_858 = vector.broadcast %broadcast_in_dim3A_857 : vector<160x1xi32> to vector<160x1024xi32>
    %eq3A_859 = arith.cmpi eq, %select_n3A_854, %eq3A_858 : vector<160x1024xi32>
    %jit3A_860 = arith.constant 1024 : i32
    %broadcast_in_dim3A_861 = vector.broadcast %jit3A_860 : i32 to vector<160x1024xi32>
    %select_n3A_862 = arith.select %eq3A_859, %iota3A, %broadcast_in_dim3A_861 : vector<160x1024xi1>, vector<160x1024xi32>
    %reduce_min3A_863 = arith.constant dense<2147483647> : vector<160xi32>
    %reduce_min3A_864 = vector.multi_reduction <minsi>, %select_n3A_862, %reduce_min3A_863 [1] : vector<160x1024xi32> to vector<160xi32>
    %broadcast_in_dim3A_865 = vector.shape_cast %reduce_min3A_864 : vector<160xi32> to vector<160x1xi32>
    %mul3A_866 = arith.constant 1024 : i32
    %mul3A_867 = vector.broadcast %mul3A_866 : i32 to vector<160x1xi32>
    %mul3A_868 = arith.muli %iota3A_0, %mul3A_867 : vector<160x1xi32>
    %add3A_869 = arith.addi %mul3A_868, %broadcast_in_dim3A_865 : vector<160x1xi32>
    %eq3A_870 = vector.broadcast %broadcast_in_dim3A_865 : vector<160x1xi32> to vector<160x1024xi32>
    %eq3A_871 = arith.cmpi eq, %iota3A, %eq3A_870 : vector<160x1024xi32>
    %jit3A_872 = arith.constant -2147483648 : i32
    %broadcast_in_dim3A_873 = vector.broadcast %jit3A_872 : i32 to vector<160x1024xi32>
    %select_n3A_874 = arith.select %eq3A_871, %broadcast_in_dim3A_873, %select_n3A_854 : vector<160x1024xi1>, vector<160x1024xi32>
    %reduce_max3A_875 = arith.constant dense<-2147483648> : vector<160xi32>
    %reduce_max3A_876 = vector.multi_reduction <maxsi>, %select_n3A_874, %reduce_max3A_875 [1] : vector<160x1024xi32> to vector<160xi32>
    %broadcast_in_dim3A_877 = vector.shape_cast %reduce_max3A_876 : vector<160xi32> to vector<160x1xi32>
    %eq3A_878 = vector.broadcast %broadcast_in_dim3A_877 : vector<160x1xi32> to vector<160x1024xi32>
    %eq3A_879 = arith.cmpi eq, %select_n3A_874, %eq3A_878 : vector<160x1024xi32>
    %jit3A_880 = arith.constant 1024 : i32
    %broadcast_in_dim3A_881 = vector.broadcast %jit3A_880 : i32 to vector<160x1024xi32>
    %select_n3A_882 = arith.select %eq3A_879, %iota3A, %broadcast_in_dim3A_881 : vector<160x1024xi1>, vector<160x1024xi32>
    %reduce_min3A_883 = arith.constant dense<2147483647> : vector<160xi32>
    %reduce_min3A_884 = vector.multi_reduction <minsi>, %select_n3A_882, %reduce_min3A_883 [1] : vector<160x1024xi32> to vector<160xi32>
    %broadcast_in_dim3A_885 = vector.shape_cast %reduce_min3A_884 : vector<160xi32> to vector<160x1xi32>
    %mul3A_886 = arith.constant 1024 : i32
    %mul3A_887 = vector.broadcast %mul3A_886 : i32 to vector<160x1xi32>
    %mul3A_888 = arith.muli %iota3A_0, %mul3A_887 : vector<160x1xi32>
    %add3A_889 = arith.addi %mul3A_888, %broadcast_in_dim3A_885 : vector<160x1xi32>
    %eq3A_890 = vector.broadcast %broadcast_in_dim3A_885 : vector<160x1xi32> to vector<160x1024xi32>
    %eq3A_891 = arith.cmpi eq, %iota3A, %eq3A_890 : vector<160x1024xi32>
    %jit3A_892 = arith.constant -2147483648 : i32
    %broadcast_in_dim3A_893 = vector.broadcast %jit3A_892 : i32 to vector<160x1024xi32>
    %select_n3A_894 = arith.select %eq3A_891, %broadcast_in_dim3A_893, %select_n3A_874 : vector<160x1024xi1>, vector<160x1024xi32>
    %reduce_max3A_895 = arith.constant dense<-2147483648> : vector<160xi32>
    %reduce_max3A_896 = vector.multi_reduction <maxsi>, %select_n3A_894, %reduce_max3A_895 [1] : vector<160x1024xi32> to vector<160xi32>
    %broadcast_in_dim3A_897 = vector.shape_cast %reduce_max3A_896 : vector<160xi32> to vector<160x1xi32>
    %eq3A_898 = vector.broadcast %broadcast_in_dim3A_897 : vector<160x1xi32> to vector<160x1024xi32>
    %eq3A_899 = arith.cmpi eq, %select_n3A_894, %eq3A_898 : vector<160x1024xi32>
    %jit3A_900 = arith.constant 1024 : i32
    %broadcast_in_dim3A_901 = vector.broadcast %jit3A_900 : i32 to vector<160x1024xi32>
    %select_n3A_902 = arith.select %eq3A_899, %iota3A, %broadcast_in_dim3A_901 : vector<160x1024xi1>, vector<160x1024xi32>
    %reduce_min3A_903 = arith.constant dense<2147483647> : vector<160xi32>
    %reduce_min3A_904 = vector.multi_reduction <minsi>, %select_n3A_902, %reduce_min3A_903 [1] : vector<160x1024xi32> to vector<160xi32>
    %broadcast_in_dim3A_905 = vector.shape_cast %reduce_min3A_904 : vector<160xi32> to vector<160x1xi32>
    %mul3A_906 = arith.constant 1024 : i32
    %mul3A_907 = vector.broadcast %mul3A_906 : i32 to vector<160x1xi32>
    %mul3A_908 = arith.muli %iota3A_0, %mul3A_907 : vector<160x1xi32>
    %add3A_909 = arith.addi %mul3A_908, %broadcast_in_dim3A_905 : vector<160x1xi32>
    %eq3A_910 = vector.broadcast %broadcast_in_dim3A_905 : vector<160x1xi32> to vector<160x1024xi32>
    %eq3A_911 = arith.cmpi eq, %iota3A, %eq3A_910 : vector<160x1024xi32>
    %jit3A_912 = arith.constant -2147483648 : i32
    %broadcast_in_dim3A_913 = vector.broadcast %jit3A_912 : i32 to vector<160x1024xi32>
    %select_n3A_914 = arith.select %eq3A_911, %broadcast_in_dim3A_913, %select_n3A_894 : vector<160x1024xi1>, vector<160x1024xi32>
    %reduce_max3A_915 = arith.constant dense<-2147483648> : vector<160xi32>
    %reduce_max3A_916 = vector.multi_reduction <maxsi>, %select_n3A_914, %reduce_max3A_915 [1] : vector<160x1024xi32> to vector<160xi32>
    %broadcast_in_dim3A_917 = vector.shape_cast %reduce_max3A_916 : vector<160xi32> to vector<160x1xi32>
    %eq3A_918 = vector.broadcast %broadcast_in_dim3A_917 : vector<160x1xi32> to vector<160x1024xi32>
    %eq3A_919 = arith.cmpi eq, %select_n3A_914, %eq3A_918 : vector<160x1024xi32>
    %jit3A_920 = arith.constant 1024 : i32
    %broadcast_in_dim3A_921 = vector.broadcast %jit3A_920 : i32 to vector<160x1024xi32>
    %select_n3A_922 = arith.select %eq3A_919, %iota3A, %broadcast_in_dim3A_921 : vector<160x1024xi1>, vector<160x1024xi32>
    %reduce_min3A_923 = arith.constant dense<2147483647> : vector<160xi32>
    %reduce_min3A_924 = vector.multi_reduction <minsi>, %select_n3A_922, %reduce_min3A_923 [1] : vector<160x1024xi32> to vector<160xi32>
    %broadcast_in_dim3A_925 = vector.shape_cast %reduce_min3A_924 : vector<160xi32> to vector<160x1xi32>
    %mul3A_926 = arith.constant 1024 : i32
    %mul3A_927 = vector.broadcast %mul3A_926 : i32 to vector<160x1xi32>
    %mul3A_928 = arith.muli %iota3A_0, %mul3A_927 : vector<160x1xi32>
    %add3A_929 = arith.addi %mul3A_928, %broadcast_in_dim3A_925 : vector<160x1xi32>
    %eq3A_930 = vector.broadcast %broadcast_in_dim3A_925 : vector<160x1xi32> to vector<160x1024xi32>
    %eq3A_931 = arith.cmpi eq, %iota3A, %eq3A_930 : vector<160x1024xi32>
    %jit3A_932 = arith.constant -2147483648 : i32
    %broadcast_in_dim3A_933 = vector.broadcast %jit3A_932 : i32 to vector<160x1024xi32>
    %select_n3A_934 = arith.select %eq3A_931, %broadcast_in_dim3A_933, %select_n3A_914 : vector<160x1024xi1>, vector<160x1024xi32>
    %reduce_max3A_935 = arith.constant dense<-2147483648> : vector<160xi32>
    %reduce_max3A_936 = vector.multi_reduction <maxsi>, %select_n3A_934, %reduce_max3A_935 [1] : vector<160x1024xi32> to vector<160xi32>
    %broadcast_in_dim3A_937 = vector.shape_cast %reduce_max3A_936 : vector<160xi32> to vector<160x1xi32>
    %eq3A_938 = vector.broadcast %broadcast_in_dim3A_937 : vector<160x1xi32> to vector<160x1024xi32>
    %eq3A_939 = arith.cmpi eq, %select_n3A_934, %eq3A_938 : vector<160x1024xi32>
    %jit3A_940 = arith.constant 1024 : i32
    %broadcast_in_dim3A_941 = vector.broadcast %jit3A_940 : i32 to vector<160x1024xi32>
    %select_n3A_942 = arith.select %eq3A_939, %iota3A, %broadcast_in_dim3A_941 : vector<160x1024xi1>, vector<160x1024xi32>
    %reduce_min3A_943 = arith.constant dense<2147483647> : vector<160xi32>
    %reduce_min3A_944 = vector.multi_reduction <minsi>, %select_n3A_942, %reduce_min3A_943 [1] : vector<160x1024xi32> to vector<160xi32>
    %broadcast_in_dim3A_945 = vector.shape_cast %reduce_min3A_944 : vector<160xi32> to vector<160x1xi32>
    %mul3A_946 = arith.constant 1024 : i32
    %mul3A_947 = vector.broadcast %mul3A_946 : i32 to vector<160x1xi32>
    %mul3A_948 = arith.muli %iota3A_0, %mul3A_947 : vector<160x1xi32>
    %add3A_949 = arith.addi %mul3A_948, %broadcast_in_dim3A_945 : vector<160x1xi32>
    %eq3A_950 = vector.broadcast %broadcast_in_dim3A_945 : vector<160x1xi32> to vector<160x1024xi32>
    %eq3A_951 = arith.cmpi eq, %iota3A, %eq3A_950 : vector<160x1024xi32>
    %jit3A_952 = arith.constant -2147483648 : i32
    %broadcast_in_dim3A_953 = vector.broadcast %jit3A_952 : i32 to vector<160x1024xi32>
    %select_n3A_954 = arith.select %eq3A_951, %broadcast_in_dim3A_953, %select_n3A_934 : vector<160x1024xi1>, vector<160x1024xi32>
    %reduce_max3A_955 = arith.constant dense<-2147483648> : vector<160xi32>
    %reduce_max3A_956 = vector.multi_reduction <maxsi>, %select_n3A_954, %reduce_max3A_955 [1] : vector<160x1024xi32> to vector<160xi32>
    %broadcast_in_dim3A_957 = vector.shape_cast %reduce_max3A_956 : vector<160xi32> to vector<160x1xi32>
    %eq3A_958 = vector.broadcast %broadcast_in_dim3A_957 : vector<160x1xi32> to vector<160x1024xi32>
    %eq3A_959 = arith.cmpi eq, %select_n3A_954, %eq3A_958 : vector<160x1024xi32>
    %jit3A_960 = arith.constant 1024 : i32
    %broadcast_in_dim3A_961 = vector.broadcast %jit3A_960 : i32 to vector<160x1024xi32>
    %select_n3A_962 = arith.select %eq3A_959, %iota3A, %broadcast_in_dim3A_961 : vector<160x1024xi1>, vector<160x1024xi32>
    %reduce_min3A_963 = arith.constant dense<2147483647> : vector<160xi32>
    %reduce_min3A_964 = vector.multi_reduction <minsi>, %select_n3A_962, %reduce_min3A_963 [1] : vector<160x1024xi32> to vector<160xi32>
    %broadcast_in_dim3A_965 = vector.shape_cast %reduce_min3A_964 : vector<160xi32> to vector<160x1xi32>
    %mul3A_966 = arith.constant 1024 : i32
    %mul3A_967 = vector.broadcast %mul3A_966 : i32 to vector<160x1xi32>
    %mul3A_968 = arith.muli %iota3A_0, %mul3A_967 : vector<160x1xi32>
    %add3A_969 = arith.addi %mul3A_968, %broadcast_in_dim3A_965 : vector<160x1xi32>
    %eq3A_970 = vector.broadcast %broadcast_in_dim3A_965 : vector<160x1xi32> to vector<160x1024xi32>
    %eq3A_971 = arith.cmpi eq, %iota3A, %eq3A_970 : vector<160x1024xi32>
    %jit3A_972 = arith.constant -2147483648 : i32
    %broadcast_in_dim3A_973 = vector.broadcast %jit3A_972 : i32 to vector<160x1024xi32>
    %select_n3A_974 = arith.select %eq3A_971, %broadcast_in_dim3A_973, %select_n3A_954 : vector<160x1024xi1>, vector<160x1024xi32>
    %reduce_max3A_975 = arith.constant dense<-2147483648> : vector<160xi32>
    %reduce_max3A_976 = vector.multi_reduction <maxsi>, %select_n3A_974, %reduce_max3A_975 [1] : vector<160x1024xi32> to vector<160xi32>
    %broadcast_in_dim3A_977 = vector.shape_cast %reduce_max3A_976 : vector<160xi32> to vector<160x1xi32>
    %eq3A_978 = vector.broadcast %broadcast_in_dim3A_977 : vector<160x1xi32> to vector<160x1024xi32>
    %eq3A_979 = arith.cmpi eq, %select_n3A_974, %eq3A_978 : vector<160x1024xi32>
    %jit3A_980 = arith.constant 1024 : i32
    %broadcast_in_dim3A_981 = vector.broadcast %jit3A_980 : i32 to vector<160x1024xi32>
    %select_n3A_982 = arith.select %eq3A_979, %iota3A, %broadcast_in_dim3A_981 : vector<160x1024xi1>, vector<160x1024xi32>
    %reduce_min3A_983 = arith.constant dense<2147483647> : vector<160xi32>
    %reduce_min3A_984 = vector.multi_reduction <minsi>, %select_n3A_982, %reduce_min3A_983 [1] : vector<160x1024xi32> to vector<160xi32>
    %broadcast_in_dim3A_985 = vector.shape_cast %reduce_min3A_984 : vector<160xi32> to vector<160x1xi32>
    %mul3A_986 = arith.constant 1024 : i32
    %mul3A_987 = vector.broadcast %mul3A_986 : i32 to vector<160x1xi32>
    %mul3A_988 = arith.muli %iota3A_0, %mul3A_987 : vector<160x1xi32>
    %add3A_989 = arith.addi %mul3A_988, %broadcast_in_dim3A_985 : vector<160x1xi32>
    %eq3A_990 = vector.broadcast %broadcast_in_dim3A_985 : vector<160x1xi32> to vector<160x1024xi32>
    %eq3A_991 = arith.cmpi eq, %iota3A, %eq3A_990 : vector<160x1024xi32>
    %jit3A_992 = arith.constant -2147483648 : i32
    %broadcast_in_dim3A_993 = vector.broadcast %jit3A_992 : i32 to vector<160x1024xi32>
    %select_n3A_994 = arith.select %eq3A_991, %broadcast_in_dim3A_993, %select_n3A_974 : vector<160x1024xi1>, vector<160x1024xi32>
    %reduce_max3A_995 = arith.constant dense<-2147483648> : vector<160xi32>
    %reduce_max3A_996 = vector.multi_reduction <maxsi>, %select_n3A_994, %reduce_max3A_995 [1] : vector<160x1024xi32> to vector<160xi32>
    %broadcast_in_dim3A_997 = vector.shape_cast %reduce_max3A_996 : vector<160xi32> to vector<160x1xi32>
    %eq3A_998 = vector.broadcast %broadcast_in_dim3A_997 : vector<160x1xi32> to vector<160x1024xi32>
    %eq3A_999 = arith.cmpi eq, %select_n3A_994, %eq3A_998 : vector<160x1024xi32>
    %jit3A_1000 = arith.constant 1024 : i32
    %broadcast_in_dim3A_1001 = vector.broadcast %jit3A_1000 : i32 to vector<160x1024xi32>
    %select_n3A_1002 = arith.select %eq3A_999, %iota3A, %broadcast_in_dim3A_1001 : vector<160x1024xi1>, vector<160x1024xi32>
    %reduce_min3A_1003 = arith.constant dense<2147483647> : vector<160xi32>
    %reduce_min3A_1004 = vector.multi_reduction <minsi>, %select_n3A_1002, %reduce_min3A_1003 [1] : vector<160x1024xi32> to vector<160xi32>
    %broadcast_in_dim3A_1005 = vector.shape_cast %reduce_min3A_1004 : vector<160xi32> to vector<160x1xi32>
    %mul3A_1006 = arith.constant 1024 : i32
    %mul3A_1007 = vector.broadcast %mul3A_1006 : i32 to vector<160x1xi32>
    %mul3A_1008 = arith.muli %iota3A_0, %mul3A_1007 : vector<160x1xi32>
    %add3A_1009 = arith.addi %mul3A_1008, %broadcast_in_dim3A_1005 : vector<160x1xi32>
    %eq3A_1010 = vector.broadcast %broadcast_in_dim3A_1005 : vector<160x1xi32> to vector<160x1024xi32>
    %eq3A_1011 = arith.cmpi eq, %iota3A, %eq3A_1010 : vector<160x1024xi32>
    %jit3A_1012 = arith.constant -2147483648 : i32
    %broadcast_in_dim3A_1013 = vector.broadcast %jit3A_1012 : i32 to vector<160x1024xi32>
    %select_n3A_1014 = arith.select %eq3A_1011, %broadcast_in_dim3A_1013, %select_n3A_994 : vector<160x1024xi1>, vector<160x1024xi32>
    %reduce_max3A_1015 = arith.constant dense<-2147483648> : vector<160xi32>
    %reduce_max3A_1016 = vector.multi_reduction <maxsi>, %select_n3A_1014, %reduce_max3A_1015 [1] : vector<160x1024xi32> to vector<160xi32>
    %broadcast_in_dim3A_1017 = vector.shape_cast %reduce_max3A_1016 : vector<160xi32> to vector<160x1xi32>
    %eq3A_1018 = vector.broadcast %broadcast_in_dim3A_1017 : vector<160x1xi32> to vector<160x1024xi32>
    %eq3A_1019 = arith.cmpi eq, %select_n3A_1014, %eq3A_1018 : vector<160x1024xi32>
    %jit3A_1020 = arith.constant 1024 : i32
    %broadcast_in_dim3A_1021 = vector.broadcast %jit3A_1020 : i32 to vector<160x1024xi32>
    %select_n3A_1022 = arith.select %eq3A_1019, %iota3A, %broadcast_in_dim3A_1021 : vector<160x1024xi1>, vector<160x1024xi32>
    %reduce_min3A_1023 = arith.constant dense<2147483647> : vector<160xi32>
    %reduce_min3A_1024 = vector.multi_reduction <minsi>, %select_n3A_1022, %reduce_min3A_1023 [1] : vector<160x1024xi32> to vector<160xi32>
    %broadcast_in_dim3A_1025 = vector.shape_cast %reduce_min3A_1024 : vector<160xi32> to vector<160x1xi32>
    %mul3A_1026 = arith.constant 1024 : i32
    %mul3A_1027 = vector.broadcast %mul3A_1026 : i32 to vector<160x1xi32>
    %mul3A_1028 = arith.muli %iota3A_0, %mul3A_1027 : vector<160x1xi32>
    %add3A_1029 = arith.addi %mul3A_1028, %broadcast_in_dim3A_1025 : vector<160x1xi32>
    %eq3A_1030 = vector.broadcast %broadcast_in_dim3A_1025 : vector<160x1xi32> to vector<160x1024xi32>
    %eq3A_1031 = arith.cmpi eq, %iota3A, %eq3A_1030 : vector<160x1024xi32>
    %jit3A_1032 = arith.constant -2147483648 : i32
    %broadcast_in_dim3A_1033 = vector.broadcast %jit3A_1032 : i32 to vector<160x1024xi32>
    %select_n3A_1034 = arith.select %eq3A_1031, %broadcast_in_dim3A_1033, %select_n3A_1014 : vector<160x1024xi1>, vector<160x1024xi32>
    %reduce_max3A_1035 = arith.constant dense<-2147483648> : vector<160xi32>
    %reduce_max3A_1036 = vector.multi_reduction <maxsi>, %select_n3A_1034, %reduce_max3A_1035 [1] : vector<160x1024xi32> to vector<160xi32>
    %broadcast_in_dim3A_1037 = vector.shape_cast %reduce_max3A_1036 : vector<160xi32> to vector<160x1xi32>
    %eq3A_1038 = vector.broadcast %broadcast_in_dim3A_1037 : vector<160x1xi32> to vector<160x1024xi32>
    %eq3A_1039 = arith.cmpi eq, %select_n3A_1034, %eq3A_1038 : vector<160x1024xi32>
    %jit3A_1040 = arith.constant 1024 : i32
    %broadcast_in_dim3A_1041 = vector.broadcast %jit3A_1040 : i32 to vector<160x1024xi32>
    %select_n3A_1042 = arith.select %eq3A_1039, %iota3A, %broadcast_in_dim3A_1041 : vector<160x1024xi1>, vector<160x1024xi32>
    %reduce_min3A_1043 = arith.constant dense<2147483647> : vector<160xi32>
    %reduce_min3A_1044 = vector.multi_reduction <minsi>, %select_n3A_1042, %reduce_min3A_1043 [1] : vector<160x1024xi32> to vector<160xi32>
    %broadcast_in_dim3A_1045 = vector.shape_cast %reduce_min3A_1044 : vector<160xi32> to vector<160x1xi32>
    %mul3A_1046 = arith.constant 1024 : i32
    %mul3A_1047 = vector.broadcast %mul3A_1046 : i32 to vector<160x1xi32>
    %mul3A_1048 = arith.muli %iota3A_0, %mul3A_1047 : vector<160x1xi32>
    %add3A_1049 = arith.addi %mul3A_1048, %broadcast_in_dim3A_1045 : vector<160x1xi32>
    %eq3A_1050 = vector.broadcast %broadcast_in_dim3A_1045 : vector<160x1xi32> to vector<160x1024xi32>
    %eq3A_1051 = arith.cmpi eq, %iota3A, %eq3A_1050 : vector<160x1024xi32>
    %jit3A_1052 = arith.constant -2147483648 : i32
    %broadcast_in_dim3A_1053 = vector.broadcast %jit3A_1052 : i32 to vector<160x1024xi32>
    %select_n3A_1054 = arith.select %eq3A_1051, %broadcast_in_dim3A_1053, %select_n3A_1034 : vector<160x1024xi1>, vector<160x1024xi32>
    %reduce_max3A_1055 = arith.constant dense<-2147483648> : vector<160xi32>
    %reduce_max3A_1056 = vector.multi_reduction <maxsi>, %select_n3A_1054, %reduce_max3A_1055 [1] : vector<160x1024xi32> to vector<160xi32>
    %broadcast_in_dim3A_1057 = vector.shape_cast %reduce_max3A_1056 : vector<160xi32> to vector<160x1xi32>
    %eq3A_1058 = vector.broadcast %broadcast_in_dim3A_1057 : vector<160x1xi32> to vector<160x1024xi32>
    %eq3A_1059 = arith.cmpi eq, %select_n3A_1054, %eq3A_1058 : vector<160x1024xi32>
    %jit3A_1060 = arith.constant 1024 : i32
    %broadcast_in_dim3A_1061 = vector.broadcast %jit3A_1060 : i32 to vector<160x1024xi32>
    %select_n3A_1062 = arith.select %eq3A_1059, %iota3A, %broadcast_in_dim3A_1061 : vector<160x1024xi1>, vector<160x1024xi32>
    %reduce_min3A_1063 = arith.constant dense<2147483647> : vector<160xi32>
    %reduce_min3A_1064 = vector.multi_reduction <minsi>, %select_n3A_1062, %reduce_min3A_1063 [1] : vector<160x1024xi32> to vector<160xi32>
    %broadcast_in_dim3A_1065 = vector.shape_cast %reduce_min3A_1064 : vector<160xi32> to vector<160x1xi32>
    %mul3A_1066 = arith.constant 1024 : i32
    %mul3A_1067 = vector.broadcast %mul3A_1066 : i32 to vector<160x1xi32>
    %mul3A_1068 = arith.muli %iota3A_0, %mul3A_1067 : vector<160x1xi32>
    %add3A_1069 = arith.addi %mul3A_1068, %broadcast_in_dim3A_1065 : vector<160x1xi32>
    %eq3A_1070 = vector.broadcast %broadcast_in_dim3A_1065 : vector<160x1xi32> to vector<160x1024xi32>
    %eq3A_1071 = arith.cmpi eq, %iota3A, %eq3A_1070 : vector<160x1024xi32>
    %jit3A_1072 = arith.constant -2147483648 : i32
    %broadcast_in_dim3A_1073 = vector.broadcast %jit3A_1072 : i32 to vector<160x1024xi32>
    %select_n3A_1074 = arith.select %eq3A_1071, %broadcast_in_dim3A_1073, %select_n3A_1054 : vector<160x1024xi1>, vector<160x1024xi32>
    %reduce_max3A_1075 = arith.constant dense<-2147483648> : vector<160xi32>
    %reduce_max3A_1076 = vector.multi_reduction <maxsi>, %select_n3A_1074, %reduce_max3A_1075 [1] : vector<160x1024xi32> to vector<160xi32>
    %broadcast_in_dim3A_1077 = vector.shape_cast %reduce_max3A_1076 : vector<160xi32> to vector<160x1xi32>
    %eq3A_1078 = vector.broadcast %broadcast_in_dim3A_1077 : vector<160x1xi32> to vector<160x1024xi32>
    %eq3A_1079 = arith.cmpi eq, %select_n3A_1074, %eq3A_1078 : vector<160x1024xi32>
    %jit3A_1080 = arith.constant 1024 : i32
    %broadcast_in_dim3A_1081 = vector.broadcast %jit3A_1080 : i32 to vector<160x1024xi32>
    %select_n3A_1082 = arith.select %eq3A_1079, %iota3A, %broadcast_in_dim3A_1081 : vector<160x1024xi1>, vector<160x1024xi32>
    %reduce_min3A_1083 = arith.constant dense<2147483647> : vector<160xi32>
    %reduce_min3A_1084 = vector.multi_reduction <minsi>, %select_n3A_1082, %reduce_min3A_1083 [1] : vector<160x1024xi32> to vector<160xi32>
    %broadcast_in_dim3A_1085 = vector.shape_cast %reduce_min3A_1084 : vector<160xi32> to vector<160x1xi32>
    %mul3A_1086 = arith.constant 1024 : i32
    %mul3A_1087 = vector.broadcast %mul3A_1086 : i32 to vector<160x1xi32>
    %mul3A_1088 = arith.muli %iota3A_0, %mul3A_1087 : vector<160x1xi32>
    %add3A_1089 = arith.addi %mul3A_1088, %broadcast_in_dim3A_1085 : vector<160x1xi32>
    %eq3A_1090 = vector.broadcast %broadcast_in_dim3A_1085 : vector<160x1xi32> to vector<160x1024xi32>
    %eq3A_1091 = arith.cmpi eq, %iota3A, %eq3A_1090 : vector<160x1024xi32>
    %jit3A_1092 = arith.constant -2147483648 : i32
    %broadcast_in_dim3A_1093 = vector.broadcast %jit3A_1092 : i32 to vector<160x1024xi32>
    %select_n3A_1094 = arith.select %eq3A_1091, %broadcast_in_dim3A_1093, %select_n3A_1074 : vector<160x1024xi1>, vector<160x1024xi32>
    %reduce_max3A_1095 = arith.constant dense<-2147483648> : vector<160xi32>
    %reduce_max3A_1096 = vector.multi_reduction <maxsi>, %select_n3A_1094, %reduce_max3A_1095 [1] : vector<160x1024xi32> to vector<160xi32>
    %broadcast_in_dim3A_1097 = vector.shape_cast %reduce_max3A_1096 : vector<160xi32> to vector<160x1xi32>
    %eq3A_1098 = vector.broadcast %broadcast_in_dim3A_1097 : vector<160x1xi32> to vector<160x1024xi32>
    %eq3A_1099 = arith.cmpi eq, %select_n3A_1094, %eq3A_1098 : vector<160x1024xi32>
    %jit3A_1100 = arith.constant 1024 : i32
    %broadcast_in_dim3A_1101 = vector.broadcast %jit3A_1100 : i32 to vector<160x1024xi32>
    %select_n3A_1102 = arith.select %eq3A_1099, %iota3A, %broadcast_in_dim3A_1101 : vector<160x1024xi1>, vector<160x1024xi32>
    %reduce_min3A_1103 = arith.constant dense<2147483647> : vector<160xi32>
    %reduce_min3A_1104 = vector.multi_reduction <minsi>, %select_n3A_1102, %reduce_min3A_1103 [1] : vector<160x1024xi32> to vector<160xi32>
    %broadcast_in_dim3A_1105 = vector.shape_cast %reduce_min3A_1104 : vector<160xi32> to vector<160x1xi32>
    %mul3A_1106 = arith.constant 1024 : i32
    %mul3A_1107 = vector.broadcast %mul3A_1106 : i32 to vector<160x1xi32>
    %mul3A_1108 = arith.muli %iota3A_0, %mul3A_1107 : vector<160x1xi32>
    %add3A_1109 = arith.addi %mul3A_1108, %broadcast_in_dim3A_1105 : vector<160x1xi32>
    %eq3A_1110 = vector.broadcast %broadcast_in_dim3A_1105 : vector<160x1xi32> to vector<160x1024xi32>
    %eq3A_1111 = arith.cmpi eq, %iota3A, %eq3A_1110 : vector<160x1024xi32>
    %jit3A_1112 = arith.constant -2147483648 : i32
    %broadcast_in_dim3A_1113 = vector.broadcast %jit3A_1112 : i32 to vector<160x1024xi32>
    %select_n3A_1114 = arith.select %eq3A_1111, %broadcast_in_dim3A_1113, %select_n3A_1094 : vector<160x1024xi1>, vector<160x1024xi32>
    %reduce_max3A_1115 = arith.constant dense<-2147483648> : vector<160xi32>
    %reduce_max3A_1116 = vector.multi_reduction <maxsi>, %select_n3A_1114, %reduce_max3A_1115 [1] : vector<160x1024xi32> to vector<160xi32>
    %broadcast_in_dim3A_1117 = vector.shape_cast %reduce_max3A_1116 : vector<160xi32> to vector<160x1xi32>
    %eq3A_1118 = vector.broadcast %broadcast_in_dim3A_1117 : vector<160x1xi32> to vector<160x1024xi32>
    %eq3A_1119 = arith.cmpi eq, %select_n3A_1114, %eq3A_1118 : vector<160x1024xi32>
    %jit3A_1120 = arith.constant 1024 : i32
    %broadcast_in_dim3A_1121 = vector.broadcast %jit3A_1120 : i32 to vector<160x1024xi32>
    %select_n3A_1122 = arith.select %eq3A_1119, %iota3A, %broadcast_in_dim3A_1121 : vector<160x1024xi1>, vector<160x1024xi32>
    %reduce_min3A_1123 = arith.constant dense<2147483647> : vector<160xi32>
    %reduce_min3A_1124 = vector.multi_reduction <minsi>, %select_n3A_1122, %reduce_min3A_1123 [1] : vector<160x1024xi32> to vector<160xi32>
    %broadcast_in_dim3A_1125 = vector.shape_cast %reduce_min3A_1124 : vector<160xi32> to vector<160x1xi32>
    %mul3A_1126 = arith.constant 1024 : i32
    %mul3A_1127 = vector.broadcast %mul3A_1126 : i32 to vector<160x1xi32>
    %mul3A_1128 = arith.muli %iota3A_0, %mul3A_1127 : vector<160x1xi32>
    %add3A_1129 = arith.addi %mul3A_1128, %broadcast_in_dim3A_1125 : vector<160x1xi32>
    %eq3A_1130 = vector.broadcast %broadcast_in_dim3A_1125 : vector<160x1xi32> to vector<160x1024xi32>
    %eq3A_1131 = arith.cmpi eq, %iota3A, %eq3A_1130 : vector<160x1024xi32>
    %jit3A_1132 = arith.constant -2147483648 : i32
    %broadcast_in_dim3A_1133 = vector.broadcast %jit3A_1132 : i32 to vector<160x1024xi32>
    %select_n3A_1134 = arith.select %eq3A_1131, %broadcast_in_dim3A_1133, %select_n3A_1114 : vector<160x1024xi1>, vector<160x1024xi32>
    %reduce_max3A_1135 = arith.constant dense<-2147483648> : vector<160xi32>
    %reduce_max3A_1136 = vector.multi_reduction <maxsi>, %select_n3A_1134, %reduce_max3A_1135 [1] : vector<160x1024xi32> to vector<160xi32>
    %broadcast_in_dim3A_1137 = vector.shape_cast %reduce_max3A_1136 : vector<160xi32> to vector<160x1xi32>
    %eq3A_1138 = vector.broadcast %broadcast_in_dim3A_1137 : vector<160x1xi32> to vector<160x1024xi32>
    %eq3A_1139 = arith.cmpi eq, %select_n3A_1134, %eq3A_1138 : vector<160x1024xi32>
    %jit3A_1140 = arith.constant 1024 : i32
    %broadcast_in_dim3A_1141 = vector.broadcast %jit3A_1140 : i32 to vector<160x1024xi32>
    %select_n3A_1142 = arith.select %eq3A_1139, %iota3A, %broadcast_in_dim3A_1141 : vector<160x1024xi1>, vector<160x1024xi32>
    %reduce_min3A_1143 = arith.constant dense<2147483647> : vector<160xi32>
    %reduce_min3A_1144 = vector.multi_reduction <minsi>, %select_n3A_1142, %reduce_min3A_1143 [1] : vector<160x1024xi32> to vector<160xi32>
    %broadcast_in_dim3A_1145 = vector.shape_cast %reduce_min3A_1144 : vector<160xi32> to vector<160x1xi32>
    %mul3A_1146 = arith.constant 1024 : i32
    %mul3A_1147 = vector.broadcast %mul3A_1146 : i32 to vector<160x1xi32>
    %mul3A_1148 = arith.muli %iota3A_0, %mul3A_1147 : vector<160x1xi32>
    %add3A_1149 = arith.addi %mul3A_1148, %broadcast_in_dim3A_1145 : vector<160x1xi32>
    %eq3A_1150 = vector.broadcast %broadcast_in_dim3A_1145 : vector<160x1xi32> to vector<160x1024xi32>
    %eq3A_1151 = arith.cmpi eq, %iota3A, %eq3A_1150 : vector<160x1024xi32>
    %jit3A_1152 = arith.constant -2147483648 : i32
    %broadcast_in_dim3A_1153 = vector.broadcast %jit3A_1152 : i32 to vector<160x1024xi32>
    %select_n3A_1154 = arith.select %eq3A_1151, %broadcast_in_dim3A_1153, %select_n3A_1134 : vector<160x1024xi1>, vector<160x1024xi32>
    %reduce_max3A_1155 = arith.constant dense<-2147483648> : vector<160xi32>
    %reduce_max3A_1156 = vector.multi_reduction <maxsi>, %select_n3A_1154, %reduce_max3A_1155 [1] : vector<160x1024xi32> to vector<160xi32>
    %broadcast_in_dim3A_1157 = vector.shape_cast %reduce_max3A_1156 : vector<160xi32> to vector<160x1xi32>
    %eq3A_1158 = vector.broadcast %broadcast_in_dim3A_1157 : vector<160x1xi32> to vector<160x1024xi32>
    %eq3A_1159 = arith.cmpi eq, %select_n3A_1154, %eq3A_1158 : vector<160x1024xi32>
    %jit3A_1160 = arith.constant 1024 : i32
    %broadcast_in_dim3A_1161 = vector.broadcast %jit3A_1160 : i32 to vector<160x1024xi32>
    %select_n3A_1162 = arith.select %eq3A_1159, %iota3A, %broadcast_in_dim3A_1161 : vector<160x1024xi1>, vector<160x1024xi32>
    %reduce_min3A_1163 = arith.constant dense<2147483647> : vector<160xi32>
    %reduce_min3A_1164 = vector.multi_reduction <minsi>, %select_n3A_1162, %reduce_min3A_1163 [1] : vector<160x1024xi32> to vector<160xi32>
    %broadcast_in_dim3A_1165 = vector.shape_cast %reduce_min3A_1164 : vector<160xi32> to vector<160x1xi32>
    %mul3A_1166 = arith.constant 1024 : i32
    %mul3A_1167 = vector.broadcast %mul3A_1166 : i32 to vector<160x1xi32>
    %mul3A_1168 = arith.muli %iota3A_0, %mul3A_1167 : vector<160x1xi32>
    %add3A_1169 = arith.addi %mul3A_1168, %broadcast_in_dim3A_1165 : vector<160x1xi32>
    %eq3A_1170 = vector.broadcast %broadcast_in_dim3A_1165 : vector<160x1xi32> to vector<160x1024xi32>
    %eq3A_1171 = arith.cmpi eq, %iota3A, %eq3A_1170 : vector<160x1024xi32>
    %jit3A_1172 = arith.constant -2147483648 : i32
    %broadcast_in_dim3A_1173 = vector.broadcast %jit3A_1172 : i32 to vector<160x1024xi32>
    %select_n3A_1174 = arith.select %eq3A_1171, %broadcast_in_dim3A_1173, %select_n3A_1154 : vector<160x1024xi1>, vector<160x1024xi32>
    %reduce_max3A_1175 = arith.constant dense<-2147483648> : vector<160xi32>
    %reduce_max3A_1176 = vector.multi_reduction <maxsi>, %select_n3A_1174, %reduce_max3A_1175 [1] : vector<160x1024xi32> to vector<160xi32>
    %broadcast_in_dim3A_1177 = vector.shape_cast %reduce_max3A_1176 : vector<160xi32> to vector<160x1xi32>
    %eq3A_1178 = vector.broadcast %broadcast_in_dim3A_1177 : vector<160x1xi32> to vector<160x1024xi32>
    %eq3A_1179 = arith.cmpi eq, %select_n3A_1174, %eq3A_1178 : vector<160x1024xi32>
    %jit3A_1180 = arith.constant 1024 : i32
    %broadcast_in_dim3A_1181 = vector.broadcast %jit3A_1180 : i32 to vector<160x1024xi32>
    %select_n3A_1182 = arith.select %eq3A_1179, %iota3A, %broadcast_in_dim3A_1181 : vector<160x1024xi1>, vector<160x1024xi32>
    %reduce_min3A_1183 = arith.constant dense<2147483647> : vector<160xi32>
    %reduce_min3A_1184 = vector.multi_reduction <minsi>, %select_n3A_1182, %reduce_min3A_1183 [1] : vector<160x1024xi32> to vector<160xi32>
    %broadcast_in_dim3A_1185 = vector.shape_cast %reduce_min3A_1184 : vector<160xi32> to vector<160x1xi32>
    %mul3A_1186 = arith.constant 1024 : i32
    %mul3A_1187 = vector.broadcast %mul3A_1186 : i32 to vector<160x1xi32>
    %mul3A_1188 = arith.muli %iota3A_0, %mul3A_1187 : vector<160x1xi32>
    %add3A_1189 = arith.addi %mul3A_1188, %broadcast_in_dim3A_1185 : vector<160x1xi32>
    %eq3A_1190 = vector.broadcast %broadcast_in_dim3A_1185 : vector<160x1xi32> to vector<160x1024xi32>
    %eq3A_1191 = arith.cmpi eq, %iota3A, %eq3A_1190 : vector<160x1024xi32>
    %jit3A_1192 = arith.constant -2147483648 : i32
    %broadcast_in_dim3A_1193 = vector.broadcast %jit3A_1192 : i32 to vector<160x1024xi32>
    %select_n3A_1194 = arith.select %eq3A_1191, %broadcast_in_dim3A_1193, %select_n3A_1174 : vector<160x1024xi1>, vector<160x1024xi32>
    %reduce_max3A_1195 = arith.constant dense<-2147483648> : vector<160xi32>
    %reduce_max3A_1196 = vector.multi_reduction <maxsi>, %select_n3A_1194, %reduce_max3A_1195 [1] : vector<160x1024xi32> to vector<160xi32>
    %broadcast_in_dim3A_1197 = vector.shape_cast %reduce_max3A_1196 : vector<160xi32> to vector<160x1xi32>
    %eq3A_1198 = vector.broadcast %broadcast_in_dim3A_1197 : vector<160x1xi32> to vector<160x1024xi32>
    %eq3A_1199 = arith.cmpi eq, %select_n3A_1194, %eq3A_1198 : vector<160x1024xi32>
    %jit3A_1200 = arith.constant 1024 : i32
    %broadcast_in_dim3A_1201 = vector.broadcast %jit3A_1200 : i32 to vector<160x1024xi32>
    %select_n3A_1202 = arith.select %eq3A_1199, %iota3A, %broadcast_in_dim3A_1201 : vector<160x1024xi1>, vector<160x1024xi32>
    %reduce_min3A_1203 = arith.constant dense<2147483647> : vector<160xi32>
    %reduce_min3A_1204 = vector.multi_reduction <minsi>, %select_n3A_1202, %reduce_min3A_1203 [1] : vector<160x1024xi32> to vector<160xi32>
    %broadcast_in_dim3A_1205 = vector.shape_cast %reduce_min3A_1204 : vector<160xi32> to vector<160x1xi32>
    %mul3A_1206 = arith.constant 1024 : i32
    %mul3A_1207 = vector.broadcast %mul3A_1206 : i32 to vector<160x1xi32>
    %mul3A_1208 = arith.muli %iota3A_0, %mul3A_1207 : vector<160x1xi32>
    %add3A_1209 = arith.addi %mul3A_1208, %broadcast_in_dim3A_1205 : vector<160x1xi32>
    %eq3A_1210 = vector.broadcast %broadcast_in_dim3A_1205 : vector<160x1xi32> to vector<160x1024xi32>
    %eq3A_1211 = arith.cmpi eq, %iota3A, %eq3A_1210 : vector<160x1024xi32>
    %jit3A_1212 = arith.constant -2147483648 : i32
    %broadcast_in_dim3A_1213 = vector.broadcast %jit3A_1212 : i32 to vector<160x1024xi32>
    %select_n3A_1214 = arith.select %eq3A_1211, %broadcast_in_dim3A_1213, %select_n3A_1194 : vector<160x1024xi1>, vector<160x1024xi32>
    %reduce_max3A_1215 = arith.constant dense<-2147483648> : vector<160xi32>
    %reduce_max3A_1216 = vector.multi_reduction <maxsi>, %select_n3A_1214, %reduce_max3A_1215 [1] : vector<160x1024xi32> to vector<160xi32>
    %broadcast_in_dim3A_1217 = vector.shape_cast %reduce_max3A_1216 : vector<160xi32> to vector<160x1xi32>
    %eq3A_1218 = vector.broadcast %broadcast_in_dim3A_1217 : vector<160x1xi32> to vector<160x1024xi32>
    %eq3A_1219 = arith.cmpi eq, %select_n3A_1214, %eq3A_1218 : vector<160x1024xi32>
    %jit3A_1220 = arith.constant 1024 : i32
    %broadcast_in_dim3A_1221 = vector.broadcast %jit3A_1220 : i32 to vector<160x1024xi32>
    %select_n3A_1222 = arith.select %eq3A_1219, %iota3A, %broadcast_in_dim3A_1221 : vector<160x1024xi1>, vector<160x1024xi32>
    %reduce_min3A_1223 = arith.constant dense<2147483647> : vector<160xi32>
    %reduce_min3A_1224 = vector.multi_reduction <minsi>, %select_n3A_1222, %reduce_min3A_1223 [1] : vector<160x1024xi32> to vector<160xi32>
    %broadcast_in_dim3A_1225 = vector.shape_cast %reduce_min3A_1224 : vector<160xi32> to vector<160x1xi32>
    %mul3A_1226 = arith.constant 1024 : i32
    %mul3A_1227 = vector.broadcast %mul3A_1226 : i32 to vector<160x1xi32>
    %mul3A_1228 = arith.muli %iota3A_0, %mul3A_1227 : vector<160x1xi32>
    %add3A_1229 = arith.addi %mul3A_1228, %broadcast_in_dim3A_1225 : vector<160x1xi32>
    %eq3A_1230 = vector.broadcast %broadcast_in_dim3A_1225 : vector<160x1xi32> to vector<160x1024xi32>
    %eq3A_1231 = arith.cmpi eq, %iota3A, %eq3A_1230 : vector<160x1024xi32>
    %jit3A_1232 = arith.constant -2147483648 : i32
    %broadcast_in_dim3A_1233 = vector.broadcast %jit3A_1232 : i32 to vector<160x1024xi32>
    %select_n3A_1234 = arith.select %eq3A_1231, %broadcast_in_dim3A_1233, %select_n3A_1214 : vector<160x1024xi1>, vector<160x1024xi32>
    %reduce_max3A_1235 = arith.constant dense<-2147483648> : vector<160xi32>
    %reduce_max3A_1236 = vector.multi_reduction <maxsi>, %select_n3A_1234, %reduce_max3A_1235 [1] : vector<160x1024xi32> to vector<160xi32>
    %broadcast_in_dim3A_1237 = vector.shape_cast %reduce_max3A_1236 : vector<160xi32> to vector<160x1xi32>
    %eq3A_1238 = vector.broadcast %broadcast_in_dim3A_1237 : vector<160x1xi32> to vector<160x1024xi32>
    %eq3A_1239 = arith.cmpi eq, %select_n3A_1234, %eq3A_1238 : vector<160x1024xi32>
    %jit3A_1240 = arith.constant 1024 : i32
    %broadcast_in_dim3A_1241 = vector.broadcast %jit3A_1240 : i32 to vector<160x1024xi32>
    %select_n3A_1242 = arith.select %eq3A_1239, %iota3A, %broadcast_in_dim3A_1241 : vector<160x1024xi1>, vector<160x1024xi32>
    %reduce_min3A_1243 = arith.constant dense<2147483647> : vector<160xi32>
    %reduce_min3A_1244 = vector.multi_reduction <minsi>, %select_n3A_1242, %reduce_min3A_1243 [1] : vector<160x1024xi32> to vector<160xi32>
    %broadcast_in_dim3A_1245 = vector.shape_cast %reduce_min3A_1244 : vector<160xi32> to vector<160x1xi32>
    %mul3A_1246 = arith.constant 1024 : i32
    %mul3A_1247 = vector.broadcast %mul3A_1246 : i32 to vector<160x1xi32>
    %mul3A_1248 = arith.muli %iota3A_0, %mul3A_1247 : vector<160x1xi32>
    %add3A_1249 = arith.addi %mul3A_1248, %broadcast_in_dim3A_1245 : vector<160x1xi32>
    %eq3A_1250 = vector.broadcast %broadcast_in_dim3A_1245 : vector<160x1xi32> to vector<160x1024xi32>
    %eq3A_1251 = arith.cmpi eq, %iota3A, %eq3A_1250 : vector<160x1024xi32>
    %jit3A_1252 = arith.constant -2147483648 : i32
    %broadcast_in_dim3A_1253 = vector.broadcast %jit3A_1252 : i32 to vector<160x1024xi32>
    %select_n3A_1254 = arith.select %eq3A_1251, %broadcast_in_dim3A_1253, %select_n3A_1234 : vector<160x1024xi1>, vector<160x1024xi32>
    %reduce_max3A_1255 = arith.constant dense<-2147483648> : vector<160xi32>
    %reduce_max3A_1256 = vector.multi_reduction <maxsi>, %select_n3A_1254, %reduce_max3A_1255 [1] : vector<160x1024xi32> to vector<160xi32>
    %broadcast_in_dim3A_1257 = vector.shape_cast %reduce_max3A_1256 : vector<160xi32> to vector<160x1xi32>
    %eq3A_1258 = vector.broadcast %broadcast_in_dim3A_1257 : vector<160x1xi32> to vector<160x1024xi32>
    %eq3A_1259 = arith.cmpi eq, %select_n3A_1254, %eq3A_1258 : vector<160x1024xi32>
    %jit3A_1260 = arith.constant 1024 : i32
    %broadcast_in_dim3A_1261 = vector.broadcast %jit3A_1260 : i32 to vector<160x1024xi32>
    %select_n3A_1262 = arith.select %eq3A_1259, %iota3A, %broadcast_in_dim3A_1261 : vector<160x1024xi1>, vector<160x1024xi32>
    %reduce_min3A_1263 = arith.constant dense<2147483647> : vector<160xi32>
    %reduce_min3A_1264 = vector.multi_reduction <minsi>, %select_n3A_1262, %reduce_min3A_1263 [1] : vector<160x1024xi32> to vector<160xi32>
    %broadcast_in_dim3A_1265 = vector.shape_cast %reduce_min3A_1264 : vector<160xi32> to vector<160x1xi32>
    %mul3A_1266 = arith.constant 1024 : i32
    %mul3A_1267 = vector.broadcast %mul3A_1266 : i32 to vector<160x1xi32>
    %mul3A_1268 = arith.muli %iota3A_0, %mul3A_1267 : vector<160x1xi32>
    %add3A_1269 = arith.addi %mul3A_1268, %broadcast_in_dim3A_1265 : vector<160x1xi32>
    %concatenate3A = tpu.concatenate %broadcast_in_dim3A, %broadcast_in_dim3A_17, %broadcast_in_dim3A_37, %broadcast_in_dim3A_57, %broadcast_in_dim3A_77, %broadcast_in_dim3A_97, %broadcast_in_dim3A_117, %broadcast_in_dim3A_137, %broadcast_in_dim3A_157, %broadcast_in_dim3A_177, %broadcast_in_dim3A_197, %broadcast_in_dim3A_217, %broadcast_in_dim3A_237, %broadcast_in_dim3A_257, %broadcast_in_dim3A_277, %broadcast_in_dim3A_297, %broadcast_in_dim3A_317, %broadcast_in_dim3A_337, %broadcast_in_dim3A_357, %broadcast_in_dim3A_377, %broadcast_in_dim3A_397, %broadcast_in_dim3A_417, %broadcast_in_dim3A_437, %broadcast_in_dim3A_457, %broadcast_in_dim3A_477, %broadcast_in_dim3A_497, %broadcast_in_dim3A_517, %broadcast_in_dim3A_537, %broadcast_in_dim3A_557, %broadcast_in_dim3A_577, %broadcast_in_dim3A_597, %broadcast_in_dim3A_617, %broadcast_in_dim3A_637, %broadcast_in_dim3A_657, %broadcast_in_dim3A_677, %broadcast_in_dim3A_697, %broadcast_in_dim3A_717, %broadcast_in_dim3A_737, %broadcast_in_dim3A_757, %broadcast_in_dim3A_777, %broadcast_in_dim3A_797, %broadcast_in_dim3A_817, %broadcast_in_dim3A_837, %broadcast_in_dim3A_857, %broadcast_in_dim3A_877, %broadcast_in_dim3A_897, %broadcast_in_dim3A_917, %broadcast_in_dim3A_937, %broadcast_in_dim3A_957, %broadcast_in_dim3A_977, %broadcast_in_dim3A_997, %broadcast_in_dim3A_1017, %broadcast_in_dim3A_1037, %broadcast_in_dim3A_1057, %broadcast_in_dim3A_1077, %broadcast_in_dim3A_1097, %broadcast_in_dim3A_1117, %broadcast_in_dim3A_1137, %broadcast_in_dim3A_1157, %broadcast_in_dim3A_1177, %broadcast_in_dim3A_1197, %broadcast_in_dim3A_1217, %broadcast_in_dim3A_1237, %broadcast_in_dim3A_1257 in 1 : vector<160x1xi32>, vector<160x1xi32>, vector<160x1xi32>, vector<160x1xi32>, vector<160x1xi32>, vector<160x1xi32>, vector<160x1xi32>, vector<160x1xi32>, vector<160x1xi32>, vector<160x1xi32>, vector<160x1xi32>, vector<160x1xi32>, vector<160x1xi32>, vector<160x1xi32>, vector<160x1xi32>, vector<160x1xi32>, vector<160x1xi32>, vector<160x1xi32>, vector<160x1xi32>, vector<160x1xi32>, vector<160x1xi32>, vector<160x1xi32>, vector<160x1xi32>, vector<160x1xi32>, vector<160x1xi32>, vector<160x1xi32>, vector<160x1xi32>, vector<160x1xi32>, vector<160x1xi32>, vector<160x1xi32>, vector<160x1xi32>, vector<160x1xi32>, vector<160x1xi32>, vector<160x1xi32>, vector<160x1xi32>, vector<160x1xi32>, vector<160x1xi32>, vector<160x1xi32>, vector<160x1xi32>, vector<160x1xi32>, vector<160x1xi32>, vector<160x1xi32>, vector<160x1xi32>, vector<160x1xi32>, vector<160x1xi32>, vector<160x1xi32>, vector<160x1xi32>, vector<160x1xi32>, vector<160x1xi32>, vector<160x1xi32>, vector<160x1xi32>, vector<160x1xi32>, vector<160x1xi32>, vector<160x1xi32>, vector<160x1xi32>, vector<160x1xi32>, vector<160x1xi32>, vector<160x1xi32>, vector<160x1xi32>, vector<160x1xi32>, vector<160x1xi32>, vector<160x1xi32>, vector<160x1xi32>, vector<160x1xi32> -> vector<160x64xi32>
    %swap3A = arith.constant 0 : index
    %swap3A_1270 = arith.constant 0 : index
    %swap3A_1271 = vector.load %arg1[%swap3A, %swap3A_1270] : memref<160x64xi32, #tpu.memory_space<vmem>>, vector<160x64xi32>
    tpu.vector_store %arg1[%swap3A, %swap3A_1270], %concatenate3A {strides = array<i32>} : memref<160x64xi32, #tpu.memory_space<vmem>>, vector<160x64xi32>,
    %concatenate3A_1272 = tpu.concatenate %add3A, %add3A_29, %add3A_49, %add3A_69, %add3A_89, %add3A_109, %add3A_129, %add3A_149, %add3A_169, %add3A_189, %add3A_209, %add3A_229, %add3A_249, %add3A_269, %add3A_289, %add3A_309, %add3A_329, %add3A_349, %add3A_369, %add3A_389, %add3A_409, %add3A_429, %add3A_449, %add3A_469, %add3A_489, %add3A_509, %add3A_529, %add3A_549, %add3A_569, %add3A_589, %add3A_609, %add3A_629, %add3A_649, %add3A_669, %add3A_689, %add3A_709, %add3A_729, %add3A_749, %add3A_769, %add3A_789, %add3A_809, %add3A_829, %add3A_849, %add3A_869, %add3A_889, %add3A_909, %add3A_929, %add3A_949, %add3A_969, %add3A_989, %add3A_1009, %add3A_1029, %add3A_1049, %add3A_1069, %add3A_1089, %add3A_1109, %add3A_1129, %add3A_1149, %add3A_1169, %add3A_1189, %add3A_1209, %add3A_1229, %add3A_1249, %add3A_1269 in 1 : vector<160x1xi32>, vector<160x1xi32>, vector<160x1xi32>, vector<160x1xi32>, vector<160x1xi32>, vector<160x1xi32>, vector<160x1xi32>, vector<160x1xi32>, vector<160x1xi32>, vector<160x1xi32>, vector<160x1xi32>, vector<160x1xi32>, vector<160x1xi32>, vector<160x1xi32>, vector<160x1xi32>, vector<160x1xi32>, vector<160x1xi32>, vector<160x1xi32>, vector<160x1xi32>, vector<160x1xi32>, vector<160x1xi32>, vector<160x1xi32>, vector<160x1xi32>, vector<160x1xi32>, vector<160x1xi32>, vector<160x1xi32>, vector<160x1xi32>, vector<160x1xi32>, vector<160x1xi32>, vector<160x1xi32>, vector<160x1xi32>, vector<160x1xi32>, vector<160x1xi32>, vector<160x1xi32>, vector<160x1xi32>, vector<160x1xi32>, vector<160x1xi32>, vector<160x1xi32>, vector<160x1xi32>, vector<160x1xi32>, vector<160x1xi32>, vector<160x1xi32>, vector<160x1xi32>, vector<160x1xi32>, vector<160x1xi32>, vector<160x1xi32>, vector<160x1xi32>, vector<160x1xi32>, vector<160x1xi32>, vector<160x1xi32>, vector<160x1xi32>, vector<160x1xi32>, vector<160x1xi32>, vector<160x1xi32>, vector<160x1xi32>, vector<160x1xi32>, vector<160x1xi32>, vector<160x1xi32>, vector<160x1xi32>, vector<160x1xi32>, vector<160x1xi32>, vector<160x1xi32>, vector<160x1xi32>, vector<160x1xi32> -> vector<160x64xi32>
    %swap3A_1273 = arith.constant 0 : index
    %swap3A_1274 = arith.constant 0 : index
    %swap3A_1275 = vector.load %arg2[%swap3A_1273, %swap3A_1274] : memref<160x64xi32, #tpu.memory_space<vmem>>, vector<160x64xi32>
    tpu.vector_store %arg2[%swap3A_1273, %swap3A_1274], %concatenate3A_1272 {strides = array<i32>} : memref<160x64xi32, #tpu.memory_space<vmem>>, vector<160x64xi32>,
    return
  }
}

module attributes {stable_mosaic.version = 14 : i64} {
  func.func @_nms_body(%arg0: memref<1x4096xf32, #tpu.memory_space<vmem>>, %arg1: memref<1x4096xf32, #tpu.memory_space<vmem>>, %arg2: memref<1x4096xf32, #tpu.memory_space<vmem>>, %arg3: memref<1x4096xf32, #tpu.memory_space<vmem>>, %arg4: memref<1x4096xf32, #tpu.memory_space<vmem>>, %arg5: memref<1x4096xf32, #tpu.memory_space<vmem>>, %arg6: memref<4096x1xf32, #tpu.memory_space<vmem>>, %arg7: memref<4096x1xf32, #tpu.memory_space<vmem>>, %arg8: memref<4096x1xf32, #tpu.memory_space<vmem>>, %arg9: memref<4096x1xf32, #tpu.memory_space<vmem>>, %arg10: memref<4096x1xf32, #tpu.memory_space<vmem>>, %arg11: memref<128x8xf32, #tpu.memory_space<vmem>>) attributes {dimension_semantics = [], scalar_prefetch = 0 : i64, scratch_operands = 0 : i64, tpu.core_type = #tpu.core_type<tc>} {
    %get3A = arith.constant 0 : index
    %get3A_0 = arith.constant 0 : index
    %get3A_1 = vector.load %arg0[%get3A, %get3A_0] : memref<1x4096xf32, #tpu.memory_space<vmem>>, vector<1x4096xf32>
    %get3A_2 = arith.constant 0 : index
    %get3A_3 = arith.constant 0 : index
    %get3A_4 = vector.load %arg1[%get3A_2, %get3A_3] : memref<1x4096xf32, #tpu.memory_space<vmem>>, vector<1x4096xf32>
    %get3A_5 = arith.constant 0 : index
    %get3A_6 = arith.constant 0 : index
    %get3A_7 = vector.load %arg2[%get3A_5, %get3A_6] : memref<1x4096xf32, #tpu.memory_space<vmem>>, vector<1x4096xf32>
    %get3A_8 = arith.constant 0 : index
    %get3A_9 = arith.constant 0 : index
    %get3A_10 = vector.load %arg3[%get3A_8, %get3A_9] : memref<1x4096xf32, #tpu.memory_space<vmem>>, vector<1x4096xf32>
    %get3A_11 = arith.constant 0 : index
    %get3A_12 = arith.constant 0 : index
    %get3A_13 = vector.load %arg4[%get3A_11, %get3A_12] : memref<1x4096xf32, #tpu.memory_space<vmem>>, vector<1x4096xf32>
    %get3A_14 = arith.constant 0 : index
    %get3A_15 = arith.constant 0 : index
    %get3A_16 = vector.load %arg5[%get3A_14, %get3A_15] : memref<1x4096xf32, #tpu.memory_space<vmem>>, vector<1x4096xf32>
    %max3A = arith.maximumf %get3A_1, %get3A_7 : vector<1x4096xf32>
    %max3A_17 = arith.maximumf %get3A_4, %get3A_10 : vector<1x4096xf32>
    %max3A_18 = arith.maximumf %max3A, %max3A_17 : vector<1x4096xf32>
    %reduce_max3A = arith.constant dense<0xFF800000> : vector<1xf32>
    %reduce_max3A_19 = vector.multi_reduction <maximumf>, %max3A_18, %reduce_max3A [1] : vector<1x4096xf32> to vector<1xf32>
    %broadcast_in_dim3A = vector.shape_cast %reduce_max3A_19 : vector<1xf32> to vector<1x1xf32>
    %add3A = arith.constant 1.000000e+00 : f32
    %add3A_20 = vector.broadcast %add3A : f32 to vector<1x1xf32>
    %add3A_21 = arith.addf %broadcast_in_dim3A, %add3A_20 : vector<1x1xf32>
    %mul3A = vector.broadcast %add3A_21 : vector<1x1xf32> to vector<1x4096xf32>
    %mul3A_22 = arith.mulf %get3A_13, %mul3A : vector<1x4096xf32>
    %add3A_23 = arith.addf %get3A_1, %mul3A_22 : vector<1x4096xf32>
    %add3A_24 = arith.addf %get3A_4, %mul3A_22 : vector<1x4096xf32>
    %add3A_25 = arith.addf %get3A_7, %mul3A_22 : vector<1x4096xf32>
    %add3A_26 = arith.addf %get3A_10, %mul3A_22 : vector<1x4096xf32>
    %get3A_27 = arith.constant 0 : index
    %get3A_28 = arith.constant 0 : index
    %get3A_29 = vector.load %arg10[%get3A_27, %get3A_28] : memref<4096x1xf32, #tpu.memory_space<vmem>>, vector<4096x1xf32>
    %add3A_30 = arith.constant 1.000000e+00 : f32
    %add3A_31 = vector.broadcast %add3A_30 : f32 to vector<1x1xf32>
    %add3A_32 = arith.addf %broadcast_in_dim3A, %add3A_31 : vector<1x1xf32>
    %mul3A_33 = vector.broadcast %add3A_32 : vector<1x1xf32> to vector<4096x1xf32>
    %mul3A_34 = arith.mulf %get3A_29, %mul3A_33 : vector<4096x1xf32>
    %get3A_35 = arith.constant 0 : index
    %get3A_36 = arith.constant 0 : index
    %get3A_37 = vector.load %arg6[%get3A_35, %get3A_36] : memref<4096x1xf32, #tpu.memory_space<vmem>>, vector<4096x1xf32>
    %add3A_38 = arith.addf %get3A_37, %mul3A_34 : vector<4096x1xf32>
    %get3A_39 = arith.constant 0 : index
    %get3A_40 = arith.constant 0 : index
    %get3A_41 = vector.load %arg7[%get3A_39, %get3A_40] : memref<4096x1xf32, #tpu.memory_space<vmem>>, vector<4096x1xf32>
    %add3A_42 = arith.addf %get3A_41, %mul3A_34 : vector<4096x1xf32>
    %get3A_43 = arith.constant 0 : index
    %get3A_44 = arith.constant 0 : index
    %get3A_45 = vector.load %arg8[%get3A_43, %get3A_44] : memref<4096x1xf32, #tpu.memory_space<vmem>>, vector<4096x1xf32>
    %add3A_46 = arith.addf %get3A_45, %mul3A_34 : vector<4096x1xf32>
    %get3A_47 = arith.constant 0 : index
    %get3A_48 = arith.constant 0 : index
    %get3A_49 = vector.load %arg9[%get3A_47, %get3A_48] : memref<4096x1xf32, #tpu.memory_space<vmem>>, vector<4096x1xf32>
    %add3A_50 = arith.addf %get3A_49, %mul3A_34 : vector<4096x1xf32>
    %sub3A = arith.subf %add3A_25, %add3A_23 : vector<1x4096xf32>
    %sub3A_51 = arith.subf %add3A_26, %add3A_24 : vector<1x4096xf32>
    %mul3A_52 = arith.mulf %sub3A, %sub3A_51 : vector<1x4096xf32>
    %sub3A_53 = arith.subf %add3A_46, %add3A_38 : vector<4096x1xf32>
    %sub3A_54 = arith.subf %add3A_50, %add3A_42 : vector<4096x1xf32>
    %mul3A_55 = arith.mulf %sub3A_53, %sub3A_54 : vector<4096x1xf32>
    %iota3A = tpu.iota {dimensions = array<i32: 0>} : vector<512x512xi32>
    %iota3A_56 = tpu.iota {dimensions = array<i32: 1>} : vector<512x512xi32>
    %lt3A = arith.cmpi slt, %iota3A, %iota3A_56 : vector<512x512xi32>
    %iota3A_57 = tpu.iota {dimensions = array<i32: 0>} : vector<512x512xi32>
    %iota3A_58 = tpu.iota {dimensions = array<i32: 1>} : vector<512x512xi32>
    %le3A = arith.cmpi sle, %iota3A_57, %iota3A_58 : vector<512x512xi32>
    %convert_element_type3A = arith.extui %le3A : vector<512x512xi1> to vector<512x512xi32>
    %convert_element_type3A_59 = arith.sitofp %convert_element_type3A : vector<512x512xi32> to vector<512x512xf32>
    %convert_element_type3A_60 = arith.truncf %convert_element_type3A_59 : vector<512x512xf32> to vector<512x512xbf16>
    %gt3A = arith.constant 0.000000e+00 : f32
    %gt3A_61 = vector.broadcast %gt3A : f32 to vector<1x4096xf32>
    %gt3A_62 = arith.cmpf ogt, %get3A_16, %gt3A_61 : vector<1x4096xf32>
    %broadcast_in_dim3A_63 = arith.constant false
    %broadcast_in_dim3A_64 = vector.broadcast %broadcast_in_dim3A_63 : i1 to vector<1x4096xi1>
    %slice3A = vector.extract_strided_slice %add3A_38 {offsets = [0, 0], sizes = [512, 1], strides = [1, 1]} : vector<4096x1xf32> to vector<512x1xf32>
    %max3A_65 = vector.broadcast %slice3A : vector<512x1xf32> to vector<512x4096xf32>
    %max3A_66 = vector.broadcast %add3A_23 : vector<1x4096xf32> to vector<512x4096xf32>
    %max3A_67 = arith.maximumf %max3A_65, %max3A_66 : vector<512x4096xf32>
    %slice3A_68 = vector.extract_strided_slice %add3A_46 {offsets = [0, 0], sizes = [512, 1], strides = [1, 1]} : vector<4096x1xf32> to vector<512x1xf32>
    %min3A = vector.broadcast %slice3A_68 : vector<512x1xf32> to vector<512x4096xf32>
    %min3A_69 = vector.broadcast %add3A_25 : vector<1x4096xf32> to vector<512x4096xf32>
    %min3A_70 = arith.minimumf %min3A, %min3A_69 : vector<512x4096xf32>
    %slice3A_71 = vector.extract_strided_slice %add3A_42 {offsets = [0, 0], sizes = [512, 1], strides = [1, 1]} : vector<4096x1xf32> to vector<512x1xf32>
    %max3A_72 = vector.broadcast %slice3A_71 : vector<512x1xf32> to vector<512x4096xf32>
    %max3A_73 = vector.broadcast %add3A_24 : vector<1x4096xf32> to vector<512x4096xf32>
    %max3A_74 = arith.maximumf %max3A_72, %max3A_73 : vector<512x4096xf32>
    %slice3A_75 = vector.extract_strided_slice %add3A_50 {offsets = [0, 0], sizes = [512, 1], strides = [1, 1]} : vector<4096x1xf32> to vector<512x1xf32>
    %min3A_76 = vector.broadcast %slice3A_75 : vector<512x1xf32> to vector<512x4096xf32>
    %min3A_77 = vector.broadcast %add3A_26 : vector<1x4096xf32> to vector<512x4096xf32>
    %min3A_78 = arith.minimumf %min3A_76, %min3A_77 : vector<512x4096xf32>
    %sub3A_79 = arith.subf %min3A_70, %max3A_67 : vector<512x4096xf32>
    %max3A_80 = arith.constant 0.000000e+00 : f32
    %max3A_81 = vector.broadcast %max3A_80 : f32 to vector<512x4096xf32>
    %max3A_82 = arith.maximumf %sub3A_79, %max3A_81 : vector<512x4096xf32>
    %sub3A_83 = arith.subf %min3A_78, %max3A_74 : vector<512x4096xf32>
    %max3A_84 = arith.constant 0.000000e+00 : f32
    %max3A_85 = vector.broadcast %max3A_84 : f32 to vector<512x4096xf32>
    %max3A_86 = arith.maximumf %sub3A_83, %max3A_85 : vector<512x4096xf32>
    %mul3A_87 = arith.mulf %max3A_82, %max3A_86 : vector<512x4096xf32>
    %slice3A_88 = vector.extract_strided_slice %mul3A_55 {offsets = [0, 0], sizes = [512, 1], strides = [1, 1]} : vector<4096x1xf32> to vector<512x1xf32>
    %add3A_89 = vector.broadcast %slice3A_88 : vector<512x1xf32> to vector<512x4096xf32>
    %add3A_90 = vector.broadcast %mul3A_52 : vector<1x4096xf32> to vector<512x4096xf32>
    %add3A_91 = arith.addf %add3A_89, %add3A_90 : vector<512x4096xf32>
    %sub3A_92 = arith.subf %add3A_91, %mul3A_87 : vector<512x4096xf32>
    %add3A_93 = arith.constant 9.99999971E-10 : f32
    %add3A_94 = vector.broadcast %add3A_93 : f32 to vector<512x4096xf32>
    %add3A_95 = arith.addf %sub3A_92, %add3A_94 : vector<512x4096xf32>
    %add3A_96 = arith.addf %mul3A_87, %mul3A_87 : vector<512x4096xf32>
    %gt3A_97 = arith.cmpf ogt, %add3A_96, %add3A_95 : vector<512x4096xf32>
    %slice3A_98 = vector.extract_strided_slice %gt3A_97 {offsets = [0, 0], sizes = [512, 512], strides = [1, 1]} : vector<512x4096xi1> to vector<512x512xi1>
    %and3A = arith.andi %slice3A_98, %lt3A : vector<512x512xi1>
    %convert_element_type3A_99 = arith.extui %and3A : vector<512x512xi1> to vector<512x512xi32>
    %convert_element_type3A_100 = arith.sitofp %convert_element_type3A_99 : vector<512x512xi32> to vector<512x512xf32>
    %convert_element_type3A_101 = arith.truncf %convert_element_type3A_100 : vector<512x512xf32> to vector<512x512xbf16>
    %slice3A_102 = vector.extract_strided_slice %gt3A_62 {offsets = [0, 0], sizes = [1, 512], strides = [1, 1]} : vector<1x4096xi1> to vector<1x512xi1>
    %slice3A_103 = vector.extract_strided_slice %broadcast_in_dim3A_64 {offsets = [0, 0], sizes = [1, 512], strides = [1, 1]} : vector<1x4096xi1> to vector<1x512xi1>
    %not3A = arith.constant dense<true> : vector<1x512xi1>
    %not3A_104 = arith.xori %slice3A_103, %not3A : vector<1x512xi1>
    %and3A_105 = arith.andi %slice3A_102, %not3A_104 : vector<1x512xi1>
    %convert_element_type3A_106 = arith.extui %and3A_105 : vector<1x512xi1> to vector<1x512xi32>
    %convert_element_type3A_107 = arith.sitofp %convert_element_type3A_106 : vector<1x512xi32> to vector<1x512xf32>
    %while3A = arith.constant true
    %while3A_108:2 = scf.while (%while3A_714 = %convert_element_type3A_107, %while3A_715 = %while3A) : (vector<1x512xf32>, i1) -> (vector<1x512xf32>, i1) {
      scf.condition(%while3A_715) %while3A_714, %while3A_715 : vector<1x512xf32>, i1
    } do {
    ^bb0(%while3A_714: vector<1x512xf32>, %while3A_715: i1):
      %convert_element_type3A_716 = arith.truncf %while3A_714 : vector<1x512xf32> to vector<1x512xbf16>
      %dot_general3A_717 = arith.constant dense<0.000000e+00> : vector<1x512xf32>
      %dot_general3A_718 = tpu.matmul %convert_element_type3A_716, %convert_element_type3A_101, %dot_general3A_717 {dimension_numbers = #tpu.dot_dimension_numbers<[1], [0], [0], [1], [0, 0, 1, 1], [], []>, transpose_lhs_hint = false} : vector<1x512xbf16>, vector<512x512xbf16>, vector<1x512xf32> -> vector<1x512xf32>
      %eq3A_719 = arith.constant 0.000000e+00 : f32
      %eq3A_720 = vector.broadcast %eq3A_719 : f32 to vector<1x512xf32>
      %eq3A_721 = arith.cmpf oeq, %dot_general3A_718, %eq3A_720 : vector<1x512xf32>
      %jit3A = arith.constant 0.000000e+00 : f32
      %broadcast_in_dim3A_722 = vector.broadcast %jit3A : f32 to vector<1x512xf32>
      %select_n3A = arith.select %eq3A_721, %convert_element_type3A_107, %broadcast_in_dim3A_722 : vector<1x512xi1>, vector<1x512xf32>
      %ne3A = arith.cmpf one, %select_n3A, %while3A_714 : vector<1x512xf32>
      %reduce_or3A = arith.constant 1.000000e+00 : f32
      %reduce_or3A_723 = arith.constant 0.000000e+00 : f32
      %reduce_or3A_724 = vector.broadcast %reduce_or3A : f32 to vector<1x512xf32>
      %reduce_or3A_725 = vector.broadcast %reduce_or3A_723 : f32 to vector<1x512xf32>
      %reduce_or3A_726 = arith.select %ne3A, %reduce_or3A_724, %reduce_or3A_725 : vector<1x512xi1>, vector<1x512xf32>
      %reduce_or3A_727 = vector.shape_cast %reduce_or3A_726 : vector<1x512xf32> to vector<1x1x512xf32>
      %reduce_or3A_728 = arith.constant dense<0xFF800000> : vector<1xf32>
      %reduce_or3A_729 = vector.multi_reduction <maximumf>, %reduce_or3A_727, %reduce_or3A_728 [1, 2] : vector<1x1x512xf32> to vector<1xf32>
      %reduce_or3A_730 = vector.shape_cast %reduce_or3A_729 : vector<1xf32> to vector<1x1x1xf32>
      %reduce_or3A_731 = vector.extract %reduce_or3A_730[0, 0, 0] : f32 from vector<1x1x1xf32>
      %reduce_or3A_732 = arith.constant 0.000000e+00 : f32
      %reduce_or3A_733 = arith.cmpf ogt, %reduce_or3A_731, %reduce_or3A_732 : f32
      scf.yield %select_n3A, %reduce_or3A_733 : vector<1x512xf32>, i1
    }
    %convert_element_type3A_109 = arith.truncf %while3A_108#0 : vector<1x512xf32> to vector<1x512xbf16>
    %dot_general3A = arith.constant dense<0.000000e+00> : vector<1x512xf32>
    %dot_general3A_110 = tpu.matmul %convert_element_type3A_109, %convert_element_type3A_60, %dot_general3A {dimension_numbers = #tpu.dot_dimension_numbers<[1], [0], [0], [1], [0, 0, 1, 1], [], []>, transpose_lhs_hint = false} : vector<1x512xbf16>, vector<512x512xbf16>, vector<1x512xf32> -> vector<1x512xf32>
    %add3A_111 = arith.constant 0.000000e+00 : f32
    %add3A_112 = vector.broadcast %add3A_111 : f32 to vector<1x512xf32>
    %add3A_113 = arith.addf %add3A_112, %dot_general3A_110 : vector<1x512xf32>
    %reduce_sum3A = vector.shape_cast %while3A_108#0 : vector<1x512xf32> to vector<1x1x512xf32>
    %reduce_sum3A_114 = arith.constant dense<0.000000e+00> : vector<1xf32>
    %reduce_sum3A_115 = vector.multi_reduction <add>, %reduce_sum3A, %reduce_sum3A_114 [1, 2] : vector<1x1x512xf32> to vector<1xf32>
    %reduce_sum3A_116 = vector.shape_cast %reduce_sum3A_115 : vector<1xf32> to vector<1x1x1xf32>
    %reduce_sum3A_117 = vector.extract %reduce_sum3A_116[0, 0, 0] : f32 from vector<1x1x1xf32>
    %add3A_118 = arith.constant 0.000000e+00 : f32
    %add3A_119 = arith.addf %add3A_118, %reduce_sum3A_117 : f32
    %slice3A_120 = vector.extract_strided_slice %gt3A_97 {offsets = [0, 512], sizes = [512, 3584], strides = [1, 1]} : vector<512x4096xi1> to vector<512x3584xi1>
    %convert_element_type3A_121 = arith.extui %slice3A_120 : vector<512x3584xi1> to vector<512x3584xi32>
    %convert_element_type3A_122 = arith.sitofp %convert_element_type3A_121 : vector<512x3584xi32> to vector<512x3584xf32>
    %convert_element_type3A_123 = arith.truncf %convert_element_type3A_122 : vector<512x3584xf32> to vector<512x3584xbf16>
    %convert_element_type3A_124 = arith.truncf %while3A_108#0 : vector<1x512xf32> to vector<1x512xbf16>
    %dot_general3A_125 = arith.constant dense<0.000000e+00> : vector<1x3584xf32>
    %dot_general3A_126 = tpu.matmul %convert_element_type3A_124, %convert_element_type3A_123, %dot_general3A_125 {dimension_numbers = #tpu.dot_dimension_numbers<[1], [0], [0], [1], [0, 0, 1, 1], [], []>, transpose_lhs_hint = false} : vector<1x512xbf16>, vector<512x3584xbf16>, vector<1x3584xf32> -> vector<1x3584xf32>
    %slice3A_127 = vector.extract_strided_slice %broadcast_in_dim3A_64 {offsets = [0, 0], sizes = [1, 512], strides = [1, 1]} : vector<1x4096xi1> to vector<1x512xi1>
    %slice3A_128 = vector.extract_strided_slice %broadcast_in_dim3A_64 {offsets = [0, 512], sizes = [1, 3584], strides = [1, 1]} : vector<1x4096xi1> to vector<1x3584xi1>
    %gt3A_129 = arith.constant 0.000000e+00 : f32
    %gt3A_130 = vector.broadcast %gt3A_129 : f32 to vector<1x3584xf32>
    %gt3A_131 = arith.cmpf ogt, %dot_general3A_126, %gt3A_130 : vector<1x3584xf32>
    %or3A = arith.ori %slice3A_128, %gt3A_131 : vector<1x3584xi1>
    %concatenate3A = tpu.concatenate %slice3A_127, %or3A in 1 : vector<1x512xi1>, vector<1x3584xi1> -> vector<1x4096xi1>
    %slice3A_132 = vector.extract_strided_slice %add3A_38 {offsets = [512, 0], sizes = [512, 1], strides = [1, 1]} : vector<4096x1xf32> to vector<512x1xf32>
    %slice3A_133 = vector.extract_strided_slice %add3A_23 {offsets = [0, 512], sizes = [1, 3584], strides = [1, 1]} : vector<1x4096xf32> to vector<1x3584xf32>
    %max3A_134 = vector.broadcast %slice3A_132 : vector<512x1xf32> to vector<512x3584xf32>
    %max3A_135 = vector.broadcast %slice3A_133 : vector<1x3584xf32> to vector<512x3584xf32>
    %max3A_136 = arith.maximumf %max3A_134, %max3A_135 : vector<512x3584xf32>
    %slice3A_137 = vector.extract_strided_slice %add3A_46 {offsets = [512, 0], sizes = [512, 1], strides = [1, 1]} : vector<4096x1xf32> to vector<512x1xf32>
    %slice3A_138 = vector.extract_strided_slice %add3A_25 {offsets = [0, 512], sizes = [1, 3584], strides = [1, 1]} : vector<1x4096xf32> to vector<1x3584xf32>
    %min3A_139 = vector.broadcast %slice3A_137 : vector<512x1xf32> to vector<512x3584xf32>
    %min3A_140 = vector.broadcast %slice3A_138 : vector<1x3584xf32> to vector<512x3584xf32>
    %min3A_141 = arith.minimumf %min3A_139, %min3A_140 : vector<512x3584xf32>
    %slice3A_142 = vector.extract_strided_slice %add3A_42 {offsets = [512, 0], sizes = [512, 1], strides = [1, 1]} : vector<4096x1xf32> to vector<512x1xf32>
    %slice3A_143 = vector.extract_strided_slice %add3A_24 {offsets = [0, 512], sizes = [1, 3584], strides = [1, 1]} : vector<1x4096xf32> to vector<1x3584xf32>
    %max3A_144 = vector.broadcast %slice3A_142 : vector<512x1xf32> to vector<512x3584xf32>
    %max3A_145 = vector.broadcast %slice3A_143 : vector<1x3584xf32> to vector<512x3584xf32>
    %max3A_146 = arith.maximumf %max3A_144, %max3A_145 : vector<512x3584xf32>
    %slice3A_147 = vector.extract_strided_slice %add3A_50 {offsets = [512, 0], sizes = [512, 1], strides = [1, 1]} : vector<4096x1xf32> to vector<512x1xf32>
    %slice3A_148 = vector.extract_strided_slice %add3A_26 {offsets = [0, 512], sizes = [1, 3584], strides = [1, 1]} : vector<1x4096xf32> to vector<1x3584xf32>
    %min3A_149 = vector.broadcast %slice3A_147 : vector<512x1xf32> to vector<512x3584xf32>
    %min3A_150 = vector.broadcast %slice3A_148 : vector<1x3584xf32> to vector<512x3584xf32>
    %min3A_151 = arith.minimumf %min3A_149, %min3A_150 : vector<512x3584xf32>
    %sub3A_152 = arith.subf %min3A_141, %max3A_136 : vector<512x3584xf32>
    %max3A_153 = arith.constant 0.000000e+00 : f32
    %max3A_154 = vector.broadcast %max3A_153 : f32 to vector<512x3584xf32>
    %max3A_155 = arith.maximumf %sub3A_152, %max3A_154 : vector<512x3584xf32>
    %sub3A_156 = arith.subf %min3A_151, %max3A_146 : vector<512x3584xf32>
    %max3A_157 = arith.constant 0.000000e+00 : f32
    %max3A_158 = vector.broadcast %max3A_157 : f32 to vector<512x3584xf32>
    %max3A_159 = arith.maximumf %sub3A_156, %max3A_158 : vector<512x3584xf32>
    %mul3A_160 = arith.mulf %max3A_155, %max3A_159 : vector<512x3584xf32>
    %slice3A_161 = vector.extract_strided_slice %mul3A_55 {offsets = [512, 0], sizes = [512, 1], strides = [1, 1]} : vector<4096x1xf32> to vector<512x1xf32>
    %slice3A_162 = vector.extract_strided_slice %mul3A_52 {offsets = [0, 512], sizes = [1, 3584], strides = [1, 1]} : vector<1x4096xf32> to vector<1x3584xf32>
    %add3A_163 = vector.broadcast %slice3A_161 : vector<512x1xf32> to vector<512x3584xf32>
    %add3A_164 = vector.broadcast %slice3A_162 : vector<1x3584xf32> to vector<512x3584xf32>
    %add3A_165 = arith.addf %add3A_163, %add3A_164 : vector<512x3584xf32>
    %sub3A_166 = arith.subf %add3A_165, %mul3A_160 : vector<512x3584xf32>
    %add3A_167 = arith.constant 9.99999971E-10 : f32
    %add3A_168 = vector.broadcast %add3A_167 : f32 to vector<512x3584xf32>
    %add3A_169 = arith.addf %sub3A_166, %add3A_168 : vector<512x3584xf32>
    %add3A_170 = arith.addf %mul3A_160, %mul3A_160 : vector<512x3584xf32>
    %gt3A_171 = arith.cmpf ogt, %add3A_170, %add3A_169 : vector<512x3584xf32>
    %slice3A_172 = vector.extract_strided_slice %gt3A_171 {offsets = [0, 0], sizes = [512, 512], strides = [1, 1]} : vector<512x3584xi1> to vector<512x512xi1>
    %and3A_173 = arith.andi %slice3A_172, %lt3A : vector<512x512xi1>
    %convert_element_type3A_174 = arith.extui %and3A_173 : vector<512x512xi1> to vector<512x512xi32>
    %convert_element_type3A_175 = arith.sitofp %convert_element_type3A_174 : vector<512x512xi32> to vector<512x512xf32>
    %convert_element_type3A_176 = arith.truncf %convert_element_type3A_175 : vector<512x512xf32> to vector<512x512xbf16>
    %slice3A_177 = vector.extract_strided_slice %gt3A_62 {offsets = [0, 512], sizes = [1, 512], strides = [1, 1]} : vector<1x4096xi1> to vector<1x512xi1>
    %slice3A_178 = vector.extract_strided_slice %concatenate3A {offsets = [0, 512], sizes = [1, 512], strides = [1, 1]} : vector<1x4096xi1> to vector<1x512xi1>
    %not3A_179 = arith.constant dense<true> : vector<1x512xi1>
    %not3A_180 = arith.xori %slice3A_178, %not3A_179 : vector<1x512xi1>
    %and3A_181 = arith.andi %slice3A_177, %not3A_180 : vector<1x512xi1>
    %convert_element_type3A_182 = arith.extui %and3A_181 : vector<1x512xi1> to vector<1x512xi32>
    %convert_element_type3A_183 = arith.sitofp %convert_element_type3A_182 : vector<1x512xi32> to vector<1x512xf32>
    %while3A_184 = arith.constant true
    %while3A_185:2 = scf.while (%while3A_714 = %convert_element_type3A_183, %while3A_715 = %while3A_184) : (vector<1x512xf32>, i1) -> (vector<1x512xf32>, i1) {
      scf.condition(%while3A_715) %while3A_714, %while3A_715 : vector<1x512xf32>, i1
    } do {
    ^bb0(%while3A_714: vector<1x512xf32>, %while3A_715: i1):
      %convert_element_type3A_716 = arith.truncf %while3A_714 : vector<1x512xf32> to vector<1x512xbf16>
      %dot_general3A_717 = arith.constant dense<0.000000e+00> : vector<1x512xf32>
      %dot_general3A_718 = tpu.matmul %convert_element_type3A_716, %convert_element_type3A_176, %dot_general3A_717 {dimension_numbers = #tpu.dot_dimension_numbers<[1], [0], [0], [1], [0, 0, 1, 1], [], []>, transpose_lhs_hint = false} : vector<1x512xbf16>, vector<512x512xbf16>, vector<1x512xf32> -> vector<1x512xf32>
      %eq3A_719 = arith.constant 0.000000e+00 : f32
      %eq3A_720 = vector.broadcast %eq3A_719 : f32 to vector<1x512xf32>
      %eq3A_721 = arith.cmpf oeq, %dot_general3A_718, %eq3A_720 : vector<1x512xf32>
      %jit3A = arith.constant 0.000000e+00 : f32
      %broadcast_in_dim3A_722 = vector.broadcast %jit3A : f32 to vector<1x512xf32>
      %select_n3A = arith.select %eq3A_721, %convert_element_type3A_183, %broadcast_in_dim3A_722 : vector<1x512xi1>, vector<1x512xf32>
      %ne3A = arith.cmpf one, %select_n3A, %while3A_714 : vector<1x512xf32>
      %reduce_or3A = arith.constant 1.000000e+00 : f32
      %reduce_or3A_723 = arith.constant 0.000000e+00 : f32
      %reduce_or3A_724 = vector.broadcast %reduce_or3A : f32 to vector<1x512xf32>
      %reduce_or3A_725 = vector.broadcast %reduce_or3A_723 : f32 to vector<1x512xf32>
      %reduce_or3A_726 = arith.select %ne3A, %reduce_or3A_724, %reduce_or3A_725 : vector<1x512xi1>, vector<1x512xf32>
      %reduce_or3A_727 = vector.shape_cast %reduce_or3A_726 : vector<1x512xf32> to vector<1x1x512xf32>
      %reduce_or3A_728 = arith.constant dense<0xFF800000> : vector<1xf32>
      %reduce_or3A_729 = vector.multi_reduction <maximumf>, %reduce_or3A_727, %reduce_or3A_728 [1, 2] : vector<1x1x512xf32> to vector<1xf32>
      %reduce_or3A_730 = vector.shape_cast %reduce_or3A_729 : vector<1xf32> to vector<1x1x1xf32>
      %reduce_or3A_731 = vector.extract %reduce_or3A_730[0, 0, 0] : f32 from vector<1x1x1xf32>
      %reduce_or3A_732 = arith.constant 0.000000e+00 : f32
      %reduce_or3A_733 = arith.cmpf ogt, %reduce_or3A_731, %reduce_or3A_732 : f32
      scf.yield %select_n3A, %reduce_or3A_733 : vector<1x512xf32>, i1
    }
    %convert_element_type3A_186 = arith.truncf %while3A_185#0 : vector<1x512xf32> to vector<1x512xbf16>
    %dot_general3A_187 = arith.constant dense<0.000000e+00> : vector<1x512xf32>
    %dot_general3A_188 = tpu.matmul %convert_element_type3A_186, %convert_element_type3A_60, %dot_general3A_187 {dimension_numbers = #tpu.dot_dimension_numbers<[1], [0], [0], [1], [0, 0, 1, 1], [], []>, transpose_lhs_hint = false} : vector<1x512xbf16>, vector<512x512xbf16>, vector<1x512xf32> -> vector<1x512xf32>
    %add3A_189 = vector.broadcast %add3A_119 : f32 to vector<1x512xf32>
    %add3A_190 = arith.addf %add3A_189, %dot_general3A_188 : vector<1x512xf32>
    %reduce_sum3A_191 = vector.shape_cast %while3A_185#0 : vector<1x512xf32> to vector<1x1x512xf32>
    %reduce_sum3A_192 = arith.constant dense<0.000000e+00> : vector<1xf32>
    %reduce_sum3A_193 = vector.multi_reduction <add>, %reduce_sum3A_191, %reduce_sum3A_192 [1, 2] : vector<1x1x512xf32> to vector<1xf32>
    %reduce_sum3A_194 = vector.shape_cast %reduce_sum3A_193 : vector<1xf32> to vector<1x1x1xf32>
    %reduce_sum3A_195 = vector.extract %reduce_sum3A_194[0, 0, 0] : f32 from vector<1x1x1xf32>
    %add3A_196 = arith.addf %add3A_119, %reduce_sum3A_195 : f32
    %slice3A_197 = vector.extract_strided_slice %gt3A_171 {offsets = [0, 512], sizes = [512, 3072], strides = [1, 1]} : vector<512x3584xi1> to vector<512x3072xi1>
    %convert_element_type3A_198 = arith.extui %slice3A_197 : vector<512x3072xi1> to vector<512x3072xi32>
    %convert_element_type3A_199 = arith.sitofp %convert_element_type3A_198 : vector<512x3072xi32> to vector<512x3072xf32>
    %convert_element_type3A_200 = arith.truncf %convert_element_type3A_199 : vector<512x3072xf32> to vector<512x3072xbf16>
    %convert_element_type3A_201 = arith.truncf %while3A_185#0 : vector<1x512xf32> to vector<1x512xbf16>
    %dot_general3A_202 = arith.constant dense<0.000000e+00> : vector<1x3072xf32>
    %dot_general3A_203 = tpu.matmul %convert_element_type3A_201, %convert_element_type3A_200, %dot_general3A_202 {dimension_numbers = #tpu.dot_dimension_numbers<[1], [0], [0], [1], [0, 0, 1, 1], [], []>, transpose_lhs_hint = false} : vector<1x512xbf16>, vector<512x3072xbf16>, vector<1x3072xf32> -> vector<1x3072xf32>
    %slice3A_204 = vector.extract_strided_slice %concatenate3A {offsets = [0, 0], sizes = [1, 1024], strides = [1, 1]} : vector<1x4096xi1> to vector<1x1024xi1>
    %slice3A_205 = vector.extract_strided_slice %concatenate3A {offsets = [0, 1024], sizes = [1, 3072], strides = [1, 1]} : vector<1x4096xi1> to vector<1x3072xi1>
    %gt3A_206 = arith.constant 0.000000e+00 : f32
    %gt3A_207 = vector.broadcast %gt3A_206 : f32 to vector<1x3072xf32>
    %gt3A_208 = arith.cmpf ogt, %dot_general3A_203, %gt3A_207 : vector<1x3072xf32>
    %or3A_209 = arith.ori %slice3A_205, %gt3A_208 : vector<1x3072xi1>
    %concatenate3A_210 = tpu.concatenate %slice3A_204, %or3A_209 in 1 : vector<1x1024xi1>, vector<1x3072xi1> -> vector<1x4096xi1>
    %slice3A_211 = vector.extract_strided_slice %add3A_38 {offsets = [1024, 0], sizes = [512, 1], strides = [1, 1]} : vector<4096x1xf32> to vector<512x1xf32>
    %slice3A_212 = vector.extract_strided_slice %add3A_23 {offsets = [0, 1024], sizes = [1, 3072], strides = [1, 1]} : vector<1x4096xf32> to vector<1x3072xf32>
    %max3A_213 = vector.broadcast %slice3A_211 : vector<512x1xf32> to vector<512x3072xf32>
    %max3A_214 = vector.broadcast %slice3A_212 : vector<1x3072xf32> to vector<512x3072xf32>
    %max3A_215 = arith.maximumf %max3A_213, %max3A_214 : vector<512x3072xf32>
    %slice3A_216 = vector.extract_strided_slice %add3A_46 {offsets = [1024, 0], sizes = [512, 1], strides = [1, 1]} : vector<4096x1xf32> to vector<512x1xf32>
    %slice3A_217 = vector.extract_strided_slice %add3A_25 {offsets = [0, 1024], sizes = [1, 3072], strides = [1, 1]} : vector<1x4096xf32> to vector<1x3072xf32>
    %min3A_218 = vector.broadcast %slice3A_216 : vector<512x1xf32> to vector<512x3072xf32>
    %min3A_219 = vector.broadcast %slice3A_217 : vector<1x3072xf32> to vector<512x3072xf32>
    %min3A_220 = arith.minimumf %min3A_218, %min3A_219 : vector<512x3072xf32>
    %slice3A_221 = vector.extract_strided_slice %add3A_42 {offsets = [1024, 0], sizes = [512, 1], strides = [1, 1]} : vector<4096x1xf32> to vector<512x1xf32>
    %slice3A_222 = vector.extract_strided_slice %add3A_24 {offsets = [0, 1024], sizes = [1, 3072], strides = [1, 1]} : vector<1x4096xf32> to vector<1x3072xf32>
    %max3A_223 = vector.broadcast %slice3A_221 : vector<512x1xf32> to vector<512x3072xf32>
    %max3A_224 = vector.broadcast %slice3A_222 : vector<1x3072xf32> to vector<512x3072xf32>
    %max3A_225 = arith.maximumf %max3A_223, %max3A_224 : vector<512x3072xf32>
    %slice3A_226 = vector.extract_strided_slice %add3A_50 {offsets = [1024, 0], sizes = [512, 1], strides = [1, 1]} : vector<4096x1xf32> to vector<512x1xf32>
    %slice3A_227 = vector.extract_strided_slice %add3A_26 {offsets = [0, 1024], sizes = [1, 3072], strides = [1, 1]} : vector<1x4096xf32> to vector<1x3072xf32>
    %min3A_228 = vector.broadcast %slice3A_226 : vector<512x1xf32> to vector<512x3072xf32>
    %min3A_229 = vector.broadcast %slice3A_227 : vector<1x3072xf32> to vector<512x3072xf32>
    %min3A_230 = arith.minimumf %min3A_228, %min3A_229 : vector<512x3072xf32>
    %sub3A_231 = arith.subf %min3A_220, %max3A_215 : vector<512x3072xf32>
    %max3A_232 = arith.constant 0.000000e+00 : f32
    %max3A_233 = vector.broadcast %max3A_232 : f32 to vector<512x3072xf32>
    %max3A_234 = arith.maximumf %sub3A_231, %max3A_233 : vector<512x3072xf32>
    %sub3A_235 = arith.subf %min3A_230, %max3A_225 : vector<512x3072xf32>
    %max3A_236 = arith.constant 0.000000e+00 : f32
    %max3A_237 = vector.broadcast %max3A_236 : f32 to vector<512x3072xf32>
    %max3A_238 = arith.maximumf %sub3A_235, %max3A_237 : vector<512x3072xf32>
    %mul3A_239 = arith.mulf %max3A_234, %max3A_238 : vector<512x3072xf32>
    %slice3A_240 = vector.extract_strided_slice %mul3A_55 {offsets = [1024, 0], sizes = [512, 1], strides = [1, 1]} : vector<4096x1xf32> to vector<512x1xf32>
    %slice3A_241 = vector.extract_strided_slice %mul3A_52 {offsets = [0, 1024], sizes = [1, 3072], strides = [1, 1]} : vector<1x4096xf32> to vector<1x3072xf32>
    %add3A_242 = vector.broadcast %slice3A_240 : vector<512x1xf32> to vector<512x3072xf32>
    %add3A_243 = vector.broadcast %slice3A_241 : vector<1x3072xf32> to vector<512x3072xf32>
    %add3A_244 = arith.addf %add3A_242, %add3A_243 : vector<512x3072xf32>
    %sub3A_245 = arith.subf %add3A_244, %mul3A_239 : vector<512x3072xf32>
    %add3A_246 = arith.constant 9.99999971E-10 : f32
    %add3A_247 = vector.broadcast %add3A_246 : f32 to vector<512x3072xf32>
    %add3A_248 = arith.addf %sub3A_245, %add3A_247 : vector<512x3072xf32>
    %add3A_249 = arith.addf %mul3A_239, %mul3A_239 : vector<512x3072xf32>
    %gt3A_250 = arith.cmpf ogt, %add3A_249, %add3A_248 : vector<512x3072xf32>
    %slice3A_251 = vector.extract_strided_slice %gt3A_250 {offsets = [0, 0], sizes = [512, 512], strides = [1, 1]} : vector<512x3072xi1> to vector<512x512xi1>
    %and3A_252 = arith.andi %slice3A_251, %lt3A : vector<512x512xi1>
    %convert_element_type3A_253 = arith.extui %and3A_252 : vector<512x512xi1> to vector<512x512xi32>
    %convert_element_type3A_254 = arith.sitofp %convert_element_type3A_253 : vector<512x512xi32> to vector<512x512xf32>
    %convert_element_type3A_255 = arith.truncf %convert_element_type3A_254 : vector<512x512xf32> to vector<512x512xbf16>
    %slice3A_256 = vector.extract_strided_slice %gt3A_62 {offsets = [0, 1024], sizes = [1, 512], strides = [1, 1]} : vector<1x4096xi1> to vector<1x512xi1>
    %slice3A_257 = vector.extract_strided_slice %concatenate3A_210 {offsets = [0, 1024], sizes = [1, 512], strides = [1, 1]} : vector<1x4096xi1> to vector<1x512xi1>
    %not3A_258 = arith.constant dense<true> : vector<1x512xi1>
    %not3A_259 = arith.xori %slice3A_257, %not3A_258 : vector<1x512xi1>
    %and3A_260 = arith.andi %slice3A_256, %not3A_259 : vector<1x512xi1>
    %convert_element_type3A_261 = arith.extui %and3A_260 : vector<1x512xi1> to vector<1x512xi32>
    %convert_element_type3A_262 = arith.sitofp %convert_element_type3A_261 : vector<1x512xi32> to vector<1x512xf32>
    %while3A_263 = arith.constant true
    %while3A_264:2 = scf.while (%while3A_714 = %convert_element_type3A_262, %while3A_715 = %while3A_263) : (vector<1x512xf32>, i1) -> (vector<1x512xf32>, i1) {
      scf.condition(%while3A_715) %while3A_714, %while3A_715 : vector<1x512xf32>, i1
    } do {
    ^bb0(%while3A_714: vector<1x512xf32>, %while3A_715: i1):
      %convert_element_type3A_716 = arith.truncf %while3A_714 : vector<1x512xf32> to vector<1x512xbf16>
      %dot_general3A_717 = arith.constant dense<0.000000e+00> : vector<1x512xf32>
      %dot_general3A_718 = tpu.matmul %convert_element_type3A_716, %convert_element_type3A_255, %dot_general3A_717 {dimension_numbers = #tpu.dot_dimension_numbers<[1], [0], [0], [1], [0, 0, 1, 1], [], []>, transpose_lhs_hint = false} : vector<1x512xbf16>, vector<512x512xbf16>, vector<1x512xf32> -> vector<1x512xf32>
      %eq3A_719 = arith.constant 0.000000e+00 : f32
      %eq3A_720 = vector.broadcast %eq3A_719 : f32 to vector<1x512xf32>
      %eq3A_721 = arith.cmpf oeq, %dot_general3A_718, %eq3A_720 : vector<1x512xf32>
      %jit3A = arith.constant 0.000000e+00 : f32
      %broadcast_in_dim3A_722 = vector.broadcast %jit3A : f32 to vector<1x512xf32>
      %select_n3A = arith.select %eq3A_721, %convert_element_type3A_262, %broadcast_in_dim3A_722 : vector<1x512xi1>, vector<1x512xf32>
      %ne3A = arith.cmpf one, %select_n3A, %while3A_714 : vector<1x512xf32>
      %reduce_or3A = arith.constant 1.000000e+00 : f32
      %reduce_or3A_723 = arith.constant 0.000000e+00 : f32
      %reduce_or3A_724 = vector.broadcast %reduce_or3A : f32 to vector<1x512xf32>
      %reduce_or3A_725 = vector.broadcast %reduce_or3A_723 : f32 to vector<1x512xf32>
      %reduce_or3A_726 = arith.select %ne3A, %reduce_or3A_724, %reduce_or3A_725 : vector<1x512xi1>, vector<1x512xf32>
      %reduce_or3A_727 = vector.shape_cast %reduce_or3A_726 : vector<1x512xf32> to vector<1x1x512xf32>
      %reduce_or3A_728 = arith.constant dense<0xFF800000> : vector<1xf32>
      %reduce_or3A_729 = vector.multi_reduction <maximumf>, %reduce_or3A_727, %reduce_or3A_728 [1, 2] : vector<1x1x512xf32> to vector<1xf32>
      %reduce_or3A_730 = vector.shape_cast %reduce_or3A_729 : vector<1xf32> to vector<1x1x1xf32>
      %reduce_or3A_731 = vector.extract %reduce_or3A_730[0, 0, 0] : f32 from vector<1x1x1xf32>
      %reduce_or3A_732 = arith.constant 0.000000e+00 : f32
      %reduce_or3A_733 = arith.cmpf ogt, %reduce_or3A_731, %reduce_or3A_732 : f32
      scf.yield %select_n3A, %reduce_or3A_733 : vector<1x512xf32>, i1
    }
    %convert_element_type3A_265 = arith.truncf %while3A_264#0 : vector<1x512xf32> to vector<1x512xbf16>
    %dot_general3A_266 = arith.constant dense<0.000000e+00> : vector<1x512xf32>
    %dot_general3A_267 = tpu.matmul %convert_element_type3A_265, %convert_element_type3A_60, %dot_general3A_266 {dimension_numbers = #tpu.dot_dimension_numbers<[1], [0], [0], [1], [0, 0, 1, 1], [], []>, transpose_lhs_hint = false} : vector<1x512xbf16>, vector<512x512xbf16>, vector<1x512xf32> -> vector<1x512xf32>
    %add3A_268 = vector.broadcast %add3A_196 : f32 to vector<1x512xf32>
    %add3A_269 = arith.addf %add3A_268, %dot_general3A_267 : vector<1x512xf32>
    %reduce_sum3A_270 = vector.shape_cast %while3A_264#0 : vector<1x512xf32> to vector<1x1x512xf32>
    %reduce_sum3A_271 = arith.constant dense<0.000000e+00> : vector<1xf32>
    %reduce_sum3A_272 = vector.multi_reduction <add>, %reduce_sum3A_270, %reduce_sum3A_271 [1, 2] : vector<1x1x512xf32> to vector<1xf32>
    %reduce_sum3A_273 = vector.shape_cast %reduce_sum3A_272 : vector<1xf32> to vector<1x1x1xf32>
    %reduce_sum3A_274 = vector.extract %reduce_sum3A_273[0, 0, 0] : f32 from vector<1x1x1xf32>
    %add3A_275 = arith.addf %add3A_196, %reduce_sum3A_274 : f32
    %slice3A_276 = vector.extract_strided_slice %gt3A_250 {offsets = [0, 512], sizes = [512, 2560], strides = [1, 1]} : vector<512x3072xi1> to vector<512x2560xi1>
    %convert_element_type3A_277 = arith.extui %slice3A_276 : vector<512x2560xi1> to vector<512x2560xi32>
    %convert_element_type3A_278 = arith.sitofp %convert_element_type3A_277 : vector<512x2560xi32> to vector<512x2560xf32>
    %convert_element_type3A_279 = arith.truncf %convert_element_type3A_278 : vector<512x2560xf32> to vector<512x2560xbf16>
    %convert_element_type3A_280 = arith.truncf %while3A_264#0 : vector<1x512xf32> to vector<1x512xbf16>
    %dot_general3A_281 = arith.constant dense<0.000000e+00> : vector<1x2560xf32>
    %dot_general3A_282 = tpu.matmul %convert_element_type3A_280, %convert_element_type3A_279, %dot_general3A_281 {dimension_numbers = #tpu.dot_dimension_numbers<[1], [0], [0], [1], [0, 0, 1, 1], [], []>, transpose_lhs_hint = false} : vector<1x512xbf16>, vector<512x2560xbf16>, vector<1x2560xf32> -> vector<1x2560xf32>
    %slice3A_283 = vector.extract_strided_slice %concatenate3A_210 {offsets = [0, 0], sizes = [1, 1536], strides = [1, 1]} : vector<1x4096xi1> to vector<1x1536xi1>
    %slice3A_284 = vector.extract_strided_slice %concatenate3A_210 {offsets = [0, 1536], sizes = [1, 2560], strides = [1, 1]} : vector<1x4096xi1> to vector<1x2560xi1>
    %gt3A_285 = arith.constant 0.000000e+00 : f32
    %gt3A_286 = vector.broadcast %gt3A_285 : f32 to vector<1x2560xf32>
    %gt3A_287 = arith.cmpf ogt, %dot_general3A_282, %gt3A_286 : vector<1x2560xf32>
    %or3A_288 = arith.ori %slice3A_284, %gt3A_287 : vector<1x2560xi1>
    %concatenate3A_289 = tpu.concatenate %slice3A_283, %or3A_288 in 1 : vector<1x1536xi1>, vector<1x2560xi1> -> vector<1x4096xi1>
    %slice3A_290 = vector.extract_strided_slice %add3A_38 {offsets = [1536, 0], sizes = [512, 1], strides = [1, 1]} : vector<4096x1xf32> to vector<512x1xf32>
    %slice3A_291 = vector.extract_strided_slice %add3A_23 {offsets = [0, 1536], sizes = [1, 2560], strides = [1, 1]} : vector<1x4096xf32> to vector<1x2560xf32>
    %max3A_292 = vector.broadcast %slice3A_290 : vector<512x1xf32> to vector<512x2560xf32>
    %max3A_293 = vector.broadcast %slice3A_291 : vector<1x2560xf32> to vector<512x2560xf32>
    %max3A_294 = arith.maximumf %max3A_292, %max3A_293 : vector<512x2560xf32>
    %slice3A_295 = vector.extract_strided_slice %add3A_46 {offsets = [1536, 0], sizes = [512, 1], strides = [1, 1]} : vector<4096x1xf32> to vector<512x1xf32>
    %slice3A_296 = vector.extract_strided_slice %add3A_25 {offsets = [0, 1536], sizes = [1, 2560], strides = [1, 1]} : vector<1x4096xf32> to vector<1x2560xf32>
    %min3A_297 = vector.broadcast %slice3A_295 : vector<512x1xf32> to vector<512x2560xf32>
    %min3A_298 = vector.broadcast %slice3A_296 : vector<1x2560xf32> to vector<512x2560xf32>
    %min3A_299 = arith.minimumf %min3A_297, %min3A_298 : vector<512x2560xf32>
    %slice3A_300 = vector.extract_strided_slice %add3A_42 {offsets = [1536, 0], sizes = [512, 1], strides = [1, 1]} : vector<4096x1xf32> to vector<512x1xf32>
    %slice3A_301 = vector.extract_strided_slice %add3A_24 {offsets = [0, 1536], sizes = [1, 2560], strides = [1, 1]} : vector<1x4096xf32> to vector<1x2560xf32>
    %max3A_302 = vector.broadcast %slice3A_300 : vector<512x1xf32> to vector<512x2560xf32>
    %max3A_303 = vector.broadcast %slice3A_301 : vector<1x2560xf32> to vector<512x2560xf32>
    %max3A_304 = arith.maximumf %max3A_302, %max3A_303 : vector<512x2560xf32>
    %slice3A_305 = vector.extract_strided_slice %add3A_50 {offsets = [1536, 0], sizes = [512, 1], strides = [1, 1]} : vector<4096x1xf32> to vector<512x1xf32>
    %slice3A_306 = vector.extract_strided_slice %add3A_26 {offsets = [0, 1536], sizes = [1, 2560], strides = [1, 1]} : vector<1x4096xf32> to vector<1x2560xf32>
    %min3A_307 = vector.broadcast %slice3A_305 : vector<512x1xf32> to vector<512x2560xf32>
    %min3A_308 = vector.broadcast %slice3A_306 : vector<1x2560xf32> to vector<512x2560xf32>
    %min3A_309 = arith.minimumf %min3A_307, %min3A_308 : vector<512x2560xf32>
    %sub3A_310 = arith.subf %min3A_299, %max3A_294 : vector<512x2560xf32>
    %max3A_311 = arith.constant 0.000000e+00 : f32
    %max3A_312 = vector.broadcast %max3A_311 : f32 to vector<512x2560xf32>
    %max3A_313 = arith.maximumf %sub3A_310, %max3A_312 : vector<512x2560xf32>
    %sub3A_314 = arith.subf %min3A_309, %max3A_304 : vector<512x2560xf32>
    %max3A_315 = arith.constant 0.000000e+00 : f32
    %max3A_316 = vector.broadcast %max3A_315 : f32 to vector<512x2560xf32>
    %max3A_317 = arith.maximumf %sub3A_314, %max3A_316 : vector<512x2560xf32>
    %mul3A_318 = arith.mulf %max3A_313, %max3A_317 : vector<512x2560xf32>
    %slice3A_319 = vector.extract_strided_slice %mul3A_55 {offsets = [1536, 0], sizes = [512, 1], strides = [1, 1]} : vector<4096x1xf32> to vector<512x1xf32>
    %slice3A_320 = vector.extract_strided_slice %mul3A_52 {offsets = [0, 1536], sizes = [1, 2560], strides = [1, 1]} : vector<1x4096xf32> to vector<1x2560xf32>
    %add3A_321 = vector.broadcast %slice3A_319 : vector<512x1xf32> to vector<512x2560xf32>
    %add3A_322 = vector.broadcast %slice3A_320 : vector<1x2560xf32> to vector<512x2560xf32>
    %add3A_323 = arith.addf %add3A_321, %add3A_322 : vector<512x2560xf32>
    %sub3A_324 = arith.subf %add3A_323, %mul3A_318 : vector<512x2560xf32>
    %add3A_325 = arith.constant 9.99999971E-10 : f32
    %add3A_326 = vector.broadcast %add3A_325 : f32 to vector<512x2560xf32>
    %add3A_327 = arith.addf %sub3A_324, %add3A_326 : vector<512x2560xf32>
    %add3A_328 = arith.addf %mul3A_318, %mul3A_318 : vector<512x2560xf32>
    %gt3A_329 = arith.cmpf ogt, %add3A_328, %add3A_327 : vector<512x2560xf32>
    %slice3A_330 = vector.extract_strided_slice %gt3A_329 {offsets = [0, 0], sizes = [512, 512], strides = [1, 1]} : vector<512x2560xi1> to vector<512x512xi1>
    %and3A_331 = arith.andi %slice3A_330, %lt3A : vector<512x512xi1>
    %convert_element_type3A_332 = arith.extui %and3A_331 : vector<512x512xi1> to vector<512x512xi32>
    %convert_element_type3A_333 = arith.sitofp %convert_element_type3A_332 : vector<512x512xi32> to vector<512x512xf32>
    %convert_element_type3A_334 = arith.truncf %convert_element_type3A_333 : vector<512x512xf32> to vector<512x512xbf16>
    %slice3A_335 = vector.extract_strided_slice %gt3A_62 {offsets = [0, 1536], sizes = [1, 512], strides = [1, 1]} : vector<1x4096xi1> to vector<1x512xi1>
    %slice3A_336 = vector.extract_strided_slice %concatenate3A_289 {offsets = [0, 1536], sizes = [1, 512], strides = [1, 1]} : vector<1x4096xi1> to vector<1x512xi1>
    %not3A_337 = arith.constant dense<true> : vector<1x512xi1>
    %not3A_338 = arith.xori %slice3A_336, %not3A_337 : vector<1x512xi1>
    %and3A_339 = arith.andi %slice3A_335, %not3A_338 : vector<1x512xi1>
    %convert_element_type3A_340 = arith.extui %and3A_339 : vector<1x512xi1> to vector<1x512xi32>
    %convert_element_type3A_341 = arith.sitofp %convert_element_type3A_340 : vector<1x512xi32> to vector<1x512xf32>
    %while3A_342 = arith.constant true
    %while3A_343:2 = scf.while (%while3A_714 = %convert_element_type3A_341, %while3A_715 = %while3A_342) : (vector<1x512xf32>, i1) -> (vector<1x512xf32>, i1) {
      scf.condition(%while3A_715) %while3A_714, %while3A_715 : vector<1x512xf32>, i1
    } do {
    ^bb0(%while3A_714: vector<1x512xf32>, %while3A_715: i1):
      %convert_element_type3A_716 = arith.truncf %while3A_714 : vector<1x512xf32> to vector<1x512xbf16>
      %dot_general3A_717 = arith.constant dense<0.000000e+00> : vector<1x512xf32>
      %dot_general3A_718 = tpu.matmul %convert_element_type3A_716, %convert_element_type3A_334, %dot_general3A_717 {dimension_numbers = #tpu.dot_dimension_numbers<[1], [0], [0], [1], [0, 0, 1, 1], [], []>, transpose_lhs_hint = false} : vector<1x512xbf16>, vector<512x512xbf16>, vector<1x512xf32> -> vector<1x512xf32>
      %eq3A_719 = arith.constant 0.000000e+00 : f32
      %eq3A_720 = vector.broadcast %eq3A_719 : f32 to vector<1x512xf32>
      %eq3A_721 = arith.cmpf oeq, %dot_general3A_718, %eq3A_720 : vector<1x512xf32>
      %jit3A = arith.constant 0.000000e+00 : f32
      %broadcast_in_dim3A_722 = vector.broadcast %jit3A : f32 to vector<1x512xf32>
      %select_n3A = arith.select %eq3A_721, %convert_element_type3A_341, %broadcast_in_dim3A_722 : vector<1x512xi1>, vector<1x512xf32>
      %ne3A = arith.cmpf one, %select_n3A, %while3A_714 : vector<1x512xf32>
      %reduce_or3A = arith.constant 1.000000e+00 : f32
      %reduce_or3A_723 = arith.constant 0.000000e+00 : f32
      %reduce_or3A_724 = vector.broadcast %reduce_or3A : f32 to vector<1x512xf32>
      %reduce_or3A_725 = vector.broadcast %reduce_or3A_723 : f32 to vector<1x512xf32>
      %reduce_or3A_726 = arith.select %ne3A, %reduce_or3A_724, %reduce_or3A_725 : vector<1x512xi1>, vector<1x512xf32>
      %reduce_or3A_727 = vector.shape_cast %reduce_or3A_726 : vector<1x512xf32> to vector<1x1x512xf32>
      %reduce_or3A_728 = arith.constant dense<0xFF800000> : vector<1xf32>
      %reduce_or3A_729 = vector.multi_reduction <maximumf>, %reduce_or3A_727, %reduce_or3A_728 [1, 2] : vector<1x1x512xf32> to vector<1xf32>
      %reduce_or3A_730 = vector.shape_cast %reduce_or3A_729 : vector<1xf32> to vector<1x1x1xf32>
      %reduce_or3A_731 = vector.extract %reduce_or3A_730[0, 0, 0] : f32 from vector<1x1x1xf32>
      %reduce_or3A_732 = arith.constant 0.000000e+00 : f32
      %reduce_or3A_733 = arith.cmpf ogt, %reduce_or3A_731, %reduce_or3A_732 : f32
      scf.yield %select_n3A, %reduce_or3A_733 : vector<1x512xf32>, i1
    }
    %convert_element_type3A_344 = arith.truncf %while3A_343#0 : vector<1x512xf32> to vector<1x512xbf16>
    %dot_general3A_345 = arith.constant dense<0.000000e+00> : vector<1x512xf32>
    %dot_general3A_346 = tpu.matmul %convert_element_type3A_344, %convert_element_type3A_60, %dot_general3A_345 {dimension_numbers = #tpu.dot_dimension_numbers<[1], [0], [0], [1], [0, 0, 1, 1], [], []>, transpose_lhs_hint = false} : vector<1x512xbf16>, vector<512x512xbf16>, vector<1x512xf32> -> vector<1x512xf32>
    %add3A_347 = vector.broadcast %add3A_275 : f32 to vector<1x512xf32>
    %add3A_348 = arith.addf %add3A_347, %dot_general3A_346 : vector<1x512xf32>
    %reduce_sum3A_349 = vector.shape_cast %while3A_343#0 : vector<1x512xf32> to vector<1x1x512xf32>
    %reduce_sum3A_350 = arith.constant dense<0.000000e+00> : vector<1xf32>
    %reduce_sum3A_351 = vector.multi_reduction <add>, %reduce_sum3A_349, %reduce_sum3A_350 [1, 2] : vector<1x1x512xf32> to vector<1xf32>
    %reduce_sum3A_352 = vector.shape_cast %reduce_sum3A_351 : vector<1xf32> to vector<1x1x1xf32>
    %reduce_sum3A_353 = vector.extract %reduce_sum3A_352[0, 0, 0] : f32 from vector<1x1x1xf32>
    %add3A_354 = arith.addf %add3A_275, %reduce_sum3A_353 : f32
    %slice3A_355 = vector.extract_strided_slice %gt3A_329 {offsets = [0, 512], sizes = [512, 2048], strides = [1, 1]} : vector<512x2560xi1> to vector<512x2048xi1>
    %convert_element_type3A_356 = arith.extui %slice3A_355 : vector<512x2048xi1> to vector<512x2048xi32>
    %convert_element_type3A_357 = arith.sitofp %convert_element_type3A_356 : vector<512x2048xi32> to vector<512x2048xf32>
    %convert_element_type3A_358 = arith.truncf %convert_element_type3A_357 : vector<512x2048xf32> to vector<512x2048xbf16>
    %convert_element_type3A_359 = arith.truncf %while3A_343#0 : vector<1x512xf32> to vector<1x512xbf16>
    %dot_general3A_360 = arith.constant dense<0.000000e+00> : vector<1x2048xf32>
    %dot_general3A_361 = tpu.matmul %convert_element_type3A_359, %convert_element_type3A_358, %dot_general3A_360 {dimension_numbers = #tpu.dot_dimension_numbers<[1], [0], [0], [1], [0, 0, 1, 1], [], []>, transpose_lhs_hint = false} : vector<1x512xbf16>, vector<512x2048xbf16>, vector<1x2048xf32> -> vector<1x2048xf32>
    %slice3A_362 = vector.extract_strided_slice %concatenate3A_289 {offsets = [0, 0], sizes = [1, 2048], strides = [1, 1]} : vector<1x4096xi1> to vector<1x2048xi1>
    %slice3A_363 = vector.extract_strided_slice %concatenate3A_289 {offsets = [0, 2048], sizes = [1, 2048], strides = [1, 1]} : vector<1x4096xi1> to vector<1x2048xi1>
    %gt3A_364 = arith.constant 0.000000e+00 : f32
    %gt3A_365 = vector.broadcast %gt3A_364 : f32 to vector<1x2048xf32>
    %gt3A_366 = arith.cmpf ogt, %dot_general3A_361, %gt3A_365 : vector<1x2048xf32>
    %or3A_367 = arith.ori %slice3A_363, %gt3A_366 : vector<1x2048xi1>
    %concatenate3A_368 = tpu.concatenate %slice3A_362, %or3A_367 in 1 : vector<1x2048xi1>, vector<1x2048xi1> -> vector<1x4096xi1>
    %slice3A_369 = vector.extract_strided_slice %add3A_38 {offsets = [2048, 0], sizes = [512, 1], strides = [1, 1]} : vector<4096x1xf32> to vector<512x1xf32>
    %slice3A_370 = vector.extract_strided_slice %add3A_23 {offsets = [0, 2048], sizes = [1, 2048], strides = [1, 1]} : vector<1x4096xf32> to vector<1x2048xf32>
    %max3A_371 = vector.broadcast %slice3A_369 : vector<512x1xf32> to vector<512x2048xf32>
    %max3A_372 = vector.broadcast %slice3A_370 : vector<1x2048xf32> to vector<512x2048xf32>
    %max3A_373 = arith.maximumf %max3A_371, %max3A_372 : vector<512x2048xf32>
    %slice3A_374 = vector.extract_strided_slice %add3A_46 {offsets = [2048, 0], sizes = [512, 1], strides = [1, 1]} : vector<4096x1xf32> to vector<512x1xf32>
    %slice3A_375 = vector.extract_strided_slice %add3A_25 {offsets = [0, 2048], sizes = [1, 2048], strides = [1, 1]} : vector<1x4096xf32> to vector<1x2048xf32>
    %min3A_376 = vector.broadcast %slice3A_374 : vector<512x1xf32> to vector<512x2048xf32>
    %min3A_377 = vector.broadcast %slice3A_375 : vector<1x2048xf32> to vector<512x2048xf32>
    %min3A_378 = arith.minimumf %min3A_376, %min3A_377 : vector<512x2048xf32>
    %slice3A_379 = vector.extract_strided_slice %add3A_42 {offsets = [2048, 0], sizes = [512, 1], strides = [1, 1]} : vector<4096x1xf32> to vector<512x1xf32>
    %slice3A_380 = vector.extract_strided_slice %add3A_24 {offsets = [0, 2048], sizes = [1, 2048], strides = [1, 1]} : vector<1x4096xf32> to vector<1x2048xf32>
    %max3A_381 = vector.broadcast %slice3A_379 : vector<512x1xf32> to vector<512x2048xf32>
    %max3A_382 = vector.broadcast %slice3A_380 : vector<1x2048xf32> to vector<512x2048xf32>
    %max3A_383 = arith.maximumf %max3A_381, %max3A_382 : vector<512x2048xf32>
    %slice3A_384 = vector.extract_strided_slice %add3A_50 {offsets = [2048, 0], sizes = [512, 1], strides = [1, 1]} : vector<4096x1xf32> to vector<512x1xf32>
    %slice3A_385 = vector.extract_strided_slice %add3A_26 {offsets = [0, 2048], sizes = [1, 2048], strides = [1, 1]} : vector<1x4096xf32> to vector<1x2048xf32>
    %min3A_386 = vector.broadcast %slice3A_384 : vector<512x1xf32> to vector<512x2048xf32>
    %min3A_387 = vector.broadcast %slice3A_385 : vector<1x2048xf32> to vector<512x2048xf32>
    %min3A_388 = arith.minimumf %min3A_386, %min3A_387 : vector<512x2048xf32>
    %sub3A_389 = arith.subf %min3A_378, %max3A_373 : vector<512x2048xf32>
    %max3A_390 = arith.constant 0.000000e+00 : f32
    %max3A_391 = vector.broadcast %max3A_390 : f32 to vector<512x2048xf32>
    %max3A_392 = arith.maximumf %sub3A_389, %max3A_391 : vector<512x2048xf32>
    %sub3A_393 = arith.subf %min3A_388, %max3A_383 : vector<512x2048xf32>
    %max3A_394 = arith.constant 0.000000e+00 : f32
    %max3A_395 = vector.broadcast %max3A_394 : f32 to vector<512x2048xf32>
    %max3A_396 = arith.maximumf %sub3A_393, %max3A_395 : vector<512x2048xf32>
    %mul3A_397 = arith.mulf %max3A_392, %max3A_396 : vector<512x2048xf32>
    %slice3A_398 = vector.extract_strided_slice %mul3A_55 {offsets = [2048, 0], sizes = [512, 1], strides = [1, 1]} : vector<4096x1xf32> to vector<512x1xf32>
    %slice3A_399 = vector.extract_strided_slice %mul3A_52 {offsets = [0, 2048], sizes = [1, 2048], strides = [1, 1]} : vector<1x4096xf32> to vector<1x2048xf32>
    %add3A_400 = vector.broadcast %slice3A_398 : vector<512x1xf32> to vector<512x2048xf32>
    %add3A_401 = vector.broadcast %slice3A_399 : vector<1x2048xf32> to vector<512x2048xf32>
    %add3A_402 = arith.addf %add3A_400, %add3A_401 : vector<512x2048xf32>
    %sub3A_403 = arith.subf %add3A_402, %mul3A_397 : vector<512x2048xf32>
    %add3A_404 = arith.constant 9.99999971E-10 : f32
    %add3A_405 = vector.broadcast %add3A_404 : f32 to vector<512x2048xf32>
    %add3A_406 = arith.addf %sub3A_403, %add3A_405 : vector<512x2048xf32>
    %add3A_407 = arith.addf %mul3A_397, %mul3A_397 : vector<512x2048xf32>
    %gt3A_408 = arith.cmpf ogt, %add3A_407, %add3A_406 : vector<512x2048xf32>
    %slice3A_409 = vector.extract_strided_slice %gt3A_408 {offsets = [0, 0], sizes = [512, 512], strides = [1, 1]} : vector<512x2048xi1> to vector<512x512xi1>
    %and3A_410 = arith.andi %slice3A_409, %lt3A : vector<512x512xi1>
    %convert_element_type3A_411 = arith.extui %and3A_410 : vector<512x512xi1> to vector<512x512xi32>
    %convert_element_type3A_412 = arith.sitofp %convert_element_type3A_411 : vector<512x512xi32> to vector<512x512xf32>
    %convert_element_type3A_413 = arith.truncf %convert_element_type3A_412 : vector<512x512xf32> to vector<512x512xbf16>
    %slice3A_414 = vector.extract_strided_slice %gt3A_62 {offsets = [0, 2048], sizes = [1, 512], strides = [1, 1]} : vector<1x4096xi1> to vector<1x512xi1>
    %slice3A_415 = vector.extract_strided_slice %concatenate3A_368 {offsets = [0, 2048], sizes = [1, 512], strides = [1, 1]} : vector<1x4096xi1> to vector<1x512xi1>
    %not3A_416 = arith.constant dense<true> : vector<1x512xi1>
    %not3A_417 = arith.xori %slice3A_415, %not3A_416 : vector<1x512xi1>
    %and3A_418 = arith.andi %slice3A_414, %not3A_417 : vector<1x512xi1>
    %convert_element_type3A_419 = arith.extui %and3A_418 : vector<1x512xi1> to vector<1x512xi32>
    %convert_element_type3A_420 = arith.sitofp %convert_element_type3A_419 : vector<1x512xi32> to vector<1x512xf32>
    %while3A_421 = arith.constant true
    %while3A_422:2 = scf.while (%while3A_714 = %convert_element_type3A_420, %while3A_715 = %while3A_421) : (vector<1x512xf32>, i1) -> (vector<1x512xf32>, i1) {
      scf.condition(%while3A_715) %while3A_714, %while3A_715 : vector<1x512xf32>, i1
    } do {
    ^bb0(%while3A_714: vector<1x512xf32>, %while3A_715: i1):
      %convert_element_type3A_716 = arith.truncf %while3A_714 : vector<1x512xf32> to vector<1x512xbf16>
      %dot_general3A_717 = arith.constant dense<0.000000e+00> : vector<1x512xf32>
      %dot_general3A_718 = tpu.matmul %convert_element_type3A_716, %convert_element_type3A_413, %dot_general3A_717 {dimension_numbers = #tpu.dot_dimension_numbers<[1], [0], [0], [1], [0, 0, 1, 1], [], []>, transpose_lhs_hint = false} : vector<1x512xbf16>, vector<512x512xbf16>, vector<1x512xf32> -> vector<1x512xf32>
      %eq3A_719 = arith.constant 0.000000e+00 : f32
      %eq3A_720 = vector.broadcast %eq3A_719 : f32 to vector<1x512xf32>
      %eq3A_721 = arith.cmpf oeq, %dot_general3A_718, %eq3A_720 : vector<1x512xf32>
      %jit3A = arith.constant 0.000000e+00 : f32
      %broadcast_in_dim3A_722 = vector.broadcast %jit3A : f32 to vector<1x512xf32>
      %select_n3A = arith.select %eq3A_721, %convert_element_type3A_420, %broadcast_in_dim3A_722 : vector<1x512xi1>, vector<1x512xf32>
      %ne3A = arith.cmpf one, %select_n3A, %while3A_714 : vector<1x512xf32>
      %reduce_or3A = arith.constant 1.000000e+00 : f32
      %reduce_or3A_723 = arith.constant 0.000000e+00 : f32
      %reduce_or3A_724 = vector.broadcast %reduce_or3A : f32 to vector<1x512xf32>
      %reduce_or3A_725 = vector.broadcast %reduce_or3A_723 : f32 to vector<1x512xf32>
      %reduce_or3A_726 = arith.select %ne3A, %reduce_or3A_724, %reduce_or3A_725 : vector<1x512xi1>, vector<1x512xf32>
      %reduce_or3A_727 = vector.shape_cast %reduce_or3A_726 : vector<1x512xf32> to vector<1x1x512xf32>
      %reduce_or3A_728 = arith.constant dense<0xFF800000> : vector<1xf32>
      %reduce_or3A_729 = vector.multi_reduction <maximumf>, %reduce_or3A_727, %reduce_or3A_728 [1, 2] : vector<1x1x512xf32> to vector<1xf32>
      %reduce_or3A_730 = vector.shape_cast %reduce_or3A_729 : vector<1xf32> to vector<1x1x1xf32>
      %reduce_or3A_731 = vector.extract %reduce_or3A_730[0, 0, 0] : f32 from vector<1x1x1xf32>
      %reduce_or3A_732 = arith.constant 0.000000e+00 : f32
      %reduce_or3A_733 = arith.cmpf ogt, %reduce_or3A_731, %reduce_or3A_732 : f32
      scf.yield %select_n3A, %reduce_or3A_733 : vector<1x512xf32>, i1
    }
    %convert_element_type3A_423 = arith.truncf %while3A_422#0 : vector<1x512xf32> to vector<1x512xbf16>
    %dot_general3A_424 = arith.constant dense<0.000000e+00> : vector<1x512xf32>
    %dot_general3A_425 = tpu.matmul %convert_element_type3A_423, %convert_element_type3A_60, %dot_general3A_424 {dimension_numbers = #tpu.dot_dimension_numbers<[1], [0], [0], [1], [0, 0, 1, 1], [], []>, transpose_lhs_hint = false} : vector<1x512xbf16>, vector<512x512xbf16>, vector<1x512xf32> -> vector<1x512xf32>
    %add3A_426 = vector.broadcast %add3A_354 : f32 to vector<1x512xf32>
    %add3A_427 = arith.addf %add3A_426, %dot_general3A_425 : vector<1x512xf32>
    %reduce_sum3A_428 = vector.shape_cast %while3A_422#0 : vector<1x512xf32> to vector<1x1x512xf32>
    %reduce_sum3A_429 = arith.constant dense<0.000000e+00> : vector<1xf32>
    %reduce_sum3A_430 = vector.multi_reduction <add>, %reduce_sum3A_428, %reduce_sum3A_429 [1, 2] : vector<1x1x512xf32> to vector<1xf32>
    %reduce_sum3A_431 = vector.shape_cast %reduce_sum3A_430 : vector<1xf32> to vector<1x1x1xf32>
    %reduce_sum3A_432 = vector.extract %reduce_sum3A_431[0, 0, 0] : f32 from vector<1x1x1xf32>
    %add3A_433 = arith.addf %add3A_354, %reduce_sum3A_432 : f32
    %slice3A_434 = vector.extract_strided_slice %gt3A_408 {offsets = [0, 512], sizes = [512, 1536], strides = [1, 1]} : vector<512x2048xi1> to vector<512x1536xi1>
    %convert_element_type3A_435 = arith.extui %slice3A_434 : vector<512x1536xi1> to vector<512x1536xi32>
    %convert_element_type3A_436 = arith.sitofp %convert_element_type3A_435 : vector<512x1536xi32> to vector<512x1536xf32>
    %convert_element_type3A_437 = arith.truncf %convert_element_type3A_436 : vector<512x1536xf32> to vector<512x1536xbf16>
    %convert_element_type3A_438 = arith.truncf %while3A_422#0 : vector<1x512xf32> to vector<1x512xbf16>
    %dot_general3A_439 = arith.constant dense<0.000000e+00> : vector<1x1536xf32>
    %dot_general3A_440 = tpu.matmul %convert_element_type3A_438, %convert_element_type3A_437, %dot_general3A_439 {dimension_numbers = #tpu.dot_dimension_numbers<[1], [0], [0], [1], [0, 0, 1, 1], [], []>, transpose_lhs_hint = false} : vector<1x512xbf16>, vector<512x1536xbf16>, vector<1x1536xf32> -> vector<1x1536xf32>
    %slice3A_441 = vector.extract_strided_slice %concatenate3A_368 {offsets = [0, 0], sizes = [1, 2560], strides = [1, 1]} : vector<1x4096xi1> to vector<1x2560xi1>
    %slice3A_442 = vector.extract_strided_slice %concatenate3A_368 {offsets = [0, 2560], sizes = [1, 1536], strides = [1, 1]} : vector<1x4096xi1> to vector<1x1536xi1>
    %gt3A_443 = arith.constant 0.000000e+00 : f32
    %gt3A_444 = vector.broadcast %gt3A_443 : f32 to vector<1x1536xf32>
    %gt3A_445 = arith.cmpf ogt, %dot_general3A_440, %gt3A_444 : vector<1x1536xf32>
    %or3A_446 = arith.ori %slice3A_442, %gt3A_445 : vector<1x1536xi1>
    %concatenate3A_447 = tpu.concatenate %slice3A_441, %or3A_446 in 1 : vector<1x2560xi1>, vector<1x1536xi1> -> vector<1x4096xi1>
    %slice3A_448 = vector.extract_strided_slice %add3A_38 {offsets = [2560, 0], sizes = [512, 1], strides = [1, 1]} : vector<4096x1xf32> to vector<512x1xf32>
    %slice3A_449 = vector.extract_strided_slice %add3A_23 {offsets = [0, 2560], sizes = [1, 1536], strides = [1, 1]} : vector<1x4096xf32> to vector<1x1536xf32>
    %max3A_450 = vector.broadcast %slice3A_448 : vector<512x1xf32> to vector<512x1536xf32>
    %max3A_451 = vector.broadcast %slice3A_449 : vector<1x1536xf32> to vector<512x1536xf32>
    %max3A_452 = arith.maximumf %max3A_450, %max3A_451 : vector<512x1536xf32>
    %slice3A_453 = vector.extract_strided_slice %add3A_46 {offsets = [2560, 0], sizes = [512, 1], strides = [1, 1]} : vector<4096x1xf32> to vector<512x1xf32>
    %slice3A_454 = vector.extract_strided_slice %add3A_25 {offsets = [0, 2560], sizes = [1, 1536], strides = [1, 1]} : vector<1x4096xf32> to vector<1x1536xf32>
    %min3A_455 = vector.broadcast %slice3A_453 : vector<512x1xf32> to vector<512x1536xf32>
    %min3A_456 = vector.broadcast %slice3A_454 : vector<1x1536xf32> to vector<512x1536xf32>
    %min3A_457 = arith.minimumf %min3A_455, %min3A_456 : vector<512x1536xf32>
    %slice3A_458 = vector.extract_strided_slice %add3A_42 {offsets = [2560, 0], sizes = [512, 1], strides = [1, 1]} : vector<4096x1xf32> to vector<512x1xf32>
    %slice3A_459 = vector.extract_strided_slice %add3A_24 {offsets = [0, 2560], sizes = [1, 1536], strides = [1, 1]} : vector<1x4096xf32> to vector<1x1536xf32>
    %max3A_460 = vector.broadcast %slice3A_458 : vector<512x1xf32> to vector<512x1536xf32>
    %max3A_461 = vector.broadcast %slice3A_459 : vector<1x1536xf32> to vector<512x1536xf32>
    %max3A_462 = arith.maximumf %max3A_460, %max3A_461 : vector<512x1536xf32>
    %slice3A_463 = vector.extract_strided_slice %add3A_50 {offsets = [2560, 0], sizes = [512, 1], strides = [1, 1]} : vector<4096x1xf32> to vector<512x1xf32>
    %slice3A_464 = vector.extract_strided_slice %add3A_26 {offsets = [0, 2560], sizes = [1, 1536], strides = [1, 1]} : vector<1x4096xf32> to vector<1x1536xf32>
    %min3A_465 = vector.broadcast %slice3A_463 : vector<512x1xf32> to vector<512x1536xf32>
    %min3A_466 = vector.broadcast %slice3A_464 : vector<1x1536xf32> to vector<512x1536xf32>
    %min3A_467 = arith.minimumf %min3A_465, %min3A_466 : vector<512x1536xf32>
    %sub3A_468 = arith.subf %min3A_457, %max3A_452 : vector<512x1536xf32>
    %max3A_469 = arith.constant 0.000000e+00 : f32
    %max3A_470 = vector.broadcast %max3A_469 : f32 to vector<512x1536xf32>
    %max3A_471 = arith.maximumf %sub3A_468, %max3A_470 : vector<512x1536xf32>
    %sub3A_472 = arith.subf %min3A_467, %max3A_462 : vector<512x1536xf32>
    %max3A_473 = arith.constant 0.000000e+00 : f32
    %max3A_474 = vector.broadcast %max3A_473 : f32 to vector<512x1536xf32>
    %max3A_475 = arith.maximumf %sub3A_472, %max3A_474 : vector<512x1536xf32>
    %mul3A_476 = arith.mulf %max3A_471, %max3A_475 : vector<512x1536xf32>
    %slice3A_477 = vector.extract_strided_slice %mul3A_55 {offsets = [2560, 0], sizes = [512, 1], strides = [1, 1]} : vector<4096x1xf32> to vector<512x1xf32>
    %slice3A_478 = vector.extract_strided_slice %mul3A_52 {offsets = [0, 2560], sizes = [1, 1536], strides = [1, 1]} : vector<1x4096xf32> to vector<1x1536xf32>
    %add3A_479 = vector.broadcast %slice3A_477 : vector<512x1xf32> to vector<512x1536xf32>
    %add3A_480 = vector.broadcast %slice3A_478 : vector<1x1536xf32> to vector<512x1536xf32>
    %add3A_481 = arith.addf %add3A_479, %add3A_480 : vector<512x1536xf32>
    %sub3A_482 = arith.subf %add3A_481, %mul3A_476 : vector<512x1536xf32>
    %add3A_483 = arith.constant 9.99999971E-10 : f32
    %add3A_484 = vector.broadcast %add3A_483 : f32 to vector<512x1536xf32>
    %add3A_485 = arith.addf %sub3A_482, %add3A_484 : vector<512x1536xf32>
    %add3A_486 = arith.addf %mul3A_476, %mul3A_476 : vector<512x1536xf32>
    %gt3A_487 = arith.cmpf ogt, %add3A_486, %add3A_485 : vector<512x1536xf32>
    %slice3A_488 = vector.extract_strided_slice %gt3A_487 {offsets = [0, 0], sizes = [512, 512], strides = [1, 1]} : vector<512x1536xi1> to vector<512x512xi1>
    %and3A_489 = arith.andi %slice3A_488, %lt3A : vector<512x512xi1>
    %convert_element_type3A_490 = arith.extui %and3A_489 : vector<512x512xi1> to vector<512x512xi32>
    %convert_element_type3A_491 = arith.sitofp %convert_element_type3A_490 : vector<512x512xi32> to vector<512x512xf32>
    %convert_element_type3A_492 = arith.truncf %convert_element_type3A_491 : vector<512x512xf32> to vector<512x512xbf16>
    %slice3A_493 = vector.extract_strided_slice %gt3A_62 {offsets = [0, 2560], sizes = [1, 512], strides = [1, 1]} : vector<1x4096xi1> to vector<1x512xi1>
    %slice3A_494 = vector.extract_strided_slice %concatenate3A_447 {offsets = [0, 2560], sizes = [1, 512], strides = [1, 1]} : vector<1x4096xi1> to vector<1x512xi1>
    %not3A_495 = arith.constant dense<true> : vector<1x512xi1>
    %not3A_496 = arith.xori %slice3A_494, %not3A_495 : vector<1x512xi1>
    %and3A_497 = arith.andi %slice3A_493, %not3A_496 : vector<1x512xi1>
    %convert_element_type3A_498 = arith.extui %and3A_497 : vector<1x512xi1> to vector<1x512xi32>
    %convert_element_type3A_499 = arith.sitofp %convert_element_type3A_498 : vector<1x512xi32> to vector<1x512xf32>
    %while3A_500 = arith.constant true
    %while3A_501:2 = scf.while (%while3A_714 = %convert_element_type3A_499, %while3A_715 = %while3A_500) : (vector<1x512xf32>, i1) -> (vector<1x512xf32>, i1) {
      scf.condition(%while3A_715) %while3A_714, %while3A_715 : vector<1x512xf32>, i1
    } do {
    ^bb0(%while3A_714: vector<1x512xf32>, %while3A_715: i1):
      %convert_element_type3A_716 = arith.truncf %while3A_714 : vector<1x512xf32> to vector<1x512xbf16>
      %dot_general3A_717 = arith.constant dense<0.000000e+00> : vector<1x512xf32>
      %dot_general3A_718 = tpu.matmul %convert_element_type3A_716, %convert_element_type3A_492, %dot_general3A_717 {dimension_numbers = #tpu.dot_dimension_numbers<[1], [0], [0], [1], [0, 0, 1, 1], [], []>, transpose_lhs_hint = false} : vector<1x512xbf16>, vector<512x512xbf16>, vector<1x512xf32> -> vector<1x512xf32>
      %eq3A_719 = arith.constant 0.000000e+00 : f32
      %eq3A_720 = vector.broadcast %eq3A_719 : f32 to vector<1x512xf32>
      %eq3A_721 = arith.cmpf oeq, %dot_general3A_718, %eq3A_720 : vector<1x512xf32>
      %jit3A = arith.constant 0.000000e+00 : f32
      %broadcast_in_dim3A_722 = vector.broadcast %jit3A : f32 to vector<1x512xf32>
      %select_n3A = arith.select %eq3A_721, %convert_element_type3A_499, %broadcast_in_dim3A_722 : vector<1x512xi1>, vector<1x512xf32>
      %ne3A = arith.cmpf one, %select_n3A, %while3A_714 : vector<1x512xf32>
      %reduce_or3A = arith.constant 1.000000e+00 : f32
      %reduce_or3A_723 = arith.constant 0.000000e+00 : f32
      %reduce_or3A_724 = vector.broadcast %reduce_or3A : f32 to vector<1x512xf32>
      %reduce_or3A_725 = vector.broadcast %reduce_or3A_723 : f32 to vector<1x512xf32>
      %reduce_or3A_726 = arith.select %ne3A, %reduce_or3A_724, %reduce_or3A_725 : vector<1x512xi1>, vector<1x512xf32>
      %reduce_or3A_727 = vector.shape_cast %reduce_or3A_726 : vector<1x512xf32> to vector<1x1x512xf32>
      %reduce_or3A_728 = arith.constant dense<0xFF800000> : vector<1xf32>
      %reduce_or3A_729 = vector.multi_reduction <maximumf>, %reduce_or3A_727, %reduce_or3A_728 [1, 2] : vector<1x1x512xf32> to vector<1xf32>
      %reduce_or3A_730 = vector.shape_cast %reduce_or3A_729 : vector<1xf32> to vector<1x1x1xf32>
      %reduce_or3A_731 = vector.extract %reduce_or3A_730[0, 0, 0] : f32 from vector<1x1x1xf32>
      %reduce_or3A_732 = arith.constant 0.000000e+00 : f32
      %reduce_or3A_733 = arith.cmpf ogt, %reduce_or3A_731, %reduce_or3A_732 : f32
      scf.yield %select_n3A, %reduce_or3A_733 : vector<1x512xf32>, i1
    }
    %convert_element_type3A_502 = arith.truncf %while3A_501#0 : vector<1x512xf32> to vector<1x512xbf16>
    %dot_general3A_503 = arith.constant dense<0.000000e+00> : vector<1x512xf32>
    %dot_general3A_504 = tpu.matmul %convert_element_type3A_502, %convert_element_type3A_60, %dot_general3A_503 {dimension_numbers = #tpu.dot_dimension_numbers<[1], [0], [0], [1], [0, 0, 1, 1], [], []>, transpose_lhs_hint = false} : vector<1x512xbf16>, vector<512x512xbf16>, vector<1x512xf32> -> vector<1x512xf32>
    %add3A_505 = vector.broadcast %add3A_433 : f32 to vector<1x512xf32>
    %add3A_506 = arith.addf %add3A_505, %dot_general3A_504 : vector<1x512xf32>
    %reduce_sum3A_507 = vector.shape_cast %while3A_501#0 : vector<1x512xf32> to vector<1x1x512xf32>
    %reduce_sum3A_508 = arith.constant dense<0.000000e+00> : vector<1xf32>
    %reduce_sum3A_509 = vector.multi_reduction <add>, %reduce_sum3A_507, %reduce_sum3A_508 [1, 2] : vector<1x1x512xf32> to vector<1xf32>
    %reduce_sum3A_510 = vector.shape_cast %reduce_sum3A_509 : vector<1xf32> to vector<1x1x1xf32>
    %reduce_sum3A_511 = vector.extract %reduce_sum3A_510[0, 0, 0] : f32 from vector<1x1x1xf32>
    %add3A_512 = arith.addf %add3A_433, %reduce_sum3A_511 : f32
    %slice3A_513 = vector.extract_strided_slice %gt3A_487 {offsets = [0, 512], sizes = [512, 1024], strides = [1, 1]} : vector<512x1536xi1> to vector<512x1024xi1>
    %convert_element_type3A_514 = arith.extui %slice3A_513 : vector<512x1024xi1> to vector<512x1024xi32>
    %convert_element_type3A_515 = arith.sitofp %convert_element_type3A_514 : vector<512x1024xi32> to vector<512x1024xf32>
    %convert_element_type3A_516 = arith.truncf %convert_element_type3A_515 : vector<512x1024xf32> to vector<512x1024xbf16>
    %convert_element_type3A_517 = arith.truncf %while3A_501#0 : vector<1x512xf32> to vector<1x512xbf16>
    %dot_general3A_518 = arith.constant dense<0.000000e+00> : vector<1x1024xf32>
    %dot_general3A_519 = tpu.matmul %convert_element_type3A_517, %convert_element_type3A_516, %dot_general3A_518 {dimension_numbers = #tpu.dot_dimension_numbers<[1], [0], [0], [1], [0, 0, 1, 1], [], []>, transpose_lhs_hint = false} : vector<1x512xbf16>, vector<512x1024xbf16>, vector<1x1024xf32> -> vector<1x1024xf32>
    %slice3A_520 = vector.extract_strided_slice %concatenate3A_447 {offsets = [0, 0], sizes = [1, 3072], strides = [1, 1]} : vector<1x4096xi1> to vector<1x3072xi1>
    %slice3A_521 = vector.extract_strided_slice %concatenate3A_447 {offsets = [0, 3072], sizes = [1, 1024], strides = [1, 1]} : vector<1x4096xi1> to vector<1x1024xi1>
    %gt3A_522 = arith.constant 0.000000e+00 : f32
    %gt3A_523 = vector.broadcast %gt3A_522 : f32 to vector<1x1024xf32>
    %gt3A_524 = arith.cmpf ogt, %dot_general3A_519, %gt3A_523 : vector<1x1024xf32>
    %or3A_525 = arith.ori %slice3A_521, %gt3A_524 : vector<1x1024xi1>
    %concatenate3A_526 = tpu.concatenate %slice3A_520, %or3A_525 in 1 : vector<1x3072xi1>, vector<1x1024xi1> -> vector<1x4096xi1>
    %slice3A_527 = vector.extract_strided_slice %add3A_38 {offsets = [3072, 0], sizes = [512, 1], strides = [1, 1]} : vector<4096x1xf32> to vector<512x1xf32>
    %slice3A_528 = vector.extract_strided_slice %add3A_23 {offsets = [0, 3072], sizes = [1, 1024], strides = [1, 1]} : vector<1x4096xf32> to vector<1x1024xf32>
    %max3A_529 = vector.broadcast %slice3A_527 : vector<512x1xf32> to vector<512x1024xf32>
    %max3A_530 = vector.broadcast %slice3A_528 : vector<1x1024xf32> to vector<512x1024xf32>
    %max3A_531 = arith.maximumf %max3A_529, %max3A_530 : vector<512x1024xf32>
    %slice3A_532 = vector.extract_strided_slice %add3A_46 {offsets = [3072, 0], sizes = [512, 1], strides = [1, 1]} : vector<4096x1xf32> to vector<512x1xf32>
    %slice3A_533 = vector.extract_strided_slice %add3A_25 {offsets = [0, 3072], sizes = [1, 1024], strides = [1, 1]} : vector<1x4096xf32> to vector<1x1024xf32>
    %min3A_534 = vector.broadcast %slice3A_532 : vector<512x1xf32> to vector<512x1024xf32>
    %min3A_535 = vector.broadcast %slice3A_533 : vector<1x1024xf32> to vector<512x1024xf32>
    %min3A_536 = arith.minimumf %min3A_534, %min3A_535 : vector<512x1024xf32>
    %slice3A_537 = vector.extract_strided_slice %add3A_42 {offsets = [3072, 0], sizes = [512, 1], strides = [1, 1]} : vector<4096x1xf32> to vector<512x1xf32>
    %slice3A_538 = vector.extract_strided_slice %add3A_24 {offsets = [0, 3072], sizes = [1, 1024], strides = [1, 1]} : vector<1x4096xf32> to vector<1x1024xf32>
    %max3A_539 = vector.broadcast %slice3A_537 : vector<512x1xf32> to vector<512x1024xf32>
    %max3A_540 = vector.broadcast %slice3A_538 : vector<1x1024xf32> to vector<512x1024xf32>
    %max3A_541 = arith.maximumf %max3A_539, %max3A_540 : vector<512x1024xf32>
    %slice3A_542 = vector.extract_strided_slice %add3A_50 {offsets = [3072, 0], sizes = [512, 1], strides = [1, 1]} : vector<4096x1xf32> to vector<512x1xf32>
    %slice3A_543 = vector.extract_strided_slice %add3A_26 {offsets = [0, 3072], sizes = [1, 1024], strides = [1, 1]} : vector<1x4096xf32> to vector<1x1024xf32>
    %min3A_544 = vector.broadcast %slice3A_542 : vector<512x1xf32> to vector<512x1024xf32>
    %min3A_545 = vector.broadcast %slice3A_543 : vector<1x1024xf32> to vector<512x1024xf32>
    %min3A_546 = arith.minimumf %min3A_544, %min3A_545 : vector<512x1024xf32>
    %sub3A_547 = arith.subf %min3A_536, %max3A_531 : vector<512x1024xf32>
    %max3A_548 = arith.constant 0.000000e+00 : f32
    %max3A_549 = vector.broadcast %max3A_548 : f32 to vector<512x1024xf32>
    %max3A_550 = arith.maximumf %sub3A_547, %max3A_549 : vector<512x1024xf32>
    %sub3A_551 = arith.subf %min3A_546, %max3A_541 : vector<512x1024xf32>
    %max3A_552 = arith.constant 0.000000e+00 : f32
    %max3A_553 = vector.broadcast %max3A_552 : f32 to vector<512x1024xf32>
    %max3A_554 = arith.maximumf %sub3A_551, %max3A_553 : vector<512x1024xf32>
    %mul3A_555 = arith.mulf %max3A_550, %max3A_554 : vector<512x1024xf32>
    %slice3A_556 = vector.extract_strided_slice %mul3A_55 {offsets = [3072, 0], sizes = [512, 1], strides = [1, 1]} : vector<4096x1xf32> to vector<512x1xf32>
    %slice3A_557 = vector.extract_strided_slice %mul3A_52 {offsets = [0, 3072], sizes = [1, 1024], strides = [1, 1]} : vector<1x4096xf32> to vector<1x1024xf32>
    %add3A_558 = vector.broadcast %slice3A_556 : vector<512x1xf32> to vector<512x1024xf32>
    %add3A_559 = vector.broadcast %slice3A_557 : vector<1x1024xf32> to vector<512x1024xf32>
    %add3A_560 = arith.addf %add3A_558, %add3A_559 : vector<512x1024xf32>
    %sub3A_561 = arith.subf %add3A_560, %mul3A_555 : vector<512x1024xf32>
    %add3A_562 = arith.constant 9.99999971E-10 : f32
    %add3A_563 = vector.broadcast %add3A_562 : f32 to vector<512x1024xf32>
    %add3A_564 = arith.addf %sub3A_561, %add3A_563 : vector<512x1024xf32>
    %add3A_565 = arith.addf %mul3A_555, %mul3A_555 : vector<512x1024xf32>
    %gt3A_566 = arith.cmpf ogt, %add3A_565, %add3A_564 : vector<512x1024xf32>
    %slice3A_567 = vector.extract_strided_slice %gt3A_566 {offsets = [0, 0], sizes = [512, 512], strides = [1, 1]} : vector<512x1024xi1> to vector<512x512xi1>
    %and3A_568 = arith.andi %slice3A_567, %lt3A : vector<512x512xi1>
    %convert_element_type3A_569 = arith.extui %and3A_568 : vector<512x512xi1> to vector<512x512xi32>
    %convert_element_type3A_570 = arith.sitofp %convert_element_type3A_569 : vector<512x512xi32> to vector<512x512xf32>
    %convert_element_type3A_571 = arith.truncf %convert_element_type3A_570 : vector<512x512xf32> to vector<512x512xbf16>
    %slice3A_572 = vector.extract_strided_slice %gt3A_62 {offsets = [0, 3072], sizes = [1, 512], strides = [1, 1]} : vector<1x4096xi1> to vector<1x512xi1>
    %slice3A_573 = vector.extract_strided_slice %concatenate3A_526 {offsets = [0, 3072], sizes = [1, 512], strides = [1, 1]} : vector<1x4096xi1> to vector<1x512xi1>
    %not3A_574 = arith.constant dense<true> : vector<1x512xi1>
    %not3A_575 = arith.xori %slice3A_573, %not3A_574 : vector<1x512xi1>
    %and3A_576 = arith.andi %slice3A_572, %not3A_575 : vector<1x512xi1>
    %convert_element_type3A_577 = arith.extui %and3A_576 : vector<1x512xi1> to vector<1x512xi32>
    %convert_element_type3A_578 = arith.sitofp %convert_element_type3A_577 : vector<1x512xi32> to vector<1x512xf32>
    %while3A_579 = arith.constant true
    %while3A_580:2 = scf.while (%while3A_714 = %convert_element_type3A_578, %while3A_715 = %while3A_579) : (vector<1x512xf32>, i1) -> (vector<1x512xf32>, i1) {
      scf.condition(%while3A_715) %while3A_714, %while3A_715 : vector<1x512xf32>, i1
    } do {
    ^bb0(%while3A_714: vector<1x512xf32>, %while3A_715: i1):
      %convert_element_type3A_716 = arith.truncf %while3A_714 : vector<1x512xf32> to vector<1x512xbf16>
      %dot_general3A_717 = arith.constant dense<0.000000e+00> : vector<1x512xf32>
      %dot_general3A_718 = tpu.matmul %convert_element_type3A_716, %convert_element_type3A_571, %dot_general3A_717 {dimension_numbers = #tpu.dot_dimension_numbers<[1], [0], [0], [1], [0, 0, 1, 1], [], []>, transpose_lhs_hint = false} : vector<1x512xbf16>, vector<512x512xbf16>, vector<1x512xf32> -> vector<1x512xf32>
      %eq3A_719 = arith.constant 0.000000e+00 : f32
      %eq3A_720 = vector.broadcast %eq3A_719 : f32 to vector<1x512xf32>
      %eq3A_721 = arith.cmpf oeq, %dot_general3A_718, %eq3A_720 : vector<1x512xf32>
      %jit3A = arith.constant 0.000000e+00 : f32
      %broadcast_in_dim3A_722 = vector.broadcast %jit3A : f32 to vector<1x512xf32>
      %select_n3A = arith.select %eq3A_721, %convert_element_type3A_578, %broadcast_in_dim3A_722 : vector<1x512xi1>, vector<1x512xf32>
      %ne3A = arith.cmpf one, %select_n3A, %while3A_714 : vector<1x512xf32>
      %reduce_or3A = arith.constant 1.000000e+00 : f32
      %reduce_or3A_723 = arith.constant 0.000000e+00 : f32
      %reduce_or3A_724 = vector.broadcast %reduce_or3A : f32 to vector<1x512xf32>
      %reduce_or3A_725 = vector.broadcast %reduce_or3A_723 : f32 to vector<1x512xf32>
      %reduce_or3A_726 = arith.select %ne3A, %reduce_or3A_724, %reduce_or3A_725 : vector<1x512xi1>, vector<1x512xf32>
      %reduce_or3A_727 = vector.shape_cast %reduce_or3A_726 : vector<1x512xf32> to vector<1x1x512xf32>
      %reduce_or3A_728 = arith.constant dense<0xFF800000> : vector<1xf32>
      %reduce_or3A_729 = vector.multi_reduction <maximumf>, %reduce_or3A_727, %reduce_or3A_728 [1, 2] : vector<1x1x512xf32> to vector<1xf32>
      %reduce_or3A_730 = vector.shape_cast %reduce_or3A_729 : vector<1xf32> to vector<1x1x1xf32>
      %reduce_or3A_731 = vector.extract %reduce_or3A_730[0, 0, 0] : f32 from vector<1x1x1xf32>
      %reduce_or3A_732 = arith.constant 0.000000e+00 : f32
      %reduce_or3A_733 = arith.cmpf ogt, %reduce_or3A_731, %reduce_or3A_732 : f32
      scf.yield %select_n3A, %reduce_or3A_733 : vector<1x512xf32>, i1
    }
    %convert_element_type3A_581 = arith.truncf %while3A_580#0 : vector<1x512xf32> to vector<1x512xbf16>
    %dot_general3A_582 = arith.constant dense<0.000000e+00> : vector<1x512xf32>
    %dot_general3A_583 = tpu.matmul %convert_element_type3A_581, %convert_element_type3A_60, %dot_general3A_582 {dimension_numbers = #tpu.dot_dimension_numbers<[1], [0], [0], [1], [0, 0, 1, 1], [], []>, transpose_lhs_hint = false} : vector<1x512xbf16>, vector<512x512xbf16>, vector<1x512xf32> -> vector<1x512xf32>
    %add3A_584 = vector.broadcast %add3A_512 : f32 to vector<1x512xf32>
    %add3A_585 = arith.addf %add3A_584, %dot_general3A_583 : vector<1x512xf32>
    %reduce_sum3A_586 = vector.shape_cast %while3A_580#0 : vector<1x512xf32> to vector<1x1x512xf32>
    %reduce_sum3A_587 = arith.constant dense<0.000000e+00> : vector<1xf32>
    %reduce_sum3A_588 = vector.multi_reduction <add>, %reduce_sum3A_586, %reduce_sum3A_587 [1, 2] : vector<1x1x512xf32> to vector<1xf32>
    %reduce_sum3A_589 = vector.shape_cast %reduce_sum3A_588 : vector<1xf32> to vector<1x1x1xf32>
    %reduce_sum3A_590 = vector.extract %reduce_sum3A_589[0, 0, 0] : f32 from vector<1x1x1xf32>
    %add3A_591 = arith.addf %add3A_512, %reduce_sum3A_590 : f32
    %slice3A_592 = vector.extract_strided_slice %gt3A_566 {offsets = [0, 512], sizes = [512, 512], strides = [1, 1]} : vector<512x1024xi1> to vector<512x512xi1>
    %convert_element_type3A_593 = arith.extui %slice3A_592 : vector<512x512xi1> to vector<512x512xi32>
    %convert_element_type3A_594 = arith.sitofp %convert_element_type3A_593 : vector<512x512xi32> to vector<512x512xf32>
    %convert_element_type3A_595 = arith.truncf %convert_element_type3A_594 : vector<512x512xf32> to vector<512x512xbf16>
    %convert_element_type3A_596 = arith.truncf %while3A_580#0 : vector<1x512xf32> to vector<1x512xbf16>
    %dot_general3A_597 = arith.constant dense<0.000000e+00> : vector<1x512xf32>
    %dot_general3A_598 = tpu.matmul %convert_element_type3A_596, %convert_element_type3A_595, %dot_general3A_597 {dimension_numbers = #tpu.dot_dimension_numbers<[1], [0], [0], [1], [0, 0, 1, 1], [], []>, transpose_lhs_hint = false} : vector<1x512xbf16>, vector<512x512xbf16>, vector<1x512xf32> -> vector<1x512xf32>
    %slice3A_599 = vector.extract_strided_slice %concatenate3A_526 {offsets = [0, 0], sizes = [1, 3584], strides = [1, 1]} : vector<1x4096xi1> to vector<1x3584xi1>
    %slice3A_600 = vector.extract_strided_slice %concatenate3A_526 {offsets = [0, 3584], sizes = [1, 512], strides = [1, 1]} : vector<1x4096xi1> to vector<1x512xi1>
    %gt3A_601 = arith.constant 0.000000e+00 : f32
    %gt3A_602 = vector.broadcast %gt3A_601 : f32 to vector<1x512xf32>
    %gt3A_603 = arith.cmpf ogt, %dot_general3A_598, %gt3A_602 : vector<1x512xf32>
    %or3A_604 = arith.ori %slice3A_600, %gt3A_603 : vector<1x512xi1>
    %concatenate3A_605 = tpu.concatenate %slice3A_599, %or3A_604 in 1 : vector<1x3584xi1>, vector<1x512xi1> -> vector<1x4096xi1>
    %slice3A_606 = vector.extract_strided_slice %add3A_38 {offsets = [3584, 0], sizes = [512, 1], strides = [1, 1]} : vector<4096x1xf32> to vector<512x1xf32>
    %slice3A_607 = vector.extract_strided_slice %add3A_23 {offsets = [0, 3584], sizes = [1, 512], strides = [1, 1]} : vector<1x4096xf32> to vector<1x512xf32>
    %max3A_608 = vector.broadcast %slice3A_606 : vector<512x1xf32> to vector<512x512xf32>
    %max3A_609 = vector.broadcast %slice3A_607 : vector<1x512xf32> to vector<512x512xf32>
    %max3A_610 = arith.maximumf %max3A_608, %max3A_609 : vector<512x512xf32>
    %slice3A_611 = vector.extract_strided_slice %add3A_46 {offsets = [3584, 0], sizes = [512, 1], strides = [1, 1]} : vector<4096x1xf32> to vector<512x1xf32>
    %slice3A_612 = vector.extract_strided_slice %add3A_25 {offsets = [0, 3584], sizes = [1, 512], strides = [1, 1]} : vector<1x4096xf32> to vector<1x512xf32>
    %min3A_613 = vector.broadcast %slice3A_611 : vector<512x1xf32> to vector<512x512xf32>
    %min3A_614 = vector.broadcast %slice3A_612 : vector<1x512xf32> to vector<512x512xf32>
    %min3A_615 = arith.minimumf %min3A_613, %min3A_614 : vector<512x512xf32>
    %slice3A_616 = vector.extract_strided_slice %add3A_42 {offsets = [3584, 0], sizes = [512, 1], strides = [1, 1]} : vector<4096x1xf32> to vector<512x1xf32>
    %slice3A_617 = vector.extract_strided_slice %add3A_24 {offsets = [0, 3584], sizes = [1, 512], strides = [1, 1]} : vector<1x4096xf32> to vector<1x512xf32>
    %max3A_618 = vector.broadcast %slice3A_616 : vector<512x1xf32> to vector<512x512xf32>
    %max3A_619 = vector.broadcast %slice3A_617 : vector<1x512xf32> to vector<512x512xf32>
    %max3A_620 = arith.maximumf %max3A_618, %max3A_619 : vector<512x512xf32>
    %slice3A_621 = vector.extract_strided_slice %add3A_50 {offsets = [3584, 0], sizes = [512, 1], strides = [1, 1]} : vector<4096x1xf32> to vector<512x1xf32>
    %slice3A_622 = vector.extract_strided_slice %add3A_26 {offsets = [0, 3584], sizes = [1, 512], strides = [1, 1]} : vector<1x4096xf32> to vector<1x512xf32>
    %min3A_623 = vector.broadcast %slice3A_621 : vector<512x1xf32> to vector<512x512xf32>
    %min3A_624 = vector.broadcast %slice3A_622 : vector<1x512xf32> to vector<512x512xf32>
    %min3A_625 = arith.minimumf %min3A_623, %min3A_624 : vector<512x512xf32>
    %sub3A_626 = arith.subf %min3A_615, %max3A_610 : vector<512x512xf32>
    %max3A_627 = arith.constant 0.000000e+00 : f32
    %max3A_628 = vector.broadcast %max3A_627 : f32 to vector<512x512xf32>
    %max3A_629 = arith.maximumf %sub3A_626, %max3A_628 : vector<512x512xf32>
    %sub3A_630 = arith.subf %min3A_625, %max3A_620 : vector<512x512xf32>
    %max3A_631 = arith.constant 0.000000e+00 : f32
    %max3A_632 = vector.broadcast %max3A_631 : f32 to vector<512x512xf32>
    %max3A_633 = arith.maximumf %sub3A_630, %max3A_632 : vector<512x512xf32>
    %mul3A_634 = arith.mulf %max3A_629, %max3A_633 : vector<512x512xf32>
    %slice3A_635 = vector.extract_strided_slice %mul3A_55 {offsets = [3584, 0], sizes = [512, 1], strides = [1, 1]} : vector<4096x1xf32> to vector<512x1xf32>
    %slice3A_636 = vector.extract_strided_slice %mul3A_52 {offsets = [0, 3584], sizes = [1, 512], strides = [1, 1]} : vector<1x4096xf32> to vector<1x512xf32>
    %add3A_637 = vector.broadcast %slice3A_635 : vector<512x1xf32> to vector<512x512xf32>
    %add3A_638 = vector.broadcast %slice3A_636 : vector<1x512xf32> to vector<512x512xf32>
    %add3A_639 = arith.addf %add3A_637, %add3A_638 : vector<512x512xf32>
    %sub3A_640 = arith.subf %add3A_639, %mul3A_634 : vector<512x512xf32>
    %add3A_641 = arith.constant 9.99999971E-10 : f32
    %add3A_642 = vector.broadcast %add3A_641 : f32 to vector<512x512xf32>
    %add3A_643 = arith.addf %sub3A_640, %add3A_642 : vector<512x512xf32>
    %add3A_644 = arith.addf %mul3A_634, %mul3A_634 : vector<512x512xf32>
    %gt3A_645 = arith.cmpf ogt, %add3A_644, %add3A_643 : vector<512x512xf32>
    %and3A_646 = arith.andi %gt3A_645, %lt3A : vector<512x512xi1>
    %convert_element_type3A_647 = arith.extui %and3A_646 : vector<512x512xi1> to vector<512x512xi32>
    %convert_element_type3A_648 = arith.sitofp %convert_element_type3A_647 : vector<512x512xi32> to vector<512x512xf32>
    %convert_element_type3A_649 = arith.truncf %convert_element_type3A_648 : vector<512x512xf32> to vector<512x512xbf16>
    %slice3A_650 = vector.extract_strided_slice %gt3A_62 {offsets = [0, 3584], sizes = [1, 512], strides = [1, 1]} : vector<1x4096xi1> to vector<1x512xi1>
    %slice3A_651 = vector.extract_strided_slice %concatenate3A_605 {offsets = [0, 3584], sizes = [1, 512], strides = [1, 1]} : vector<1x4096xi1> to vector<1x512xi1>
    %not3A_652 = arith.constant dense<true> : vector<1x512xi1>
    %not3A_653 = arith.xori %slice3A_651, %not3A_652 : vector<1x512xi1>
    %and3A_654 = arith.andi %slice3A_650, %not3A_653 : vector<1x512xi1>
    %convert_element_type3A_655 = arith.extui %and3A_654 : vector<1x512xi1> to vector<1x512xi32>
    %convert_element_type3A_656 = arith.sitofp %convert_element_type3A_655 : vector<1x512xi32> to vector<1x512xf32>
    %while3A_657 = arith.constant true
    %while3A_658:2 = scf.while (%while3A_714 = %convert_element_type3A_656, %while3A_715 = %while3A_657) : (vector<1x512xf32>, i1) -> (vector<1x512xf32>, i1) {
      scf.condition(%while3A_715) %while3A_714, %while3A_715 : vector<1x512xf32>, i1
    } do {
    ^bb0(%while3A_714: vector<1x512xf32>, %while3A_715: i1):
      %convert_element_type3A_716 = arith.truncf %while3A_714 : vector<1x512xf32> to vector<1x512xbf16>
      %dot_general3A_717 = arith.constant dense<0.000000e+00> : vector<1x512xf32>
      %dot_general3A_718 = tpu.matmul %convert_element_type3A_716, %convert_element_type3A_649, %dot_general3A_717 {dimension_numbers = #tpu.dot_dimension_numbers<[1], [0], [0], [1], [0, 0, 1, 1], [], []>, transpose_lhs_hint = false} : vector<1x512xbf16>, vector<512x512xbf16>, vector<1x512xf32> -> vector<1x512xf32>
      %eq3A_719 = arith.constant 0.000000e+00 : f32
      %eq3A_720 = vector.broadcast %eq3A_719 : f32 to vector<1x512xf32>
      %eq3A_721 = arith.cmpf oeq, %dot_general3A_718, %eq3A_720 : vector<1x512xf32>
      %jit3A = arith.constant 0.000000e+00 : f32
      %broadcast_in_dim3A_722 = vector.broadcast %jit3A : f32 to vector<1x512xf32>
      %select_n3A = arith.select %eq3A_721, %convert_element_type3A_656, %broadcast_in_dim3A_722 : vector<1x512xi1>, vector<1x512xf32>
      %ne3A = arith.cmpf one, %select_n3A, %while3A_714 : vector<1x512xf32>
      %reduce_or3A = arith.constant 1.000000e+00 : f32
      %reduce_or3A_723 = arith.constant 0.000000e+00 : f32
      %reduce_or3A_724 = vector.broadcast %reduce_or3A : f32 to vector<1x512xf32>
      %reduce_or3A_725 = vector.broadcast %reduce_or3A_723 : f32 to vector<1x512xf32>
      %reduce_or3A_726 = arith.select %ne3A, %reduce_or3A_724, %reduce_or3A_725 : vector<1x512xi1>, vector<1x512xf32>
      %reduce_or3A_727 = vector.shape_cast %reduce_or3A_726 : vector<1x512xf32> to vector<1x1x512xf32>
      %reduce_or3A_728 = arith.constant dense<0xFF800000> : vector<1xf32>
      %reduce_or3A_729 = vector.multi_reduction <maximumf>, %reduce_or3A_727, %reduce_or3A_728 [1, 2] : vector<1x1x512xf32> to vector<1xf32>
      %reduce_or3A_730 = vector.shape_cast %reduce_or3A_729 : vector<1xf32> to vector<1x1x1xf32>
      %reduce_or3A_731 = vector.extract %reduce_or3A_730[0, 0, 0] : f32 from vector<1x1x1xf32>
      %reduce_or3A_732 = arith.constant 0.000000e+00 : f32
      %reduce_or3A_733 = arith.cmpf ogt, %reduce_or3A_731, %reduce_or3A_732 : f32
      scf.yield %select_n3A, %reduce_or3A_733 : vector<1x512xf32>, i1
    }
    %convert_element_type3A_659 = arith.truncf %while3A_658#0 : vector<1x512xf32> to vector<1x512xbf16>
    %dot_general3A_660 = arith.constant dense<0.000000e+00> : vector<1x512xf32>
    %dot_general3A_661 = tpu.matmul %convert_element_type3A_659, %convert_element_type3A_60, %dot_general3A_660 {dimension_numbers = #tpu.dot_dimension_numbers<[1], [0], [0], [1], [0, 0, 1, 1], [], []>, transpose_lhs_hint = false} : vector<1x512xbf16>, vector<512x512xbf16>, vector<1x512xf32> -> vector<1x512xf32>
    %add3A_662 = vector.broadcast %add3A_591 : f32 to vector<1x512xf32>
    %add3A_663 = arith.addf %add3A_662, %dot_general3A_661 : vector<1x512xf32>
    %concatenate3A_664 = tpu.concatenate %while3A_108#0, %while3A_185#0, %while3A_264#0, %while3A_343#0, %while3A_422#0, %while3A_501#0, %while3A_580#0, %while3A_658#0 in 1 : vector<1x512xf32>, vector<1x512xf32>, vector<1x512xf32>, vector<1x512xf32>, vector<1x512xf32>, vector<1x512xf32>, vector<1x512xf32>, vector<1x512xf32> -> vector<1x4096xf32>
    %concatenate3A_665 = tpu.concatenate %add3A_113, %add3A_190, %add3A_269, %add3A_348, %add3A_427, %add3A_506, %add3A_585, %add3A_663 in 1 : vector<1x512xf32>, vector<1x512xf32>, vector<1x512xf32>, vector<1x512xf32>, vector<1x512xf32>, vector<1x512xf32>, vector<1x512xf32>, vector<1x512xf32> -> vector<1x4096xf32>
    %iota3A_666 = tpu.iota {dimensions = array<i32: 0>} : vector<128x4096xi32>
    %add3A_667 = arith.constant 1 : i32
    %add3A_668 = vector.broadcast %add3A_667 : i32 to vector<128x4096xi32>
    %add3A_669 = arith.addi %iota3A_666, %add3A_668 : vector<128x4096xi32>
    %convert_element_type3A_670 = arith.fptosi %concatenate3A_665 : vector<1x4096xf32> to vector<1x4096xi32>
    %eq3A = vector.broadcast %convert_element_type3A_670 : vector<1x4096xi32> to vector<128x4096xi32>
    %eq3A_671 = arith.cmpi eq, %add3A_669, %eq3A : vector<128x4096xi32>
    %gt3A_672 = arith.constant 0.000000e+00 : f32
    %gt3A_673 = vector.broadcast %gt3A_672 : f32 to vector<1x4096xf32>
    %gt3A_674 = arith.cmpf ogt, %concatenate3A_664, %gt3A_673 : vector<1x4096xf32>
    %and3A_675 = vector.broadcast %gt3A_674 : vector<1x4096xi1> to vector<128x4096xi1>
    %and3A_676 = arith.andi %eq3A_671, %and3A_675 : vector<128x4096xi1>
    %convert_element_type3A_677 = arith.extui %and3A_676 : vector<128x4096xi1> to vector<128x4096xi32>
    %convert_element_type3A_678 = arith.sitofp %convert_element_type3A_677 : vector<128x4096xi32> to vector<128x4096xf32>
    %mul3A_679 = vector.broadcast %get3A_1 : vector<1x4096xf32> to vector<128x4096xf32>
    %mul3A_680 = arith.mulf %convert_element_type3A_678, %mul3A_679 : vector<128x4096xf32>
    %reduce_sum3A_681 = arith.constant dense<0.000000e+00> : vector<128xf32>
    %reduce_sum3A_682 = vector.multi_reduction <add>, %mul3A_680, %reduce_sum3A_681 [1] : vector<128x4096xf32> to vector<128xf32>
    %broadcast_in_dim3A_683 = vector.shape_cast %reduce_sum3A_682 : vector<128xf32> to vector<128x1xf32>
    %mul3A_684 = vector.broadcast %get3A_4 : vector<1x4096xf32> to vector<128x4096xf32>
    %mul3A_685 = arith.mulf %convert_element_type3A_678, %mul3A_684 : vector<128x4096xf32>
    %reduce_sum3A_686 = arith.constant dense<0.000000e+00> : vector<128xf32>
    %reduce_sum3A_687 = vector.multi_reduction <add>, %mul3A_685, %reduce_sum3A_686 [1] : vector<128x4096xf32> to vector<128xf32>
    %broadcast_in_dim3A_688 = vector.shape_cast %reduce_sum3A_687 : vector<128xf32> to vector<128x1xf32>
    %mul3A_689 = vector.broadcast %get3A_7 : vector<1x4096xf32> to vector<128x4096xf32>
    %mul3A_690 = arith.mulf %convert_element_type3A_678, %mul3A_689 : vector<128x4096xf32>
    %reduce_sum3A_691 = arith.constant dense<0.000000e+00> : vector<128xf32>
    %reduce_sum3A_692 = vector.multi_reduction <add>, %mul3A_690, %reduce_sum3A_691 [1] : vector<128x4096xf32> to vector<128xf32>
    %broadcast_in_dim3A_693 = vector.shape_cast %reduce_sum3A_692 : vector<128xf32> to vector<128x1xf32>
    %mul3A_694 = vector.broadcast %get3A_10 : vector<1x4096xf32> to vector<128x4096xf32>
    %mul3A_695 = arith.mulf %convert_element_type3A_678, %mul3A_694 : vector<128x4096xf32>
    %reduce_sum3A_696 = arith.constant dense<0.000000e+00> : vector<128xf32>
    %reduce_sum3A_697 = vector.multi_reduction <add>, %mul3A_695, %reduce_sum3A_696 [1] : vector<128x4096xf32> to vector<128xf32>
    %broadcast_in_dim3A_698 = vector.shape_cast %reduce_sum3A_697 : vector<128xf32> to vector<128x1xf32>
    %mul3A_699 = vector.broadcast %get3A_16 : vector<1x4096xf32> to vector<128x4096xf32>
    %mul3A_700 = arith.mulf %convert_element_type3A_678, %mul3A_699 : vector<128x4096xf32>
    %reduce_sum3A_701 = arith.constant dense<0.000000e+00> : vector<128xf32>
    %reduce_sum3A_702 = vector.multi_reduction <add>, %mul3A_700, %reduce_sum3A_701 [1] : vector<128x4096xf32> to vector<128xf32>
    %broadcast_in_dim3A_703 = vector.shape_cast %reduce_sum3A_702 : vector<128xf32> to vector<128x1xf32>
    %mul3A_704 = vector.broadcast %get3A_13 : vector<1x4096xf32> to vector<128x4096xf32>
    %mul3A_705 = arith.mulf %convert_element_type3A_678, %mul3A_704 : vector<128x4096xf32>
    %reduce_sum3A_706 = arith.constant dense<0.000000e+00> : vector<128xf32>
    %reduce_sum3A_707 = vector.multi_reduction <add>, %mul3A_705, %reduce_sum3A_706 [1] : vector<128x4096xf32> to vector<128xf32>
    %broadcast_in_dim3A_708 = vector.shape_cast %reduce_sum3A_707 : vector<128xf32> to vector<128x1xf32>
    %broadcast_in_dim3A_709 = arith.constant 0.000000e+00 : f32
    %broadcast_in_dim3A_710 = vector.broadcast %broadcast_in_dim3A_709 : f32 to vector<128x2xf32>
    %concatenate3A_711 = tpu.concatenate %broadcast_in_dim3A_683, %broadcast_in_dim3A_688, %broadcast_in_dim3A_693, %broadcast_in_dim3A_698, %broadcast_in_dim3A_703, %broadcast_in_dim3A_708, %broadcast_in_dim3A_710 in 1 : vector<128x1xf32>, vector<128x1xf32>, vector<128x1xf32>, vector<128x1xf32>, vector<128x1xf32>, vector<128x1xf32>, vector<128x2xf32> -> vector<128x8xf32>
    %swap3A = arith.constant 0 : index
    %swap3A_712 = arith.constant 0 : index
    %swap3A_713 = vector.load %arg11[%swap3A, %swap3A_712] : memref<128x8xf32, #tpu.memory_space<vmem>>, vector<128x8xf32>
    tpu.vector_store %arg11[%swap3A, %swap3A_712], %concatenate3A_711 {strides = array<i32>} : memref<128x8xf32, #tpu.memory_space<vmem>>, vector<128x8xf32>,
    return
  }
}

</mosaic_0001>

<sc_bundles>
// kernel: kernel.6.cloned.1.call-start
scs
__scs_entry_jumppad:
0x0: {  	(pc) =	sbr.rel $0x88, $3  }
0x1: {  	(tag) =	ssettag $0x0;
	lr =	simm.s32 $0x1  }
0x2: {  	[smem:$0x3F9E] =	sst lr;
	_ =	strace $0xD0000000  }
0x3: {  	_ = 	snop  }
0x4: {  	_ = 	snop  }
0x5: {  	_ = 	snop  }
0x6: {  	_ = 	snop  }
0x7: {  	_ = 	snop  }
__scs_overlays_trampoline_lowered:
0x8: {  	[smem:$0x3FAD] =	sst s0  }
0x9: {  	[smem:$0x3FAE] =	sst s1  }
0xa: {  	[smem:$0x3FAF] =	sst s2  }
0xb: {  	[smem:$0x3FB0] =	sst s3  }
0xc: {  	[smem:$0x3FB1] =	sst s4  }
0xd: {  	[smem:$0x3FB2] =	sst s5  }
0xe: {  	[smem:$0x3FB3] =	sst s6  }
0xf: {  	[smem:$0x3FB4] =	sst s7  }
0x10: {  	[smem:$0x3FB5] =	sst s8  }
0x11: {  	[smem:$0x3FB6] =	sst s9;
	s0 =	simm.s32 @!p0 $0x0  }
0x12: {  	s1 =	sld [smem:$0x3F9C];
	s0 =	simm.s32 @p0 $0x1  }
0x13: {  	[smem:$0x3FB7] =	sst s0;
	s0 =	simm.s32 @!p1 $0x0  }
0x14: {  	s2 =	sld [smem:$0x3F9B];
	s0 =	simm.s32 @p1 $0x1  }
0x15: {  	[smem:$0x3FB8] =	sst s0;
	s0 =	simm.s32 @!p2 $0x0  }
0x16: {  	s3 =	sld [smem:$0x3FDB];
	s0 =	simm.s32 @p2 $0x1  }
0x17: {  	s4 =	simm.s32 $0x1BF5;
	[smem:$0x3FBA] =	sst s0  }
0x18: {  	s0 =	sld [smem:$0x3F9D];
	_ =	swait.ge [sflag:s4], $0x0  }
0x19: {  	s7 =	sld [smem:$0x3F9E]  }
0x1a: {  	s8 =	sadd.s32 $0xFFFFE003, lr  }
0x1b: {  	s9 =	sadd.s32 $0xFFFFFEF7, lr;
	s5 =	simm.s32 $0xFFFFFFFF;
	p2 =	slt.u32 s8, $0xFFFFF086  }
0x1c: {  	p1 =	slt.u32 s9, $0xF7A;
	s5 =	simm.s32 @!p2 $0x0  }
0x1d: {  	s5 =	simm.s32 @p1 $0x1;
	p0 =	seq.s32 s7, s2  }
0x1e: {  	s7 =	smul.u32 @!p0 $0xF7A, s2;
	p2 =	seq.s32 @!p0 s5, $0x0  }
0x1f: {  	s9 =	smul.u32 $0xF7A, s1;
	s8 =	simm.s32 @!p0 $0x1BF5;
	p2 =	por !p2, p0  }
0x20: {  	[sflag:s8] =	ssyncset.s32 @!p0 $0xFFFFF086;
	s6 =	sadd.s32 @!p0 s3, s7;
	s7 =	simm.s32 @!p0 $0x108  }
0x21: {  	s3 =	sadd.s32 s3, s9;
	s6 =	sadd.s32 @!p0 $0x88, s6;
	s7 =	simm.s32 @p2 $0x1082  }
0x22: {  	[simem:s7], [sflag:s8] =	dma.local @!p0 [hbm:s6], $0xF7A  }
0x23: {  	s9 =	sor.u32 $0xD0000000, s2;
	s6 =	simm.s32 $0x108;
	_ =	swait.ge @!p0 [sflag:s8], $0x0  }
0x24: {  	s3 =	sadd.s32 $0x88, s3;
	s6 =	simm.s32 @!p1 $0x1082;
	[sflag:s4] =	ssyncset.s32 $0xFFFFF086  }
0x25: {  	[simem:s6], [sflag:s4] =	dma.local [hbm:s3], $0xF7A  }
0x26: {  	[smem:$0x3F9E] =	sst s1;
	(tag) =	ssettag s2;
	_ =	strace s9  }
0x27: {  	s1 =	sld [smem:$0x3FAE]  }
0x28: {  	s2 =	sld [smem:$0x3FAF]  }
0x29: {  	s4 =	sld [smem:$0x3FB1]  }
0x2a: {  	p0 =	seq.s32 s5, $0x0;
	s5 =	sld [smem:$0x3FB2]  }
0x2b: {  	s6 =	sld [smem:$0x3FB3]  }
0x2c: {  	s7 =	sld [smem:$0x3FB4]  }
0x2d: {  	s3 =	simm.s32 $0x108;
	s8 =	sld [smem:$0x3FB5]  }
0x2e: {  	s3 =	simm.s32 @!p0 $0x1082;
	s9 =	sld [smem:$0x3FB6]  }
0x2f: {  	lr =	sadd.s32 s0, s3;
	s0 =	sld [smem:$0x3FAD]  }
0x30: {  	s3 =	sld [smem:$0x3FB0]  }
0x31: {  	[smem:$0x3FB9] =	sst s10  }
0x32: {  	s10 =	sld [smem:$0x3FB7];
	_ =	sdelay $0x3  }
0x33: {  	p0 =	seq.s32 s10, $0x1;
	s10 =	sld [smem:$0x3FB9];
	_ =	sdelay $0x3  }
0x34: {  	[smem:$0x3FB9] =	sst s10  }
0x35: {  	s10 =	sld [smem:$0x3FB8];
	_ =	sdelay $0x3  }
0x36: {  	p1 =	seq.s32 s10, $0x1;
	s10 =	sld [smem:$0x3FB9];
	_ =	sdelay $0x3  }
0x37: {  	[smem:$0x3FB9] =	sst s10  }
0x38: {  	s10 =	sld [smem:$0x3FBA]  }
0x39: {  	_ = 	snop;
	(pc) =	sbr.ind lr, $3  }
0x3a: {  	_ = 	snop  }
0x3b: {  	_ = 	snop  }
0x3c: {  	p2 =	seq.s32 s10, $0x1;
	s10 =	sld [smem:$0x3FB9]  }
0x3d: {  	_ =	shalt  }
0x3e: {  	_ =	shalt  }
0x3f: {  	_ =	shalt  }
0x40: {  	_ =	shalt  }
0x41: {  	_ =	shalt  }
0x42: {  	_ =	shalt  }
0x43: {  	_ =	shalt  }
0x44: {  	_ =	shalt  }
0x45: {  	_ =	shalt  }
0x46: {  	_ =	shalt  }
0x47: {  	_ =	shalt  }
0x48: {  	_ =	shalt  }
0x49: {  	_ =	shalt  }
0x4a: {  	_ =	shalt  }
0x4b: {  	_ =	shalt  }
0x4c: {  	_ =	shalt  }
0x4d: {  	_ =	shalt  }
0x4e: {  	_ =	shalt  }
0x4f: {  	_ =	shalt  }
0x50: {  	_ =	shalt  }
0x51: {  	_ =	shalt  }
0x52: {  	_ =	shalt  }
0x53: {  	_ =	shalt  }
0x54: {  	_ =	shalt  }
0x55: {  	_ =	shalt  }
0x56: {  	_ =	shalt  }
0x57: {  	_ =	shalt  }
0x58: {  	_ =	shalt  }
0x59: {  	_ =	shalt  }
0x5a: {  	_ =	shalt  }
0x5b: {  	_ =	shalt  }
0x5c: {  	_ =	shalt  }
0x5d: {  	_ =	shalt  }
0x5e: {  	_ =	shalt  }
0x5f: {  	_ =	shalt  }
0x60: {  	_ =	shalt  }
0x61: {  	_ =	shalt  }
0x62: {  	_ =	shalt  }
0x63: {  	_ =	shalt  }
0x64: {  	_ =	shalt  }
0x65: {  	_ =	shalt  }
0x66: {  	_ =	shalt  }
0x67: {  	_ =	shalt  }
0x68: {  	_ =	shalt  }
0x69: {  	_ =	shalt  }
0x6a: {  	_ =	shalt  }
0x6b: {  	_ =	shalt  }
0x6c: {  	_ =	shalt  }
0x6d: {  	_ =	shalt  }
0x6e: {  	_ =	shalt  }
0x6f: {  	_ =	shalt  }
0x70: {  	_ =	shalt  }
0x71: {  	_ =	shalt  }
0x72: {  	_ =	shalt  }
0x73: {  	_ =	shalt  }
0x74: {  	_ =	shalt  }
0x75: {  	_ =	shalt  }
0x76: {  	_ =	shalt  }
0x77: {  	_ =	shalt  }
0x78: {  	_ =	shalt  }
0x79: {  	_ =	shalt  }
0x7a: {  	_ =	shalt  }
0x7b: {  	_ =	shalt  }
0x7c: {  	_ =	shalt  }
0x7d: {  	_ =	shalt  }
0x7e: {  	_ =	shalt  }
0x7f: {  	_ =	shalt  }
0x80: {  	_ =	shalt  }
0x81: {  	_ =	shalt  }
0x82: {  	_ =	shalt  }
0x83: {  	_ =	shalt  }
0x84: {  	_ =	shalt  }
0x85: {  	_ =	shalt  }
0x86: {  	_ =	shalt  }
0x87: {  	_ =	shalt  }
.Lfunc_end0:
.L_simem_size_0:
called_computation_lowered:
.L_overlay_start_0:
0x88: {  	s2 =	sld [smem:$0x3FD9]  }
0x89: {  	s3 =	sld [smem:$0x3FFE];
	_ =	sdelay $0x1  }
0x8a: {  	s1 =	srdreg.scid  }
0x8b: {  	s0 =	sand.u32 $0x1, s1  }
0x8c: {  	s16 =	sshll.u32 s0, $0xA;
	s2 =	sadd.s32 s3, s2  }
0x8d: {  	s2 =	sadd.s32 s2, s16  }
0x8e: {  	[smem:$0x3FC5] =	sst s2  }
0x8f: {  	_ = 	snop  }
0x90: {  	(tm) =	ssettm $0x1  }
0x91: {  	s17 =	sld [smem:$0x3FFB];
	_ =	sdelay $0x3  }
0x92: {  	_ =	strace s17  }
0x93: {  	s2 =	sld [smem:$0x3FFC];
	_ =	sdelay $0x3  }
0x94: {  	_ =	strace s2  }
0x95: {  	s2 =	sld [smem:$0x3FFD];
	_ =	sdelay $0x3  }
0x96: {  	_ =	strace s2  }
0x97: {  	_ =	strace $0x8FFFFFFF  }
0x98: {  	s18 =	sld [smem:$0x3FDB];
	_ =	sdelay $0x1  }
0x99: {  	s19 =	simm.s32 $_scs_section_size  }
0x9a: {  	s4 =	simm.s32 $_size__tile_overlayer_lowered;
	s5 =	simm.s32 $_tile_overlayer_lowered  }
0x9b: {  	s22 =	simm.s32 $0x1BFF;
	s21 =	sshll.u32 s5, $0x1;
	s2 =	sadd.s32 s19, s18  }
0x9c: {  	s6 =	simm.s32 $0x0;
	s20 =	sshll.u32 s4, $0x1;
	s4 =	sadd.s32 s21, s2  }
0x9d: {  	[timem:s6], [sflag:s22] =	dma.local [hbm:s4], s20  }
0x9e: {  	_ =	swait.ge [sflag:s22], s20  }
0x9f: {  	s3 =	ssub.s32 $0x0, s20;
	[sflag:s22] =	ssyncset.done $0x0  }
0xa0: {  	[sflag:s22] =	ssyncadd.s32 s3;
	_ =	sdelay $0x1  }
0xa1: {  	s23 =	simm.s32 $0x1B8B  }
0xa2: {  	_ =	swait.ge [sflag:s23], $0x1  }
0xa3: {  	[sflag:s23] =	ssyncset.done $0x0  }
0xa4: {  	s25 =	simm.s32 $0x1B8E;
	s24 =	sld [smem:$0x3FFE];
	[sflag:s23] =	ssyncadd.s32 $0xFFFFFFFF  }
0xa5: {  	s26 =	simm.s32 $execute0_lowered;
	[smem:$0x3FD2] =	sst s25  }
0xa6: {  	s4 =	sshll.u32 s26, $0x1;
	_ =	strace $0x80000046;
	[dreg:$0x1] =	wrdreg $0xFFFFFFFF  }
0xa7: {  	s28 =	simm.s32 $_size_execute0_lowered;
	s2 =	sadd.s32 s2, s4;
	[dreg:$0x0] =	wrdreg $0x0  }
0xa8: {  	s4 =	sshll.u32 s28, $0x1;
	[dreg:$0x2] =	wrdreg s2  }
0xa9: {  	[dreg:$0x3] =	wrdreg s4  }
0xaa: {  	[dreg:$0x4] =	wrdreg $0xC0  }
0xab: {  	_ =	task [dreg:s6], $0x5FFFF  }
0xac: {  	[dreg:$0x1] =	wrdreg $0xFFFFFFFF  }
0xad: {  	[dreg:$0x0] =	wrdreg $0x60  }
0xae: {  	[dreg:$0x2] =	wrdreg s24  }
0xaf: {  	[dreg:$0x3] =	wrdreg $0x9  }
0xb0: {  	_ =	task.clear_ibuf [dreg:s6], $0x4FFFF;
	_ =	strace $0x90000046  }
0xb1: {  	s29 =	simm.s32 $0x9;
	_ =	strace $0x80000048  }
0xb2: {  	_ =	swait.ge [sflag:s29], $0x1  }
0xb3: {  	[sflag:s29] =	ssyncadd.s32 $0xFFFFFFFF  }
0xb4: {  	_ =	strace $0x90000048  }
0xb5: {  	_ =	sfence  }
0xb6: {  	s30 =	sld [smem:$0x0];
	_ =	sdelay $0x2  }
0xb7: {  	s31 =	sshll.u32 s1, $0xD;
	s1 =	sshrl.u32 s1, $0x2  }
0xb8: {  	s3 =	sand.u32 $0x4000, s31;
	s1 =	sadd.s32 s1, s30  }
0xb9: {  	s0 =	sor.u32 s3, s0;
	s1 =	sshll.u32 s1, $0x11  }
0xba: {  	s0 =	sor.u32 s1, s0  }
0xbb: {  	s0 =	sadd.s32 $0x8F2B, s0  }
0xbc: {  	[sflag:s0] =	ssyncadd.remote.s32 $0x1  }
0xbd: {  	_ =	sfence.sel $0xFFFF  }
0xbe: {  	[dreg:$0x0] =	wrdreg $0xFFFFFFFF;
	(pc) =	sbr.abs _section_cstart, $3  }
0xbf: {  	[dreg:$0x1] =	wrdreg $0xFFFFFFFF  }
0xc0: {  	_ =	task.clear_ibuf [dreg:s6], $0x2FFFF;
	_ =	strace $0x9FFFFFFF  }
0xc1: {  	(tm) =	ssettm $0x7FFFFFFF  }
tec
execute0_lowered:
.L_overlay_start_1:
0x0: {  	(tag) =	ssettag $0x1  }
0x1: {  	s7 =	rddreg [dreg:$0x0]  }
0x2: {  	s0 =	rddreg [dreg:$0x1]  }
0x3: {  	s2 =	simm.s32 $0x0;
	s3 =	srdreg.scid;
	s1 =	stileid.u32  }
0x4: {  	s14 =	simm.s32 $0x2;
	s15 =	simm.s32 $0x80;
	s16 =	simm.s32 $0x100  }
0x5: {  	s17 =	simm.s32 $0x1;
	s18 =	simm.s32 $0x300;
	s19 =	simm.s32 $0x180  }
0x6: {  	s20 =	simm.s32 $0x380;
	s21 =	simm.s32 $0x200;
	s22 =	simm.s32 $0x400  }
0x7: {  	s23 =	simm.s32 $0x280;
	s24 =	simm.s32 $0x480;
	s25 =	simm.s32 $0x500  }
0x8: {  	s26 =	simm.s32 $0x580;
	s28 =	simm.s32 $0x600;
	s29 =	simm.s32 $0x680  }
0x9: {  	[smem:$0x7FF] =	sst s2;
	s8 =	sand.u32 $0x1, s3;
	s3 =	sadd.s32 $0x142C00, s7  }
0xa: {  	s6 =	sshll.u32 s1, $0x5;
	s4 =	sadd.s32 $0x143200, s7;
	s9 =	sshll.u32 s8, $0x4  }
0xb: {  	s5 =	sadd.s32 $0x1DE400, s7;
	_ =	strace $0x80000047;
	s9 =	sor.u32 s9, s6  }
0xc: {  	s31 =	ssub.s32 $0x2, s8;
	s6 =	sadd.s32 $0x140200, s7;
	s12 =	sadd.s32 s9, s7  }
0xd: {  	s10 =	sshrl.u32 s31, $0x1;
	s7 =	sadd.s32 $0x142A00, s12;
	s8 =	sadd.s32 $0x148200, s12  }
0xe: {  	s13 =	ssub.s32 s31, s10;
	s9 =	sadd.s32 $0x148400, s12;
	s10 =	sadd.s32 $0x148600, s12  }
0xf: {  	s11 =	sadd.s32 $0x148800, s12;
	s12 =	sadd.s32 $0x148A00, s12;
	s13 =	smax.u32 s13, $0x1  }
.LBB2_1:
0x10: {  	[tilespmem:s2], [sflag:$0x2] =	stream.linear.gather [hbm4b:s7+s2], $0x80, $0x38;
	[tilespmem:$0x700] =	vst v63  }
0x11: {  	_ =	swait.ge [sflag:s14], $0x80  }
0x12: {  	[sflag:s14] =	ssyncset.done $0x0  }
0x13: {  	[sflag:s14] =	ssyncadd.s32 $0xFFFFFF80  }
0x14: {  	[tilespmem:s16], [sflag:$0x1] =	stream.indirect.gather [hbm4b:s3+s15], $0x1, s2, s15, $0xb8;
	[tilespmem:$0x700] =	vst v63  }
0x15: {  	_ =	swait.ge [sflag:s17], $0x80  }
0x16: {  	[sflag:s17] =	ssyncset.done $0x0  }
0x17: {  	[sflag:s17] =	ssyncadd.s32 $0xFFFFFF80  }
0x18: {  	[tilespmem:s15], [sflag:$0x1] =	stream.indirect.gather [hbm4b:s4+s15], $0x1, s16, s15, $0xb8;
	[tilespmem:$0x700] =	vst v63  }
0x19: {  	_ =	swait.ge [sflag:s17], $0x80  }
0x1a: {  	[sflag:s17] =	ssyncset.done $0x0  }
0x1b: {  	[sflag:s17] =	ssyncadd.s32 $0xFFFFFF80  }
0x1c: {  	v0 =	vld [tilespmem:$0x80]  }
0x1d: {  	v1 =	vld [tilespmem:$0x90];
	_ =	sdelay $0x3  }
0x1e: {  	v2 =	vshrl.u32 v0, $0x9  }
0x1f: {  	v0 =	vshll.u32 v0, $0x2;
	v4 =	vshrl.u32 v1, $0x9;
	v2 =	vmul.u32 $0x180, v2  }
0x20: {  	v1 =	vshll.u32 v1, $0x2;
	v0 =	vand.u32 $0x7FC, v0;
	v4 =	vmul.u32 $0x180, v4  }
0x21: {  	v34 =	vld [tilespmem:$0xA0];
	v1 =	vand.u32 $0x7FC, v1;
	v0 =	vadd.s32 v0, v2  }
0x22: {  	v36 =	vadd.s32 v1, v4;
	[tilespmem:$0x100] =	vst v0  }
0x23: {  	v3 =	vor.u32 $0x1, v0;
	[tilespmem:$0x110] =	vst v36  }
0x24: {  	v35 =	vor.u32 $0x2, v0;
	[tilespmem:$0x180] =	vst v3  }
0x25: {  	v37 =	vld [tilespmem:$0xB0];
	v0 =	vor.u32 $0x3, v0;
	[tilespmem:$0x200] =	vst v35  }
0x26: {  	v39 =	vshrl.u32 v34, $0x9;
	v38 =	vor.u32 $0x1, v36;
	[tilespmem:$0x280] =	vst v0  }
0x27: {  	v4 =	vmul.u32 $0x180, v39;
	v2 =	vshll.u32 v34, $0x2;
	v40 =	vor.u32 $0x2, v36;
	[tilespmem:$0x190] =	vst v38  }
0x28: {  	v2 =	vand.u32 $0x7FC, v2;
	[tilespmem:$0x210] =	vst v40;
	v0 =	vor.u32 $0x3, v36  }
0x29: {  	v42 =	vld [tilespmem:$0xC0];
	v41 =	vadd.s32 v2, v4;
	[tilespmem:$0x290] =	vst v0  }
0x2a: {  	v44 =	vshrl.u32 v37, $0x9;
	[tilespmem:$0x120] =	vst v41;
	v43 =	vor.u32 $0x1, v41  }
0x2b: {  	v1 =	vshll.u32 v37, $0x2;
	v4 =	vmul.u32 $0x180, v44;
	v45 =	vor.u32 $0x2, v41;
	[tilespmem:$0x1A0] =	vst v43  }
0x2c: {  	v1 =	vand.u32 $0x7FC, v1;
	v0 =	vor.u32 $0x3, v41;
	[tilespmem:$0x220] =	vst v45  }
0x2d: {  	v47 =	vld [tilespmem:$0xD0];
	[tilespmem:$0x2A0] =	vst v0;
	v46 =	vadd.s32 v1, v4  }
0x2e: {  	v49 =	vshrl.u32 v42, $0x9;
	[tilespmem:$0x130] =	vst v46;
	v48 =	vor.u32 $0x1, v46  }
0x2f: {  	v2 =	vshll.u32 v42, $0x2;
	v4 =	vmul.u32 $0x180, v49;
	v50 =	vor.u32 $0x2, v46;
	[tilespmem:$0x1B0] =	vst v48  }
0x30: {  	v57 =	vld [tilespmem:$0xF0];
	v2 =	vand.u32 $0x7FC, v2;
	v0 =	vor.u32 $0x3, v46;
	[tilespmem:$0x230] =	vst v50  }
0x31: {  	v52 =	vld [tilespmem:$0xE0];
	[tilespmem:$0x2B0] =	vst v0;
	v51 =	vadd.s32 v2, v4  }
0x32: {  	v54 =	vshrl.u32 v47, $0x9;
	[tilespmem:$0x140] =	vst v51;
	v53 =	vor.u32 $0x1, v51  }
0x33: {  	v1 =	vshll.u32 v47, $0x2;
	v4 =	vmul.u32 $0x180, v54;
	v55 =	vor.u32 $0x2, v51;
	[tilespmem:$0x1C0] =	vst v53  }
0x34: {  	v1 =	vand.u32 $0x7FC, v1;
	v0 =	vor.u32 $0x3, v51;
	[tilespmem:$0x240] =	vst v55  }
0x35: {  	v62 =	vshrl.u32 v57, $0x9;
	[tilespmem:$0x2C0] =	vst v0;
	v56 =	vadd.s32 v1, v4  }
0x36: {  	v59 =	vshrl.u32 v52, $0x9;
	v3 =	vmul.u32 $0x180, v62;
	[tilespmem:$0x150] =	vst v56;
	v58 =	vor.u32 $0x1, v56  }
0x37: {  	v2 =	vshll.u32 v52, $0x2;
	v4 =	vmul.u32 $0x180, v59;
	v60 =	vor.u32 $0x2, v56;
	[tilespmem:$0x1D0] =	vst v58  }
0x38: {  	v2 =	vand.u32 $0x7FC, v2;
	v1 =	vshll.u32 v57, $0x2;
	v0 =	vor.u32 $0x3, v56;
	[tilespmem:$0x250] =	vst v60  }
0x39: {  	v1 =	vand.u32 $0x7FC, v1;
	[tilespmem:$0x2D0] =	vst v0;
	v61 =	vadd.s32 v2, v4  }
0x3a: {  	v5 =	vadd.s32 v1, v3;
	[tilespmem:$0x160] =	vst v61  }
0x3b: {  	v2 =	vor.u32 $0x1, v61;
	[tilespmem:$0x170] =	vst v5  }
0x3c: {  	v63 =	vor.u32 $0x2, v61;
	[tilespmem:$0x1E0] =	vst v2  }
0x3d: {  	v0 =	vor.u32 $0x3, v61;
	[tilespmem:$0x260] =	vst v63  }
0x3e: {  	v1 =	vor.u32 $0x1, v5;
	[tilespmem:$0x2E0] =	vst v0  }
0x3f: {  	v6 =	vor.u32 $0x2, v5;
	[tilespmem:$0x1F0] =	vst v1  }
0x40: {  	[tilespmem:$0x270] =	vst v6;
	v0 =	vor.u32 $0x3, v5  }
0x41: {  	[tilespmem:$0x2F0] =	vst v0  }
0x42: {  	[tilespmem:s18], [sflag:$0x1] =	stream.indirect.gather [hbm4b:s5+s15], $0x1, s16, s15, $0xb8;
	[tilespmem:$0x700] =	vst v63  }
0x43: {  	_ = 	snop  }
0x44: {  	[tilespmem:s20], [sflag:$0x1] =	stream.indirect.gather [hbm4b:s5+s15], $0x1, s19, s15, $0xb8;
	[tilespmem:$0x700] =	vst v63  }
0x45: {  	_ = 	snop  }
0x46: {  	[tilespmem:s22], [sflag:$0x1] =	stream.indirect.gather [hbm4b:s5+s15], $0x1, s21, s15, $0xb8;
	[tilespmem:$0x700] =	vst v63  }
0x47: {  	_ = 	snop  }
0x48: {  	[tilespmem:s24], [sflag:$0x1] =	stream.indirect.gather [hbm4b:s5+s15], $0x1, s23, s15, $0xb8;
	[tilespmem:$0x700] =	vst v63  }
0x49: {  	_ =	swait.ge [sflag:s17], $0x80  }
0x4a: {  	[sflag:s17] =	ssyncset.done $0x0  }
0x4b: {  	[sflag:s17] =	ssyncadd.s32 $0xFFFFFF80  }
0x4c: {  	_ =	swait.ge [sflag:s17], $0x80  }
0x4d: {  	[sflag:s17] =	ssyncset.done $0x0  }
0x4e: {  	[sflag:s17] =	ssyncadd.s32 $0xFFFFFF80  }
0x4f: {  	_ =	swait.ge [sflag:s17], $0x80  }
0x50: {  	[sflag:s17] =	ssyncset.done $0x0  }
0x51: {  	[sflag:s17] =	ssyncadd.s32 $0xFFFFFF80  }
0x52: {  	_ =	swait.ge [sflag:s17], $0x80  }
0x53: {  	[sflag:s17] =	ssyncset.done $0x0  }
0x54: {  	[sflag:s17] =	ssyncadd.s32 $0xFFFFFF80  }
0x55: {  	v7 =	vld [tilespmem:$0x80];
	_ =	sdelay $0x1  }
0x56: {  	v8 =	vld [tilespmem:$0x90];
	_ =	sdelay $0x1  }
0x57: {  	v11 =	vld [tilespmem:$0xA0]  }
0x58: {  	v0 =	vshrl.u32 v7, $0x7  }
0x59: {  	v14 =	vld [tilespmem:$0xB0];
	v9 =	vand.u32 $0x1FFFFFC, v0  }
0x5a: {  	v1 =	vshrl.u32 v8, $0x7;
	v0 =	vor.u32 $0x3, v0;
	[tilespmem:$0x100] =	vst v9  }
0x5b: {  	v19 =	vld [tilespmem:$0xC0];
	v12 =	vand.u32 $0x1FFFFFC, v1;
	[tilespmem:$0x280] =	vst v0  }
0x5c: {  	v16 =	vshrl.u32 v11, $0x7;
	v15 =	vor.u32 $0x3, v1;
	[tilespmem:$0x110] =	vst v12  }
0x5d: {  	v24 =	vld [tilespmem:$0xD0];
	v17 =	vand.u32 $0x1FFFFFC, v16;
	[tilespmem:$0x290] =	vst v15  }
0x5e: {  	v21 =	vshrl.u32 v14, $0x7;
	v20 =	vor.u32 $0x3, v16;
	[tilespmem:$0x120] =	vst v17  }
0x5f: {  	v29 =	vld [tilespmem:$0xE0];
	v22 =	vand.u32 $0x1FFFFFC, v21;
	[tilespmem:$0x2A0] =	vst v20  }
0x60: {  	v26 =	vshrl.u32 v19, $0x7;
	v25 =	vor.u32 $0x3, v21;
	[tilespmem:$0x130] =	vst v22  }
0x61: {  	v34 =	vld [tilespmem:$0xF0];
	v27 =	vand.u32 $0x1FFFFFC, v26;
	[tilespmem:$0x2B0] =	vst v25  }
0x62: {  	v31 =	vshrl.u32 v24, $0x7;
	v30 =	vor.u32 $0x3, v26;
	[tilespmem:$0x140] =	vst v27  }
0x63: {  	v32 =	vand.u32 $0x1FFFFFC, v31;
	[tilespmem:$0x2C0] =	vst v30  }
0x64: {  	v36 =	vshrl.u32 v29, $0x7;
	v35 =	vor.u32 $0x3, v31;
	[tilespmem:$0x150] =	vst v32  }
0x65: {  	v37 =	vand.u32 $0x1FFFFFC, v36;
	[tilespmem:$0x2D0] =	vst v35  }
0x66: {  	v40 =	vshrl.u32 v34, $0x7;
	v39 =	vor.u32 $0x3, v36;
	[tilespmem:$0x160] =	vst v37  }
0x67: {  	v41 =	vand.u32 $0x1FFFFFC, v40;
	[tilespmem:$0x2E0] =	vst v39  }
0x68: {  	v43 =	vor.u32 $0x3, v40;
	[tilespmem:$0x170] =	vst v41  }
0x69: {  	v10 =	vor.u32 $0x1, v9;
	[tilespmem:$0x2F0] =	vst v43  }
0x6a: {  	v2 =	vor.u32 $0x2, v9;
	[tilespmem:$0x180] =	vst v10  }
0x6b: {  	v13 =	vor.u32 $0x1, v12;
	[tilespmem:$0x200] =	vst v2  }
0x6c: {  	v0 =	vor.u32 $0x2, v12;
	[tilespmem:$0x190] =	vst v13  }
0x6d: {  	v18 =	vor.u32 $0x1, v17;
	[tilespmem:$0x210] =	vst v0  }
0x6e: {  	v23 =	vor.u32 $0x1, v22;
	[tilespmem:$0x1A0] =	vst v18  }
0x6f: {  	v28 =	vor.u32 $0x1, v27;
	[tilespmem:$0x1B0] =	vst v23  }
0x70: {  	v33 =	vor.u32 $0x1, v32;
	[tilespmem:$0x1C0] =	vst v28  }
0x71: {  	v38 =	vor.u32 $0x1, v37;
	[tilespmem:$0x1D0] =	vst v33  }
0x72: {  	v42 =	vor.u32 $0x1, v41;
	[tilespmem:$0x1E0] =	vst v38  }
0x73: {  	v0 =	vor.u32 $0x2, v17;
	[tilespmem:$0x1F0] =	vst v42  }
0x74: {  	[tilespmem:$0x220] =	vst v0;
	v0 =	vor.u32 $0x2, v22  }
0x75: {  	[tilespmem:$0x230] =	vst v0;
	v0 =	vor.u32 $0x2, v27  }
0x76: {  	[tilespmem:$0x240] =	vst v0;
	v0 =	vor.u32 $0x2, v32  }
0x77: {  	[tilespmem:$0x250] =	vst v0;
	v0 =	vor.u32 $0x2, v37  }
0x78: {  	[tilespmem:$0x260] =	vst v0;
	v0 =	vor.u32 $0x2, v41  }
0x79: {  	[tilespmem:$0x270] =	vst v0  }
0x7a: {  	[tilespmem:s25], [sflag:$0x1] =	stream.indirect.gather [hbm4b:s6+s15], $0x1, s16, s15, $0xb8;
	[tilespmem:$0x700] =	vst v63  }
0x7b: {  	_ = 	snop  }
0x7c: {  	[tilespmem:s26], [sflag:$0x1] =	stream.indirect.gather [hbm4b:s6+s15], $0x1, s19, s15, $0xb8;
	[tilespmem:$0x700] =	vst v63  }
0x7d: {  	_ = 	snop  }
0x7e: {  	[tilespmem:s28], [sflag:$0x1] =	stream.indirect.gather [hbm4b:s6+s15], $0x1, s21, s15, $0xb8;
	[tilespmem:$0x700] =	vst v63  }
0x7f: {  	_ = 	snop  }
0x80: {  	[tilespmem:s29], [sflag:$0x1] =	stream.indirect.gather [hbm4b:s6+s15], $0x1, s23, s15, $0xb8;
	[tilespmem:$0x700] =	vst v63  }
0x81: {  	_ =	swait.ge [sflag:s17], $0x80  }
0x82: {  	[sflag:s17] =	ssyncset.done $0x0  }
0x83: {  	[sflag:s17] =	ssyncadd.s32 $0xFFFFFF80  }
0x84: {  	_ =	swait.ge [sflag:s17], $0x80  }
0x85: {  	[sflag:s17] =	ssyncset.done $0x0  }
0x86: {  	[sflag:s17] =	ssyncadd.s32 $0xFFFFFF80  }
0x87: {  	_ =	swait.ge [sflag:s17], $0x80  }
0x88: {  	[sflag:s17] =	ssyncset.done $0x0  }
0x89: {  	[sflag:s17] =	ssyncadd.s32 $0xFFFFFF80  }
0x8a: {  	_ =	swait.ge [sflag:s17], $0x80  }
0x8b: {  	[sflag:s17] =	ssyncset.done $0x0  }
0x8c: {  	[sflag:s17] =	ssyncadd.s32 $0xFFFFFF80  }
0x8d: {  	v44 =	vld [tilespmem:$0x400]  }
0x8e: {  	v45 =	vld [tilespmem:$0x480]  }
0x8f: {  	v46 =	vld [tilespmem:$0x500]  }
0x90: {  	v47 =	vld [tilespmem:$0x580]  }
0x91: {  	v48 =	vld [tilespmem:$0x600]  }
0x92: {  	v5 =	vld [tilespmem:$0x680]  }
0x93: {  	v49 =	vld [tilespmem:$0x300]  }
0x94: {  	v6 =	vld [tilespmem:$0x410]  }
0x95: {  	v7 =	vld [tilespmem:$0x490]  }
0x96: {  	v10 =	vld [tilespmem:$0x80]  }
0x97: {  	v11 =	vld [tilespmem:$0x590]  }
0x98: {  	v12 =	vld [tilespmem:$0x690]  }
0x99: {  	v13 =	vld [tilespmem:$0x310]  }
0x9a: {  	v60 =	vld [tilespmem:$0x420]  }
0x9b: {  	v20 =	vld [tilespmem:$0x90]  }
0x9c: {  	v17 =	vld [tilespmem:$0x5A0]  }
0x9d: {  	v27 =	vld [tilespmem:$0x320]  }
0x9e: {  	v18 =	vld [tilespmem:$0x430];
	v0 =	vmul.f32 $2.000000030e-01, v44;
	v1 =	vmul.f32 $2.000000030e-01, v45  }
0x9f: {  	v25 =	vld [tilespmem:$0x6A0];
	v4 =	vsub.f32 v48, v46;
	v5 =	vsub.f32 v5, v47;
	v6 =	vmul.f32 $2.000000030e-01, v6  }
0xa0: {  	v52 =	vld [tilespmem:$0x510];
	v7 =	vmul.f32 $2.000000030e-01, v7;
	v58 =	vand.u32 $0x1FF, v10;
	v12 =	vsub.f32 v12, v11  }
0xa1: {  	v13 =	vmul.f32 $1.000000010e-01, v13;
	v63 =	vmul.f32 $2.000000030e-01, v60;
	v0 =	vmin.f32 v0, $4.135166650e+00  }
0xa2: {  	v10 =	vmul.f32 $1.000000010e-01, v27;
	v1 =	vmin.f32 v1, $4.135166650e+00;
	v0 =	vmul.f32 $1.442695020e+00, v0  }
0xa3: {  	v42 =	vld [tilespmem:$0x330];
	v26 =	vand.u32 $0x1FF, v20;
	v18 =	vmul.f32 $2.000000030e-01, v18;
	v1 =	vmul.f32 $1.442695020e+00, v1  }
0xa4: {  	v54 =	vld [tilespmem:$0x610];
	v31 =	vsub.f32 v25, v17;
	v8 =	vmul.f32 $5.000000000e-01, v4;
	(erf) = vpow2.f32 v0  }
0xa5: {  	v50 =	vld [tilespmem:$0x380];
	v9 =	vmul.f32 $5.000000000e-01, v5;
	v6 =	vmin.f32 v6, $4.135166650e+00;
	(erf) = vpow2.f32 v1  }
0xa6: {  	v7 =	vmin.f32 v7, $4.135166650e+00;
	v21 =	vmul.f32 $5.000000000e-01, v12;
	v20 =	vmul.f32 $5.000000000e-01, v31  }
0xa7: {  	v57 =	vld [tilespmem:$0x390];
	v18 =	vmin.f32 v18, $4.135166650e+00;
	v6 =	vmul.f32 $1.442695020e+00, v6;
	v55 =	vmul.f32 $1.442695020e+00, v7  }
0xa8: {  	v7 =	vmin.f32 v63, $4.135166650e+00;
	v41 =	vmul.f32 $1.442695020e+00, v18;
	v18 =	vmul.f32 $1.000000010e-01, v42  }
0xa9: {  	v2 =	vadd.f32 v8, v46;
	v8 =	vsub.f32 v54, v52;
	v7 =	vmul.f32 $1.442695020e+00, v7  }
0xaa: {  	v0 =	vmul.f32 $1.000000010e-01, v49;
	v1 =	vmul.f32 $1.000000010e-01, v50  }
0xab: {  	v62 =	vmul.f32 $5.000000000e-01, v8;
	v13 =	vmul.f32 v13, v8  }
0xac: {  	v3 =	vadd.f32 v9, v47;
	v0 =	vmul.f32 v0, v4;
	v1 =	vmul.f32 v1, v5  }
0xad: {  	v61 =	vld [tilespmem:$0x4A0];
	v11 =	vadd.f32 v21, v11;
	v51 =	vpop (erf);
	(erf) = vpow2.f32 v6;
	v6 =	vmul.f32 $1.000000010e-01, v57  }
0xae: {  	v17 =	vadd.f32 v20, v17;
	v4 =	vmul.f32 v51, v4;
	v53 =	vpop (erf);
	(erf) = vpow2.f32 v55  }
0xaf: {  	v9 =	vadd.f32 v62, v52;
	v5 =	vmul.f32 v53, v5;
	v6 =	vmul.f32 v6, v12  }
0xb0: {  	v16 =	vld [tilespmem:$0x520];
	v2 =	vadd.f32 v0, v2;
	v56 =	vadd.f32 v1, v3;
	v4 =	vmul.f32 $5.000000000e-01, v4  }
0xb1: {  	v29 =	vld [tilespmem:$0x3A0];
	v9 =	vadd.f32 v13, v9;
	v5 =	vmul.f32 $5.000000000e-01, v5;
	v11 =	vadd.f32 v6, v11  }
0xb2: {  	v23 =	vld [tilespmem:$0x620];
	v59 =	vsub.f32 v2, v4;
	v2 =	vadd.f32 v4, v2;
	v4 =	vmul.f32 $2.000000030e-01, v61  }
0xb3: {  	v32 =	vld [tilespmem:$0x4B0];
	v0 =	vcvt.s32.f32 v58;
	v3 =	vsub.f32 v56, v5;
	v5 =	vadd.f32 v5, v56  }
0xb4: {  	v33 =	vld [tilespmem:$0xA0];
	v1 =	vmax.f32 v59, $0.0e+00;
	v2 =	vmax.f32 v2, $0.0e+00;
	v4 =	vmin.f32 v4, $4.135166650e+00  }
0xb5: {  	v45 =	vld [tilespmem:$0x440];
	v14 =	vmax.f32 v3, $0.0e+00;
	v3 =	vmin.f32 v1, $1.216000000e+03;
	v4 =	vmul.f32 $1.442695020e+00, v4  }
0xb6: {  	v63 =	vld [tilespmem:$0x550];
	v1 =	vmin.f32 v14, $8.000000000e+02;
	v15 =	vpop (erf);
	(erf) = vpow2.f32 v7;
	v7 =	vmul.f32 $1.000000010e-01, v29  }
0xb7: {  	v46 =	vld [tilespmem:$0x3B0];
	v14 =	vsub.f32 v23, v16;
	v8 =	vmul.f32 v15, v8;
	v22 =	vpop (erf);
	(erf) = vpow2.f32 v4  }
0xb8: {  	v52 =	vld [tilespmem:$0x5C0];
	v5 =	vmax.f32 v5, $0.0e+00;
	v15 =	vmul.f32 $2.000000030e-01, v32;
	v12 =	vmul.f32 v22, v12  }
0xb9: {  	v6 =	vmin.f32 v5, $8.000000000e+02;
	v29 =	vld [tilespmem:$0x6C0];
	v19 =	vmul.f32 $5.000000000e-01, v14;
	v10 =	vmul.f32 v10, v14  }
0xba: {  	v23 =	vand.u32 $0x1FF, v33;
	v33 =	vld [tilespmem:$0x650];
	v7 =	vmul.f32 v7, v31;
	v24 =	vmul.f32 $5.000000000e-01, v8  }
0xbb: {  	v38 =	vld [tilespmem:$0x5B0];
	v8 =	vmin.f32 v2, $1.216000000e+03;
	v2 =	vcvt.s32.f32 v26;
	v40 =	vmin.f32 v15, $4.135166650e+00  }
0xbc: {  	v57 =	vld [tilespmem:$0x340];
	v15 =	vmul.f32 $2.000000030e-01, v45;
	v12 =	vmul.f32 $5.000000000e-01, v12;
	v16 =	vadd.f32 v19, v16  }
0xbd: {  	v22 =	vld [tilespmem:$0x6B0];
	v17 =	vadd.f32 v7, v17;
	v43 =	vmul.f32 $1.442695020e+00, v40;
	v28 =	vsub.f32 v9, v24  }
0xbe: {  	v7 =	vcvt.s32.f32 v23;
	v9 =	vadd.f32 v24, v9;
	v62 =	vsub.f32 v29, v52  }
0xbf: {  	v26 =	vld [tilespmem:$0x4C0];
	v23 =	vmul.f32 $1.000000010e-01, v46;
	v45 =	vsub.f32 v33, v63;
	v30 =	vsub.f32 v11, v12  }
0xc0: {  	v15 =	vmin.f32 v15, $4.135166650e+00;
	v11 =	vadd.f32 v12, v11;
	v16 =	vadd.f32 v10, v16  }
0xc1: {  	v35 =	vld [tilespmem:$0x530];
	v15 =	vmul.f32 $1.442695020e+00, v15;
	v4 =	vmax.f32 v28, $0.0e+00;
	v9 =	vmax.f32 v9, $0.0e+00  }
0xc2: {  	v39 =	vld [tilespmem:$0x630];
	v49 =	vsub.f32 v22, v38;
	v22 =	vmul.f32 $1.000000010e-01, v57;
	v32 =	vmul.f32 $5.000000000e-01, v62  }
0xc3: {  	v59 =	vld [tilespmem:$0x3C0];
	v4 =	vmin.f32 v4, $1.216000000e+03;
	v5 =	vmax.f32 v30, $0.0e+00;
	v44 =	vmax.f32 v11, $0.0e+00  }
0xc4: {  	v51 =	vld [tilespmem:$0x540];
	v12 =	vmin.f32 v9, $1.216000000e+03;
	v26 =	vmul.f32 $2.000000030e-01, v26;
	v34 =	vpop (erf);
	(erf) = vpow2.f32 v41  }
0xc5: {  	v28 =	vld [tilespmem:$0x640];
	v5 =	vmin.f32 v5, $8.000000000e+02;
	v27 =	vmul.f32 $5.000000000e-01, v49;
	v53 =	vmul.f32 v23, v49  }
0xc6: {  	v30 =	vld [tilespmem:$0x450];
	v11 =	vmin.f32 v44, $8.000000000e+02;
	v36 =	vmul.f32 v34, v14;
	v37 =	vpop (erf);
	(erf) = vpow2.f32 v43  }
0xc7: {  	v14 =	vsub.f32 v39, v35;
	v26 =	vmin.f32 v26, $4.135166650e+00;
	v13 =	vmul.f32 v37, v31  }
0xc8: {  	v44 =	vadd.f32 v32, v52;
	v43 =	vld [tilespmem:$0x3D0];
	v26 =	vmul.f32 $1.442695020e+00, v26;
	v37 =	vmul.f32 $1.000000010e-01, v59  }
0xc9: {  	v19 =	vadd.f32 v27, v38;
	v31 =	vld [tilespmem:$0x5D0];
	v21 =	vmul.f32 $5.000000000e-01, v36;
	v50 =	vmul.f32 $5.000000000e-01, v14  }
0xca: {  	v38 =	vld [tilespmem:$0x6D0];
	v18 =	vmul.f32 v18, v14;
	v60 =	vsub.f32 v28, v51;
	v13 =	vmul.f32 $5.000000000e-01, v13  }
0xcb: {  	v61 =	vmul.f32 $2.000000030e-01, v30;
	v24 =	vsub.f32 v16, v21;
	v16 =	vadd.f32 v21, v16  }
0xcc: {  	v46 =	vld [tilespmem:$0x460];
	v20 =	vadd.f32 v50, v35;
	v36 =	vmul.f32 $5.000000000e-01, v60;
	v25 =	vsub.f32 v17, v13  }
0xcd: {  	v56 =	vld [tilespmem:$0x4D0];
	v39 =	vmul.f32 v22, v60;
	v13 =	vadd.f32 v13, v17;
	v17 =	vadd.f32 v53, v19  }
0xce: {  	v30 =	vmul.f32 $1.000000010e-01, v43;
	v47 =	vmax.f32 v24, $0.0e+00;
	v18 =	vadd.f32 v18, v20  }
0xcf: {  	v16 =	vmax.f32 v16, $0.0e+00;
	v24 =	vadd.f32 v36, v51;
	v20 =	vsub.f32 v38, v31  }
0xd0: {  	v48 =	vmax.f32 v25, $0.0e+00;
	v10 =	vmin.f32 v47, $1.216000000e+03;
	v16 =	vmin.f32 v16, $1.216000000e+03  }
0xd1: {  	v13 =	vmax.f32 v13, $0.0e+00;
	v25 =	vmul.f32 $2.000000030e-01, v46;
	v54 =	vpop (erf);
	(erf) = vpow2.f32 v15  }
0xd2: {  	v57 =	vld [tilespmem:$0x5E0];
	v9 =	vmin.f32 v48, $8.000000000e+02;
	v15 =	vmul.f32 $2.000000030e-01, v56;
	v50 =	vmul.f32 $5.000000000e-01, v20  }
0xd3: {  	v59 =	vld [tilespmem:$0x6E0];
	v19 =	vadd.f32 v39, v24;
	v30 =	vmul.f32 v30, v20;
	v14 =	vmul.f32 v54, v14;
	v55 =	vpop (erf)  }
0xd4: {  	v52 =	vld [tilespmem:$0x560];
	(erf) = vpow2.f32 v26;
	v26 =	vmin.f32 v61, $4.135166650e+00;
	v21 =	vmul.f32 v55, v49  }
0xd5: {  	v25 =	vmin.f32 v25, $4.135166650e+00;
	v49 =	vmul.f32 $5.000000000e-01, v45;
	v55 =	vld [tilespmem:$0x660];
	v14 =	vmul.f32 $5.000000000e-01, v14  }
0xd6: {  	v41 =	vld [tilespmem:$0x350];
	v15 =	vmin.f32 v15, $4.135166650e+00;
	v26 =	vmul.f32 $1.442695020e+00, v26;
	v25 =	vmul.f32 $1.442695020e+00, v25  }
0xd7: {  	v58 =	vmul.f32 $5.000000000e-01, v21;
	v29 =	vadd.f32 v49, v63;
	v21 =	vsub.f32 v18, v14  }
0xd8: {  	v14 =	vadd.f32 v14, v18;
	v18 =	vmul.f32 v37, v62;
	v37 =	vsub.f32 v59, v57  }
0xd9: {  	v36 =	vld [tilespmem:$0x470];
	v15 =	vmul.f32 $1.442695020e+00, v15;
	v27 =	vsub.f32 v17, v58;
	v17 =	vadd.f32 v58, v17  }
0xda: {  	v51 =	vld [tilespmem:$0xB0];
	v33 =	vsub.f32 v55, v52;
	v35 =	vmax.f32 v21, $0.0e+00;
	v43 =	vmul.f32 $5.000000000e-01, v37  }
0xdb: {  	[tilespmem:$0x500] =	vst v0;
	v39 =	vld [tilespmem:$0x4F0];
	v0 =	vmin.f32 v35, $1.216000000e+03;
	v40 =	vpop (erf);
	(erf) = vpow2.f32 v26;
	v26 =	vmul.f32 $1.000000010e-01, v41  }
0xdc: {  	v38 =	vmul.f32 $5.000000000e-01, v33;
	v41 =	vmax.f32 v27, $0.0e+00;
	v46 =	vadd.f32 v43, v57  }
0xdd: {  	v22 =	vmul.f32 v40, v60;
	v42 =	vpop (erf);
	(erf) = vpow2.f32 v15;
	v15 =	vadd.f32 v18, v44  }
0xde: {  	[tilespmem:$0x400] =	vst v8;
	v48 =	vld [tilespmem:$0x4E0];
	v60 =	vmin.f32 v13, $8.000000000e+02;
	v8 =	vmin.f32 v41, $8.000000000e+02;
	v18 =	vmul.f32 $2.000000030e-01, v36  }
0xdf: {  	v44 =	vmax.f32 v14, $0.0e+00;
	v23 =	vmul.f32 v42, v62;
	v26 =	vmul.f32 v26, v45  }
0xe0: {  	v62 =	vand.u32 $0x1FF, v51;
	v42 =	vadd.f32 v38, v52;
	v51 =	vmul.f32 $2.000000030e-01, v39  }
0xe1: {  	[tilespmem:$0x300] =	vst v3;
	v49 =	vmin.f32 v44, $1.216000000e+03;
	v22 =	vmul.f32 $5.000000000e-01, v22;
	v40 =	vcvt.s32.f32 v62  }
0xe2: {  	[tilespmem:$0x380] =	vst v1;
	v55 =	vld [tilespmem:$0x570];
	v18 =	vmin.f32 v18, $4.135166650e+00;
	v47 =	vmul.f32 $5.000000000e-01, v23;
	v53 =	vadd.f32 v26, v29  }
0xe3: {  	[tilespmem:$0x480] =	vst v6;
	v57 =	vld [tilespmem:$0x670];
	v23 =	vmul.f32 $2.000000030e-01, v48;
	v18 =	vmul.f32 $1.442695020e+00, v18;
	v28 =	vsub.f32 v19, v22  }
0xe4: {  	[tilespmem:$0x510] =	vst v2;
	v19 =	vadd.f32 v22, v19;
	v22 =	vadd.f32 v50, v31;
	v50 =	vmax.f32 v17, $0.0e+00  }
0xe5: {  	[tilespmem:$0x520] =	vst v7;
	v34 =	vld [tilespmem:$0x3E0];
	v17 =	vmin.f32 v51, $4.135166650e+00;
	v32 =	vsub.f32 v15, v47;
	v15 =	vadd.f32 v47, v15  }
0xe6: {  	[tilespmem:$0x4A0] =	vst v60;
	v26 =	vld [tilespmem:$0x370];
	v23 =	vmin.f32 v23, $4.135166650e+00;
	v60 =	vmul.f32 $1.442695020e+00, v17;
	v22 =	vadd.f32 v30, v22  }
0xe7: {  	[tilespmem:$0x310] =	vst v4;
	v23 =	vmul.f32 $1.442695020e+00, v23;
	v62 =	vmax.f32 v28, $0.0e+00;
	v54 =	vpop (erf);
	(erf) = vpow2.f32 v25  }
0xe8: {  	[tilespmem:$0x410] =	vst v12;
	v63 =	vld [tilespmem:$0x360];
	v28 =	vmax.f32 v19, $0.0e+00;
	v30 =	vsub.f32 v57, v55;
	v27 =	vmax.f32 v32, $0.0e+00  }
0xe9: {  	[tilespmem:$0x390] =	vst v5;
	v29 =	vmin.f32 v28, $1.216000000e+03;
	v39 =	vmax.f32 v15, $0.0e+00;
	v56 =	vpop (erf);
	(erf) = vpow2.f32 v23  }
0xea: {  	[tilespmem:$0x420] =	vst v16;
	v36 =	vld [tilespmem:$0x3F0];
	v25 =	vmin.f32 v62, $1.216000000e+03;
	v35 =	vmul.f32 $5.000000000e-01, v30;
	v24 =	vmul.f32 v54, v45  }
0xeb: {  	[tilespmem:$0x3B0] =	vst v8;
	v47 =	vld [tilespmem:$0xC0];
	v8 =	vmin.f32 v27, $8.000000000e+02;
	v16 =	vmul.f32 $1.000000010e-01, v26;
	v45 =	vmul.f32 $1.000000010e-01, v34  }
0xec: {  	[tilespmem:$0x3C0] =	vst v8;
	v8 =	vmin.f32 v39, $8.000000000e+02;
	v58 =	vmul.f32 v56, v20;
	v61 =	vmul.f32 $5.000000000e-01, v24  }
0xed: {  	[tilespmem:$0x490] =	vst v11;
	v59 =	vld [tilespmem:$0x5F0];
	v12 =	vadd.f32 v35, v55;
	v41 =	vmul.f32 v16, v30;
	v24 =	vmul.f32 $1.000000010e-01, v63  }
0xee: {  	[tilespmem:$0x320] =	vst v10;
	v63 =	vld [tilespmem:$0x6F0];
	v3 =	vmul.f32 $5.000000000e-01, v58;
	v58 =	vmin.f32 v50, $8.000000000e+02;
	v6 =	vsub.f32 v53, v61  }
0xef: {  	[tilespmem:$0x3A0] =	vst v9;
	v13 =	vadd.f32 v61, v53;
	v48 =	vmul.f32 v24, v33;
	v53 =	vmul.f32 v45, v37  }
0xf0: {  	[tilespmem:$0x330] =	vst v0;
	v61 =	vand.u32 $0x1FF, v47;
	v45 =	vmul.f32 $1.000000010e-01, v36;
	v54 =	vpop (erf);
	(erf) = vpow2.f32 v18  }
0xf1: {  	[tilespmem:$0x430] =	vst v49;
	v21 =	vsub.f32 v22, v3;
	v3 =	vadd.f32 v3, v22;
	v24 =	vcvt.s32.f32 v61  }
0xf2: {  	[tilespmem:$0x530] =	vst v40;
	v52 =	vadd.f32 v48, v42;
	v31 =	vadd.f32 v53, v46;
	v56 =	vpop (erf);
	(erf) = vpow2.f32 v60  }
0xf3: {  	[tilespmem:$0x440] =	vst v29;
	v6 =	vmax.f32 v6, $0.0e+00;
	v44 =	vmax.f32 v13, $0.0e+00;
	v34 =	vsub.f32 v63, v59  }
0xf4: {  	v43 =	vld [tilespmem:$0xE0];
	[tilespmem:$0x340] =	vst v25;
	v6 =	vmin.f32 v6, $1.216000000e+03;
	v42 =	vmax.f32 v21, $0.0e+00;
	v14 =	vmul.f32 v54, v33  }
0xf5: {  	v38 =	vld [tilespmem:$0xD0];
	[tilespmem:$0x4C0] =	vst v8;
	v0 =	vmin.f32 v44, $1.216000000e+03;
	v40 =	vmul.f32 $5.000000000e-01, v34;
	v4 =	vmul.f32 v56, v37  }
0xf6: {  	[tilespmem:$0x4B0] =	vst v58;
	v3 =	vmax.f32 v3, $0.0e+00;
	v47 =	vmin.f32 v42, $8.000000000e+02;
	v14 =	vmul.f32 $5.000000000e-01, v14  }
0xf7: {  	[tilespmem:$0x540] =	vst v24;
	v3 =	vmin.f32 v3, $8.000000000e+02;
	v11 =	vadd.f32 v40, v59;
	v4 =	vmul.f32 $5.000000000e-01, v4  }
0xf8: {  	[tilespmem:$0x350] =	vst v6;
	v48 =	vmul.f32 v45, v34;
	v32 =	vsub.f32 v52, v14;
	v33 =	vadd.f32 v14, v52  }
0xf9: {  	[tilespmem:$0x450] =	vst v0;
	v52 =	vand.u32 $0x1FF, v43;
	v37 =	vsub.f32 v31, v4;
	v1 =	vadd.f32 v4, v31;
	v46 =	vpop (erf)  }
0xfa: {  	[tilespmem:$0x4D0] =	vst v3;
	v4 =	vand.u32 $0x1FF, v38;
	v3 =	vcvt.s32.f32 v52;
	v49 =	vmul.f32 v46, v30  }
0xfb: {  	v10 =	vadd.f32 v41, v12;
	[tilespmem:$0x3D0] =	vst v47;
	v56 =	vadd.f32 v48, v11;
	v4 =	vcvt.s32.f32 v4;
	v50 =	vpop (erf)  }
0xfc: {  	v2 =	vmax.f32 v32, $0.0e+00;
	[tilespmem:$0x560] =	vst v3;
	v51 =	vmul.f32 v50, v34;
	v54 =	vmul.f32 $5.000000000e-01, v49  }
0xfd: {  	v55 =	vmax.f32 v33, $0.0e+00;
	v7 =	vmax.f32 v37, $0.0e+00;
	v2 =	vmin.f32 v2, $1.216000000e+03;
	[tilespmem:$0x550] =	vst v4  }
0xfe: {  	v57 =	vld [tilespmem:$0xF0];
	v53 =	vmin.f32 v7, $8.000000000e+02;
	[tilespmem:$0x360] =	vst v2;
	v0 =	vmul.f32 $5.000000000e-01, v51;
	v58 =	vsub.f32 v10, v54  }
0xff: {  	v1 =	vmax.f32 v1, $0.0e+00;
	v2 =	vmin.f32 v55, $1.216000000e+03;
	[tilespmem:$0x3E0] =	vst v53;
	v61 =	vadd.f32 v54, v10  }
0x100: {  	v1 =	vmin.f32 v1, $8.000000000e+02;
	[tilespmem:$0x460] =	vst v2;
	v59 =	vsub.f32 v56, v0;
	v60 =	vmax.f32 v58, $0.0e+00  }
0x101: {  	[tilespmem:$0x4E0] =	vst v1;
	v0 =	vadd.f32 v0, v56;
	v62 =	vmax.f32 v61, $0.0e+00;
	v1 =	vmin.f32 v60, $1.216000000e+03  }
0x102: {  	v2 =	vmax.f32 v59, $0.0e+00;
	v3 =	vmin.f32 v62, $1.216000000e+03;
	[tilespmem:$0x370] =	vst v1  }
0x103: {  	v63 =	vand.u32 $0x1FF, v57;
	v0 =	vmax.f32 v0, $0.0e+00;
	v2 =	vmin.f32 v2, $8.000000000e+02;
	[tilespmem:$0x470] =	vst v3  }
0x104: {  	v1 =	vcvt.s32.f32 v63;
	v0 =	vmin.f32 v0, $8.000000000e+02;
	[tilespmem:$0x3F0] =	vst v2  }
0x105: {  	[tilespmem:$0x4F0] =	vst v0  }
0x106: {  	[tilespmem:$0x570] =	vst v1  }
0x107: {  	[hbm4b:s8+s2] =	stream.linear.scatter [tilespmem:s18], [sflag:$0x2], $0x80, $0x38;
	[tilespmem:$0x700] =	vst v63  }
0x108: {  	_ =	swait.ge [sflag:s14], $0x80  }
0x109: {  	[sflag:s14] =	ssyncset.done $0x0  }
0x10a: {  	[sflag:s14] =	ssyncadd.s32 $0xFFFFFF80  }
0x10b: {  	[hbm4b:s9+s2] =	stream.linear.scatter [tilespmem:s20], [sflag:$0x2], $0x80, $0x38;
	[tilespmem:$0x700] =	vst v63  }
0x10c: {  	_ =	swait.ge [sflag:s14], $0x80  }
0x10d: {  	[sflag:s14] =	ssyncset.done $0x0  }
0x10e: {  	[sflag:s14] =	ssyncadd.s32 $0xFFFFFF80  }
0x10f: {  	[hbm4b:s10+s2] =	stream.linear.scatter [tilespmem:s22], [sflag:$0x2], $0x80, $0x38;
	[tilespmem:$0x700] =	vst v63  }
0x110: {  	_ =	swait.ge [sflag:s14], $0x80  }
0x111: {  	[sflag:s14] =	ssyncset.done $0x0  }
0x112: {  	[sflag:s14] =	ssyncadd.s32 $0xFFFFFF80  }
0x113: {  	[hbm4b:s11+s2] =	stream.linear.scatter [tilespmem:s24], [sflag:$0x2], $0x80, $0x38;
	[tilespmem:$0x700] =	vst v63  }
0x114: {  	_ =	swait.ge [sflag:s14], $0x80  }
0x115: {  	p0 =	sne.s32 s13, $0x1;
	[sflag:s14] =	ssyncset.done $0x0  }
.Ltmp0:
0x116: {  	[sflag:s14] =	ssyncadd.s32 $0xFFFFFF80;
	(pc) =	sbr.rel @p0 .LBB2_1-.Ltmp0, $4  }
0x117: {  	[hbm4b:s12+s2] =	stream.linear.scatter [tilespmem:s25], [sflag:$0x2], $0x80, $0x38;
	[tilespmem:$0x700] =	vst v63  }
0x118: {  	_ =	swait.ge [sflag:s14], $0x80  }
0x119: {  	[sflag:s14] =	ssyncset.done $0x0  }
0x11a: {  	s13 =	sadd.s32 $0xFFFFFFFF, s13;
	[sflag:s14] =	ssyncadd.s32 $0xFFFFFF80  }
0x11b: {  	_ =	sfence.sel $0x180000  }
0x11c: {  	[bflag:$0x0] =	sbarrier.arrive $0xFFFF  }
0x11d: {  	p0 =	sne.s32 s1, $0x0;
	_ =	strace $0x90000047  }
0x11e: {  	s0 =	sadd.s32 @!p0 $0x100000, s0;
	[bflag:$0x2] =	sbarrier.arrive $0xFFFF  }
0x11f: {  	[sflag:s0] =	ssyncadd.tile.s32 @!p0 $0x1;
	_ =	shalt  }
.Lfunc_end2:
_tile_overlayer_lowered:
.L_overlay_start_2:
0x120: {  	(tag) =	ssettag $0x2  }
0x121: {  	s0 =	rddreg [dreg:$0x0];
	s2 =	stileid.u32  }
0x122: {  	s1 =	rddreg [dreg:$0x1];
	p0 =	sne.s32 s2, $0x0  }
0x123: {  	s3 =	rddreg [dreg:$0x2];
	[bflag:$0x3] =	sbarrier.arrive $0xFFFF;
	s2 =	simm.s32 @!p0 $0x1C02  }
0x124: {  	[timem:s3], [sflag:s2] =	dma.local @!p0 [hbm:s0], s1  }
0x125: {  	s0 =	simm.s32 @!p0 $0x2  }
0x126: {  	_ =	swait.ge @!p0 [sflag:s0], s1  }
0x127: {  	s1 =	ssub.s32 @!p0 $0x0, s1;
	[sflag:s0] =	ssyncset.done @!p0 $0x0  }
0x128: {  	[sflag:s0] =	ssyncadd.s32 @!p0 s1  }
0x129: {  	[bflag:$0x3] =	sbarrier.arrive $0xFFFF  }
0x12a: {  	_ =	shalt  }

</sc_bundles>
